<compile_context>
chip_gen: v7x
topology: tpu7x:2x2x1
jax: 0.10.2.dev20260603
libtpu: 0.0.44.dev20260713+nightly
codegen_flags: <defaults>
</compile_context>

<pallas_src>
import functools

import jax
import jax.numpy as jnp
from jax import lax
from jax.experimental import pallas as pl
from jax.experimental.pallas import tpu as pltpu
from jax.experimental.pallas import tpu_sc as plsc

N_NODES = 100000
K = 10
DIM_OUT = 10
GW = 16
N_EDGES = 6400000
EPO = 1600000
N_ORDERS = 4

NC, NS = 2, 16
ROW = 512
NROW = EPO // ROW
NW = NC * NS
W_HI = NROW - (NROW // NW) * NW
N_PAD = 100096
RPT = N_PAD // NS
N8 = N_PAD // 8
BR = N8 // 4


_PREC = lax.Precision.HIGHEST


def _dot(a, b):
  return jnp.dot(a, b, preferred_element_type=jnp.float32, precision=_PREC)


def _build_body(x_ref, sel_ref, one_ref, wb_ref, h_ref, g_ref):
  h = _dot(x_ref[...], sel_ref[...]) + one_ref[...]
  h_ref[...] = h
  g_ref[...] = _dot(h, wb_ref[...])


def _new_h8(h_ref, a_ref, wc_ref, ec_ref, mask_ref):
  h = h_ref[...]
  s = a_ref[0] + a_ref[1]
  cnt = jnp.dot(s, ec_ref[...], preferred_element_type=jnp.float32)
  return h + s * mask_ref[...] + cnt * _dot(h, wc_ref[...])


def _update_body(h_ref, a_ref, wc_ref, wb_ref, ec_ref, mask_ref,
                 hn_ref, g_ref):
  hn = _new_h8(h_ref, a_ref, wc_ref, ec_ref, mask_ref)
  hn_ref[...] = hn
  g_ref[...] = _dot(hn, wb_ref[...])


def _final_body(h_ref, a_ref, wc_ref, wo_ref, ec_ref, mask_ref, o_ref):
  hn = _new_h8(h_ref, a_ref, wc_ref, ec_ref, mask_ref)
  o_ref[...] = _dot(hn, wo_ref[...])


def _sc_step_body(ord_row, ei_hbm, g_hbm, zeros_hbm, out_hbm,
                  ord0, ord1, dst0, dst1, src0, src1, rows0, rows1,
                  so0, so1, si0, si1, sg0, sg1, ss0, ss1, accum):
  ei_dst = ei_hbm.at[0]
  ei_src = ei_hbm.at[1]
  c = lax.axis_index("c")
  s = lax.axis_index("s")
  w = c * NS + s

  pltpu.sync_copy(zeros_hbm.at[pl.ds(s * RPT, RPT)],
                  accum.at[pl.ds(s * RPT, RPT)])
  plsc.subcore_barrier()

  nrows = NROW // NW + jnp.where(w < W_HI, 1, 0)
  row0 = (NROW // NW) * w + jnp.minimum(w, W_HI)
  pairs = nrows // 2

  def o_start(b, ordv, sem):
    pltpu.async_copy(ord_row.at[pl.ds((row0 + b) * ROW, ROW)], ordv, sem)

  def o_wait(ordv, sem):
    pltpu.make_async_copy(ord_row.at[pl.ds(0, ROW)], ordv, sem).wait()

  def idx_start(ordv, dstv, srcv):
    pltpu.async_copy(ei_dst.at[ordv], dstv, si0)
    pltpu.async_copy(ei_src.at[ordv], srcv, si1)

  def idx_wait(dstv, srcv):
    pltpu.make_async_copy(ei_dst.at[dstv], dstv, si0).wait()
    pltpu.make_async_copy(ei_src.at[srcv], srcv, si1).wait()

  def g_start(srcv, rowsv, sem):
    pltpu.async_copy(g_hbm.at[srcv], rowsv, sem)

  def g_wait(srcv, rowsv, sem):
    pltpu.make_async_copy(g_hbm.at[srcv], rowsv, sem).wait()

  def s_start(rowsv, dstv, sem):
    pltpu.async_copy(rowsv, accum.at[dstv], sem, add=True)

  def s_wait(rowsv, dstv, sem):
    pltpu.make_async_copy(rowsv, accum.at[dstv], sem).wait()

  o_start(0, ord0, so0)
  o_start(1, ord1, so1)
  o_wait(ord0, so0)
  idx_start(ord0, dst0, src0)

  @pl.loop(0, pairs)
  def _(i):
    a = 2 * i
    b = a + 1
    idx_wait(dst0, src0)
    g_start(src0, rows0, sg0)

    @pl.when(a + 2 < nrows)
    def _():
      o_start(a + 2, ord0, so0)

    @pl.when(i > 0)
    def _():
      s_wait(rows1, dst1, ss1)

    o_wait(ord1, so1)
    idx_start(ord1, dst1, src1)
    g_wait(src0, rows0, sg0)
    s_start(rows0, dst0, ss0)
    idx_wait(dst1, src1)
    g_start(src1, rows1, sg1)

    @pl.when(b + 2 < nrows)
    def _():
      o_start(b + 2, ord1, so1)

    s_wait(rows0, dst0, ss0)

    @pl.when(a + 2 < nrows)
    def _():
      o_wait(ord0, so0)
      idx_start(ord0, dst0, src0)

    g_wait(src1, rows1, sg1)
    s_start(rows1, dst1, ss1)

  @pl.when(nrows % 2 == 1)
  def _():
    idx_wait(dst0, src0)
    g_start(src0, rows0, sg0)
    g_wait(src0, rows0, sg0)
    s_start(rows0, dst0, ss0)
    s_wait(rows0, dst0, ss0)

  s_wait(rows1, dst1, ss1)

  plsc.subcore_barrier()
  pltpu.sync_copy(accum.at[pl.ds(s * RPT, RPT)],
                  out_hbm.at[c].at[pl.ds(s * RPT, RPT)])


def kernel(x, edge_index, orders, W_mp, b_mp, W_out, b_out):
  f32 = jnp.float32
  i32 = jnp.int32
  ei = edge_index.astype(i32)
  ords = orders.astype(i32)

  xp = jnp.concatenate([x, jnp.zeros((N_PAD - N_NODES, K), f32)], axis=0)
  x80 = xp.reshape(N8, 8 * K)
  sel = jnp.kron(jnp.eye(8, dtype=f32),
                 jnp.zeros((K, GW), f32).at[:, :K].set(jnp.eye(K, dtype=f32)))
  ones_row = jnp.tile(jnp.zeros((1, GW), f32).at[0, K].set(1.0), (1, 8))

  wa = W_mp[:, :K]
  wb = W_mp[:, K:]
  wb16 = jnp.zeros((GW, GW), f32).at[:K, :K].set(wb.T).at[K, K].set(1.0)
  wc16 = (jnp.zeros((GW, GW), f32).at[:K, :K].set((wa - wb).T)
          .at[K, :K].set(b_mp))
  wo16 = (jnp.zeros((GW, GW), f32).at[:K, :K].set(W_out.T)
          .at[K, :K].set(b_out))
  cnt16 = jnp.zeros((GW, GW), f32).at[K, :].set(1.0)
  eye8 = jnp.eye(8, dtype=f32)
  wb_bd = jnp.kron(eye8, wb16)
  wc_bd = jnp.kron(eye8, wc16)
  wo_bd = jnp.kron(eye8, wo16)
  ec_bd = jnp.kron(eye8, cnt16)
  mask8 = jnp.tile(jnp.zeros((1, GW), f32).at[0, :K].set(1.0), (1, 8))
  zeros_tbl = jnp.zeros((N_PAD, GW), f32)

  ngrid = N8 // BR
  _hs = pl.BlockSpec((BR, 128), lambda i: (i, 0))
  _xs = pl.BlockSpec((BR, 8 * K), lambda i: (i, 0))
  _as = pl.BlockSpec((NC, BR, 128), lambda i: (0, i, 0))
  _ws = pl.BlockSpec((128, 128), lambda i: (0, 0))
  _ss = pl.BlockSpec((8 * K, 128), lambda i: (0, 0))
  _ms = pl.BlockSpec((1, 128), lambda i: (0, 0))
  build = pl.pallas_call(
      _build_body, grid=(ngrid,), in_specs=[_xs, _ss, _ms, _ws],
      out_specs=(_hs, _hs),
      out_shape=(jax.ShapeDtypeStruct((N8, 128), f32),
                 jax.ShapeDtypeStruct((N8, 128), f32)))
  update = pl.pallas_call(
      _update_body, grid=(ngrid,), in_specs=[_hs, _as, _ws, _ws, _ws, _ms],
      out_specs=(_hs, _hs),
      out_shape=(jax.ShapeDtypeStruct((N8, 128), f32),
                 jax.ShapeDtypeStruct((N8, 128), f32)))
  final = pl.pallas_call(
      _final_body, grid=(ngrid,), in_specs=[_hs, _as, _ws, _ws, _ws, _ms],
      out_specs=_hs,
      out_shape=jax.ShapeDtypeStruct((N8, 128), f32))

  mesh = plsc.VectorSubcoreMesh(core_axis_name="c", subcore_axis_name="s")
  sc_kernel = functools.partial(
      pl.kernel,
      out_type=jax.ShapeDtypeStruct((NC, N_PAD, GW), f32),
      mesh=mesh,
      compiler_params=pltpu.CompilerParams(use_tc_tiling_on_sc=False),
      scratch_types=(
          [pltpu.VMEM((ROW,), i32) for _ in range(6)]
          + [pltpu.VMEM((ROW, GW), f32) for _ in range(2)]
          + [pltpu.SemaphoreType.DMA for _ in range(8)]
          + [pltpu.VMEM_SHARED((N_PAD, GW), f32)]
      ),
  )
  sc_step = sc_kernel(_sc_step_body)

  ord_rows = [ords[0]] + [
      lax.optimization_barrier(ords[i]) for i in range(1, N_ORDERS)]

  h, g = build(x80, sel, ones_row, wb_bd)
  for i in range(N_ORDERS - 1):
    a = sc_step(ord_rows[i], ei, g.reshape(N_PAD, GW), zeros_tbl)
    h, g = update(h, a.reshape(NC, N8, 128), wc_bd, wb_bd, ec_bd, mask8)
  a = sc_step(ord_rows[N_ORDERS - 1], ei, g.reshape(N_PAD, GW), zeros_tbl)
  out = final(h, a.reshape(NC, N8, 128), wc_bd, wo_bd, ec_bd, mask8)
  return out.reshape(N_PAD, GW)[:N_NODES, :DIM_OUT]

# --- scband reference (transcript-rebuilt; emitter-appended) ---
"""Pipeline reference for scband-graph-nn-knn-v1-v0-17970143167396 (READ-ONLY COPY).

The authoritative reference and input builder live on the scoring server;
editing this copy changes nothing except your own understanding.
"""

import jax, jax.numpy as jnp
import numpy as np

N_NODES = 100000
N_EDGES = 6400000
N_ORDERS = 4
EDGES_PER_ORDER = 1600000
K = 10
DIM_OUT = 10


def setup_inputs(seed: int = 0) -> dict:
    key = jax.random.key(seed)
    k1, k2, k3, k4, k5, k6, k7 = jax.random.split(key, 7)
    x = jax.random.normal(k1, (N_NODES, K), dtype=jnp.float32)
    edge_index = jax.random.randint(k2, (2, N_EDGES), 0, N_NODES, dtype=jnp.int64)
    orders = jax.random.randint(k3, (N_ORDERS, EDGES_PER_ORDER), 0, N_EDGES, dtype=jnp.int64)
    # EmulsionConv.mp: Linear(2*K, K)
    lim_mp = 1.0 / np.sqrt(2 * K)
    W_mp = jax.random.uniform(k4, (K, 2 * K), minval=-lim_mp, maxval=lim_mp, dtype=jnp.float32)
    b_mp = jax.random.uniform(k5, (K,), minval=-lim_mp, maxval=lim_mp, dtype=jnp.float32)
    # output: Linear(10, dim_out)
    lim_o = 1.0 / np.sqrt(10)
    W_out = jax.random.uniform(k6, (DIM_OUT, 10), minval=-lim_o, maxval=lim_o, dtype=jnp.float32)
    b_out = jax.random.uniform(k7, (DIM_OUT,), minval=-lim_o, maxval=lim_o, dtype=jnp.float32)
    return {"x": x, "edge_index": edge_index, "orders": orders,
            "W_mp": W_mp, "b_mp": b_mp, "W_out": W_out, "b_out": b_out}


def reference(x, edge_index, orders, W_mp, b_mp, W_out, b_out):
    # EmulsionConv forward: iterate over edge-order groups.
    # In torch: propagate(index_select(edge_index[:, order], 0, [1, 0]), x=x)
    # After the row swap, source nodes = edge_index[1, order],
    # target (aggregation) nodes = edge_index[0, order].
    h = x
    for i in range(orders.shape[0]):
        order = orders[i]
        sub = edge_index[:, order]            # [2, E_sel] (original orientation)
        src = sub[1]                          # swapped row 0 -> message sources (x_j)
        dst = sub[0]                          # swapped row 1 -> aggregation targets (x_i)
        x_j = jnp.take(h, src, axis=0)
        x_i = jnp.take(h, dst, axis=0)
        msg = jnp.concatenate([x_i, x_j - x_i], axis=1) @ W_mp.T + b_mp
        aggr = jnp.zeros_like(h).at[dst].add(msg)   # aggr='add' scatter-add
        h = aggr + h                          # update: aggr_out + x
    return h @ W_out.T + b_out

if __name__ == "__main__":
    import jax
    _d = setup_inputs()
    print(jax.jit(kernel)(*tuple(_d.values())))

</pallas_src>

<mosaic_0001>
#map = affine_map<(d0, d1) -> (0)>
#map1 = affine_map<(d0, d1) -> (0, 0)>
#map2 = affine_map<(d0, d1) -> (0, 0, 0)>
module attributes {stable_mosaic.version = 14 : i64} {
  func.func @_sc_step_body(%arg0: i32, %arg1: i32, %arg2: memref<1600000xi32, #tpu.memory_space<hbm>>, %arg3: memref<2x6400000xi32, #tpu.memory_space<hbm>>, %arg4: memref<100096x16xf32, #tpu.memory_space<hbm>>, %arg5: memref<100096x16xf32, #tpu.memory_space<hbm>>, %arg6: memref<2x100096x16xf32, #tpu.memory_space<hbm>>, %arg7: memref<512xi32, #tpu.memory_space<vmem>>, %arg8: memref<512xi32, #tpu.memory_space<vmem>>, %arg9: memref<512xi32, #tpu.memory_space<vmem>>, %arg10: memref<512xi32, #tpu.memory_space<vmem>>, %arg11: memref<512xi32, #tpu.memory_space<vmem>>, %arg12: memref<512xi32, #tpu.memory_space<vmem>>, %arg13: memref<512x16xf32, #tpu.memory_space<vmem>>, %arg14: memref<512x16xf32, #tpu.memory_space<vmem>>, %arg15: memref<!tpu.dma_semaphore, #tpu.memory_space<semaphore_mem>>, %arg16: memref<!tpu.dma_semaphore, #tpu.memory_space<semaphore_mem>>, %arg17: memref<!tpu.dma_semaphore, #tpu.memory_space<semaphore_mem>>, %arg18: memref<!tpu.dma_semaphore, #tpu.memory_space<semaphore_mem>>, %arg19: memref<!tpu.dma_semaphore, #tpu.memory_space<semaphore_mem>>, %arg20: memref<!tpu.dma_semaphore, #tpu.memory_space<semaphore_mem>>, %arg21: memref<!tpu.dma_semaphore, #tpu.memory_space<semaphore_mem>>, %arg22: memref<!tpu.dma_semaphore, #tpu.memory_space<semaphore_mem>>, %arg23: memref<100096x16xf32, #tpu.memory_space<vmem_shared>>) attributes {dimension_semantics = [#tpu.dimension_semantics<core_parallel>, #tpu.dimension_semantics<subcore_parallel>], iteration_bounds = array<i64: 2, 16>, scalar_prefetch = 0 : i64, scratch_operands = 17 : i64, tpu.core_type = #tpu.core_type<sc_vector_subcore>, window_params = [{transform_indices = #map}, {transform_indices = #map1}, {transform_indices = #map1}, {transform_indices = #map1}, {transform_indices = #map2}]} {
    %mul3A = arith.constant 16 : i32
    %mul3A_0 = arith.muli %arg0, %mul3A : i32
    %add3A = arith.addi %mul3A_0, %arg1 : i32
    %mul3A_1 = arith.constant 6256 : i32
    %mul3A_2 = arith.muli %arg1, %mul3A_1 : i32
    %mul3A_3 = arith.constant 6256 : i32
    %mul3A_4 = arith.muli %arg1, %mul3A_3 : i32
    "tpu.region"() ({
      %run_scoped3A = tpu.sem_alloc : memref<!tpu.dma_semaphore, #tpu.memory_space<semaphore_mem>>
      %dma_start3A_105 = arith.constant 0 : i32
      %dma_start3A_106 = tpu.memref_slice %arg23[%mul3A_4, %dma_start3A_105] : memref<100096x16xf32, #tpu.memory_space<vmem_shared>> -> memref<6256x16xf32, #tpu.memory_space<vmem_shared>>
      %dma_start3A_107 = arith.constant 0 : i32
      %dma_start3A_108 = tpu.memref_slice %arg5[%mul3A_2, %dma_start3A_107] : memref<100096x16xf32, #tpu.memory_space<hbm>> -> memref<6256x16xf32, #tpu.memory_space<hbm>>
      tpu.enqueue_dma source(%dma_start3A_108 : memref<6256x16xf32, #tpu.memory_space<hbm>>) target(%dma_start3A_106 : memref<6256x16xf32, #tpu.memory_space<vmem_shared>>) target_semaphore(%run_scoped3A : memref<!tpu.dma_semaphore, #tpu.memory_space<semaphore_mem>>)
      %dma_wait3A_109 = arith.constant 0 : i32
      %dma_wait3A_110 = tpu.memref_slice %arg23[%mul3A_4, %dma_wait3A_109] : memref<100096x16xf32, #tpu.memory_space<vmem_shared>> -> memref<6256x16xf32, #tpu.memory_space<vmem_shared>>
      %dma_wait3A_111 = arith.constant 0 : i32
      %dma_wait3A_112 = tpu.memref_slice %arg5[%mul3A_2, %dma_wait3A_111] : memref<100096x16xf32, #tpu.memory_space<hbm>> -> memref<6256x16xf32, #tpu.memory_space<hbm>>
      tpu.wait_dma2 semaphore(%run_scoped3A : memref<!tpu.dma_semaphore, #tpu.memory_space<semaphore_mem>>) src(%dma_wait3A_112 : memref<6256x16xf32, #tpu.memory_space<hbm>>) dst(%dma_wait3A_110 : memref<6256x16xf32, #tpu.memory_space<vmem_shared>>)
      tpu.yield
    }) : () -> ()
    %barrier3A = arith.constant 0 : index
    tpu.barrier barrier_id(%barrier3A)
    %lt3A = arith.constant 21 : i32
    %lt3A_5 = arith.cmpi slt, %add3A, %lt3A : i32
    %jit3A = arith.constant 1 : i32
    %jit3A_6 = arith.constant 0 : i32
    %select_n3A = arith.select %lt3A_5, %jit3A, %jit3A_6 : i32
    %add3A_7 = arith.constant 97 : i32
    %add3A_8 = arith.addi %add3A_7, %select_n3A : i32
    %mul3A_9 = arith.constant 97 : i32
    %mul3A_10 = arith.muli %mul3A_9, %add3A : i32
    %min3A = arith.constant 21 : i32
    %min3A_11 = arith.minsi %add3A, %min3A : i32
    %add3A_12 = arith.addi %mul3A_10, %min3A_11 : i32
    %jit3A_13 = arith.constant 2 : i32
    %div3A = arith.divsi %add3A_8, %jit3A_13 : i32
    %sign3A = arith.constant 0 : i32
    %sign3A_14 = arith.cmpi sgt, %add3A_8, %sign3A : i32
    %sign3A_15 = arith.extui %sign3A_14 : i1 to i32
    %sign3A_16 = arith.constant 0 : i32
    %sign3A_17 = arith.cmpi slt, %add3A_8, %sign3A_16 : i32
    %sign3A_18 = arith.extui %sign3A_17 : i1 to i32
    %sign3A_19 = arith.subi %sign3A_15, %sign3A_18 : i32
    %sign3A_20 = arith.constant 0 : i32
    %sign3A_21 = arith.cmpi sgt, %jit3A_13, %sign3A_20 : i32
    %sign3A_22 = arith.extui %sign3A_21 : i1 to i32
    %sign3A_23 = arith.constant 0 : i32
    %sign3A_24 = arith.cmpi slt, %jit3A_13, %sign3A_23 : i32
    %sign3A_25 = arith.extui %sign3A_24 : i1 to i32
    %sign3A_26 = arith.subi %sign3A_22, %sign3A_25 : i32
    %ne3A = arith.cmpi ne, %sign3A_19, %sign3A_26 : i32
    %rem3A = arith.remsi %add3A_8, %jit3A_13 : i32
    %ne3A_27 = arith.constant 0 : i32
    %ne3A_28 = arith.cmpi ne, %rem3A, %ne3A_27 : i32
    %and3A = arith.andi %ne3A, %ne3A_28 : i1
    %sub3A = arith.constant 1 : i32
    %sub3A_29 = arith.subi %div3A, %sub3A : i32
    %select_n3A_30 = arith.select %and3A, %sub3A_29, %div3A : i32
    %add3A_31 = arith.constant 0 : i32
    %add3A_32 = arith.addi %add3A_12, %add3A_31 : i32
    %mul3A_33 = arith.constant 512 : i32
    %mul3A_34 = arith.muli %add3A_32, %mul3A_33 : i32
    %dma_start3A = tpu.memref_slice %arg2[%mul3A_34] : memref<1600000xi32, #tpu.memory_space<hbm>> -> memref<512xi32, #tpu.memory_space<hbm>>
    %dma_start3A_35 = tpu.memref_slice %arg2[%mul3A_34] : memref<1600000xi32, #tpu.memory_space<hbm>> -> memref<512xi32, #tpu.memory_space<hbm>>
    tpu.enqueue_dma source(%dma_start3A_35 : memref<512xi32, #tpu.memory_space<hbm>>) target(%arg7 : memref<512xi32, #tpu.memory_space<vmem>>) target_semaphore(%arg15 : memref<!tpu.dma_semaphore, #tpu.memory_space<semaphore_mem>>)
    %add3A_36 = arith.constant 1 : i32
    %add3A_37 = arith.addi %add3A_12, %add3A_36 : i32
    %mul3A_38 = arith.constant 512 : i32
    %mul3A_39 = arith.muli %add3A_37, %mul3A_38 : i32
    %dma_start3A_40 = tpu.memref_slice %arg2[%mul3A_39] : memref<1600000xi32, #tpu.memory_space<hbm>> -> memref<512xi32, #tpu.memory_space<hbm>>
    %dma_start3A_41 = tpu.memref_slice %arg2[%mul3A_39] : memref<1600000xi32, #tpu.memory_space<hbm>> -> memref<512xi32, #tpu.memory_space<hbm>>
    tpu.enqueue_dma source(%dma_start3A_41 : memref<512xi32, #tpu.memory_space<hbm>>) target(%arg8 : memref<512xi32, #tpu.memory_space<vmem>>) target_semaphore(%arg16 : memref<!tpu.dma_semaphore, #tpu.memory_space<semaphore_mem>>)
    %dma_wait3A = arith.constant 0 : i32
    %dma_wait3A_42 = tpu.memref_slice %arg2[%dma_wait3A] : memref<1600000xi32, #tpu.memory_space<hbm>> -> memref<512xi32, #tpu.memory_space<hbm>>
    %dma_wait3A_43 = arith.constant 0 : i32
    %dma_wait3A_44 = tpu.memref_slice %arg2[%dma_wait3A_43] : memref<1600000xi32, #tpu.memory_space<hbm>> -> memref<512xi32, #tpu.memory_space<hbm>>
    tpu.wait_dma2 semaphore(%arg15 : memref<!tpu.dma_semaphore, #tpu.memory_space<semaphore_mem>>) src(%dma_wait3A_44 : memref<512xi32, #tpu.memory_space<hbm>>) dst(%arg7 : memref<512xi32, #tpu.memory_space<vmem>>)
    %dma_start3A_45 = arith.constant 0 : i32
    %dma_start3A_46 = arith.constant 0 : i32
    %dma_start3A_47 = tpu.memref_slice %arg3[%dma_start3A_45, %dma_start3A_46] : memref<2x6400000xi32, #tpu.memory_space<hbm>> -> memref<1x6400000xi32, #tpu.memory_space<hbm>>
    %dma_start3A_48 = tpu.memref_squeeze %dma_start3A_47 : memref<1x6400000xi32, #tpu.memory_space<hbm>> -> memref<6400000xi32, #tpu.memory_space<hbm>>
    %dma_start3A_49 = arith.constant 0 : i32
    %dma_start3A_50 = tpu.memref_slice %dma_start3A_48[%dma_start3A_49] : memref<6400000xi32, #tpu.memory_space<hbm>> -> memref<6400000xi32, #tpu.memory_space<hbm>>
    tpu.enqueue_indirect_dma source(%dma_start3A_50 : memref<6400000xi32, #tpu.memory_space<hbm>>) target(%arg9 : memref<512xi32, #tpu.memory_space<vmem>>) offsets(%arg7 : memref<512xi32, #tpu.memory_space<vmem>>) semaphore(%arg17 : memref<!tpu.dma_semaphore, #tpu.memory_space<semaphore_mem>>)
    %dma_start3A_51 = arith.constant 1 : i32
    %dma_start3A_52 = arith.constant 0 : i32
    %dma_start3A_53 = tpu.memref_slice %arg3[%dma_start3A_51, %dma_start3A_52] : memref<2x6400000xi32, #tpu.memory_space<hbm>> -> memref<1x6400000xi32, #tpu.memory_space<hbm>>
    %dma_start3A_54 = tpu.memref_squeeze %dma_start3A_53 : memref<1x6400000xi32, #tpu.memory_space<hbm>> -> memref<6400000xi32, #tpu.memory_space<hbm>>
    %dma_start3A_55 = arith.constant 0 : i32
    %dma_start3A_56 = tpu.memref_slice %dma_start3A_54[%dma_start3A_55] : memref<6400000xi32, #tpu.memory_space<hbm>> -> memref<6400000xi32, #tpu.memory_space<hbm>>
    tpu.enqueue_indirect_dma source(%dma_start3A_56 : memref<6400000xi32, #tpu.memory_space<hbm>>) target(%arg11 : memref<512xi32, #tpu.memory_space<vmem>>) offsets(%arg7 : memref<512xi32, #tpu.memory_space<vmem>>) semaphore(%arg18 : memref<!tpu.dma_semaphore, #tpu.memory_space<semaphore_mem>>)
    %sub3A_57 = arith.constant 0 : i32
    %sub3A_58 = arith.subi %select_n3A_30, %sub3A_57 : i32
    %sub3A_59 = arith.constant 1 : i32
    %sub3A_60 = arith.constant 1 : i32
    %sub3A_61 = arith.subi %sub3A_59, %sub3A_60 : i32
    %add3A_62 = arith.addi %sub3A_58, %sub3A_61 : i32
    %div3A_63 = arith.constant 1 : i32
    %div3A_64 = arith.divsi %add3A_62, %div3A_63 : i32
    %while3A = arith.constant 1 : i32
    %while3A_65 = arith.constant 0 : i32
    %while3A_66 = arith.constant 0 : i32
    %while3A_67 = arith.constant 1 : i32
    %while3A_68 = arith.constant 0 : i32
    %while3A_69 = arith.subi %div3A_64, %while3A_68 : i32
    %while3A_70 = arith.addi %while3A_68, %while3A_69 : i32
    %while3A_71 = arith.constant 1 : i32
    %while3A_72 = arith.divsi %while3A_69, %while3A_71 : i32
    %while3A_73 = arith.muli %while3A_72, %while3A_71 : i32
    %while3A_74 = arith.addi %while3A_68, %while3A_73 : i32
    %while3A_75 = arith.constant 1 : i32
    scf.for %while3A_105 = %while3A_68 to %while3A_74 step %while3A_75  : i32 {
      %mul3A_106 = arith.muli %while3A_105, %while3A : i32
      %add3A_107 = arith.addi %while3A_65, %mul3A_106 : i32
      %mul3A_108 = arith.constant 2 : i32
      %mul3A_109 = arith.muli %mul3A_108, %add3A_107 : i32
      %add3A_110 = arith.constant 1 : i32
      %add3A_111 = arith.addi %mul3A_109, %add3A_110 : i32
      %dma_wait3A_112 = arith.constant 0 : i32
      %dma_wait3A_113 = tpu.memref_slice %arg3[%while3A_66, %dma_wait3A_112] : memref<2x6400000xi32, #tpu.memory_space<hbm>> -> memref<1x6400000xi32, #tpu.memory_space<hbm>>
      %dma_wait3A_114 = tpu.memref_squeeze %dma_wait3A_113 : memref<1x6400000xi32, #tpu.memory_space<hbm>> -> memref<6400000xi32, #tpu.memory_space<hbm>>
      %dma_wait3A_115 = arith.constant 0 : i32
      %dma_wait3A_116 = tpu.memref_slice %dma_wait3A_114[%dma_wait3A_115] : memref<6400000xi32, #tpu.memory_space<hbm>> -> memref<6400000xi32, #tpu.memory_space<hbm>>
      tpu.wait_indirect_dma semaphore(%arg17 : memref<!tpu.dma_semaphore, #tpu.memory_space<semaphore_mem>>) src(%dma_wait3A_116 : memref<6400000xi32, #tpu.memory_space<hbm>>) dst(%arg9 : memref<512xi32, #tpu.memory_space<vmem>>)
      %dma_wait3A_117 = arith.constant 0 : i32
      %dma_wait3A_118 = tpu.memref_slice %arg3[%while3A_67, %dma_wait3A_117] : memref<2x6400000xi32, #tpu.memory_space<hbm>> -> memref<1x6400000xi32, #tpu.memory_space<hbm>>
      %dma_wait3A_119 = tpu.memref_squeeze %dma_wait3A_118 : memref<1x6400000xi32, #tpu.memory_space<hbm>> -> memref<6400000xi32, #tpu.memory_space<hbm>>
      %dma_wait3A_120 = arith.constant 0 : i32
      %dma_wait3A_121 = tpu.memref_slice %dma_wait3A_119[%dma_wait3A_120] : memref<6400000xi32, #tpu.memory_space<hbm>> -> memref<6400000xi32, #tpu.memory_space<hbm>>
      tpu.wait_indirect_dma semaphore(%arg18 : memref<!tpu.dma_semaphore, #tpu.memory_space<semaphore_mem>>) src(%dma_wait3A_121 : memref<6400000xi32, #tpu.memory_space<hbm>>) dst(%arg11 : memref<512xi32, #tpu.memory_space<vmem>>)
      %dma_start3A_122 = arith.constant 0 : i32
      %dma_start3A_123 = arith.constant 0 : i32
      %dma_start3A_124 = tpu.memref_slice %arg4[%dma_start3A_122, %dma_start3A_123] : memref<100096x16xf32, #tpu.memory_space<hbm>> -> memref<100096x16xf32, #tpu.memory_space<hbm>>
      tpu.enqueue_indirect_dma source(%dma_start3A_124 : memref<100096x16xf32, #tpu.memory_space<hbm>>) target(%arg13 : memref<512x16xf32, #tpu.memory_space<vmem>>) offsets(%arg11 : memref<512xi32, #tpu.memory_space<vmem>>) semaphore(%arg19 : memref<!tpu.dma_semaphore, #tpu.memory_space<semaphore_mem>>)
      %add3A_125 = arith.constant 2 : i32
      %add3A_126 = arith.addi %mul3A_109, %add3A_125 : i32
      %lt3A_127 = arith.cmpi slt, %add3A_126, %add3A_8 : i32
      %convert_element_type3A_128 = arith.extui %lt3A_127 : i1 to i32
      %cond3A_129 = arith.constant 0 : i32
      %cond3A_130 = arith.cmpi ne, %convert_element_type3A_128, %cond3A_129 : i32
      scf.if %cond3A_130 {
        %add3A_189 = arith.constant 2 : i32
        %add3A_190 = arith.addi %mul3A_109, %add3A_189 : i32
        %add3A_191 = arith.addi %add3A_12, %add3A_190 : i32
        %mul3A_192 = arith.constant 512 : i32
        %mul3A_193 = arith.muli %add3A_191, %mul3A_192 : i32
        %dma_start3A_194 = tpu.memref_slice %arg2[%mul3A_193] : memref<1600000xi32, #tpu.memory_space<hbm>> -> memref<512xi32, #tpu.memory_space<hbm>>
        %dma_start3A_195 = tpu.memref_slice %arg2[%mul3A_193] : memref<1600000xi32, #tpu.memory_space<hbm>> -> memref<512xi32, #tpu.memory_space<hbm>>
        tpu.enqueue_dma source(%dma_start3A_195 : memref<512xi32, #tpu.memory_space<hbm>>) target(%arg7 : memref<512xi32, #tpu.memory_space<vmem>>) target_semaphore(%arg15 : memref<!tpu.dma_semaphore, #tpu.memory_space<semaphore_mem>>)
      } else {
      }
      %gt3A = arith.constant 0 : i32
      %gt3A_131 = arith.cmpi sgt, %add3A_107, %gt3A : i32
      %convert_element_type3A_132 = arith.extui %gt3A_131 : i1 to i32
      %cond3A_133 = arith.constant 0 : i32
      %cond3A_134 = arith.cmpi ne, %convert_element_type3A_132, %cond3A_133 : i32
      scf.if %cond3A_134 {
        %dma_wait3A_189 = arith.constant 0 : i32
        %dma_wait3A_190 = arith.constant 0 : i32
        %dma_wait3A_191 = tpu.memref_slice %arg23[%dma_wait3A_189, %dma_wait3A_190] : memref<100096x16xf32, #tpu.memory_space<vmem_shared>> -> memref<100096x16xf32, #tpu.memory_space<vmem_shared>>
        tpu.wait_indirect_dma semaphore(%arg22 : memref<!tpu.dma_semaphore, #tpu.memory_space<semaphore_mem>>) src(%arg14 : memref<512x16xf32, #tpu.memory_space<vmem>>) dst(%dma_wait3A_191 : memref<100096x16xf32, #tpu.memory_space<vmem_shared>>)
      } else {
      }
      %dma_wait3A_135 = arith.constant 0 : i32
      %dma_wait3A_136 = tpu.memref_slice %arg2[%dma_wait3A_135] : memref<1600000xi32, #tpu.memory_space<hbm>> -> memref<512xi32, #tpu.memory_space<hbm>>
      %dma_wait3A_137 = arith.constant 0 : i32
      %dma_wait3A_138 = tpu.memref_slice %arg2[%dma_wait3A_137] : memref<1600000xi32, #tpu.memory_space<hbm>> -> memref<512xi32, #tpu.memory_space<hbm>>
      tpu.wait_dma2 semaphore(%arg16 : memref<!tpu.dma_semaphore, #tpu.memory_space<semaphore_mem>>) src(%dma_wait3A_138 : memref<512xi32, #tpu.memory_space<hbm>>) dst(%arg8 : memref<512xi32, #tpu.memory_space<vmem>>)
      %dma_start3A_139 = arith.constant 0 : i32
      %dma_start3A_140 = tpu.memref_slice %arg3[%while3A_66, %dma_start3A_139] : memref<2x6400000xi32, #tpu.memory_space<hbm>> -> memref<1x6400000xi32, #tpu.memory_space<hbm>>
      %dma_start3A_141 = tpu.memref_squeeze %dma_start3A_140 : memref<1x6400000xi32, #tpu.memory_space<hbm>> -> memref<6400000xi32, #tpu.memory_space<hbm>>
      %dma_start3A_142 = arith.constant 0 : i32
      %dma_start3A_143 = tpu.memref_slice %dma_start3A_141[%dma_start3A_142] : memref<6400000xi32, #tpu.memory_space<hbm>> -> memref<6400000xi32, #tpu.memory_space<hbm>>
      tpu.enqueue_indirect_dma source(%dma_start3A_143 : memref<6400000xi32, #tpu.memory_space<hbm>>) target(%arg10 : memref<512xi32, #tpu.memory_space<vmem>>) offsets(%arg8 : memref<512xi32, #tpu.memory_space<vmem>>) semaphore(%arg17 : memref<!tpu.dma_semaphore, #tpu.memory_space<semaphore_mem>>)
      %dma_start3A_144 = arith.constant 0 : i32
      %dma_start3A_145 = tpu.memref_slice %arg3[%while3A_67, %dma_start3A_144] : memref<2x6400000xi32, #tpu.memory_space<hbm>> -> memref<1x6400000xi32, #tpu.memory_space<hbm>>
      %dma_start3A_146 = tpu.memref_squeeze %dma_start3A_145 : memref<1x6400000xi32, #tpu.memory_space<hbm>> -> memref<6400000xi32, #tpu.memory_space<hbm>>
      %dma_start3A_147 = arith.constant 0 : i32
      %dma_start3A_148 = tpu.memref_slice %dma_start3A_146[%dma_start3A_147] : memref<6400000xi32, #tpu.memory_space<hbm>> -> memref<6400000xi32, #tpu.memory_space<hbm>>
      tpu.enqueue_indirect_dma source(%dma_start3A_148 : memref<6400000xi32, #tpu.memory_space<hbm>>) target(%arg12 : memref<512xi32, #tpu.memory_space<vmem>>) offsets(%arg8 : memref<512xi32, #tpu.memory_space<vmem>>) semaphore(%arg18 : memref<!tpu.dma_semaphore, #tpu.memory_space<semaphore_mem>>)
      %dma_wait3A_149 = arith.constant 0 : i32
      %dma_wait3A_150 = arith.constant 0 : i32
      %dma_wait3A_151 = tpu.memref_slice %arg4[%dma_wait3A_149, %dma_wait3A_150] : memref<100096x16xf32, #tpu.memory_space<hbm>> -> memref<100096x16xf32, #tpu.memory_space<hbm>>
      tpu.wait_indirect_dma semaphore(%arg19 : memref<!tpu.dma_semaphore, #tpu.memory_space<semaphore_mem>>) src(%dma_wait3A_151 : memref<100096x16xf32, #tpu.memory_space<hbm>>) dst(%arg13 : memref<512x16xf32, #tpu.memory_space<vmem>>)
      %dma_start3A_152 = arith.constant 0 : i32
      %dma_start3A_153 = arith.constant 0 : i32
      %dma_start3A_154 = tpu.memref_slice %arg23[%dma_start3A_152, %dma_start3A_153] : memref<100096x16xf32, #tpu.memory_space<vmem_shared>> -> memref<100096x16xf32, #tpu.memory_space<vmem_shared>>
      tpu.enqueue_indirect_dma source(%arg13 : memref<512x16xf32, #tpu.memory_space<vmem>>) target(%dma_start3A_154 : memref<100096x16xf32, #tpu.memory_space<vmem_shared>>) offsets(%arg9 : memref<512xi32, #tpu.memory_space<vmem>>) semaphore(%arg21 : memref<!tpu.dma_semaphore, #tpu.memory_space<semaphore_mem>>) {add = true}
      %dma_wait3A_155 = arith.constant 0 : i32
      %dma_wait3A_156 = tpu.memref_slice %arg3[%while3A_66, %dma_wait3A_155] : memref<2x6400000xi32, #tpu.memory_space<hbm>> -> memref<1x6400000xi32, #tpu.memory_space<hbm>>
      %dma_wait3A_157 = tpu.memref_squeeze %dma_wait3A_156 : memref<1x6400000xi32, #tpu.memory_space<hbm>> -> memref<6400000xi32, #tpu.memory_space<hbm>>
      %dma_wait3A_158 = arith.constant 0 : i32
      %dma_wait3A_159 = tpu.memref_slice %dma_wait3A_157[%dma_wait3A_158] : memref<6400000xi32, #tpu.memory_space<hbm>> -> memref<6400000xi32, #tpu.memory_space<hbm>>
      tpu.wait_indirect_dma semaphore(%arg17 : memref<!tpu.dma_semaphore, #tpu.memory_space<semaphore_mem>>) src(%dma_wait3A_159 : memref<6400000xi32, #tpu.memory_space<hbm>>) dst(%arg10 : memref<512xi32, #tpu.memory_space<vmem>>)
      %dma_wait3A_160 = arith.constant 0 : i32
      %dma_wait3A_161 = tpu.memref_slice %arg3[%while3A_67, %dma_wait3A_160] : memref<2x6400000xi32, #tpu.memory_space<hbm>> -> memref<1x6400000xi32, #tpu.memory_space<hbm>>
      %dma_wait3A_162 = tpu.memref_squeeze %dma_wait3A_161 : memref<1x6400000xi32, #tpu.memory_space<hbm>> -> memref<6400000xi32, #tpu.memory_space<hbm>>
      %dma_wait3A_163 = arith.constant 0 : i32
      %dma_wait3A_164 = tpu.memref_slice %dma_wait3A_162[%dma_wait3A_163] : memref<6400000xi32, #tpu.memory_space<hbm>> -> memref<6400000xi32, #tpu.memory_space<hbm>>
      tpu.wait_indirect_dma semaphore(%arg18 : memref<!tpu.dma_semaphore, #tpu.memory_space<semaphore_mem>>) src(%dma_wait3A_164 : memref<6400000xi32, #tpu.memory_space<hbm>>) dst(%arg12 : memref<512xi32, #tpu.memory_space<vmem>>)
      %dma_start3A_165 = arith.constant 0 : i32
      %dma_start3A_166 = arith.constant 0 : i32
      %dma_start3A_167 = tpu.memref_slice %arg4[%dma_start3A_165, %dma_start3A_166] : memref<100096x16xf32, #tpu.memory_space<hbm>> -> memref<100096x16xf32, #tpu.memory_space<hbm>>
      tpu.enqueue_indirect_dma source(%dma_start3A_167 : memref<100096x16xf32, #tpu.memory_space<hbm>>) target(%arg14 : memref<512x16xf32, #tpu.memory_space<vmem>>) offsets(%arg12 : memref<512xi32, #tpu.memory_space<vmem>>) semaphore(%arg20 : memref<!tpu.dma_semaphore, #tpu.memory_space<semaphore_mem>>)
      %add3A_168 = arith.constant 2 : i32
      %add3A_169 = arith.addi %add3A_111, %add3A_168 : i32
      %lt3A_170 = arith.cmpi slt, %add3A_169, %add3A_8 : i32
      %convert_element_type3A_171 = arith.extui %lt3A_170 : i1 to i32
      %cond3A_172 = arith.constant 0 : i32
      %cond3A_173 = arith.cmpi ne, %convert_element_type3A_171, %cond3A_172 : i32
      scf.if %cond3A_173 {
        %add3A_189 = arith.constant 2 : i32
        %add3A_190 = arith.addi %add3A_111, %add3A_189 : i32
        %add3A_191 = arith.addi %add3A_12, %add3A_190 : i32
        %mul3A_192 = arith.constant 512 : i32
        %mul3A_193 = arith.muli %add3A_191, %mul3A_192 : i32
        %dma_start3A_194 = tpu.memref_slice %arg2[%mul3A_193] : memref<1600000xi32, #tpu.memory_space<hbm>> -> memref<512xi32, #tpu.memory_space<hbm>>
        %dma_start3A_195 = tpu.memref_slice %arg2[%mul3A_193] : memref<1600000xi32, #tpu.memory_space<hbm>> -> memref<512xi32, #tpu.memory_space<hbm>>
        tpu.enqueue_dma source(%dma_start3A_195 : memref<512xi32, #tpu.memory_space<hbm>>) target(%arg8 : memref<512xi32, #tpu.memory_space<vmem>>) target_semaphore(%arg16 : memref<!tpu.dma_semaphore, #tpu.memory_space<semaphore_mem>>)
      } else {
      }
      %dma_wait3A_174 = arith.constant 0 : i32
      %dma_wait3A_175 = arith.constant 0 : i32
      %dma_wait3A_176 = tpu.memref_slice %arg23[%dma_wait3A_174, %dma_wait3A_175] : memref<100096x16xf32, #tpu.memory_space<vmem_shared>> -> memref<100096x16xf32, #tpu.memory_space<vmem_shared>>
      tpu.wait_indirect_dma semaphore(%arg21 : memref<!tpu.dma_semaphore, #tpu.memory_space<semaphore_mem>>) src(%arg13 : memref<512x16xf32, #tpu.memory_space<vmem>>) dst(%dma_wait3A_176 : memref<100096x16xf32, #tpu.memory_space<vmem_shared>>)
      %add3A_177 = arith.constant 2 : i32
      %add3A_178 = arith.addi %mul3A_109, %add3A_177 : i32
      %lt3A_179 = arith.cmpi slt, %add3A_178, %add3A_8 : i32
      %convert_element_type3A_180 = arith.extui %lt3A_179 : i1 to i32
      %cond3A_181 = arith.constant 0 : i32
      %cond3A_182 = arith.cmpi ne, %convert_element_type3A_180, %cond3A_181 : i32
      scf.if %cond3A_182 {
        %dma_wait3A_189 = arith.constant 0 : i32
        %dma_wait3A_190 = tpu.memref_slice %arg2[%dma_wait3A_189] : memref<1600000xi32, #tpu.memory_space<hbm>> -> memref<512xi32, #tpu.memory_space<hbm>>
        %dma_wait3A_191 = arith.constant 0 : i32
        %dma_wait3A_192 = tpu.memref_slice %arg2[%dma_wait3A_191] : memref<1600000xi32, #tpu.memory_space<hbm>> -> memref<512xi32, #tpu.memory_space<hbm>>
        tpu.wait_dma2 semaphore(%arg15 : memref<!tpu.dma_semaphore, #tpu.memory_space<semaphore_mem>>) src(%dma_wait3A_192 : memref<512xi32, #tpu.memory_space<hbm>>) dst(%arg7 : memref<512xi32, #tpu.memory_space<vmem>>)
        %dma_start3A_193 = arith.constant 0 : i32
        %dma_start3A_194 = tpu.memref_slice %arg3[%while3A_66, %dma_start3A_193] : memref<2x6400000xi32, #tpu.memory_space<hbm>> -> memref<1x6400000xi32, #tpu.memory_space<hbm>>
        %dma_start3A_195 = tpu.memref_squeeze %dma_start3A_194 : memref<1x6400000xi32, #tpu.memory_space<hbm>> -> memref<6400000xi32, #tpu.memory_space<hbm>>
        %dma_start3A_196 = arith.constant 0 : i32
        %dma_start3A_197 = tpu.memref_slice %dma_start3A_195[%dma_start3A_196] : memref<6400000xi32, #tpu.memory_space<hbm>> -> memref<6400000xi32, #tpu.memory_space<hbm>>
        tpu.enqueue_indirect_dma source(%dma_start3A_197 : memref<6400000xi32, #tpu.memory_space<hbm>>) target(%arg9 : memref<512xi32, #tpu.memory_space<vmem>>) offsets(%arg7 : memref<512xi32, #tpu.memory_space<vmem>>) semaphore(%arg17 : memref<!tpu.dma_semaphore, #tpu.memory_space<semaphore_mem>>)
        %dma_start3A_198 = arith.constant 0 : i32
        %dma_start3A_199 = tpu.memref_slice %arg3[%while3A_67, %dma_start3A_198] : memref<2x6400000xi32, #tpu.memory_space<hbm>> -> memref<1x6400000xi32, #tpu.memory_space<hbm>>
        %dma_start3A_200 = tpu.memref_squeeze %dma_start3A_199 : memref<1x6400000xi32, #tpu.memory_space<hbm>> -> memref<6400000xi32, #tpu.memory_space<hbm>>
        %dma_start3A_201 = arith.constant 0 : i32
        %dma_start3A_202 = tpu.memref_slice %dma_start3A_200[%dma_start3A_201] : memref<6400000xi32, #tpu.memory_space<hbm>> -> memref<6400000xi32, #tpu.memory_space<hbm>>
        tpu.enqueue_indirect_dma source(%dma_start3A_202 : memref<6400000xi32, #tpu.memory_space<hbm>>) target(%arg11 : memref<512xi32, #tpu.memory_space<vmem>>) offsets(%arg7 : memref<512xi32, #tpu.memory_space<vmem>>) semaphore(%arg18 : memref<!tpu.dma_semaphore, #tpu.memory_space<semaphore_mem>>)
      } else {
      }
      %dma_wait3A_183 = arith.constant 0 : i32
      %dma_wait3A_184 = arith.constant 0 : i32
      %dma_wait3A_185 = tpu.memref_slice %arg4[%dma_wait3A_183, %dma_wait3A_184] : memref<100096x16xf32, #tpu.memory_space<hbm>> -> memref<100096x16xf32, #tpu.memory_space<hbm>>
      tpu.wait_indirect_dma semaphore(%arg20 : memref<!tpu.dma_semaphore, #tpu.memory_space<semaphore_mem>>) src(%dma_wait3A_185 : memref<100096x16xf32, #tpu.memory_space<hbm>>) dst(%arg14 : memref<512x16xf32, #tpu.memory_space<vmem>>)
      %dma_start3A_186 = arith.constant 0 : i32
      %dma_start3A_187 = arith.constant 0 : i32
      %dma_start3A_188 = tpu.memref_slice %arg23[%dma_start3A_186, %dma_start3A_187] : memref<100096x16xf32, #tpu.memory_space<vmem_shared>> -> memref<100096x16xf32, #tpu.memory_space<vmem_shared>>
      tpu.enqueue_indirect_dma source(%arg14 : memref<512x16xf32, #tpu.memory_space<vmem>>) target(%dma_start3A_188 : memref<100096x16xf32, #tpu.memory_space<vmem_shared>>) offsets(%arg10 : memref<512xi32, #tpu.memory_space<vmem>>) semaphore(%arg22 : memref<!tpu.dma_semaphore, #tpu.memory_space<semaphore_mem>>) {add = true}
    }
    %while3A_76 = arith.constant 1 : i32
    scf.for %while3A_105 = %while3A_74 to %while3A_70 step %while3A_76  : i32 {
      %mul3A_106 = arith.muli %while3A_105, %while3A : i32
      %add3A_107 = arith.addi %while3A_65, %mul3A_106 : i32
      %mul3A_108 = arith.constant 2 : i32
      %mul3A_109 = arith.muli %mul3A_108, %add3A_107 : i32
      %add3A_110 = arith.constant 1 : i32
      %add3A_111 = arith.addi %mul3A_109, %add3A_110 : i32
      %dma_wait3A_112 = arith.constant 0 : i32
      %dma_wait3A_113 = tpu.memref_slice %arg3[%while3A_66, %dma_wait3A_112] : memref<2x6400000xi32, #tpu.memory_space<hbm>> -> memref<1x6400000xi32, #tpu.memory_space<hbm>>
      %dma_wait3A_114 = tpu.memref_squeeze %dma_wait3A_113 : memref<1x6400000xi32, #tpu.memory_space<hbm>> -> memref<6400000xi32, #tpu.memory_space<hbm>>
      %dma_wait3A_115 = arith.constant 0 : i32
      %dma_wait3A_116 = tpu.memref_slice %dma_wait3A_114[%dma_wait3A_115] : memref<6400000xi32, #tpu.memory_space<hbm>> -> memref<6400000xi32, #tpu.memory_space<hbm>>
      tpu.wait_indirect_dma semaphore(%arg17 : memref<!tpu.dma_semaphore, #tpu.memory_space<semaphore_mem>>) src(%dma_wait3A_116 : memref<6400000xi32, #tpu.memory_space<hbm>>) dst(%arg9 : memref<512xi32, #tpu.memory_space<vmem>>)
      %dma_wait3A_117 = arith.constant 0 : i32
      %dma_wait3A_118 = tpu.memref_slice %arg3[%while3A_67, %dma_wait3A_117] : memref<2x6400000xi32, #tpu.memory_space<hbm>> -> memref<1x6400000xi32, #tpu.memory_space<hbm>>
      %dma_wait3A_119 = tpu.memref_squeeze %dma_wait3A_118 : memref<1x6400000xi32, #tpu.memory_space<hbm>> -> memref<6400000xi32, #tpu.memory_space<hbm>>
      %dma_wait3A_120 = arith.constant 0 : i32
      %dma_wait3A_121 = tpu.memref_slice %dma_wait3A_119[%dma_wait3A_120] : memref<6400000xi32, #tpu.memory_space<hbm>> -> memref<6400000xi32, #tpu.memory_space<hbm>>
      tpu.wait_indirect_dma semaphore(%arg18 : memref<!tpu.dma_semaphore, #tpu.memory_space<semaphore_mem>>) src(%dma_wait3A_121 : memref<6400000xi32, #tpu.memory_space<hbm>>) dst(%arg11 : memref<512xi32, #tpu.memory_space<vmem>>)
      %dma_start3A_122 = arith.constant 0 : i32
      %dma_start3A_123 = arith.constant 0 : i32
      %dma_start3A_124 = tpu.memref_slice %arg4[%dma_start3A_122, %dma_start3A_123] : memref<100096x16xf32, #tpu.memory_space<hbm>> -> memref<100096x16xf32, #tpu.memory_space<hbm>>
      tpu.enqueue_indirect_dma source(%dma_start3A_124 : memref<100096x16xf32, #tpu.memory_space<hbm>>) target(%arg13 : memref<512x16xf32, #tpu.memory_space<vmem>>) offsets(%arg11 : memref<512xi32, #tpu.memory_space<vmem>>) semaphore(%arg19 : memref<!tpu.dma_semaphore, #tpu.memory_space<semaphore_mem>>)
      %add3A_125 = arith.constant 2 : i32
      %add3A_126 = arith.addi %mul3A_109, %add3A_125 : i32
      %lt3A_127 = arith.cmpi slt, %add3A_126, %add3A_8 : i32
      %convert_element_type3A_128 = arith.extui %lt3A_127 : i1 to i32
      %cond3A_129 = arith.constant 0 : i32
      %cond3A_130 = arith.cmpi ne, %convert_element_type3A_128, %cond3A_129 : i32
      scf.if %cond3A_130 {
        %add3A_189 = arith.constant 2 : i32
        %add3A_190 = arith.addi %mul3A_109, %add3A_189 : i32
        %add3A_191 = arith.addi %add3A_12, %add3A_190 : i32
        %mul3A_192 = arith.constant 512 : i32
        %mul3A_193 = arith.muli %add3A_191, %mul3A_192 : i32
        %dma_start3A_194 = tpu.memref_slice %arg2[%mul3A_193] : memref<1600000xi32, #tpu.memory_space<hbm>> -> memref<512xi32, #tpu.memory_space<hbm>>
        %dma_start3A_195 = tpu.memref_slice %arg2[%mul3A_193] : memref<1600000xi32, #tpu.memory_space<hbm>> -> memref<512xi32, #tpu.memory_space<hbm>>
        tpu.enqueue_dma source(%dma_start3A_195 : memref<512xi32, #tpu.memory_space<hbm>>) target(%arg7 : memref<512xi32, #tpu.memory_space<vmem>>) target_semaphore(%arg15 : memref<!tpu.dma_semaphore, #tpu.memory_space<semaphore_mem>>)
      } else {
      }
      %gt3A = arith.constant 0 : i32
      %gt3A_131 = arith.cmpi sgt, %add3A_107, %gt3A : i32
      %convert_element_type3A_132 = arith.extui %gt3A_131 : i1 to i32
      %cond3A_133 = arith.constant 0 : i32
      %cond3A_134 = arith.cmpi ne, %convert_element_type3A_132, %cond3A_133 : i32
      scf.if %cond3A_134 {
        %dma_wait3A_189 = arith.constant 0 : i32
        %dma_wait3A_190 = arith.constant 0 : i32
        %dma_wait3A_191 = tpu.memref_slice %arg23[%dma_wait3A_189, %dma_wait3A_190] : memref<100096x16xf32, #tpu.memory_space<vmem_shared>> -> memref<100096x16xf32, #tpu.memory_space<vmem_shared>>
        tpu.wait_indirect_dma semaphore(%arg22 : memref<!tpu.dma_semaphore, #tpu.memory_space<semaphore_mem>>) src(%arg14 : memref<512x16xf32, #tpu.memory_space<vmem>>) dst(%dma_wait3A_191 : memref<100096x16xf32, #tpu.memory_space<vmem_shared>>)
      } else {
      }
      %dma_wait3A_135 = arith.constant 0 : i32
      %dma_wait3A_136 = tpu.memref_slice %arg2[%dma_wait3A_135] : memref<1600000xi32, #tpu.memory_space<hbm>> -> memref<512xi32, #tpu.memory_space<hbm>>
      %dma_wait3A_137 = arith.constant 0 : i32
      %dma_wait3A_138 = tpu.memref_slice %arg2[%dma_wait3A_137] : memref<1600000xi32, #tpu.memory_space<hbm>> -> memref<512xi32, #tpu.memory_space<hbm>>
      tpu.wait_dma2 semaphore(%arg16 : memref<!tpu.dma_semaphore, #tpu.memory_space<semaphore_mem>>) src(%dma_wait3A_138 : memref<512xi32, #tpu.memory_space<hbm>>) dst(%arg8 : memref<512xi32, #tpu.memory_space<vmem>>)
      %dma_start3A_139 = arith.constant 0 : i32
      %dma_start3A_140 = tpu.memref_slice %arg3[%while3A_66, %dma_start3A_139] : memref<2x6400000xi32, #tpu.memory_space<hbm>> -> memref<1x6400000xi32, #tpu.memory_space<hbm>>
      %dma_start3A_141 = tpu.memref_squeeze %dma_start3A_140 : memref<1x6400000xi32, #tpu.memory_space<hbm>> -> memref<6400000xi32, #tpu.memory_space<hbm>>
      %dma_start3A_142 = arith.constant 0 : i32
      %dma_start3A_143 = tpu.memref_slice %dma_start3A_141[%dma_start3A_142] : memref<6400000xi32, #tpu.memory_space<hbm>> -> memref<6400000xi32, #tpu.memory_space<hbm>>
      tpu.enqueue_indirect_dma source(%dma_start3A_143 : memref<6400000xi32, #tpu.memory_space<hbm>>) target(%arg10 : memref<512xi32, #tpu.memory_space<vmem>>) offsets(%arg8 : memref<512xi32, #tpu.memory_space<vmem>>) semaphore(%arg17 : memref<!tpu.dma_semaphore, #tpu.memory_space<semaphore_mem>>)
      %dma_start3A_144 = arith.constant 0 : i32
      %dma_start3A_145 = tpu.memref_slice %arg3[%while3A_67, %dma_start3A_144] : memref<2x6400000xi32, #tpu.memory_space<hbm>> -> memref<1x6400000xi32, #tpu.memory_space<hbm>>
      %dma_start3A_146 = tpu.memref_squeeze %dma_start3A_145 : memref<1x6400000xi32, #tpu.memory_space<hbm>> -> memref<6400000xi32, #tpu.memory_space<hbm>>
      %dma_start3A_147 = arith.constant 0 : i32
      %dma_start3A_148 = tpu.memref_slice %dma_start3A_146[%dma_start3A_147] : memref<6400000xi32, #tpu.memory_space<hbm>> -> memref<6400000xi32, #tpu.memory_space<hbm>>
      tpu.enqueue_indirect_dma source(%dma_start3A_148 : memref<6400000xi32, #tpu.memory_space<hbm>>) target(%arg12 : memref<512xi32, #tpu.memory_space<vmem>>) offsets(%arg8 : memref<512xi32, #tpu.memory_space<vmem>>) semaphore(%arg18 : memref<!tpu.dma_semaphore, #tpu.memory_space<semaphore_mem>>)
      %dma_wait3A_149 = arith.constant 0 : i32
      %dma_wait3A_150 = arith.constant 0 : i32
      %dma_wait3A_151 = tpu.memref_slice %arg4[%dma_wait3A_149, %dma_wait3A_150] : memref<100096x16xf32, #tpu.memory_space<hbm>> -> memref<100096x16xf32, #tpu.memory_space<hbm>>
      tpu.wait_indirect_dma semaphore(%arg19 : memref<!tpu.dma_semaphore, #tpu.memory_space<semaphore_mem>>) src(%dma_wait3A_151 : memref<100096x16xf32, #tpu.memory_space<hbm>>) dst(%arg13 : memref<512x16xf32, #tpu.memory_space<vmem>>)
      %dma_start3A_152 = arith.constant 0 : i32
      %dma_start3A_153 = arith.constant 0 : i32
      %dma_start3A_154 = tpu.memref_slice %arg23[%dma_start3A_152, %dma_start3A_153] : memref<100096x16xf32, #tpu.memory_space<vmem_shared>> -> memref<100096x16xf32, #tpu.memory_space<vmem_shared>>
      tpu.enqueue_indirect_dma source(%arg13 : memref<512x16xf32, #tpu.memory_space<vmem>>) target(%dma_start3A_154 : memref<100096x16xf32, #tpu.memory_space<vmem_shared>>) offsets(%arg9 : memref<512xi32, #tpu.memory_space<vmem>>) semaphore(%arg21 : memref<!tpu.dma_semaphore, #tpu.memory_space<semaphore_mem>>) {add = true}
      %dma_wait3A_155 = arith.constant 0 : i32
      %dma_wait3A_156 = tpu.memref_slice %arg3[%while3A_66, %dma_wait3A_155] : memref<2x6400000xi32, #tpu.memory_space<hbm>> -> memref<1x6400000xi32, #tpu.memory_space<hbm>>
      %dma_wait3A_157 = tpu.memref_squeeze %dma_wait3A_156 : memref<1x6400000xi32, #tpu.memory_space<hbm>> -> memref<6400000xi32, #tpu.memory_space<hbm>>
      %dma_wait3A_158 = arith.constant 0 : i32
      %dma_wait3A_159 = tpu.memref_slice %dma_wait3A_157[%dma_wait3A_158] : memref<6400000xi32, #tpu.memory_space<hbm>> -> memref<6400000xi32, #tpu.memory_space<hbm>>
      tpu.wait_indirect_dma semaphore(%arg17 : memref<!tpu.dma_semaphore, #tpu.memory_space<semaphore_mem>>) src(%dma_wait3A_159 : memref<6400000xi32, #tpu.memory_space<hbm>>) dst(%arg10 : memref<512xi32, #tpu.memory_space<vmem>>)
      %dma_wait3A_160 = arith.constant 0 : i32
      %dma_wait3A_161 = tpu.memref_slice %arg3[%while3A_67, %dma_wait3A_160] : memref<2x6400000xi32, #tpu.memory_space<hbm>> -> memref<1x6400000xi32, #tpu.memory_space<hbm>>
      %dma_wait3A_162 = tpu.memref_squeeze %dma_wait3A_161 : memref<1x6400000xi32, #tpu.memory_space<hbm>> -> memref<6400000xi32, #tpu.memory_space<hbm>>
      %dma_wait3A_163 = arith.constant 0 : i32
      %dma_wait3A_164 = tpu.memref_slice %dma_wait3A_162[%dma_wait3A_163] : memref<6400000xi32, #tpu.memory_space<hbm>> -> memref<6400000xi32, #tpu.memory_space<hbm>>
      tpu.wait_indirect_dma semaphore(%arg18 : memref<!tpu.dma_semaphore, #tpu.memory_space<semaphore_mem>>) src(%dma_wait3A_164 : memref<6400000xi32, #tpu.memory_space<hbm>>) dst(%arg12 : memref<512xi32, #tpu.memory_space<vmem>>)
      %dma_start3A_165 = arith.constant 0 : i32
      %dma_start3A_166 = arith.constant 0 : i32
      %dma_start3A_167 = tpu.memref_slice %arg4[%dma_start3A_165, %dma_start3A_166] : memref<100096x16xf32, #tpu.memory_space<hbm>> -> memref<100096x16xf32, #tpu.memory_space<hbm>>
      tpu.enqueue_indirect_dma source(%dma_start3A_167 : memref<100096x16xf32, #tpu.memory_space<hbm>>) target(%arg14 : memref<512x16xf32, #tpu.memory_space<vmem>>) offsets(%arg12 : memref<512xi32, #tpu.memory_space<vmem>>) semaphore(%arg20 : memref<!tpu.dma_semaphore, #tpu.memory_space<semaphore_mem>>)
      %add3A_168 = arith.constant 2 : i32
      %add3A_169 = arith.addi %add3A_111, %add3A_168 : i32
      %lt3A_170 = arith.cmpi slt, %add3A_169, %add3A_8 : i32
      %convert_element_type3A_171 = arith.extui %lt3A_170 : i1 to i32
      %cond3A_172 = arith.constant 0 : i32
      %cond3A_173 = arith.cmpi ne, %convert_element_type3A_171, %cond3A_172 : i32
      scf.if %cond3A_173 {
        %add3A_189 = arith.constant 2 : i32
        %add3A_190 = arith.addi %add3A_111, %add3A_189 : i32
        %add3A_191 = arith.addi %add3A_12, %add3A_190 : i32
        %mul3A_192 = arith.constant 512 : i32
        %mul3A_193 = arith.muli %add3A_191, %mul3A_192 : i32
        %dma_start3A_194 = tpu.memref_slice %arg2[%mul3A_193] : memref<1600000xi32, #tpu.memory_space<hbm>> -> memref<512xi32, #tpu.memory_space<hbm>>
        %dma_start3A_195 = tpu.memref_slice %arg2[%mul3A_193] : memref<1600000xi32, #tpu.memory_space<hbm>> -> memref<512xi32, #tpu.memory_space<hbm>>
        tpu.enqueue_dma source(%dma_start3A_195 : memref<512xi32, #tpu.memory_space<hbm>>) target(%arg8 : memref<512xi32, #tpu.memory_space<vmem>>) target_semaphore(%arg16 : memref<!tpu.dma_semaphore, #tpu.memory_space<semaphore_mem>>)
      } else {
      }
      %dma_wait3A_174 = arith.constant 0 : i32
      %dma_wait3A_175 = arith.constant 0 : i32
      %dma_wait3A_176 = tpu.memref_slice %arg23[%dma_wait3A_174, %dma_wait3A_175] : memref<100096x16xf32, #tpu.memory_space<vmem_shared>> -> memref<100096x16xf32, #tpu.memory_space<vmem_shared>>
      tpu.wait_indirect_dma semaphore(%arg21 : memref<!tpu.dma_semaphore, #tpu.memory_space<semaphore_mem>>) src(%arg13 : memref<512x16xf32, #tpu.memory_space<vmem>>) dst(%dma_wait3A_176 : memref<100096x16xf32, #tpu.memory_space<vmem_shared>>)
      %add3A_177 = arith.constant 2 : i32
      %add3A_178 = arith.addi %mul3A_109, %add3A_177 : i32
      %lt3A_179 = arith.cmpi slt, %add3A_178, %add3A_8 : i32
      %convert_element_type3A_180 = arith.extui %lt3A_179 : i1 to i32
      %cond3A_181 = arith.constant 0 : i32
      %cond3A_182 = arith.cmpi ne, %convert_element_type3A_180, %cond3A_181 : i32
      scf.if %cond3A_182 {
        %dma_wait3A_189 = arith.constant 0 : i32
        %dma_wait3A_190 = tpu.memref_slice %arg2[%dma_wait3A_189] : memref<1600000xi32, #tpu.memory_space<hbm>> -> memref<512xi32, #tpu.memory_space<hbm>>
        %dma_wait3A_191 = arith.constant 0 : i32
        %dma_wait3A_192 = tpu.memref_slice %arg2[%dma_wait3A_191] : memref<1600000xi32, #tpu.memory_space<hbm>> -> memref<512xi32, #tpu.memory_space<hbm>>
        tpu.wait_dma2 semaphore(%arg15 : memref<!tpu.dma_semaphore, #tpu.memory_space<semaphore_mem>>) src(%dma_wait3A_192 : memref<512xi32, #tpu.memory_space<hbm>>) dst(%arg7 : memref<512xi32, #tpu.memory_space<vmem>>)
        %dma_start3A_193 = arith.constant 0 : i32
        %dma_start3A_194 = tpu.memref_slice %arg3[%while3A_66, %dma_start3A_193] : memref<2x6400000xi32, #tpu.memory_space<hbm>> -> memref<1x6400000xi32, #tpu.memory_space<hbm>>
        %dma_start3A_195 = tpu.memref_squeeze %dma_start3A_194 : memref<1x6400000xi32, #tpu.memory_space<hbm>> -> memref<6400000xi32, #tpu.memory_space<hbm>>
        %dma_start3A_196 = arith.constant 0 : i32
        %dma_start3A_197 = tpu.memref_slice %dma_start3A_195[%dma_start3A_196] : memref<6400000xi32, #tpu.memory_space<hbm>> -> memref<6400000xi32, #tpu.memory_space<hbm>>
        tpu.enqueue_indirect_dma source(%dma_start3A_197 : memref<6400000xi32, #tpu.memory_space<hbm>>) target(%arg9 : memref<512xi32, #tpu.memory_space<vmem>>) offsets(%arg7 : memref<512xi32, #tpu.memory_space<vmem>>) semaphore(%arg17 : memref<!tpu.dma_semaphore, #tpu.memory_space<semaphore_mem>>)
        %dma_start3A_198 = arith.constant 0 : i32
        %dma_start3A_199 = tpu.memref_slice %arg3[%while3A_67, %dma_start3A_198] : memref<2x6400000xi32, #tpu.memory_space<hbm>> -> memref<1x6400000xi32, #tpu.memory_space<hbm>>
        %dma_start3A_200 = tpu.memref_squeeze %dma_start3A_199 : memref<1x6400000xi32, #tpu.memory_space<hbm>> -> memref<6400000xi32, #tpu.memory_space<hbm>>
        %dma_start3A_201 = arith.constant 0 : i32
        %dma_start3A_202 = tpu.memref_slice %dma_start3A_200[%dma_start3A_201] : memref<6400000xi32, #tpu.memory_space<hbm>> -> memref<6400000xi32, #tpu.memory_space<hbm>>
        tpu.enqueue_indirect_dma source(%dma_start3A_202 : memref<6400000xi32, #tpu.memory_space<hbm>>) target(%arg11 : memref<512xi32, #tpu.memory_space<vmem>>) offsets(%arg7 : memref<512xi32, #tpu.memory_space<vmem>>) semaphore(%arg18 : memref<!tpu.dma_semaphore, #tpu.memory_space<semaphore_mem>>)
      } else {
      }
      %dma_wait3A_183 = arith.constant 0 : i32
      %dma_wait3A_184 = arith.constant 0 : i32
      %dma_wait3A_185 = tpu.memref_slice %arg4[%dma_wait3A_183, %dma_wait3A_184] : memref<100096x16xf32, #tpu.memory_space<hbm>> -> memref<100096x16xf32, #tpu.memory_space<hbm>>
      tpu.wait_indirect_dma semaphore(%arg20 : memref<!tpu.dma_semaphore, #tpu.memory_space<semaphore_mem>>) src(%dma_wait3A_185 : memref<100096x16xf32, #tpu.memory_space<hbm>>) dst(%arg14 : memref<512x16xf32, #tpu.memory_space<vmem>>)
      %dma_start3A_186 = arith.constant 0 : i32
      %dma_start3A_187 = arith.constant 0 : i32
      %dma_start3A_188 = tpu.memref_slice %arg23[%dma_start3A_186, %dma_start3A_187] : memref<100096x16xf32, #tpu.memory_space<vmem_shared>> -> memref<100096x16xf32, #tpu.memory_space<vmem_shared>>
      tpu.enqueue_indirect_dma source(%arg14 : memref<512x16xf32, #tpu.memory_space<vmem>>) target(%dma_start3A_188 : memref<100096x16xf32, #tpu.memory_space<vmem_shared>>) offsets(%arg10 : memref<512xi32, #tpu.memory_space<vmem>>) semaphore(%arg22 : memref<!tpu.dma_semaphore, #tpu.memory_space<semaphore_mem>>) {add = true}
    }
    %jit3A_77 = arith.constant 2 : i32
    %eq3A = arith.constant 0 : i32
    %eq3A_78 = arith.cmpi eq, %jit3A_77, %eq3A : i32
    %jit3A_79 = arith.constant 1 : i32
    %select_n3A_80 = arith.select %eq3A_78, %jit3A_79, %jit3A_77 : i32
    %rem3A_81 = arith.remsi %add3A_8, %select_n3A_80 : i32
    %ne3A_82 = arith.constant 0 : i32
    %ne3A_83 = arith.cmpi ne, %rem3A_81, %ne3A_82 : i32
    %lt3A_84 = arith.constant 0 : i32
    %lt3A_85 = arith.cmpi slt, %rem3A_81, %lt3A_84 : i32
    %lt3A_86 = arith.constant 0 : i32
    %lt3A_87 = arith.cmpi slt, %select_n3A_80, %lt3A_86 : i32
    %ne3A_88 = arith.xori %lt3A_85, %lt3A_87 : i1
    %and3A_89 = arith.andi %ne3A_88, %ne3A_83 : i1
    %add3A_90 = arith.addi %rem3A_81, %select_n3A_80 : i32
    %select_n3A_91 = arith.select %and3A_89, %add3A_90, %rem3A_81 : i32
    %eq3A_92 = arith.constant 1 : i32
    %eq3A_93 = arith.cmpi eq, %select_n3A_91, %eq3A_92 : i32
    %convert_element_type3A = arith.extui %eq3A_93 : i1 to i32
    %cond3A = arith.constant 0 : i32
    %cond3A_94 = arith.constant 1 : i32
    %cond3A_95 = arith.constant 0 : i32
    %cond3A_96 = arith.cmpi ne, %convert_element_type3A, %cond3A_95 : i32
    scf.if %cond3A_96 {
      %dma_wait3A_105 = arith.constant 0 : i32
      %dma_wait3A_106 = tpu.memref_slice %arg3[%cond3A, %dma_wait3A_105] : memref<2x6400000xi32, #tpu.memory_space<hbm>> -> memref<1x6400000xi32, #tpu.memory_space<hbm>>
      %dma_wait3A_107 = tpu.memref_squeeze %dma_wait3A_106 : memref<1x6400000xi32, #tpu.memory_space<hbm>> -> memref<6400000xi32, #tpu.memory_space<hbm>>
      %dma_wait3A_108 = arith.constant 0 : i32
      %dma_wait3A_109 = tpu.memref_slice %dma_wait3A_107[%dma_wait3A_108] : memref<6400000xi32, #tpu.memory_space<hbm>> -> memref<6400000xi32, #tpu.memory_space<hbm>>
      tpu.wait_indirect_dma semaphore(%arg17 : memref<!tpu.dma_semaphore, #tpu.memory_space<semaphore_mem>>) src(%dma_wait3A_109 : memref<6400000xi32, #tpu.memory_space<hbm>>) dst(%arg9 : memref<512xi32, #tpu.memory_space<vmem>>)
      %dma_wait3A_110 = arith.constant 0 : i32
      %dma_wait3A_111 = tpu.memref_slice %arg3[%cond3A_94, %dma_wait3A_110] : memref<2x6400000xi32, #tpu.memory_space<hbm>> -> memref<1x6400000xi32, #tpu.memory_space<hbm>>
      %dma_wait3A_112 = tpu.memref_squeeze %dma_wait3A_111 : memref<1x6400000xi32, #tpu.memory_space<hbm>> -> memref<6400000xi32, #tpu.memory_space<hbm>>
      %dma_wait3A_113 = arith.constant 0 : i32
      %dma_wait3A_114 = tpu.memref_slice %dma_wait3A_112[%dma_wait3A_113] : memref<6400000xi32, #tpu.memory_space<hbm>> -> memref<6400000xi32, #tpu.memory_space<hbm>>
      tpu.wait_indirect_dma semaphore(%arg18 : memref<!tpu.dma_semaphore, #tpu.memory_space<semaphore_mem>>) src(%dma_wait3A_114 : memref<6400000xi32, #tpu.memory_space<hbm>>) dst(%arg11 : memref<512xi32, #tpu.memory_space<vmem>>)
      %dma_start3A_115 = arith.constant 0 : i32
      %dma_start3A_116 = arith.constant 0 : i32
      %dma_start3A_117 = tpu.memref_slice %arg4[%dma_start3A_115, %dma_start3A_116] : memref<100096x16xf32, #tpu.memory_space<hbm>> -> memref<100096x16xf32, #tpu.memory_space<hbm>>
      tpu.enqueue_indirect_dma source(%dma_start3A_117 : memref<100096x16xf32, #tpu.memory_space<hbm>>) target(%arg13 : memref<512x16xf32, #tpu.memory_space<vmem>>) offsets(%arg11 : memref<512xi32, #tpu.memory_space<vmem>>) semaphore(%arg19 : memref<!tpu.dma_semaphore, #tpu.memory_space<semaphore_mem>>)
      %dma_wait3A_118 = arith.constant 0 : i32
      %dma_wait3A_119 = arith.constant 0 : i32
      %dma_wait3A_120 = tpu.memref_slice %arg4[%dma_wait3A_118, %dma_wait3A_119] : memref<100096x16xf32, #tpu.memory_space<hbm>> -> memref<100096x16xf32, #tpu.memory_space<hbm>>
      tpu.wait_indirect_dma semaphore(%arg19 : memref<!tpu.dma_semaphore, #tpu.memory_space<semaphore_mem>>) src(%dma_wait3A_120 : memref<100096x16xf32, #tpu.memory_space<hbm>>) dst(%arg13 : memref<512x16xf32, #tpu.memory_space<vmem>>)
      %dma_start3A_121 = arith.constant 0 : i32
      %dma_start3A_122 = arith.constant 0 : i32
      %dma_start3A_123 = tpu.memref_slice %arg23[%dma_start3A_121, %dma_start3A_122] : memref<100096x16xf32, #tpu.memory_space<vmem_shared>> -> memref<100096x16xf32, #tpu.memory_space<vmem_shared>>
      tpu.enqueue_indirect_dma source(%arg13 : memref<512x16xf32, #tpu.memory_space<vmem>>) target(%dma_start3A_123 : memref<100096x16xf32, #tpu.memory_space<vmem_shared>>) offsets(%arg9 : memref<512xi32, #tpu.memory_space<vmem>>) semaphore(%arg21 : memref<!tpu.dma_semaphore, #tpu.memory_space<semaphore_mem>>) {add = true}
      %dma_wait3A_124 = arith.constant 0 : i32
      %dma_wait3A_125 = arith.constant 0 : i32
      %dma_wait3A_126 = tpu.memref_slice %arg23[%dma_wait3A_124, %dma_wait3A_125] : memref<100096x16xf32, #tpu.memory_space<vmem_shared>> -> memref<100096x16xf32, #tpu.memory_space<vmem_shared>>
      tpu.wait_indirect_dma semaphore(%arg21 : memref<!tpu.dma_semaphore, #tpu.memory_space<semaphore_mem>>) src(%arg13 : memref<512x16xf32, #tpu.memory_space<vmem>>) dst(%dma_wait3A_126 : memref<100096x16xf32, #tpu.memory_space<vmem_shared>>)
    } else {
    }
    %dma_wait3A_97 = arith.constant 0 : i32
    %dma_wait3A_98 = arith.constant 0 : i32
    %dma_wait3A_99 = tpu.memref_slice %arg23[%dma_wait3A_97, %dma_wait3A_98] : memref<100096x16xf32, #tpu.memory_space<vmem_shared>> -> memref<100096x16xf32, #tpu.memory_space<vmem_shared>>
    tpu.wait_indirect_dma semaphore(%arg22 : memref<!tpu.dma_semaphore, #tpu.memory_space<semaphore_mem>>) src(%arg14 : memref<512x16xf32, #tpu.memory_space<vmem>>) dst(%dma_wait3A_99 : memref<100096x16xf32, #tpu.memory_space<vmem_shared>>)
    %barrier3A_100 = arith.constant 0 : index
    tpu.barrier barrier_id(%barrier3A_100)
    %mul3A_101 = arith.constant 6256 : i32
    %mul3A_102 = arith.muli %arg1, %mul3A_101 : i32
    %mul3A_103 = arith.constant 6256 : i32
    %mul3A_104 = arith.muli %arg1, %mul3A_103 : i32
    "tpu.region"() ({
      %run_scoped3A = tpu.sem_alloc : memref<!tpu.dma_semaphore, #tpu.memory_space<semaphore_mem>>
      %dma_start3A_105 = arith.constant 0 : i32
      %dma_start3A_106 = arith.constant 0 : i32
      %dma_start3A_107 = tpu.memref_slice %arg6[%arg0, %dma_start3A_105, %dma_start3A_106] : memref<2x100096x16xf32, #tpu.memory_space<hbm>> -> memref<1x100096x16xf32, #tpu.memory_space<hbm>>
      %dma_start3A_108 = tpu.memref_squeeze %dma_start3A_107 : memref<1x100096x16xf32, #tpu.memory_space<hbm>> -> memref<100096x16xf32, #tpu.memory_space<hbm>>
      %dma_start3A_109 = arith.constant 0 : i32
      %dma_start3A_110 = tpu.memref_slice %dma_start3A_108[%mul3A_104, %dma_start3A_109] : memref<100096x16xf32, #tpu.memory_space<hbm>> -> memref<6256x16xf32, #tpu.memory_space<hbm>>
      %dma_start3A_111 = arith.constant 0 : i32
      %dma_start3A_112 = tpu.memref_slice %arg23[%mul3A_102, %dma_start3A_111] : memref<100096x16xf32, #tpu.memory_space<vmem_shared>> -> memref<6256x16xf32, #tpu.memory_space<vmem_shared>>
      tpu.enqueue_dma source(%dma_start3A_112 : memref<6256x16xf32, #tpu.memory_space<vmem_shared>>) target(%dma_start3A_110 : memref<6256x16xf32, #tpu.memory_space<hbm>>) target_semaphore(%run_scoped3A : memref<!tpu.dma_semaphore, #tpu.memory_space<semaphore_mem>>)
      %dma_wait3A_113 = arith.constant 0 : i32
      %dma_wait3A_114 = arith.constant 0 : i32
      %dma_wait3A_115 = tpu.memref_slice %arg6[%arg0, %dma_wait3A_113, %dma_wait3A_114] : memref<2x100096x16xf32, #tpu.memory_space<hbm>> -> memref<1x100096x16xf32, #tpu.memory_space<hbm>>
      %dma_wait3A_116 = tpu.memref_squeeze %dma_wait3A_115 : memref<1x100096x16xf32, #tpu.memory_space<hbm>> -> memref<100096x16xf32, #tpu.memory_space<hbm>>
      %dma_wait3A_117 = arith.constant 0 : i32
      %dma_wait3A_118 = tpu.memref_slice %dma_wait3A_116[%mul3A_104, %dma_wait3A_117] : memref<100096x16xf32, #tpu.memory_space<hbm>> -> memref<6256x16xf32, #tpu.memory_space<hbm>>
      %dma_wait3A_119 = arith.constant 0 : i32
      %dma_wait3A_120 = tpu.memref_slice %arg23[%mul3A_102, %dma_wait3A_119] : memref<100096x16xf32, #tpu.memory_space<vmem_shared>> -> memref<6256x16xf32, #tpu.memory_space<vmem_shared>>
      tpu.wait_dma2 semaphore(%run_scoped3A : memref<!tpu.dma_semaphore, #tpu.memory_space<semaphore_mem>>) src(%dma_wait3A_120 : memref<6256x16xf32, #tpu.memory_space<vmem_shared>>) dst(%dma_wait3A_118 : memref<6256x16xf32, #tpu.memory_space<hbm>>)
      tpu.yield
    }) : () -> ()
    return
  }
}

#map = affine_map<(d0, d1) -> (0)>
#map1 = affine_map<(d0, d1) -> (0, 0)>
#map2 = affine_map<(d0, d1) -> (0, 0, 0)>
module attributes {stable_mosaic.version = 14 : i64} {
  func.func @_sc_step_body(%arg0: i32, %arg1: i32, %arg2: memref<1600000xi32, #tpu.memory_space<hbm>>, %arg3: memref<2x6400000xi32, #tpu.memory_space<hbm>>, %arg4: memref<100096x16xf32, #tpu.memory_space<hbm>>, %arg5: memref<100096x16xf32, #tpu.memory_space<hbm>>, %arg6: memref<2x100096x16xf32, #tpu.memory_space<hbm>>, %arg7: memref<512xi32, #tpu.memory_space<vmem>>, %arg8: memref<512xi32, #tpu.memory_space<vmem>>, %arg9: memref<512xi32, #tpu.memory_space<vmem>>, %arg10: memref<512xi32, #tpu.memory_space<vmem>>, %arg11: memref<512xi32, #tpu.memory_space<vmem>>, %arg12: memref<512xi32, #tpu.memory_space<vmem>>, %arg13: memref<512x16xf32, #tpu.memory_space<vmem>>, %arg14: memref<512x16xf32, #tpu.memory_space<vmem>>, %arg15: memref<!tpu.dma_semaphore, #tpu.memory_space<semaphore_mem>>, %arg16: memref<!tpu.dma_semaphore, #tpu.memory_space<semaphore_mem>>, %arg17: memref<!tpu.dma_semaphore, #tpu.memory_space<semaphore_mem>>, %arg18: memref<!tpu.dma_semaphore, #tpu.memory_space<semaphore_mem>>, %arg19: memref<!tpu.dma_semaphore, #tpu.memory_space<semaphore_mem>>, %arg20: memref<!tpu.dma_semaphore, #tpu.memory_space<semaphore_mem>>, %arg21: memref<!tpu.dma_semaphore, #tpu.memory_space<semaphore_mem>>, %arg22: memref<!tpu.dma_semaphore, #tpu.memory_space<semaphore_mem>>, %arg23: memref<100096x16xf32, #tpu.memory_space<vmem_shared>>) attributes {dimension_semantics = [#tpu.dimension_semantics<core_parallel>, #tpu.dimension_semantics<subcore_parallel>], iteration_bounds = array<i64: 2, 16>, scalar_prefetch = 0 : i64, scratch_operands = 17 : i64, tpu.core_type = #tpu.core_type<sc_vector_subcore>, window_params = [{transform_indices = #map}, {transform_indices = #map1}, {transform_indices = #map1}, {transform_indices = #map1}, {transform_indices = #map2}]} {
    %mul3A = arith.constant 16 : i32
    %mul3A_0 = arith.muli %arg0, %mul3A : i32
    %add3A = arith.addi %mul3A_0, %arg1 : i32
    %mul3A_1 = arith.constant 6256 : i32
    %mul3A_2 = arith.muli %arg1, %mul3A_1 : i32
    %mul3A_3 = arith.constant 6256 : i32
    %mul3A_4 = arith.muli %arg1, %mul3A_3 : i32
    "tpu.region"() ({
      %run_scoped3A = tpu.sem_alloc : memref<!tpu.dma_semaphore, #tpu.memory_space<semaphore_mem>>
      %dma_start3A_105 = arith.constant 0 : i32
      %dma_start3A_106 = tpu.memref_slice %arg23[%mul3A_4, %dma_start3A_105] : memref<100096x16xf32, #tpu.memory_space<vmem_shared>> -> memref<6256x16xf32, #tpu.memory_space<vmem_shared>>
      %dma_start3A_107 = arith.constant 0 : i32
      %dma_start3A_108 = tpu.memref_slice %arg5[%mul3A_2, %dma_start3A_107] : memref<100096x16xf32, #tpu.memory_space<hbm>> -> memref<6256x16xf32, #tpu.memory_space<hbm>>
      tpu.enqueue_dma source(%dma_start3A_108 : memref<6256x16xf32, #tpu.memory_space<hbm>>) target(%dma_start3A_106 : memref<6256x16xf32, #tpu.memory_space<vmem_shared>>) target_semaphore(%run_scoped3A : memref<!tpu.dma_semaphore, #tpu.memory_space<semaphore_mem>>)
      %dma_wait3A_109 = arith.constant 0 : i32
      %dma_wait3A_110 = tpu.memref_slice %arg23[%mul3A_4, %dma_wait3A_109] : memref<100096x16xf32, #tpu.memory_space<vmem_shared>> -> memref<6256x16xf32, #tpu.memory_space<vmem_shared>>
      %dma_wait3A_111 = arith.constant 0 : i32
      %dma_wait3A_112 = tpu.memref_slice %arg5[%mul3A_2, %dma_wait3A_111] : memref<100096x16xf32, #tpu.memory_space<hbm>> -> memref<6256x16xf32, #tpu.memory_space<hbm>>
      tpu.wait_dma2 semaphore(%run_scoped3A : memref<!tpu.dma_semaphore, #tpu.memory_space<semaphore_mem>>) src(%dma_wait3A_112 : memref<6256x16xf32, #tpu.memory_space<hbm>>) dst(%dma_wait3A_110 : memref<6256x16xf32, #tpu.memory_space<vmem_shared>>)
      tpu.yield
    }) : () -> ()
    %barrier3A = arith.constant 0 : index
    tpu.barrier barrier_id(%barrier3A)
    %lt3A = arith.constant 21 : i32
    %lt3A_5 = arith.cmpi slt, %add3A, %lt3A : i32
    %jit3A = arith.constant 1 : i32
    %jit3A_6 = arith.constant 0 : i32
    %select_n3A = arith.select %lt3A_5, %jit3A, %jit3A_6 : i32
    %add3A_7 = arith.constant 97 : i32
    %add3A_8 = arith.addi %add3A_7, %select_n3A : i32
    %mul3A_9 = arith.constant 97 : i32
    %mul3A_10 = arith.muli %mul3A_9, %add3A : i32
    %min3A = arith.constant 21 : i32
    %min3A_11 = arith.minsi %add3A, %min3A : i32
    %add3A_12 = arith.addi %mul3A_10, %min3A_11 : i32
    %jit3A_13 = arith.constant 2 : i32
    %div3A = arith.divsi %add3A_8, %jit3A_13 : i32
    %sign3A = arith.constant 0 : i32
    %sign3A_14 = arith.cmpi sgt, %add3A_8, %sign3A : i32
    %sign3A_15 = arith.extui %sign3A_14 : i1 to i32
    %sign3A_16 = arith.constant 0 : i32
    %sign3A_17 = arith.cmpi slt, %add3A_8, %sign3A_16 : i32
    %sign3A_18 = arith.extui %sign3A_17 : i1 to i32
    %sign3A_19 = arith.subi %sign3A_15, %sign3A_18 : i32
    %sign3A_20 = arith.constant 0 : i32
    %sign3A_21 = arith.cmpi sgt, %jit3A_13, %sign3A_20 : i32
    %sign3A_22 = arith.extui %sign3A_21 : i1 to i32
    %sign3A_23 = arith.constant 0 : i32
    %sign3A_24 = arith.cmpi slt, %jit3A_13, %sign3A_23 : i32
    %sign3A_25 = arith.extui %sign3A_24 : i1 to i32
    %sign3A_26 = arith.subi %sign3A_22, %sign3A_25 : i32
    %ne3A = arith.cmpi ne, %sign3A_19, %sign3A_26 : i32
    %rem3A = arith.remsi %add3A_8, %jit3A_13 : i32
    %ne3A_27 = arith.constant 0 : i32
    %ne3A_28 = arith.cmpi ne, %rem3A, %ne3A_27 : i32
    %and3A = arith.andi %ne3A, %ne3A_28 : i1
    %sub3A = arith.constant 1 : i32
    %sub3A_29 = arith.subi %div3A, %sub3A : i32
    %select_n3A_30 = arith.select %and3A, %sub3A_29, %div3A : i32
    %add3A_31 = arith.constant 0 : i32
    %add3A_32 = arith.addi %add3A_12, %add3A_31 : i32
    %mul3A_33 = arith.constant 512 : i32
    %mul3A_34 = arith.muli %add3A_32, %mul3A_33 : i32
    %dma_start3A = tpu.memref_slice %arg2[%mul3A_34] : memref<1600000xi32, #tpu.memory_space<hbm>> -> memref<512xi32, #tpu.memory_space<hbm>>
    %dma_start3A_35 = tpu.memref_slice %arg2[%mul3A_34] : memref<1600000xi32, #tpu.memory_space<hbm>> -> memref<512xi32, #tpu.memory_space<hbm>>
    tpu.enqueue_dma source(%dma_start3A_35 : memref<512xi32, #tpu.memory_space<hbm>>) target(%arg7 : memref<512xi32, #tpu.memory_space<vmem>>) target_semaphore(%arg15 : memref<!tpu.dma_semaphore, #tpu.memory_space<semaphore_mem>>)
    %add3A_36 = arith.constant 1 : i32
    %add3A_37 = arith.addi %add3A_12, %add3A_36 : i32
    %mul3A_38 = arith.constant 512 : i32
    %mul3A_39 = arith.muli %add3A_37, %mul3A_38 : i32
    %dma_start3A_40 = tpu.memref_slice %arg2[%mul3A_39] : memref<1600000xi32, #tpu.memory_space<hbm>> -> memref<512xi32, #tpu.memory_space<hbm>>
    %dma_start3A_41 = tpu.memref_slice %arg2[%mul3A_39] : memref<1600000xi32, #tpu.memory_space<hbm>> -> memref<512xi32, #tpu.memory_space<hbm>>
    tpu.enqueue_dma source(%dma_start3A_41 : memref<512xi32, #tpu.memory_space<hbm>>) target(%arg8 : memref<512xi32, #tpu.memory_space<vmem>>) target_semaphore(%arg16 : memref<!tpu.dma_semaphore, #tpu.memory_space<semaphore_mem>>)
    %dma_wait3A = arith.constant 0 : i32
    %dma_wait3A_42 = tpu.memref_slice %arg2[%dma_wait3A] : memref<1600000xi32, #tpu.memory_space<hbm>> -> memref<512xi32, #tpu.memory_space<hbm>>
    %dma_wait3A_43 = arith.constant 0 : i32
    %dma_wait3A_44 = tpu.memref_slice %arg2[%dma_wait3A_43] : memref<1600000xi32, #tpu.memory_space<hbm>> -> memref<512xi32, #tpu.memory_space<hbm>>
    tpu.wait_dma2 semaphore(%arg15 : memref<!tpu.dma_semaphore, #tpu.memory_space<semaphore_mem>>) src(%dma_wait3A_44 : memref<512xi32, #tpu.memory_space<hbm>>) dst(%arg7 : memref<512xi32, #tpu.memory_space<vmem>>)
    %dma_start3A_45 = arith.constant 0 : i32
    %dma_start3A_46 = arith.constant 0 : i32
    %dma_start3A_47 = tpu.memref_slice %arg3[%dma_start3A_45, %dma_start3A_46] : memref<2x6400000xi32, #tpu.memory_space<hbm>> -> memref<1x6400000xi32, #tpu.memory_space<hbm>>
    %dma_start3A_48 = tpu.memref_squeeze %dma_start3A_47 : memref<1x6400000xi32, #tpu.memory_space<hbm>> -> memref<6400000xi32, #tpu.memory_space<hbm>>
    %dma_start3A_49 = arith.constant 0 : i32
    %dma_start3A_50 = tpu.memref_slice %dma_start3A_48[%dma_start3A_49] : memref<6400000xi32, #tpu.memory_space<hbm>> -> memref<6400000xi32, #tpu.memory_space<hbm>>
    tpu.enqueue_indirect_dma source(%dma_start3A_50 : memref<6400000xi32, #tpu.memory_space<hbm>>) target(%arg9 : memref<512xi32, #tpu.memory_space<vmem>>) offsets(%arg7 : memref<512xi32, #tpu.memory_space<vmem>>) semaphore(%arg17 : memref<!tpu.dma_semaphore, #tpu.memory_space<semaphore_mem>>)
    %dma_start3A_51 = arith.constant 1 : i32
    %dma_start3A_52 = arith.constant 0 : i32
    %dma_start3A_53 = tpu.memref_slice %arg3[%dma_start3A_51, %dma_start3A_52] : memref<2x6400000xi32, #tpu.memory_space<hbm>> -> memref<1x6400000xi32, #tpu.memory_space<hbm>>
    %dma_start3A_54 = tpu.memref_squeeze %dma_start3A_53 : memref<1x6400000xi32, #tpu.memory_space<hbm>> -> memref<6400000xi32, #tpu.memory_space<hbm>>
    %dma_start3A_55 = arith.constant 0 : i32
    %dma_start3A_56 = tpu.memref_slice %dma_start3A_54[%dma_start3A_55] : memref<6400000xi32, #tpu.memory_space<hbm>> -> memref<6400000xi32, #tpu.memory_space<hbm>>
    tpu.enqueue_indirect_dma source(%dma_start3A_56 : memref<6400000xi32, #tpu.memory_space<hbm>>) target(%arg11 : memref<512xi32, #tpu.memory_space<vmem>>) offsets(%arg7 : memref<512xi32, #tpu.memory_space<vmem>>) semaphore(%arg18 : memref<!tpu.dma_semaphore, #tpu.memory_space<semaphore_mem>>)
    %sub3A_57 = arith.constant 0 : i32
    %sub3A_58 = arith.subi %select_n3A_30, %sub3A_57 : i32
    %sub3A_59 = arith.constant 1 : i32
    %sub3A_60 = arith.constant 1 : i32
    %sub3A_61 = arith.subi %sub3A_59, %sub3A_60 : i32
    %add3A_62 = arith.addi %sub3A_58, %sub3A_61 : i32
    %div3A_63 = arith.constant 1 : i32
    %div3A_64 = arith.divsi %add3A_62, %div3A_63 : i32
    %while3A = arith.constant 1 : i32
    %while3A_65 = arith.constant 0 : i32
    %while3A_66 = arith.constant 0 : i32
    %while3A_67 = arith.constant 1 : i32
    %while3A_68 = arith.constant 0 : i32
    %while3A_69 = arith.subi %div3A_64, %while3A_68 : i32
    %while3A_70 = arith.addi %while3A_68, %while3A_69 : i32
    %while3A_71 = arith.constant 1 : i32
    %while3A_72 = arith.divsi %while3A_69, %while3A_71 : i32
    %while3A_73 = arith.muli %while3A_72, %while3A_71 : i32
    %while3A_74 = arith.addi %while3A_68, %while3A_73 : i32
    %while3A_75 = arith.constant 1 : i32
    scf.for %while3A_105 = %while3A_68 to %while3A_74 step %while3A_75  : i32 {
      %mul3A_106 = arith.muli %while3A_105, %while3A : i32
      %add3A_107 = arith.addi %while3A_65, %mul3A_106 : i32
      %mul3A_108 = arith.constant 2 : i32
      %mul3A_109 = arith.muli %mul3A_108, %add3A_107 : i32
      %add3A_110 = arith.constant 1 : i32
      %add3A_111 = arith.addi %mul3A_109, %add3A_110 : i32
      %dma_wait3A_112 = arith.constant 0 : i32
      %dma_wait3A_113 = tpu.memref_slice %arg3[%while3A_66, %dma_wait3A_112] : memref<2x6400000xi32, #tpu.memory_space<hbm>> -> memref<1x6400000xi32, #tpu.memory_space<hbm>>
      %dma_wait3A_114 = tpu.memref_squeeze %dma_wait3A_113 : memref<1x6400000xi32, #tpu.memory_space<hbm>> -> memref<6400000xi32, #tpu.memory_space<hbm>>
      %dma_wait3A_115 = arith.constant 0 : i32
      %dma_wait3A_116 = tpu.memref_slice %dma_wait3A_114[%dma_wait3A_115] : memref<6400000xi32, #tpu.memory_space<hbm>> -> memref<6400000xi32, #tpu.memory_space<hbm>>
      tpu.wait_indirect_dma semaphore(%arg17 : memref<!tpu.dma_semaphore, #tpu.memory_space<semaphore_mem>>) src(%dma_wait3A_116 : memref<6400000xi32, #tpu.memory_space<hbm>>) dst(%arg9 : memref<512xi32, #tpu.memory_space<vmem>>)
      %dma_wait3A_117 = arith.constant 0 : i32
      %dma_wait3A_118 = tpu.memref_slice %arg3[%while3A_67, %dma_wait3A_117] : memref<2x6400000xi32, #tpu.memory_space<hbm>> -> memref<1x6400000xi32, #tpu.memory_space<hbm>>
      %dma_wait3A_119 = tpu.memref_squeeze %dma_wait3A_118 : memref<1x6400000xi32, #tpu.memory_space<hbm>> -> memref<6400000xi32, #tpu.memory_space<hbm>>
      %dma_wait3A_120 = arith.constant 0 : i32
      %dma_wait3A_121 = tpu.memref_slice %dma_wait3A_119[%dma_wait3A_120] : memref<6400000xi32, #tpu.memory_space<hbm>> -> memref<6400000xi32, #tpu.memory_space<hbm>>
      tpu.wait_indirect_dma semaphore(%arg18 : memref<!tpu.dma_semaphore, #tpu.memory_space<semaphore_mem>>) src(%dma_wait3A_121 : memref<6400000xi32, #tpu.memory_space<hbm>>) dst(%arg11 : memref<512xi32, #tpu.memory_space<vmem>>)
      %dma_start3A_122 = arith.constant 0 : i32
      %dma_start3A_123 = arith.constant 0 : i32
      %dma_start3A_124 = tpu.memref_slice %arg4[%dma_start3A_122, %dma_start3A_123] : memref<100096x16xf32, #tpu.memory_space<hbm>> -> memref<100096x16xf32, #tpu.memory_space<hbm>>
      tpu.enqueue_indirect_dma source(%dma_start3A_124 : memref<100096x16xf32, #tpu.memory_space<hbm>>) target(%arg13 : memref<512x16xf32, #tpu.memory_space<vmem>>) offsets(%arg11 : memref<512xi32, #tpu.memory_space<vmem>>) semaphore(%arg19 : memref<!tpu.dma_semaphore, #tpu.memory_space<semaphore_mem>>)
      %add3A_125 = arith.constant 2 : i32
      %add3A_126 = arith.addi %mul3A_109, %add3A_125 : i32
      %lt3A_127 = arith.cmpi slt, %add3A_126, %add3A_8 : i32
      %convert_element_type3A_128 = arith.extui %lt3A_127 : i1 to i32
      %cond3A_129 = arith.constant 0 : i32
      %cond3A_130 = arith.cmpi ne, %convert_element_type3A_128, %cond3A_129 : i32
      scf.if %cond3A_130 {
        %add3A_189 = arith.constant 2 : i32
        %add3A_190 = arith.addi %mul3A_109, %add3A_189 : i32
        %add3A_191 = arith.addi %add3A_12, %add3A_190 : i32
        %mul3A_192 = arith.constant 512 : i32
        %mul3A_193 = arith.muli %add3A_191, %mul3A_192 : i32
        %dma_start3A_194 = tpu.memref_slice %arg2[%mul3A_193] : memref<1600000xi32, #tpu.memory_space<hbm>> -> memref<512xi32, #tpu.memory_space<hbm>>
        %dma_start3A_195 = tpu.memref_slice %arg2[%mul3A_193] : memref<1600000xi32, #tpu.memory_space<hbm>> -> memref<512xi32, #tpu.memory_space<hbm>>
        tpu.enqueue_dma source(%dma_start3A_195 : memref<512xi32, #tpu.memory_space<hbm>>) target(%arg7 : memref<512xi32, #tpu.memory_space<vmem>>) target_semaphore(%arg15 : memref<!tpu.dma_semaphore, #tpu.memory_space<semaphore_mem>>)
      } else {
      }
      %gt3A = arith.constant 0 : i32
      %gt3A_131 = arith.cmpi sgt, %add3A_107, %gt3A : i32
      %convert_element_type3A_132 = arith.extui %gt3A_131 : i1 to i32
      %cond3A_133 = arith.constant 0 : i32
      %cond3A_134 = arith.cmpi ne, %convert_element_type3A_132, %cond3A_133 : i32
      scf.if %cond3A_134 {
        %dma_wait3A_189 = arith.constant 0 : i32
        %dma_wait3A_190 = arith.constant 0 : i32
        %dma_wait3A_191 = tpu.memref_slice %arg23[%dma_wait3A_189, %dma_wait3A_190] : memref<100096x16xf32, #tpu.memory_space<vmem_shared>> -> memref<100096x16xf32, #tpu.memory_space<vmem_shared>>
        tpu.wait_indirect_dma semaphore(%arg22 : memref<!tpu.dma_semaphore, #tpu.memory_space<semaphore_mem>>) src(%arg14 : memref<512x16xf32, #tpu.memory_space<vmem>>) dst(%dma_wait3A_191 : memref<100096x16xf32, #tpu.memory_space<vmem_shared>>)
      } else {
      }
      %dma_wait3A_135 = arith.constant 0 : i32
      %dma_wait3A_136 = tpu.memref_slice %arg2[%dma_wait3A_135] : memref<1600000xi32, #tpu.memory_space<hbm>> -> memref<512xi32, #tpu.memory_space<hbm>>
      %dma_wait3A_137 = arith.constant 0 : i32
      %dma_wait3A_138 = tpu.memref_slice %arg2[%dma_wait3A_137] : memref<1600000xi32, #tpu.memory_space<hbm>> -> memref<512xi32, #tpu.memory_space<hbm>>
      tpu.wait_dma2 semaphore(%arg16 : memref<!tpu.dma_semaphore, #tpu.memory_space<semaphore_mem>>) src(%dma_wait3A_138 : memref<512xi32, #tpu.memory_space<hbm>>) dst(%arg8 : memref<512xi32, #tpu.memory_space<vmem>>)
      %dma_start3A_139 = arith.constant 0 : i32
      %dma_start3A_140 = tpu.memref_slice %arg3[%while3A_66, %dma_start3A_139] : memref<2x6400000xi32, #tpu.memory_space<hbm>> -> memref<1x6400000xi32, #tpu.memory_space<hbm>>
      %dma_start3A_141 = tpu.memref_squeeze %dma_start3A_140 : memref<1x6400000xi32, #tpu.memory_space<hbm>> -> memref<6400000xi32, #tpu.memory_space<hbm>>
      %dma_start3A_142 = arith.constant 0 : i32
      %dma_start3A_143 = tpu.memref_slice %dma_start3A_141[%dma_start3A_142] : memref<6400000xi32, #tpu.memory_space<hbm>> -> memref<6400000xi32, #tpu.memory_space<hbm>>
      tpu.enqueue_indirect_dma source(%dma_start3A_143 : memref<6400000xi32, #tpu.memory_space<hbm>>) target(%arg10 : memref<512xi32, #tpu.memory_space<vmem>>) offsets(%arg8 : memref<512xi32, #tpu.memory_space<vmem>>) semaphore(%arg17 : memref<!tpu.dma_semaphore, #tpu.memory_space<semaphore_mem>>)
      %dma_start3A_144 = arith.constant 0 : i32
      %dma_start3A_145 = tpu.memref_slice %arg3[%while3A_67, %dma_start3A_144] : memref<2x6400000xi32, #tpu.memory_space<hbm>> -> memref<1x6400000xi32, #tpu.memory_space<hbm>>
      %dma_start3A_146 = tpu.memref_squeeze %dma_start3A_145 : memref<1x6400000xi32, #tpu.memory_space<hbm>> -> memref<6400000xi32, #tpu.memory_space<hbm>>
      %dma_start3A_147 = arith.constant 0 : i32
      %dma_start3A_148 = tpu.memref_slice %dma_start3A_146[%dma_start3A_147] : memref<6400000xi32, #tpu.memory_space<hbm>> -> memref<6400000xi32, #tpu.memory_space<hbm>>
      tpu.enqueue_indirect_dma source(%dma_start3A_148 : memref<6400000xi32, #tpu.memory_space<hbm>>) target(%arg12 : memref<512xi32, #tpu.memory_space<vmem>>) offsets(%arg8 : memref<512xi32, #tpu.memory_space<vmem>>) semaphore(%arg18 : memref<!tpu.dma_semaphore, #tpu.memory_space<semaphore_mem>>)
      %dma_wait3A_149 = arith.constant 0 : i32
      %dma_wait3A_150 = arith.constant 0 : i32
      %dma_wait3A_151 = tpu.memref_slice %arg4[%dma_wait3A_149, %dma_wait3A_150] : memref<100096x16xf32, #tpu.memory_space<hbm>> -> memref<100096x16xf32, #tpu.memory_space<hbm>>
      tpu.wait_indirect_dma semaphore(%arg19 : memref<!tpu.dma_semaphore, #tpu.memory_space<semaphore_mem>>) src(%dma_wait3A_151 : memref<100096x16xf32, #tpu.memory_space<hbm>>) dst(%arg13 : memref<512x16xf32, #tpu.memory_space<vmem>>)
      %dma_start3A_152 = arith.constant 0 : i32
      %dma_start3A_153 = arith.constant 0 : i32
      %dma_start3A_154 = tpu.memref_slice %arg23[%dma_start3A_152, %dma_start3A_153] : memref<100096x16xf32, #tpu.memory_space<vmem_shared>> -> memref<100096x16xf32, #tpu.memory_space<vmem_shared>>
      tpu.enqueue_indirect_dma source(%arg13 : memref<512x16xf32, #tpu.memory_space<vmem>>) target(%dma_start3A_154 : memref<100096x16xf32, #tpu.memory_space<vmem_shared>>) offsets(%arg9 : memref<512xi32, #tpu.memory_space<vmem>>) semaphore(%arg21 : memref<!tpu.dma_semaphore, #tpu.memory_space<semaphore_mem>>) {add = true}
      %dma_wait3A_155 = arith.constant 0 : i32
      %dma_wait3A_156 = tpu.memref_slice %arg3[%while3A_66, %dma_wait3A_155] : memref<2x6400000xi32, #tpu.memory_space<hbm>> -> memref<1x6400000xi32, #tpu.memory_space<hbm>>
      %dma_wait3A_157 = tpu.memref_squeeze %dma_wait3A_156 : memref<1x6400000xi32, #tpu.memory_space<hbm>> -> memref<6400000xi32, #tpu.memory_space<hbm>>
      %dma_wait3A_158 = arith.constant 0 : i32
      %dma_wait3A_159 = tpu.memref_slice %dma_wait3A_157[%dma_wait3A_158] : memref<6400000xi32, #tpu.memory_space<hbm>> -> memref<6400000xi32, #tpu.memory_space<hbm>>
      tpu.wait_indirect_dma semaphore(%arg17 : memref<!tpu.dma_semaphore, #tpu.memory_space<semaphore_mem>>) src(%dma_wait3A_159 : memref<6400000xi32, #tpu.memory_space<hbm>>) dst(%arg10 : memref<512xi32, #tpu.memory_space<vmem>>)
      %dma_wait3A_160 = arith.constant 0 : i32
      %dma_wait3A_161 = tpu.memref_slice %arg3[%while3A_67, %dma_wait3A_160] : memref<2x6400000xi32, #tpu.memory_space<hbm>> -> memref<1x6400000xi32, #tpu.memory_space<hbm>>
      %dma_wait3A_162 = tpu.memref_squeeze %dma_wait3A_161 : memref<1x6400000xi32, #tpu.memory_space<hbm>> -> memref<6400000xi32, #tpu.memory_space<hbm>>
      %dma_wait3A_163 = arith.constant 0 : i32
      %dma_wait3A_164 = tpu.memref_slice %dma_wait3A_162[%dma_wait3A_163] : memref<6400000xi32, #tpu.memory_space<hbm>> -> memref<6400000xi32, #tpu.memory_space<hbm>>
      tpu.wait_indirect_dma semaphore(%arg18 : memref<!tpu.dma_semaphore, #tpu.memory_space<semaphore_mem>>) src(%dma_wait3A_164 : memref<6400000xi32, #tpu.memory_space<hbm>>) dst(%arg12 : memref<512xi32, #tpu.memory_space<vmem>>)
      %dma_start3A_165 = arith.constant 0 : i32
      %dma_start3A_166 = arith.constant 0 : i32
      %dma_start3A_167 = tpu.memref_slice %arg4[%dma_start3A_165, %dma_start3A_166] : memref<100096x16xf32, #tpu.memory_space<hbm>> -> memref<100096x16xf32, #tpu.memory_space<hbm>>
      tpu.enqueue_indirect_dma source(%dma_start3A_167 : memref<100096x16xf32, #tpu.memory_space<hbm>>) target(%arg14 : memref<512x16xf32, #tpu.memory_space<vmem>>) offsets(%arg12 : memref<512xi32, #tpu.memory_space<vmem>>) semaphore(%arg20 : memref<!tpu.dma_semaphore, #tpu.memory_space<semaphore_mem>>)
      %add3A_168 = arith.constant 2 : i32
      %add3A_169 = arith.addi %add3A_111, %add3A_168 : i32
      %lt3A_170 = arith.cmpi slt, %add3A_169, %add3A_8 : i32
      %convert_element_type3A_171 = arith.extui %lt3A_170 : i1 to i32
      %cond3A_172 = arith.constant 0 : i32
      %cond3A_173 = arith.cmpi ne, %convert_element_type3A_171, %cond3A_172 : i32
      scf.if %cond3A_173 {
        %add3A_189 = arith.constant 2 : i32
        %add3A_190 = arith.addi %add3A_111, %add3A_189 : i32
        %add3A_191 = arith.addi %add3A_12, %add3A_190 : i32
        %mul3A_192 = arith.constant 512 : i32
        %mul3A_193 = arith.muli %add3A_191, %mul3A_192 : i32
        %dma_start3A_194 = tpu.memref_slice %arg2[%mul3A_193] : memref<1600000xi32, #tpu.memory_space<hbm>> -> memref<512xi32, #tpu.memory_space<hbm>>
        %dma_start3A_195 = tpu.memref_slice %arg2[%mul3A_193] : memref<1600000xi32, #tpu.memory_space<hbm>> -> memref<512xi32, #tpu.memory_space<hbm>>
        tpu.enqueue_dma source(%dma_start3A_195 : memref<512xi32, #tpu.memory_space<hbm>>) target(%arg8 : memref<512xi32, #tpu.memory_space<vmem>>) target_semaphore(%arg16 : memref<!tpu.dma_semaphore, #tpu.memory_space<semaphore_mem>>)
      } else {
      }
      %dma_wait3A_174 = arith.constant 0 : i32
      %dma_wait3A_175 = arith.constant 0 : i32
      %dma_wait3A_176 = tpu.memref_slice %arg23[%dma_wait3A_174, %dma_wait3A_175] : memref<100096x16xf32, #tpu.memory_space<vmem_shared>> -> memref<100096x16xf32, #tpu.memory_space<vmem_shared>>
      tpu.wait_indirect_dma semaphore(%arg21 : memref<!tpu.dma_semaphore, #tpu.memory_space<semaphore_mem>>) src(%arg13 : memref<512x16xf32, #tpu.memory_space<vmem>>) dst(%dma_wait3A_176 : memref<100096x16xf32, #tpu.memory_space<vmem_shared>>)
      %add3A_177 = arith.constant 2 : i32
      %add3A_178 = arith.addi %mul3A_109, %add3A_177 : i32
      %lt3A_179 = arith.cmpi slt, %add3A_178, %add3A_8 : i32
      %convert_element_type3A_180 = arith.extui %lt3A_179 : i1 to i32
      %cond3A_181 = arith.constant 0 : i32
      %cond3A_182 = arith.cmpi ne, %convert_element_type3A_180, %cond3A_181 : i32
      scf.if %cond3A_182 {
        %dma_wait3A_189 = arith.constant 0 : i32
        %dma_wait3A_190 = tpu.memref_slice %arg2[%dma_wait3A_189] : memref<1600000xi32, #tpu.memory_space<hbm>> -> memref<512xi32, #tpu.memory_space<hbm>>
        %dma_wait3A_191 = arith.constant 0 : i32
        %dma_wait3A_192 = tpu.memref_slice %arg2[%dma_wait3A_191] : memref<1600000xi32, #tpu.memory_space<hbm>> -> memref<512xi32, #tpu.memory_space<hbm>>
        tpu.wait_dma2 semaphore(%arg15 : memref<!tpu.dma_semaphore, #tpu.memory_space<semaphore_mem>>) src(%dma_wait3A_192 : memref<512xi32, #tpu.memory_space<hbm>>) dst(%arg7 : memref<512xi32, #tpu.memory_space<vmem>>)
        %dma_start3A_193 = arith.constant 0 : i32
        %dma_start3A_194 = tpu.memref_slice %arg3[%while3A_66, %dma_start3A_193] : memref<2x6400000xi32, #tpu.memory_space<hbm>> -> memref<1x6400000xi32, #tpu.memory_space<hbm>>
        %dma_start3A_195 = tpu.memref_squeeze %dma_start3A_194 : memref<1x6400000xi32, #tpu.memory_space<hbm>> -> memref<6400000xi32, #tpu.memory_space<hbm>>
        %dma_start3A_196 = arith.constant 0 : i32
        %dma_start3A_197 = tpu.memref_slice %dma_start3A_195[%dma_start3A_196] : memref<6400000xi32, #tpu.memory_space<hbm>> -> memref<6400000xi32, #tpu.memory_space<hbm>>
        tpu.enqueue_indirect_dma source(%dma_start3A_197 : memref<6400000xi32, #tpu.memory_space<hbm>>) target(%arg9 : memref<512xi32, #tpu.memory_space<vmem>>) offsets(%arg7 : memref<512xi32, #tpu.memory_space<vmem>>) semaphore(%arg17 : memref<!tpu.dma_semaphore, #tpu.memory_space<semaphore_mem>>)
        %dma_start3A_198 = arith.constant 0 : i32
        %dma_start3A_199 = tpu.memref_slice %arg3[%while3A_67, %dma_start3A_198] : memref<2x6400000xi32, #tpu.memory_space<hbm>> -> memref<1x6400000xi32, #tpu.memory_space<hbm>>
        %dma_start3A_200 = tpu.memref_squeeze %dma_start3A_199 : memref<1x6400000xi32, #tpu.memory_space<hbm>> -> memref<6400000xi32, #tpu.memory_space<hbm>>
        %dma_start3A_201 = arith.constant 0 : i32
        %dma_start3A_202 = tpu.memref_slice %dma_start3A_200[%dma_start3A_201] : memref<6400000xi32, #tpu.memory_space<hbm>> -> memref<6400000xi32, #tpu.memory_space<hbm>>
        tpu.enqueue_indirect_dma source(%dma_start3A_202 : memref<6400000xi32, #tpu.memory_space<hbm>>) target(%arg11 : memref<512xi32, #tpu.memory_space<vmem>>) offsets(%arg7 : memref<512xi32, #tpu.memory_space<vmem>>) semaphore(%arg18 : memref<!tpu.dma_semaphore, #tpu.memory_space<semaphore_mem>>)
      } else {
      }
      %dma_wait3A_183 = arith.constant 0 : i32
      %dma_wait3A_184 = arith.constant 0 : i32
      %dma_wait3A_185 = tpu.memref_slice %arg4[%dma_wait3A_183, %dma_wait3A_184] : memref<100096x16xf32, #tpu.memory_space<hbm>> -> memref<100096x16xf32, #tpu.memory_space<hbm>>
      tpu.wait_indirect_dma semaphore(%arg20 : memref<!tpu.dma_semaphore, #tpu.memory_space<semaphore_mem>>) src(%dma_wait3A_185 : memref<100096x16xf32, #tpu.memory_space<hbm>>) dst(%arg14 : memref<512x16xf32, #tpu.memory_space<vmem>>)
      %dma_start3A_186 = arith.constant 0 : i32
      %dma_start3A_187 = arith.constant 0 : i32
      %dma_start3A_188 = tpu.memref_slice %arg23[%dma_start3A_186, %dma_start3A_187] : memref<100096x16xf32, #tpu.memory_space<vmem_shared>> -> memref<100096x16xf32, #tpu.memory_space<vmem_shared>>
      tpu.enqueue_indirect_dma source(%arg14 : memref<512x16xf32, #tpu.memory_space<vmem>>) target(%dma_start3A_188 : memref<100096x16xf32, #tpu.memory_space<vmem_shared>>) offsets(%arg10 : memref<512xi32, #tpu.memory_space<vmem>>) semaphore(%arg22 : memref<!tpu.dma_semaphore, #tpu.memory_space<semaphore_mem>>) {add = true}
    }
    %while3A_76 = arith.constant 1 : i32
    scf.for %while3A_105 = %while3A_74 to %while3A_70 step %while3A_76  : i32 {
      %mul3A_106 = arith.muli %while3A_105, %while3A : i32
      %add3A_107 = arith.addi %while3A_65, %mul3A_106 : i32
      %mul3A_108 = arith.constant 2 : i32
      %mul3A_109 = arith.muli %mul3A_108, %add3A_107 : i32
      %add3A_110 = arith.constant 1 : i32
      %add3A_111 = arith.addi %mul3A_109, %add3A_110 : i32
      %dma_wait3A_112 = arith.constant 0 : i32
      %dma_wait3A_113 = tpu.memref_slice %arg3[%while3A_66, %dma_wait3A_112] : memref<2x6400000xi32, #tpu.memory_space<hbm>> -> memref<1x6400000xi32, #tpu.memory_space<hbm>>
      %dma_wait3A_114 = tpu.memref_squeeze %dma_wait3A_113 : memref<1x6400000xi32, #tpu.memory_space<hbm>> -> memref<6400000xi32, #tpu.memory_space<hbm>>
      %dma_wait3A_115 = arith.constant 0 : i32
      %dma_wait3A_116 = tpu.memref_slice %dma_wait3A_114[%dma_wait3A_115] : memref<6400000xi32, #tpu.memory_space<hbm>> -> memref<6400000xi32, #tpu.memory_space<hbm>>
      tpu.wait_indirect_dma semaphore(%arg17 : memref<!tpu.dma_semaphore, #tpu.memory_space<semaphore_mem>>) src(%dma_wait3A_116 : memref<6400000xi32, #tpu.memory_space<hbm>>) dst(%arg9 : memref<512xi32, #tpu.memory_space<vmem>>)
      %dma_wait3A_117 = arith.constant 0 : i32
      %dma_wait3A_118 = tpu.memref_slice %arg3[%while3A_67, %dma_wait3A_117] : memref<2x6400000xi32, #tpu.memory_space<hbm>> -> memref<1x6400000xi32, #tpu.memory_space<hbm>>
      %dma_wait3A_119 = tpu.memref_squeeze %dma_wait3A_118 : memref<1x6400000xi32, #tpu.memory_space<hbm>> -> memref<6400000xi32, #tpu.memory_space<hbm>>
      %dma_wait3A_120 = arith.constant 0 : i32
      %dma_wait3A_121 = tpu.memref_slice %dma_wait3A_119[%dma_wait3A_120] : memref<6400000xi32, #tpu.memory_space<hbm>> -> memref<6400000xi32, #tpu.memory_space<hbm>>
      tpu.wait_indirect_dma semaphore(%arg18 : memref<!tpu.dma_semaphore, #tpu.memory_space<semaphore_mem>>) src(%dma_wait3A_121 : memref<6400000xi32, #tpu.memory_space<hbm>>) dst(%arg11 : memref<512xi32, #tpu.memory_space<vmem>>)
      %dma_start3A_122 = arith.constant 0 : i32
      %dma_start3A_123 = arith.constant 0 : i32
      %dma_start3A_124 = tpu.memref_slice %arg4[%dma_start3A_122, %dma_start3A_123] : memref<100096x16xf32, #tpu.memory_space<hbm>> -> memref<100096x16xf32, #tpu.memory_space<hbm>>
      tpu.enqueue_indirect_dma source(%dma_start3A_124 : memref<100096x16xf32, #tpu.memory_space<hbm>>) target(%arg13 : memref<512x16xf32, #tpu.memory_space<vmem>>) offsets(%arg11 : memref<512xi32, #tpu.memory_space<vmem>>) semaphore(%arg19 : memref<!tpu.dma_semaphore, #tpu.memory_space<semaphore_mem>>)
      %add3A_125 = arith.constant 2 : i32
      %add3A_126 = arith.addi %mul3A_109, %add3A_125 : i32
      %lt3A_127 = arith.cmpi slt, %add3A_126, %add3A_8 : i32
      %convert_element_type3A_128 = arith.extui %lt3A_127 : i1 to i32
      %cond3A_129 = arith.constant 0 : i32
      %cond3A_130 = arith.cmpi ne, %convert_element_type3A_128, %cond3A_129 : i32
      scf.if %cond3A_130 {
        %add3A_189 = arith.constant 2 : i32
        %add3A_190 = arith.addi %mul3A_109, %add3A_189 : i32
        %add3A_191 = arith.addi %add3A_12, %add3A_190 : i32
        %mul3A_192 = arith.constant 512 : i32
        %mul3A_193 = arith.muli %add3A_191, %mul3A_192 : i32
        %dma_start3A_194 = tpu.memref_slice %arg2[%mul3A_193] : memref<1600000xi32, #tpu.memory_space<hbm>> -> memref<512xi32, #tpu.memory_space<hbm>>
        %dma_start3A_195 = tpu.memref_slice %arg2[%mul3A_193] : memref<1600000xi32, #tpu.memory_space<hbm>> -> memref<512xi32, #tpu.memory_space<hbm>>
        tpu.enqueue_dma source(%dma_start3A_195 : memref<512xi32, #tpu.memory_space<hbm>>) target(%arg7 : memref<512xi32, #tpu.memory_space<vmem>>) target_semaphore(%arg15 : memref<!tpu.dma_semaphore, #tpu.memory_space<semaphore_mem>>)
      } else {
      }
      %gt3A = arith.constant 0 : i32
      %gt3A_131 = arith.cmpi sgt, %add3A_107, %gt3A : i32
      %convert_element_type3A_132 = arith.extui %gt3A_131 : i1 to i32
      %cond3A_133 = arith.constant 0 : i32
      %cond3A_134 = arith.cmpi ne, %convert_element_type3A_132, %cond3A_133 : i32
      scf.if %cond3A_134 {
        %dma_wait3A_189 = arith.constant 0 : i32
        %dma_wait3A_190 = arith.constant 0 : i32
        %dma_wait3A_191 = tpu.memref_slice %arg23[%dma_wait3A_189, %dma_wait3A_190] : memref<100096x16xf32, #tpu.memory_space<vmem_shared>> -> memref<100096x16xf32, #tpu.memory_space<vmem_shared>>
        tpu.wait_indirect_dma semaphore(%arg22 : memref<!tpu.dma_semaphore, #tpu.memory_space<semaphore_mem>>) src(%arg14 : memref<512x16xf32, #tpu.memory_space<vmem>>) dst(%dma_wait3A_191 : memref<100096x16xf32, #tpu.memory_space<vmem_shared>>)
      } else {
      }
      %dma_wait3A_135 = arith.constant 0 : i32
      %dma_wait3A_136 = tpu.memref_slice %arg2[%dma_wait3A_135] : memref<1600000xi32, #tpu.memory_space<hbm>> -> memref<512xi32, #tpu.memory_space<hbm>>
      %dma_wait3A_137 = arith.constant 0 : i32
      %dma_wait3A_138 = tpu.memref_slice %arg2[%dma_wait3A_137] : memref<1600000xi32, #tpu.memory_space<hbm>> -> memref<512xi32, #tpu.memory_space<hbm>>
      tpu.wait_dma2 semaphore(%arg16 : memref<!tpu.dma_semaphore, #tpu.memory_space<semaphore_mem>>) src(%dma_wait3A_138 : memref<512xi32, #tpu.memory_space<hbm>>) dst(%arg8 : memref<512xi32, #tpu.memory_space<vmem>>)
      %dma_start3A_139 = arith.constant 0 : i32
      %dma_start3A_140 = tpu.memref_slice %arg3[%while3A_66, %dma_start3A_139] : memref<2x6400000xi32, #tpu.memory_space<hbm>> -> memref<1x6400000xi32, #tpu.memory_space<hbm>>
      %dma_start3A_141 = tpu.memref_squeeze %dma_start3A_140 : memref<1x6400000xi32, #tpu.memory_space<hbm>> -> memref<6400000xi32, #tpu.memory_space<hbm>>
      %dma_start3A_142 = arith.constant 0 : i32
      %dma_start3A_143 = tpu.memref_slice %dma_start3A_141[%dma_start3A_142] : memref<6400000xi32, #tpu.memory_space<hbm>> -> memref<6400000xi32, #tpu.memory_space<hbm>>
      tpu.enqueue_indirect_dma source(%dma_start3A_143 : memref<6400000xi32, #tpu.memory_space<hbm>>) target(%arg10 : memref<512xi32, #tpu.memory_space<vmem>>) offsets(%arg8 : memref<512xi32, #tpu.memory_space<vmem>>) semaphore(%arg17 : memref<!tpu.dma_semaphore, #tpu.memory_space<semaphore_mem>>)
      %dma_start3A_144 = arith.constant 0 : i32
      %dma_start3A_145 = tpu.memref_slice %arg3[%while3A_67, %dma_start3A_144] : memref<2x6400000xi32, #tpu.memory_space<hbm>> -> memref<1x6400000xi32, #tpu.memory_space<hbm>>
      %dma_start3A_146 = tpu.memref_squeeze %dma_start3A_145 : memref<1x6400000xi32, #tpu.memory_space<hbm>> -> memref<6400000xi32, #tpu.memory_space<hbm>>
      %dma_start3A_147 = arith.constant 0 : i32
      %dma_start3A_148 = tpu.memref_slice %dma_start3A_146[%dma_start3A_147] : memref<6400000xi32, #tpu.memory_space<hbm>> -> memref<6400000xi32, #tpu.memory_space<hbm>>
      tpu.enqueue_indirect_dma source(%dma_start3A_148 : memref<6400000xi32, #tpu.memory_space<hbm>>) target(%arg12 : memref<512xi32, #tpu.memory_space<vmem>>) offsets(%arg8 : memref<512xi32, #tpu.memory_space<vmem>>) semaphore(%arg18 : memref<!tpu.dma_semaphore, #tpu.memory_space<semaphore_mem>>)
      %dma_wait3A_149 = arith.constant 0 : i32
      %dma_wait3A_150 = arith.constant 0 : i32
      %dma_wait3A_151 = tpu.memref_slice %arg4[%dma_wait3A_149, %dma_wait3A_150] : memref<100096x16xf32, #tpu.memory_space<hbm>> -> memref<100096x16xf32, #tpu.memory_space<hbm>>
      tpu.wait_indirect_dma semaphore(%arg19 : memref<!tpu.dma_semaphore, #tpu.memory_space<semaphore_mem>>) src(%dma_wait3A_151 : memref<100096x16xf32, #tpu.memory_space<hbm>>) dst(%arg13 : memref<512x16xf32, #tpu.memory_space<vmem>>)
      %dma_start3A_152 = arith.constant 0 : i32
      %dma_start3A_153 = arith.constant 0 : i32
      %dma_start3A_154 = tpu.memref_slice %arg23[%dma_start3A_152, %dma_start3A_153] : memref<100096x16xf32, #tpu.memory_space<vmem_shared>> -> memref<100096x16xf32, #tpu.memory_space<vmem_shared>>
      tpu.enqueue_indirect_dma source(%arg13 : memref<512x16xf32, #tpu.memory_space<vmem>>) target(%dma_start3A_154 : memref<100096x16xf32, #tpu.memory_space<vmem_shared>>) offsets(%arg9 : memref<512xi32, #tpu.memory_space<vmem>>) semaphore(%arg21 : memref<!tpu.dma_semaphore, #tpu.memory_space<semaphore_mem>>) {add = true}
      %dma_wait3A_155 = arith.constant 0 : i32
      %dma_wait3A_156 = tpu.memref_slice %arg3[%while3A_66, %dma_wait3A_155] : memref<2x6400000xi32, #tpu.memory_space<hbm>> -> memref<1x6400000xi32, #tpu.memory_space<hbm>>
      %dma_wait3A_157 = tpu.memref_squeeze %dma_wait3A_156 : memref<1x6400000xi32, #tpu.memory_space<hbm>> -> memref<6400000xi32, #tpu.memory_space<hbm>>
      %dma_wait3A_158 = arith.constant 0 : i32
      %dma_wait3A_159 = tpu.memref_slice %dma_wait3A_157[%dma_wait3A_158] : memref<6400000xi32, #tpu.memory_space<hbm>> -> memref<6400000xi32, #tpu.memory_space<hbm>>
      tpu.wait_indirect_dma semaphore(%arg17 : memref<!tpu.dma_semaphore, #tpu.memory_space<semaphore_mem>>) src(%dma_wait3A_159 : memref<6400000xi32, #tpu.memory_space<hbm>>) dst(%arg10 : memref<512xi32, #tpu.memory_space<vmem>>)
      %dma_wait3A_160 = arith.constant 0 : i32
      %dma_wait3A_161 = tpu.memref_slice %arg3[%while3A_67, %dma_wait3A_160] : memref<2x6400000xi32, #tpu.memory_space<hbm>> -> memref<1x6400000xi32, #tpu.memory_space<hbm>>
      %dma_wait3A_162 = tpu.memref_squeeze %dma_wait3A_161 : memref<1x6400000xi32, #tpu.memory_space<hbm>> -> memref<6400000xi32, #tpu.memory_space<hbm>>
      %dma_wait3A_163 = arith.constant 0 : i32
      %dma_wait3A_164 = tpu.memref_slice %dma_wait3A_162[%dma_wait3A_163] : memref<6400000xi32, #tpu.memory_space<hbm>> -> memref<6400000xi32, #tpu.memory_space<hbm>>
      tpu.wait_indirect_dma semaphore(%arg18 : memref<!tpu.dma_semaphore, #tpu.memory_space<semaphore_mem>>) src(%dma_wait3A_164 : memref<6400000xi32, #tpu.memory_space<hbm>>) dst(%arg12 : memref<512xi32, #tpu.memory_space<vmem>>)
      %dma_start3A_165 = arith.constant 0 : i32
      %dma_start3A_166 = arith.constant 0 : i32
      %dma_start3A_167 = tpu.memref_slice %arg4[%dma_start3A_165, %dma_start3A_166] : memref<100096x16xf32, #tpu.memory_space<hbm>> -> memref<100096x16xf32, #tpu.memory_space<hbm>>
      tpu.enqueue_indirect_dma source(%dma_start3A_167 : memref<100096x16xf32, #tpu.memory_space<hbm>>) target(%arg14 : memref<512x16xf32, #tpu.memory_space<vmem>>) offsets(%arg12 : memref<512xi32, #tpu.memory_space<vmem>>) semaphore(%arg20 : memref<!tpu.dma_semaphore, #tpu.memory_space<semaphore_mem>>)
      %add3A_168 = arith.constant 2 : i32
      %add3A_169 = arith.addi %add3A_111, %add3A_168 : i32
      %lt3A_170 = arith.cmpi slt, %add3A_169, %add3A_8 : i32
      %convert_element_type3A_171 = arith.extui %lt3A_170 : i1 to i32
      %cond3A_172 = arith.constant 0 : i32
      %cond3A_173 = arith.cmpi ne, %convert_element_type3A_171, %cond3A_172 : i32
      scf.if %cond3A_173 {
        %add3A_189 = arith.constant 2 : i32
        %add3A_190 = arith.addi %add3A_111, %add3A_189 : i32
        %add3A_191 = arith.addi %add3A_12, %add3A_190 : i32
        %mul3A_192 = arith.constant 512 : i32
        %mul3A_193 = arith.muli %add3A_191, %mul3A_192 : i32
        %dma_start3A_194 = tpu.memref_slice %arg2[%mul3A_193] : memref<1600000xi32, #tpu.memory_space<hbm>> -> memref<512xi32, #tpu.memory_space<hbm>>
        %dma_start3A_195 = tpu.memref_slice %arg2[%mul3A_193] : memref<1600000xi32, #tpu.memory_space<hbm>> -> memref<512xi32, #tpu.memory_space<hbm>>
        tpu.enqueue_dma source(%dma_start3A_195 : memref<512xi32, #tpu.memory_space<hbm>>) target(%arg8 : memref<512xi32, #tpu.memory_space<vmem>>) target_semaphore(%arg16 : memref<!tpu.dma_semaphore, #tpu.memory_space<semaphore_mem>>)
      } else {
      }
      %dma_wait3A_174 = arith.constant 0 : i32
      %dma_wait3A_175 = arith.constant 0 : i32
      %dma_wait3A_176 = tpu.memref_slice %arg23[%dma_wait3A_174, %dma_wait3A_175] : memref<100096x16xf32, #tpu.memory_space<vmem_shared>> -> memref<100096x16xf32, #tpu.memory_space<vmem_shared>>
      tpu.wait_indirect_dma semaphore(%arg21 : memref<!tpu.dma_semaphore, #tpu.memory_space<semaphore_mem>>) src(%arg13 : memref<512x16xf32, #tpu.memory_space<vmem>>) dst(%dma_wait3A_176 : memref<100096x16xf32, #tpu.memory_space<vmem_shared>>)
      %add3A_177 = arith.constant 2 : i32
      %add3A_178 = arith.addi %mul3A_109, %add3A_177 : i32
      %lt3A_179 = arith.cmpi slt, %add3A_178, %add3A_8 : i32
      %convert_element_type3A_180 = arith.extui %lt3A_179 : i1 to i32
      %cond3A_181 = arith.constant 0 : i32
      %cond3A_182 = arith.cmpi ne, %convert_element_type3A_180, %cond3A_181 : i32
      scf.if %cond3A_182 {
        %dma_wait3A_189 = arith.constant 0 : i32
        %dma_wait3A_190 = tpu.memref_slice %arg2[%dma_wait3A_189] : memref<1600000xi32, #tpu.memory_space<hbm>> -> memref<512xi32, #tpu.memory_space<hbm>>
        %dma_wait3A_191 = arith.constant 0 : i32
        %dma_wait3A_192 = tpu.memref_slice %arg2[%dma_wait3A_191] : memref<1600000xi32, #tpu.memory_space<hbm>> -> memref<512xi32, #tpu.memory_space<hbm>>
        tpu.wait_dma2 semaphore(%arg15 : memref<!tpu.dma_semaphore, #tpu.memory_space<semaphore_mem>>) src(%dma_wait3A_192 : memref<512xi32, #tpu.memory_space<hbm>>) dst(%arg7 : memref<512xi32, #tpu.memory_space<vmem>>)
        %dma_start3A_193 = arith.constant 0 : i32
        %dma_start3A_194 = tpu.memref_slice %arg3[%while3A_66, %dma_start3A_193] : memref<2x6400000xi32, #tpu.memory_space<hbm>> -> memref<1x6400000xi32, #tpu.memory_space<hbm>>
        %dma_start3A_195 = tpu.memref_squeeze %dma_start3A_194 : memref<1x6400000xi32, #tpu.memory_space<hbm>> -> memref<6400000xi32, #tpu.memory_space<hbm>>
        %dma_start3A_196 = arith.constant 0 : i32
        %dma_start3A_197 = tpu.memref_slice %dma_start3A_195[%dma_start3A_196] : memref<6400000xi32, #tpu.memory_space<hbm>> -> memref<6400000xi32, #tpu.memory_space<hbm>>
        tpu.enqueue_indirect_dma source(%dma_start3A_197 : memref<6400000xi32, #tpu.memory_space<hbm>>) target(%arg9 : memref<512xi32, #tpu.memory_space<vmem>>) offsets(%arg7 : memref<512xi32, #tpu.memory_space<vmem>>) semaphore(%arg17 : memref<!tpu.dma_semaphore, #tpu.memory_space<semaphore_mem>>)
        %dma_start3A_198 = arith.constant 0 : i32
        %dma_start3A_199 = tpu.memref_slice %arg3[%while3A_67, %dma_start3A_198] : memref<2x6400000xi32, #tpu.memory_space<hbm>> -> memref<1x6400000xi32, #tpu.memory_space<hbm>>
        %dma_start3A_200 = tpu.memref_squeeze %dma_start3A_199 : memref<1x6400000xi32, #tpu.memory_space<hbm>> -> memref<6400000xi32, #tpu.memory_space<hbm>>
        %dma_start3A_201 = arith.constant 0 : i32
        %dma_start3A_202 = tpu.memref_slice %dma_start3A_200[%dma_start3A_201] : memref<6400000xi32, #tpu.memory_space<hbm>> -> memref<6400000xi32, #tpu.memory_space<hbm>>
        tpu.enqueue_indirect_dma source(%dma_start3A_202 : memref<6400000xi32, #tpu.memory_space<hbm>>) target(%arg11 : memref<512xi32, #tpu.memory_space<vmem>>) offsets(%arg7 : memref<512xi32, #tpu.memory_space<vmem>>) semaphore(%arg18 : memref<!tpu.dma_semaphore, #tpu.memory_space<semaphore_mem>>)
      } else {
      }
      %dma_wait3A_183 = arith.constant 0 : i32
      %dma_wait3A_184 = arith.constant 0 : i32
      %dma_wait3A_185 = tpu.memref_slice %arg4[%dma_wait3A_183, %dma_wait3A_184] : memref<100096x16xf32, #tpu.memory_space<hbm>> -> memref<100096x16xf32, #tpu.memory_space<hbm>>
      tpu.wait_indirect_dma semaphore(%arg20 : memref<!tpu.dma_semaphore, #tpu.memory_space<semaphore_mem>>) src(%dma_wait3A_185 : memref<100096x16xf32, #tpu.memory_space<hbm>>) dst(%arg14 : memref<512x16xf32, #tpu.memory_space<vmem>>)
      %dma_start3A_186 = arith.constant 0 : i32
      %dma_start3A_187 = arith.constant 0 : i32
      %dma_start3A_188 = tpu.memref_slice %arg23[%dma_start3A_186, %dma_start3A_187] : memref<100096x16xf32, #tpu.memory_space<vmem_shared>> -> memref<100096x16xf32, #tpu.memory_space<vmem_shared>>
      tpu.enqueue_indirect_dma source(%arg14 : memref<512x16xf32, #tpu.memory_space<vmem>>) target(%dma_start3A_188 : memref<100096x16xf32, #tpu.memory_space<vmem_shared>>) offsets(%arg10 : memref<512xi32, #tpu.memory_space<vmem>>) semaphore(%arg22 : memref<!tpu.dma_semaphore, #tpu.memory_space<semaphore_mem>>) {add = true}
    }
    %jit3A_77 = arith.constant 2 : i32
    %eq3A = arith.constant 0 : i32
    %eq3A_78 = arith.cmpi eq, %jit3A_77, %eq3A : i32
    %jit3A_79 = arith.constant 1 : i32
    %select_n3A_80 = arith.select %eq3A_78, %jit3A_79, %jit3A_77 : i32
    %rem3A_81 = arith.remsi %add3A_8, %select_n3A_80 : i32
    %ne3A_82 = arith.constant 0 : i32
    %ne3A_83 = arith.cmpi ne, %rem3A_81, %ne3A_82 : i32
    %lt3A_84 = arith.constant 0 : i32
    %lt3A_85 = arith.cmpi slt, %rem3A_81, %lt3A_84 : i32
    %lt3A_86 = arith.constant 0 : i32
    %lt3A_87 = arith.cmpi slt, %select_n3A_80, %lt3A_86 : i32
    %ne3A_88 = arith.xori %lt3A_85, %lt3A_87 : i1
    %and3A_89 = arith.andi %ne3A_88, %ne3A_83 : i1
    %add3A_90 = arith.addi %rem3A_81, %select_n3A_80 : i32
    %select_n3A_91 = arith.select %and3A_89, %add3A_90, %rem3A_81 : i32
    %eq3A_92 = arith.constant 1 : i32
    %eq3A_93 = arith.cmpi eq, %select_n3A_91, %eq3A_92 : i32
    %convert_element_type3A = arith.extui %eq3A_93 : i1 to i32
    %cond3A = arith.constant 0 : i32
    %cond3A_94 = arith.constant 1 : i32
    %cond3A_95 = arith.constant 0 : i32
    %cond3A_96 = arith.cmpi ne, %convert_element_type3A, %cond3A_95 : i32
    scf.if %cond3A_96 {
      %dma_wait3A_105 = arith.constant 0 : i32
      %dma_wait3A_106 = tpu.memref_slice %arg3[%cond3A, %dma_wait3A_105] : memref<2x6400000xi32, #tpu.memory_space<hbm>> -> memref<1x6400000xi32, #tpu.memory_space<hbm>>
      %dma_wait3A_107 = tpu.memref_squeeze %dma_wait3A_106 : memref<1x6400000xi32, #tpu.memory_space<hbm>> -> memref<6400000xi32, #tpu.memory_space<hbm>>
      %dma_wait3A_108 = arith.constant 0 : i32
      %dma_wait3A_109 = tpu.memref_slice %dma_wait3A_107[%dma_wait3A_108] : memref<6400000xi32, #tpu.memory_space<hbm>> -> memref<6400000xi32, #tpu.memory_space<hbm>>
      tpu.wait_indirect_dma semaphore(%arg17 : memref<!tpu.dma_semaphore, #tpu.memory_space<semaphore_mem>>) src(%dma_wait3A_109 : memref<6400000xi32, #tpu.memory_space<hbm>>) dst(%arg9 : memref<512xi32, #tpu.memory_space<vmem>>)
      %dma_wait3A_110 = arith.constant 0 : i32
      %dma_wait3A_111 = tpu.memref_slice %arg3[%cond3A_94, %dma_wait3A_110] : memref<2x6400000xi32, #tpu.memory_space<hbm>> -> memref<1x6400000xi32, #tpu.memory_space<hbm>>
      %dma_wait3A_112 = tpu.memref_squeeze %dma_wait3A_111 : memref<1x6400000xi32, #tpu.memory_space<hbm>> -> memref<6400000xi32, #tpu.memory_space<hbm>>
      %dma_wait3A_113 = arith.constant 0 : i32
      %dma_wait3A_114 = tpu.memref_slice %dma_wait3A_112[%dma_wait3A_113] : memref<6400000xi32, #tpu.memory_space<hbm>> -> memref<6400000xi32, #tpu.memory_space<hbm>>
      tpu.wait_indirect_dma semaphore(%arg18 : memref<!tpu.dma_semaphore, #tpu.memory_space<semaphore_mem>>) src(%dma_wait3A_114 : memref<6400000xi32, #tpu.memory_space<hbm>>) dst(%arg11 : memref<512xi32, #tpu.memory_space<vmem>>)
      %dma_start3A_115 = arith.constant 0 : i32
      %dma_start3A_116 = arith.constant 0 : i32
      %dma_start3A_117 = tpu.memref_slice %arg4[%dma_start3A_115, %dma_start3A_116] : memref<100096x16xf32, #tpu.memory_space<hbm>> -> memref<100096x16xf32, #tpu.memory_space<hbm>>
      tpu.enqueue_indirect_dma source(%dma_start3A_117 : memref<100096x16xf32, #tpu.memory_space<hbm>>) target(%arg13 : memref<512x16xf32, #tpu.memory_space<vmem>>) offsets(%arg11 : memref<512xi32, #tpu.memory_space<vmem>>) semaphore(%arg19 : memref<!tpu.dma_semaphore, #tpu.memory_space<semaphore_mem>>)
      %dma_wait3A_118 = arith.constant 0 : i32
      %dma_wait3A_119 = arith.constant 0 : i32
      %dma_wait3A_120 = tpu.memref_slice %arg4[%dma_wait3A_118, %dma_wait3A_119] : memref<100096x16xf32, #tpu.memory_space<hbm>> -> memref<100096x16xf32, #tpu.memory_space<hbm>>
      tpu.wait_indirect_dma semaphore(%arg19 : memref<!tpu.dma_semaphore, #tpu.memory_space<semaphore_mem>>) src(%dma_wait3A_120 : memref<100096x16xf32, #tpu.memory_space<hbm>>) dst(%arg13 : memref<512x16xf32, #tpu.memory_space<vmem>>)
      %dma_start3A_121 = arith.constant 0 : i32
      %dma_start3A_122 = arith.constant 0 : i32
      %dma_start3A_123 = tpu.memref_slice %arg23[%dma_start3A_121, %dma_start3A_122] : memref<100096x16xf32, #tpu.memory_space<vmem_shared>> -> memref<100096x16xf32, #tpu.memory_space<vmem_shared>>
      tpu.enqueue_indirect_dma source(%arg13 : memref<512x16xf32, #tpu.memory_space<vmem>>) target(%dma_start3A_123 : memref<100096x16xf32, #tpu.memory_space<vmem_shared>>) offsets(%arg9 : memref<512xi32, #tpu.memory_space<vmem>>) semaphore(%arg21 : memref<!tpu.dma_semaphore, #tpu.memory_space<semaphore_mem>>) {add = true}
      %dma_wait3A_124 = arith.constant 0 : i32
      %dma_wait3A_125 = arith.constant 0 : i32
      %dma_wait3A_126 = tpu.memref_slice %arg23[%dma_wait3A_124, %dma_wait3A_125] : memref<100096x16xf32, #tpu.memory_space<vmem_shared>> -> memref<100096x16xf32, #tpu.memory_space<vmem_shared>>
      tpu.wait_indirect_dma semaphore(%arg21 : memref<!tpu.dma_semaphore, #tpu.memory_space<semaphore_mem>>) src(%arg13 : memref<512x16xf32, #tpu.memory_space<vmem>>) dst(%dma_wait3A_126 : memref<100096x16xf32, #tpu.memory_space<vmem_shared>>)
    } else {
    }
    %dma_wait3A_97 = arith.constant 0 : i32
    %dma_wait3A_98 = arith.constant 0 : i32
    %dma_wait3A_99 = tpu.memref_slice %arg23[%dma_wait3A_97, %dma_wait3A_98] : memref<100096x16xf32, #tpu.memory_space<vmem_shared>> -> memref<100096x16xf32, #tpu.memory_space<vmem_shared>>
    tpu.wait_indirect_dma semaphore(%arg22 : memref<!tpu.dma_semaphore, #tpu.memory_space<semaphore_mem>>) src(%arg14 : memref<512x16xf32, #tpu.memory_space<vmem>>) dst(%dma_wait3A_99 : memref<100096x16xf32, #tpu.memory_space<vmem_shared>>)
    %barrier3A_100 = arith.constant 0 : index
    tpu.barrier barrier_id(%barrier3A_100)
    %mul3A_101 = arith.constant 6256 : i32
    %mul3A_102 = arith.muli %arg1, %mul3A_101 : i32
    %mul3A_103 = arith.constant 6256 : i32
    %mul3A_104 = arith.muli %arg1, %mul3A_103 : i32
    "tpu.region"() ({
      %run_scoped3A = tpu.sem_alloc : memref<!tpu.dma_semaphore, #tpu.memory_space<semaphore_mem>>
      %dma_start3A_105 = arith.constant 0 : i32
      %dma_start3A_106 = arith.constant 0 : i32
      %dma_start3A_107 = tpu.memref_slice %arg6[%arg0, %dma_start3A_105, %dma_start3A_106] : memref<2x100096x16xf32, #tpu.memory_space<hbm>> -> memref<1x100096x16xf32, #tpu.memory_space<hbm>>
      %dma_start3A_108 = tpu.memref_squeeze %dma_start3A_107 : memref<1x100096x16xf32, #tpu.memory_space<hbm>> -> memref<100096x16xf32, #tpu.memory_space<hbm>>
      %dma_start3A_109 = arith.constant 0 : i32
      %dma_start3A_110 = tpu.memref_slice %dma_start3A_108[%mul3A_104, %dma_start3A_109] : memref<100096x16xf32, #tpu.memory_space<hbm>> -> memref<6256x16xf32, #tpu.memory_space<hbm>>
      %dma_start3A_111 = arith.constant 0 : i32
      %dma_start3A_112 = tpu.memref_slice %arg23[%mul3A_102, %dma_start3A_111] : memref<100096x16xf32, #tpu.memory_space<vmem_shared>> -> memref<6256x16xf32, #tpu.memory_space<vmem_shared>>
      tpu.enqueue_dma source(%dma_start3A_112 : memref<6256x16xf32, #tpu.memory_space<vmem_shared>>) target(%dma_start3A_110 : memref<6256x16xf32, #tpu.memory_space<hbm>>) target_semaphore(%run_scoped3A : memref<!tpu.dma_semaphore, #tpu.memory_space<semaphore_mem>>)
      %dma_wait3A_113 = arith.constant 0 : i32
      %dma_wait3A_114 = arith.constant 0 : i32
      %dma_wait3A_115 = tpu.memref_slice %arg6[%arg0, %dma_wait3A_113, %dma_wait3A_114] : memref<2x100096x16xf32, #tpu.memory_space<hbm>> -> memref<1x100096x16xf32, #tpu.memory_space<hbm>>
      %dma_wait3A_116 = tpu.memref_squeeze %dma_wait3A_115 : memref<1x100096x16xf32, #tpu.memory_space<hbm>> -> memref<100096x16xf32, #tpu.memory_space<hbm>>
      %dma_wait3A_117 = arith.constant 0 : i32
      %dma_wait3A_118 = tpu.memref_slice %dma_wait3A_116[%mul3A_104, %dma_wait3A_117] : memref<100096x16xf32, #tpu.memory_space<hbm>> -> memref<6256x16xf32, #tpu.memory_space<hbm>>
      %dma_wait3A_119 = arith.constant 0 : i32
      %dma_wait3A_120 = tpu.memref_slice %arg23[%mul3A_102, %dma_wait3A_119] : memref<100096x16xf32, #tpu.memory_space<vmem_shared>> -> memref<6256x16xf32, #tpu.memory_space<vmem_shared>>
      tpu.wait_dma2 semaphore(%run_scoped3A : memref<!tpu.dma_semaphore, #tpu.memory_space<semaphore_mem>>) src(%dma_wait3A_120 : memref<6256x16xf32, #tpu.memory_space<vmem_shared>>) dst(%dma_wait3A_118 : memref<6256x16xf32, #tpu.memory_space<hbm>>)
      tpu.yield
    }) : () -> ()
    return
  }
}

#map = affine_map<(d0, d1) -> (0)>
#map1 = affine_map<(d0, d1) -> (0, 0)>
#map2 = affine_map<(d0, d1) -> (0, 0, 0)>
module attributes {stable_mosaic.version = 14 : i64} {
  func.func @_sc_step_body(%arg0: i32, %arg1: i32, %arg2: memref<1600000xi32, #tpu.memory_space<hbm>>, %arg3: memref<2x6400000xi32, #tpu.memory_space<hbm>>, %arg4: memref<100096x16xf32, #tpu.memory_space<hbm>>, %arg5: memref<100096x16xf32, #tpu.memory_space<hbm>>, %arg6: memref<2x100096x16xf32, #tpu.memory_space<hbm>>, %arg7: memref<512xi32, #tpu.memory_space<vmem>>, %arg8: memref<512xi32, #tpu.memory_space<vmem>>, %arg9: memref<512xi32, #tpu.memory_space<vmem>>, %arg10: memref<512xi32, #tpu.memory_space<vmem>>, %arg11: memref<512xi32, #tpu.memory_space<vmem>>, %arg12: memref<512xi32, #tpu.memory_space<vmem>>, %arg13: memref<512x16xf32, #tpu.memory_space<vmem>>, %arg14: memref<512x16xf32, #tpu.memory_space<vmem>>, %arg15: memref<!tpu.dma_semaphore, #tpu.memory_space<semaphore_mem>>, %arg16: memref<!tpu.dma_semaphore, #tpu.memory_space<semaphore_mem>>, %arg17: memref<!tpu.dma_semaphore, #tpu.memory_space<semaphore_mem>>, %arg18: memref<!tpu.dma_semaphore, #tpu.memory_space<semaphore_mem>>, %arg19: memref<!tpu.dma_semaphore, #tpu.memory_space<semaphore_mem>>, %arg20: memref<!tpu.dma_semaphore, #tpu.memory_space<semaphore_mem>>, %arg21: memref<!tpu.dma_semaphore, #tpu.memory_space<semaphore_mem>>, %arg22: memref<!tpu.dma_semaphore, #tpu.memory_space<semaphore_mem>>, %arg23: memref<100096x16xf32, #tpu.memory_space<vmem_shared>>) attributes {dimension_semantics = [#tpu.dimension_semantics<core_parallel>, #tpu.dimension_semantics<subcore_parallel>], iteration_bounds = array<i64: 2, 16>, scalar_prefetch = 0 : i64, scratch_operands = 17 : i64, tpu.core_type = #tpu.core_type<sc_vector_subcore>, window_params = [{transform_indices = #map}, {transform_indices = #map1}, {transform_indices = #map1}, {transform_indices = #map1}, {transform_indices = #map2}]} {
    %mul3A = arith.constant 16 : i32
    %mul3A_0 = arith.muli %arg0, %mul3A : i32
    %add3A = arith.addi %mul3A_0, %arg1 : i32
    %mul3A_1 = arith.constant 6256 : i32
    %mul3A_2 = arith.muli %arg1, %mul3A_1 : i32
    %mul3A_3 = arith.constant 6256 : i32
    %mul3A_4 = arith.muli %arg1, %mul3A_3 : i32
    "tpu.region"() ({
      %run_scoped3A = tpu.sem_alloc : memref<!tpu.dma_semaphore, #tpu.memory_space<semaphore_mem>>
      %dma_start3A_105 = arith.constant 0 : i32
      %dma_start3A_106 = tpu.memref_slice %arg23[%mul3A_4, %dma_start3A_105] : memref<100096x16xf32, #tpu.memory_space<vmem_shared>> -> memref<6256x16xf32, #tpu.memory_space<vmem_shared>>
      %dma_start3A_107 = arith.constant 0 : i32
      %dma_start3A_108 = tpu.memref_slice %arg5[%mul3A_2, %dma_start3A_107] : memref<100096x16xf32, #tpu.memory_space<hbm>> -> memref<6256x16xf32, #tpu.memory_space<hbm>>
      tpu.enqueue_dma source(%dma_start3A_108 : memref<6256x16xf32, #tpu.memory_space<hbm>>) target(%dma_start3A_106 : memref<6256x16xf32, #tpu.memory_space<vmem_shared>>) target_semaphore(%run_scoped3A : memref<!tpu.dma_semaphore, #tpu.memory_space<semaphore_mem>>)
      %dma_wait3A_109 = arith.constant 0 : i32
      %dma_wait3A_110 = tpu.memref_slice %arg23[%mul3A_4, %dma_wait3A_109] : memref<100096x16xf32, #tpu.memory_space<vmem_shared>> -> memref<6256x16xf32, #tpu.memory_space<vmem_shared>>
      %dma_wait3A_111 = arith.constant 0 : i32
      %dma_wait3A_112 = tpu.memref_slice %arg5[%mul3A_2, %dma_wait3A_111] : memref<100096x16xf32, #tpu.memory_space<hbm>> -> memref<6256x16xf32, #tpu.memory_space<hbm>>
      tpu.wait_dma2 semaphore(%run_scoped3A : memref<!tpu.dma_semaphore, #tpu.memory_space<semaphore_mem>>) src(%dma_wait3A_112 : memref<6256x16xf32, #tpu.memory_space<hbm>>) dst(%dma_wait3A_110 : memref<6256x16xf32, #tpu.memory_space<vmem_shared>>)
      tpu.yield
    }) : () -> ()
    %barrier3A = arith.constant 0 : index
    tpu.barrier barrier_id(%barrier3A)
    %lt3A = arith.constant 21 : i32
    %lt3A_5 = arith.cmpi slt, %add3A, %lt3A : i32
    %jit3A = arith.constant 1 : i32
    %jit3A_6 = arith.constant 0 : i32
    %select_n3A = arith.select %lt3A_5, %jit3A, %jit3A_6 : i32
    %add3A_7 = arith.constant 97 : i32
    %add3A_8 = arith.addi %add3A_7, %select_n3A : i32
    %mul3A_9 = arith.constant 97 : i32
    %mul3A_10 = arith.muli %mul3A_9, %add3A : i32
    %min3A = arith.constant 21 : i32
    %min3A_11 = arith.minsi %add3A, %min3A : i32
    %add3A_12 = arith.addi %mul3A_10, %min3A_11 : i32
    %jit3A_13 = arith.constant 2 : i32
    %div3A = arith.divsi %add3A_8, %jit3A_13 : i32
    %sign3A = arith.constant 0 : i32
    %sign3A_14 = arith.cmpi sgt, %add3A_8, %sign3A : i32
    %sign3A_15 = arith.extui %sign3A_14 : i1 to i32
    %sign3A_16 = arith.constant 0 : i32
    %sign3A_17 = arith.cmpi slt, %add3A_8, %sign3A_16 : i32
    %sign3A_18 = arith.extui %sign3A_17 : i1 to i32
    %sign3A_19 = arith.subi %sign3A_15, %sign3A_18 : i32
    %sign3A_20 = arith.constant 0 : i32
    %sign3A_21 = arith.cmpi sgt, %jit3A_13, %sign3A_20 : i32
    %sign3A_22 = arith.extui %sign3A_21 : i1 to i32
    %sign3A_23 = arith.constant 0 : i32
    %sign3A_24 = arith.cmpi slt, %jit3A_13, %sign3A_23 : i32
    %sign3A_25 = arith.extui %sign3A_24 : i1 to i32
    %sign3A_26 = arith.subi %sign3A_22, %sign3A_25 : i32
    %ne3A = arith.cmpi ne, %sign3A_19, %sign3A_26 : i32
    %rem3A = arith.remsi %add3A_8, %jit3A_13 : i32
    %ne3A_27 = arith.constant 0 : i32
    %ne3A_28 = arith.cmpi ne, %rem3A, %ne3A_27 : i32
    %and3A = arith.andi %ne3A, %ne3A_28 : i1
    %sub3A = arith.constant 1 : i32
    %sub3A_29 = arith.subi %div3A, %sub3A : i32
    %select_n3A_30 = arith.select %and3A, %sub3A_29, %div3A : i32
    %add3A_31 = arith.constant 0 : i32
    %add3A_32 = arith.addi %add3A_12, %add3A_31 : i32
    %mul3A_33 = arith.constant 512 : i32
    %mul3A_34 = arith.muli %add3A_32, %mul3A_33 : i32
    %dma_start3A = tpu.memref_slice %arg2[%mul3A_34] : memref<1600000xi32, #tpu.memory_space<hbm>> -> memref<512xi32, #tpu.memory_space<hbm>>
    %dma_start3A_35 = tpu.memref_slice %arg2[%mul3A_34] : memref<1600000xi32, #tpu.memory_space<hbm>> -> memref<512xi32, #tpu.memory_space<hbm>>
    tpu.enqueue_dma source(%dma_start3A_35 : memref<512xi32, #tpu.memory_space<hbm>>) target(%arg7 : memref<512xi32, #tpu.memory_space<vmem>>) target_semaphore(%arg15 : memref<!tpu.dma_semaphore, #tpu.memory_space<semaphore_mem>>)
    %add3A_36 = arith.constant 1 : i32
    %add3A_37 = arith.addi %add3A_12, %add3A_36 : i32
    %mul3A_38 = arith.constant 512 : i32
    %mul3A_39 = arith.muli %add3A_37, %mul3A_38 : i32
    %dma_start3A_40 = tpu.memref_slice %arg2[%mul3A_39] : memref<1600000xi32, #tpu.memory_space<hbm>> -> memref<512xi32, #tpu.memory_space<hbm>>
    %dma_start3A_41 = tpu.memref_slice %arg2[%mul3A_39] : memref<1600000xi32, #tpu.memory_space<hbm>> -> memref<512xi32, #tpu.memory_space<hbm>>
    tpu.enqueue_dma source(%dma_start3A_41 : memref<512xi32, #tpu.memory_space<hbm>>) target(%arg8 : memref<512xi32, #tpu.memory_space<vmem>>) target_semaphore(%arg16 : memref<!tpu.dma_semaphore, #tpu.memory_space<semaphore_mem>>)
    %dma_wait3A = arith.constant 0 : i32
    %dma_wait3A_42 = tpu.memref_slice %arg2[%dma_wait3A] : memref<1600000xi32, #tpu.memory_space<hbm>> -> memref<512xi32, #tpu.memory_space<hbm>>
    %dma_wait3A_43 = arith.constant 0 : i32
    %dma_wait3A_44 = tpu.memref_slice %arg2[%dma_wait3A_43] : memref<1600000xi32, #tpu.memory_space<hbm>> -> memref<512xi32, #tpu.memory_space<hbm>>
    tpu.wait_dma2 semaphore(%arg15 : memref<!tpu.dma_semaphore, #tpu.memory_space<semaphore_mem>>) src(%dma_wait3A_44 : memref<512xi32, #tpu.memory_space<hbm>>) dst(%arg7 : memref<512xi32, #tpu.memory_space<vmem>>)
    %dma_start3A_45 = arith.constant 0 : i32
    %dma_start3A_46 = arith.constant 0 : i32
    %dma_start3A_47 = tpu.memref_slice %arg3[%dma_start3A_45, %dma_start3A_46] : memref<2x6400000xi32, #tpu.memory_space<hbm>> -> memref<1x6400000xi32, #tpu.memory_space<hbm>>
    %dma_start3A_48 = tpu.memref_squeeze %dma_start3A_47 : memref<1x6400000xi32, #tpu.memory_space<hbm>> -> memref<6400000xi32, #tpu.memory_space<hbm>>
    %dma_start3A_49 = arith.constant 0 : i32
    %dma_start3A_50 = tpu.memref_slice %dma_start3A_48[%dma_start3A_49] : memref<6400000xi32, #tpu.memory_space<hbm>> -> memref<6400000xi32, #tpu.memory_space<hbm>>
    tpu.enqueue_indirect_dma source(%dma_start3A_50 : memref<6400000xi32, #tpu.memory_space<hbm>>) target(%arg9 : memref<512xi32, #tpu.memory_space<vmem>>) offsets(%arg7 : memref<512xi32, #tpu.memory_space<vmem>>) semaphore(%arg17 : memref<!tpu.dma_semaphore, #tpu.memory_space<semaphore_mem>>)
    %dma_start3A_51 = arith.constant 1 : i32
    %dma_start3A_52 = arith.constant 0 : i32
    %dma_start3A_53 = tpu.memref_slice %arg3[%dma_start3A_51, %dma_start3A_52] : memref<2x6400000xi32, #tpu.memory_space<hbm>> -> memref<1x6400000xi32, #tpu.memory_space<hbm>>
    %dma_start3A_54 = tpu.memref_squeeze %dma_start3A_53 : memref<1x6400000xi32, #tpu.memory_space<hbm>> -> memref<6400000xi32, #tpu.memory_space<hbm>>
    %dma_start3A_55 = arith.constant 0 : i32
    %dma_start3A_56 = tpu.memref_slice %dma_start3A_54[%dma_start3A_55] : memref<6400000xi32, #tpu.memory_space<hbm>> -> memref<6400000xi32, #tpu.memory_space<hbm>>
    tpu.enqueue_indirect_dma source(%dma_start3A_56 : memref<6400000xi32, #tpu.memory_space<hbm>>) target(%arg11 : memref<512xi32, #tpu.memory_space<vmem>>) offsets(%arg7 : memref<512xi32, #tpu.memory_space<vmem>>) semaphore(%arg18 : memref<!tpu.dma_semaphore, #tpu.memory_space<semaphore_mem>>)
    %sub3A_57 = arith.constant 0 : i32
    %sub3A_58 = arith.subi %select_n3A_30, %sub3A_57 : i32
    %sub3A_59 = arith.constant 1 : i32
    %sub3A_60 = arith.constant 1 : i32
    %sub3A_61 = arith.subi %sub3A_59, %sub3A_60 : i32
    %add3A_62 = arith.addi %sub3A_58, %sub3A_61 : i32
    %div3A_63 = arith.constant 1 : i32
    %div3A_64 = arith.divsi %add3A_62, %div3A_63 : i32
    %while3A = arith.constant 1 : i32
    %while3A_65 = arith.constant 0 : i32
    %while3A_66 = arith.constant 0 : i32
    %while3A_67 = arith.constant 1 : i32
    %while3A_68 = arith.constant 0 : i32
    %while3A_69 = arith.subi %div3A_64, %while3A_68 : i32
    %while3A_70 = arith.addi %while3A_68, %while3A_69 : i32
    %while3A_71 = arith.constant 1 : i32
    %while3A_72 = arith.divsi %while3A_69, %while3A_71 : i32
    %while3A_73 = arith.muli %while3A_72, %while3A_71 : i32
    %while3A_74 = arith.addi %while3A_68, %while3A_73 : i32
    %while3A_75 = arith.constant 1 : i32
    scf.for %while3A_105 = %while3A_68 to %while3A_74 step %while3A_75  : i32 {
      %mul3A_106 = arith.muli %while3A_105, %while3A : i32
      %add3A_107 = arith.addi %while3A_65, %mul3A_106 : i32
      %mul3A_108 = arith.constant 2 : i32
      %mul3A_109 = arith.muli %mul3A_108, %add3A_107 : i32
      %add3A_110 = arith.constant 1 : i32
      %add3A_111 = arith.addi %mul3A_109, %add3A_110 : i32
      %dma_wait3A_112 = arith.constant 0 : i32
      %dma_wait3A_113 = tpu.memref_slice %arg3[%while3A_66, %dma_wait3A_112] : memref<2x6400000xi32, #tpu.memory_space<hbm>> -> memref<1x6400000xi32, #tpu.memory_space<hbm>>
      %dma_wait3A_114 = tpu.memref_squeeze %dma_wait3A_113 : memref<1x6400000xi32, #tpu.memory_space<hbm>> -> memref<6400000xi32, #tpu.memory_space<hbm>>
      %dma_wait3A_115 = arith.constant 0 : i32
      %dma_wait3A_116 = tpu.memref_slice %dma_wait3A_114[%dma_wait3A_115] : memref<6400000xi32, #tpu.memory_space<hbm>> -> memref<6400000xi32, #tpu.memory_space<hbm>>
      tpu.wait_indirect_dma semaphore(%arg17 : memref<!tpu.dma_semaphore, #tpu.memory_space<semaphore_mem>>) src(%dma_wait3A_116 : memref<6400000xi32, #tpu.memory_space<hbm>>) dst(%arg9 : memref<512xi32, #tpu.memory_space<vmem>>)
      %dma_wait3A_117 = arith.constant 0 : i32
      %dma_wait3A_118 = tpu.memref_slice %arg3[%while3A_67, %dma_wait3A_117] : memref<2x6400000xi32, #tpu.memory_space<hbm>> -> memref<1x6400000xi32, #tpu.memory_space<hbm>>
      %dma_wait3A_119 = tpu.memref_squeeze %dma_wait3A_118 : memref<1x6400000xi32, #tpu.memory_space<hbm>> -> memref<6400000xi32, #tpu.memory_space<hbm>>
      %dma_wait3A_120 = arith.constant 0 : i32
      %dma_wait3A_121 = tpu.memref_slice %dma_wait3A_119[%dma_wait3A_120] : memref<6400000xi32, #tpu.memory_space<hbm>> -> memref<6400000xi32, #tpu.memory_space<hbm>>
      tpu.wait_indirect_dma semaphore(%arg18 : memref<!tpu.dma_semaphore, #tpu.memory_space<semaphore_mem>>) src(%dma_wait3A_121 : memref<6400000xi32, #tpu.memory_space<hbm>>) dst(%arg11 : memref<512xi32, #tpu.memory_space<vmem>>)
      %dma_start3A_122 = arith.constant 0 : i32
      %dma_start3A_123 = arith.constant 0 : i32
      %dma_start3A_124 = tpu.memref_slice %arg4[%dma_start3A_122, %dma_start3A_123] : memref<100096x16xf32, #tpu.memory_space<hbm>> -> memref<100096x16xf32, #tpu.memory_space<hbm>>
      tpu.enqueue_indirect_dma source(%dma_start3A_124 : memref<100096x16xf32, #tpu.memory_space<hbm>>) target(%arg13 : memref<512x16xf32, #tpu.memory_space<vmem>>) offsets(%arg11 : memref<512xi32, #tpu.memory_space<vmem>>) semaphore(%arg19 : memref<!tpu.dma_semaphore, #tpu.memory_space<semaphore_mem>>)
      %add3A_125 = arith.constant 2 : i32
      %add3A_126 = arith.addi %mul3A_109, %add3A_125 : i32
      %lt3A_127 = arith.cmpi slt, %add3A_126, %add3A_8 : i32
      %convert_element_type3A_128 = arith.extui %lt3A_127 : i1 to i32
      %cond3A_129 = arith.constant 0 : i32
      %cond3A_130 = arith.cmpi ne, %convert_element_type3A_128, %cond3A_129 : i32
      scf.if %cond3A_130 {
        %add3A_189 = arith.constant 2 : i32
        %add3A_190 = arith.addi %mul3A_109, %add3A_189 : i32
        %add3A_191 = arith.addi %add3A_12, %add3A_190 : i32
        %mul3A_192 = arith.constant 512 : i32
        %mul3A_193 = arith.muli %add3A_191, %mul3A_192 : i32
        %dma_start3A_194 = tpu.memref_slice %arg2[%mul3A_193] : memref<1600000xi32, #tpu.memory_space<hbm>> -> memref<512xi32, #tpu.memory_space<hbm>>
        %dma_start3A_195 = tpu.memref_slice %arg2[%mul3A_193] : memref<1600000xi32, #tpu.memory_space<hbm>> -> memref<512xi32, #tpu.memory_space<hbm>>
        tpu.enqueue_dma source(%dma_start3A_195 : memref<512xi32, #tpu.memory_space<hbm>>) target(%arg7 : memref<512xi32, #tpu.memory_space<vmem>>) target_semaphore(%arg15 : memref<!tpu.dma_semaphore, #tpu.memory_space<semaphore_mem>>)
      } else {
      }
      %gt3A = arith.constant 0 : i32
      %gt3A_131 = arith.cmpi sgt, %add3A_107, %gt3A : i32
      %convert_element_type3A_132 = arith.extui %gt3A_131 : i1 to i32
      %cond3A_133 = arith.constant 0 : i32
      %cond3A_134 = arith.cmpi ne, %convert_element_type3A_132, %cond3A_133 : i32
      scf.if %cond3A_134 {
        %dma_wait3A_189 = arith.constant 0 : i32
        %dma_wait3A_190 = arith.constant 0 : i32
        %dma_wait3A_191 = tpu.memref_slice %arg23[%dma_wait3A_189, %dma_wait3A_190] : memref<100096x16xf32, #tpu.memory_space<vmem_shared>> -> memref<100096x16xf32, #tpu.memory_space<vmem_shared>>
        tpu.wait_indirect_dma semaphore(%arg22 : memref<!tpu.dma_semaphore, #tpu.memory_space<semaphore_mem>>) src(%arg14 : memref<512x16xf32, #tpu.memory_space<vmem>>) dst(%dma_wait3A_191 : memref<100096x16xf32, #tpu.memory_space<vmem_shared>>)
      } else {
      }
      %dma_wait3A_135 = arith.constant 0 : i32
      %dma_wait3A_136 = tpu.memref_slice %arg2[%dma_wait3A_135] : memref<1600000xi32, #tpu.memory_space<hbm>> -> memref<512xi32, #tpu.memory_space<hbm>>
      %dma_wait3A_137 = arith.constant 0 : i32
      %dma_wait3A_138 = tpu.memref_slice %arg2[%dma_wait3A_137] : memref<1600000xi32, #tpu.memory_space<hbm>> -> memref<512xi32, #tpu.memory_space<hbm>>
      tpu.wait_dma2 semaphore(%arg16 : memref<!tpu.dma_semaphore, #tpu.memory_space<semaphore_mem>>) src(%dma_wait3A_138 : memref<512xi32, #tpu.memory_space<hbm>>) dst(%arg8 : memref<512xi32, #tpu.memory_space<vmem>>)
      %dma_start3A_139 = arith.constant 0 : i32
      %dma_start3A_140 = tpu.memref_slice %arg3[%while3A_66, %dma_start3A_139] : memref<2x6400000xi32, #tpu.memory_space<hbm>> -> memref<1x6400000xi32, #tpu.memory_space<hbm>>
      %dma_start3A_141 = tpu.memref_squeeze %dma_start3A_140 : memref<1x6400000xi32, #tpu.memory_space<hbm>> -> memref<6400000xi32, #tpu.memory_space<hbm>>
      %dma_start3A_142 = arith.constant 0 : i32
      %dma_start3A_143 = tpu.memref_slice %dma_start3A_141[%dma_start3A_142] : memref<6400000xi32, #tpu.memory_space<hbm>> -> memref<6400000xi32, #tpu.memory_space<hbm>>
      tpu.enqueue_indirect_dma source(%dma_start3A_143 : memref<6400000xi32, #tpu.memory_space<hbm>>) target(%arg10 : memref<512xi32, #tpu.memory_space<vmem>>) offsets(%arg8 : memref<512xi32, #tpu.memory_space<vmem>>) semaphore(%arg17 : memref<!tpu.dma_semaphore, #tpu.memory_space<semaphore_mem>>)
      %dma_start3A_144 = arith.constant 0 : i32
      %dma_start3A_145 = tpu.memref_slice %arg3[%while3A_67, %dma_start3A_144] : memref<2x6400000xi32, #tpu.memory_space<hbm>> -> memref<1x6400000xi32, #tpu.memory_space<hbm>>
      %dma_start3A_146 = tpu.memref_squeeze %dma_start3A_145 : memref<1x6400000xi32, #tpu.memory_space<hbm>> -> memref<6400000xi32, #tpu.memory_space<hbm>>
      %dma_start3A_147 = arith.constant 0 : i32
      %dma_start3A_148 = tpu.memref_slice %dma_start3A_146[%dma_start3A_147] : memref<6400000xi32, #tpu.memory_space<hbm>> -> memref<6400000xi32, #tpu.memory_space<hbm>>
      tpu.enqueue_indirect_dma source(%dma_start3A_148 : memref<6400000xi32, #tpu.memory_space<hbm>>) target(%arg12 : memref<512xi32, #tpu.memory_space<vmem>>) offsets(%arg8 : memref<512xi32, #tpu.memory_space<vmem>>) semaphore(%arg18 : memref<!tpu.dma_semaphore, #tpu.memory_space<semaphore_mem>>)
      %dma_wait3A_149 = arith.constant 0 : i32
      %dma_wait3A_150 = arith.constant 0 : i32
      %dma_wait3A_151 = tpu.memref_slice %arg4[%dma_wait3A_149, %dma_wait3A_150] : memref<100096x16xf32, #tpu.memory_space<hbm>> -> memref<100096x16xf32, #tpu.memory_space<hbm>>
      tpu.wait_indirect_dma semaphore(%arg19 : memref<!tpu.dma_semaphore, #tpu.memory_space<semaphore_mem>>) src(%dma_wait3A_151 : memref<100096x16xf32, #tpu.memory_space<hbm>>) dst(%arg13 : memref<512x16xf32, #tpu.memory_space<vmem>>)
      %dma_start3A_152 = arith.constant 0 : i32
      %dma_start3A_153 = arith.constant 0 : i32
      %dma_start3A_154 = tpu.memref_slice %arg23[%dma_start3A_152, %dma_start3A_153] : memref<100096x16xf32, #tpu.memory_space<vmem_shared>> -> memref<100096x16xf32, #tpu.memory_space<vmem_shared>>
      tpu.enqueue_indirect_dma source(%arg13 : memref<512x16xf32, #tpu.memory_space<vmem>>) target(%dma_start3A_154 : memref<100096x16xf32, #tpu.memory_space<vmem_shared>>) offsets(%arg9 : memref<512xi32, #tpu.memory_space<vmem>>) semaphore(%arg21 : memref<!tpu.dma_semaphore, #tpu.memory_space<semaphore_mem>>) {add = true}
      %dma_wait3A_155 = arith.constant 0 : i32
      %dma_wait3A_156 = tpu.memref_slice %arg3[%while3A_66, %dma_wait3A_155] : memref<2x6400000xi32, #tpu.memory_space<hbm>> -> memref<1x6400000xi32, #tpu.memory_space<hbm>>
      %dma_wait3A_157 = tpu.memref_squeeze %dma_wait3A_156 : memref<1x6400000xi32, #tpu.memory_space<hbm>> -> memref<6400000xi32, #tpu.memory_space<hbm>>
      %dma_wait3A_158 = arith.constant 0 : i32
      %dma_wait3A_159 = tpu.memref_slice %dma_wait3A_157[%dma_wait3A_158] : memref<6400000xi32, #tpu.memory_space<hbm>> -> memref<6400000xi32, #tpu.memory_space<hbm>>
      tpu.wait_indirect_dma semaphore(%arg17 : memref<!tpu.dma_semaphore, #tpu.memory_space<semaphore_mem>>) src(%dma_wait3A_159 : memref<6400000xi32, #tpu.memory_space<hbm>>) dst(%arg10 : memref<512xi32, #tpu.memory_space<vmem>>)
      %dma_wait3A_160 = arith.constant 0 : i32
      %dma_wait3A_161 = tpu.memref_slice %arg3[%while3A_67, %dma_wait3A_160] : memref<2x6400000xi32, #tpu.memory_space<hbm>> -> memref<1x6400000xi32, #tpu.memory_space<hbm>>
      %dma_wait3A_162 = tpu.memref_squeeze %dma_wait3A_161 : memref<1x6400000xi32, #tpu.memory_space<hbm>> -> memref<6400000xi32, #tpu.memory_space<hbm>>
      %dma_wait3A_163 = arith.constant 0 : i32
      %dma_wait3A_164 = tpu.memref_slice %dma_wait3A_162[%dma_wait3A_163] : memref<6400000xi32, #tpu.memory_space<hbm>> -> memref<6400000xi32, #tpu.memory_space<hbm>>
      tpu.wait_indirect_dma semaphore(%arg18 : memref<!tpu.dma_semaphore, #tpu.memory_space<semaphore_mem>>) src(%dma_wait3A_164 : memref<6400000xi32, #tpu.memory_space<hbm>>) dst(%arg12 : memref<512xi32, #tpu.memory_space<vmem>>)
      %dma_start3A_165 = arith.constant 0 : i32
      %dma_start3A_166 = arith.constant 0 : i32
      %dma_start3A_167 = tpu.memref_slice %arg4[%dma_start3A_165, %dma_start3A_166] : memref<100096x16xf32, #tpu.memory_space<hbm>> -> memref<100096x16xf32, #tpu.memory_space<hbm>>
      tpu.enqueue_indirect_dma source(%dma_start3A_167 : memref<100096x16xf32, #tpu.memory_space<hbm>>) target(%arg14 : memref<512x16xf32, #tpu.memory_space<vmem>>) offsets(%arg12 : memref<512xi32, #tpu.memory_space<vmem>>) semaphore(%arg20 : memref<!tpu.dma_semaphore, #tpu.memory_space<semaphore_mem>>)
      %add3A_168 = arith.constant 2 : i32
      %add3A_169 = arith.addi %add3A_111, %add3A_168 : i32
      %lt3A_170 = arith.cmpi slt, %add3A_169, %add3A_8 : i32
      %convert_element_type3A_171 = arith.extui %lt3A_170 : i1 to i32
      %cond3A_172 = arith.constant 0 : i32
      %cond3A_173 = arith.cmpi ne, %convert_element_type3A_171, %cond3A_172 : i32
      scf.if %cond3A_173 {
        %add3A_189 = arith.constant 2 : i32
        %add3A_190 = arith.addi %add3A_111, %add3A_189 : i32
        %add3A_191 = arith.addi %add3A_12, %add3A_190 : i32
        %mul3A_192 = arith.constant 512 : i32
        %mul3A_193 = arith.muli %add3A_191, %mul3A_192 : i32
        %dma_start3A_194 = tpu.memref_slice %arg2[%mul3A_193] : memref<1600000xi32, #tpu.memory_space<hbm>> -> memref<512xi32, #tpu.memory_space<hbm>>
        %dma_start3A_195 = tpu.memref_slice %arg2[%mul3A_193] : memref<1600000xi32, #tpu.memory_space<hbm>> -> memref<512xi32, #tpu.memory_space<hbm>>
        tpu.enqueue_dma source(%dma_start3A_195 : memref<512xi32, #tpu.memory_space<hbm>>) target(%arg8 : memref<512xi32, #tpu.memory_space<vmem>>) target_semaphore(%arg16 : memref<!tpu.dma_semaphore, #tpu.memory_space<semaphore_mem>>)
      } else {
      }
      %dma_wait3A_174 = arith.constant 0 : i32
      %dma_wait3A_175 = arith.constant 0 : i32
      %dma_wait3A_176 = tpu.memref_slice %arg23[%dma_wait3A_174, %dma_wait3A_175] : memref<100096x16xf32, #tpu.memory_space<vmem_shared>> -> memref<100096x16xf32, #tpu.memory_space<vmem_shared>>
      tpu.wait_indirect_dma semaphore(%arg21 : memref<!tpu.dma_semaphore, #tpu.memory_space<semaphore_mem>>) src(%arg13 : memref<512x16xf32, #tpu.memory_space<vmem>>) dst(%dma_wait3A_176 : memref<100096x16xf32, #tpu.memory_space<vmem_shared>>)
      %add3A_177 = arith.constant 2 : i32
      %add3A_178 = arith.addi %mul3A_109, %add3A_177 : i32
      %lt3A_179 = arith.cmpi slt, %add3A_178, %add3A_8 : i32
      %convert_element_type3A_180 = arith.extui %lt3A_179 : i1 to i32
      %cond3A_181 = arith.constant 0 : i32
      %cond3A_182 = arith.cmpi ne, %convert_element_type3A_180, %cond3A_181 : i32
      scf.if %cond3A_182 {
        %dma_wait3A_189 = arith.constant 0 : i32
        %dma_wait3A_190 = tpu.memref_slice %arg2[%dma_wait3A_189] : memref<1600000xi32, #tpu.memory_space<hbm>> -> memref<512xi32, #tpu.memory_space<hbm>>
        %dma_wait3A_191 = arith.constant 0 : i32
        %dma_wait3A_192 = tpu.memref_slice %arg2[%dma_wait3A_191] : memref<1600000xi32, #tpu.memory_space<hbm>> -> memref<512xi32, #tpu.memory_space<hbm>>
        tpu.wait_dma2 semaphore(%arg15 : memref<!tpu.dma_semaphore, #tpu.memory_space<semaphore_mem>>) src(%dma_wait3A_192 : memref<512xi32, #tpu.memory_space<hbm>>) dst(%arg7 : memref<512xi32, #tpu.memory_space<vmem>>)
        %dma_start3A_193 = arith.constant 0 : i32
        %dma_start3A_194 = tpu.memref_slice %arg3[%while3A_66, %dma_start3A_193] : memref<2x6400000xi32, #tpu.memory_space<hbm>> -> memref<1x6400000xi32, #tpu.memory_space<hbm>>
        %dma_start3A_195 = tpu.memref_squeeze %dma_start3A_194 : memref<1x6400000xi32, #tpu.memory_space<hbm>> -> memref<6400000xi32, #tpu.memory_space<hbm>>
        %dma_start3A_196 = arith.constant 0 : i32
        %dma_start3A_197 = tpu.memref_slice %dma_start3A_195[%dma_start3A_196] : memref<6400000xi32, #tpu.memory_space<hbm>> -> memref<6400000xi32, #tpu.memory_space<hbm>>
        tpu.enqueue_indirect_dma source(%dma_start3A_197 : memref<6400000xi32, #tpu.memory_space<hbm>>) target(%arg9 : memref<512xi32, #tpu.memory_space<vmem>>) offsets(%arg7 : memref<512xi32, #tpu.memory_space<vmem>>) semaphore(%arg17 : memref<!tpu.dma_semaphore, #tpu.memory_space<semaphore_mem>>)
        %dma_start3A_198 = arith.constant 0 : i32
        %dma_start3A_199 = tpu.memref_slice %arg3[%while3A_67, %dma_start3A_198] : memref<2x6400000xi32, #tpu.memory_space<hbm>> -> memref<1x6400000xi32, #tpu.memory_space<hbm>>
        %dma_start3A_200 = tpu.memref_squeeze %dma_start3A_199 : memref<1x6400000xi32, #tpu.memory_space<hbm>> -> memref<6400000xi32, #tpu.memory_space<hbm>>
        %dma_start3A_201 = arith.constant 0 : i32
        %dma_start3A_202 = tpu.memref_slice %dma_start3A_200[%dma_start3A_201] : memref<6400000xi32, #tpu.memory_space<hbm>> -> memref<6400000xi32, #tpu.memory_space<hbm>>
        tpu.enqueue_indirect_dma source(%dma_start3A_202 : memref<6400000xi32, #tpu.memory_space<hbm>>) target(%arg11 : memref<512xi32, #tpu.memory_space<vmem>>) offsets(%arg7 : memref<512xi32, #tpu.memory_space<vmem>>) semaphore(%arg18 : memref<!tpu.dma_semaphore, #tpu.memory_space<semaphore_mem>>)
      } else {
      }
      %dma_wait3A_183 = arith.constant 0 : i32
      %dma_wait3A_184 = arith.constant 0 : i32
      %dma_wait3A_185 = tpu.memref_slice %arg4[%dma_wait3A_183, %dma_wait3A_184] : memref<100096x16xf32, #tpu.memory_space<hbm>> -> memref<100096x16xf32, #tpu.memory_space<hbm>>
      tpu.wait_indirect_dma semaphore(%arg20 : memref<!tpu.dma_semaphore, #tpu.memory_space<semaphore_mem>>) src(%dma_wait3A_185 : memref<100096x16xf32, #tpu.memory_space<hbm>>) dst(%arg14 : memref<512x16xf32, #tpu.memory_space<vmem>>)
      %dma_start3A_186 = arith.constant 0 : i32
      %dma_start3A_187 = arith.constant 0 : i32
      %dma_start3A_188 = tpu.memref_slice %arg23[%dma_start3A_186, %dma_start3A_187] : memref<100096x16xf32, #tpu.memory_space<vmem_shared>> -> memref<100096x16xf32, #tpu.memory_space<vmem_shared>>
      tpu.enqueue_indirect_dma source(%arg14 : memref<512x16xf32, #tpu.memory_space<vmem>>) target(%dma_start3A_188 : memref<100096x16xf32, #tpu.memory_space<vmem_shared>>) offsets(%arg10 : memref<512xi32, #tpu.memory_space<vmem>>) semaphore(%arg22 : memref<!tpu.dma_semaphore, #tpu.memory_space<semaphore_mem>>) {add = true}
    }
    %while3A_76 = arith.constant 1 : i32
    scf.for %while3A_105 = %while3A_74 to %while3A_70 step %while3A_76  : i32 {
      %mul3A_106 = arith.muli %while3A_105, %while3A : i32
      %add3A_107 = arith.addi %while3A_65, %mul3A_106 : i32
      %mul3A_108 = arith.constant 2 : i32
      %mul3A_109 = arith.muli %mul3A_108, %add3A_107 : i32
      %add3A_110 = arith.constant 1 : i32
      %add3A_111 = arith.addi %mul3A_109, %add3A_110 : i32
      %dma_wait3A_112 = arith.constant 0 : i32
      %dma_wait3A_113 = tpu.memref_slice %arg3[%while3A_66, %dma_wait3A_112] : memref<2x6400000xi32, #tpu.memory_space<hbm>> -> memref<1x6400000xi32, #tpu.memory_space<hbm>>
      %dma_wait3A_114 = tpu.memref_squeeze %dma_wait3A_113 : memref<1x6400000xi32, #tpu.memory_space<hbm>> -> memref<6400000xi32, #tpu.memory_space<hbm>>
      %dma_wait3A_115 = arith.constant 0 : i32
      %dma_wait3A_116 = tpu.memref_slice %dma_wait3A_114[%dma_wait3A_115] : memref<6400000xi32, #tpu.memory_space<hbm>> -> memref<6400000xi32, #tpu.memory_space<hbm>>
      tpu.wait_indirect_dma semaphore(%arg17 : memref<!tpu.dma_semaphore, #tpu.memory_space<semaphore_mem>>) src(%dma_wait3A_116 : memref<6400000xi32, #tpu.memory_space<hbm>>) dst(%arg9 : memref<512xi32, #tpu.memory_space<vmem>>)
      %dma_wait3A_117 = arith.constant 0 : i32
      %dma_wait3A_118 = tpu.memref_slice %arg3[%while3A_67, %dma_wait3A_117] : memref<2x6400000xi32, #tpu.memory_space<hbm>> -> memref<1x6400000xi32, #tpu.memory_space<hbm>>
      %dma_wait3A_119 = tpu.memref_squeeze %dma_wait3A_118 : memref<1x6400000xi32, #tpu.memory_space<hbm>> -> memref<6400000xi32, #tpu.memory_space<hbm>>
      %dma_wait3A_120 = arith.constant 0 : i32
      %dma_wait3A_121 = tpu.memref_slice %dma_wait3A_119[%dma_wait3A_120] : memref<6400000xi32, #tpu.memory_space<hbm>> -> memref<6400000xi32, #tpu.memory_space<hbm>>
      tpu.wait_indirect_dma semaphore(%arg18 : memref<!tpu.dma_semaphore, #tpu.memory_space<semaphore_mem>>) src(%dma_wait3A_121 : memref<6400000xi32, #tpu.memory_space<hbm>>) dst(%arg11 : memref<512xi32, #tpu.memory_space<vmem>>)
      %dma_start3A_122 = arith.constant 0 : i32
      %dma_start3A_123 = arith.constant 0 : i32
      %dma_start3A_124 = tpu.memref_slice %arg4[%dma_start3A_122, %dma_start3A_123] : memref<100096x16xf32, #tpu.memory_space<hbm>> -> memref<100096x16xf32, #tpu.memory_space<hbm>>
      tpu.enqueue_indirect_dma source(%dma_start3A_124 : memref<100096x16xf32, #tpu.memory_space<hbm>>) target(%arg13 : memref<512x16xf32, #tpu.memory_space<vmem>>) offsets(%arg11 : memref<512xi32, #tpu.memory_space<vmem>>) semaphore(%arg19 : memref<!tpu.dma_semaphore, #tpu.memory_space<semaphore_mem>>)
      %add3A_125 = arith.constant 2 : i32
      %add3A_126 = arith.addi %mul3A_109, %add3A_125 : i32
      %lt3A_127 = arith.cmpi slt, %add3A_126, %add3A_8 : i32
      %convert_element_type3A_128 = arith.extui %lt3A_127 : i1 to i32
      %cond3A_129 = arith.constant 0 : i32
      %cond3A_130 = arith.cmpi ne, %convert_element_type3A_128, %cond3A_129 : i32
      scf.if %cond3A_130 {
        %add3A_189 = arith.constant 2 : i32
        %add3A_190 = arith.addi %mul3A_109, %add3A_189 : i32
        %add3A_191 = arith.addi %add3A_12, %add3A_190 : i32
        %mul3A_192 = arith.constant 512 : i32
        %mul3A_193 = arith.muli %add3A_191, %mul3A_192 : i32
        %dma_start3A_194 = tpu.memref_slice %arg2[%mul3A_193] : memref<1600000xi32, #tpu.memory_space<hbm>> -> memref<512xi32, #tpu.memory_space<hbm>>
        %dma_start3A_195 = tpu.memref_slice %arg2[%mul3A_193] : memref<1600000xi32, #tpu.memory_space<hbm>> -> memref<512xi32, #tpu.memory_space<hbm>>
        tpu.enqueue_dma source(%dma_start3A_195 : memref<512xi32, #tpu.memory_space<hbm>>) target(%arg7 : memref<512xi32, #tpu.memory_space<vmem>>) target_semaphore(%arg15 : memref<!tpu.dma_semaphore, #tpu.memory_space<semaphore_mem>>)
      } else {
      }
      %gt3A = arith.constant 0 : i32
      %gt3A_131 = arith.cmpi sgt, %add3A_107, %gt3A : i32
      %convert_element_type3A_132 = arith.extui %gt3A_131 : i1 to i32
      %cond3A_133 = arith.constant 0 : i32
      %cond3A_134 = arith.cmpi ne, %convert_element_type3A_132, %cond3A_133 : i32
      scf.if %cond3A_134 {
        %dma_wait3A_189 = arith.constant 0 : i32
        %dma_wait3A_190 = arith.constant 0 : i32
        %dma_wait3A_191 = tpu.memref_slice %arg23[%dma_wait3A_189, %dma_wait3A_190] : memref<100096x16xf32, #tpu.memory_space<vmem_shared>> -> memref<100096x16xf32, #tpu.memory_space<vmem_shared>>
        tpu.wait_indirect_dma semaphore(%arg22 : memref<!tpu.dma_semaphore, #tpu.memory_space<semaphore_mem>>) src(%arg14 : memref<512x16xf32, #tpu.memory_space<vmem>>) dst(%dma_wait3A_191 : memref<100096x16xf32, #tpu.memory_space<vmem_shared>>)
      } else {
      }
      %dma_wait3A_135 = arith.constant 0 : i32
      %dma_wait3A_136 = tpu.memref_slice %arg2[%dma_wait3A_135] : memref<1600000xi32, #tpu.memory_space<hbm>> -> memref<512xi32, #tpu.memory_space<hbm>>
      %dma_wait3A_137 = arith.constant 0 : i32
      %dma_wait3A_138 = tpu.memref_slice %arg2[%dma_wait3A_137] : memref<1600000xi32, #tpu.memory_space<hbm>> -> memref<512xi32, #tpu.memory_space<hbm>>
      tpu.wait_dma2 semaphore(%arg16 : memref<!tpu.dma_semaphore, #tpu.memory_space<semaphore_mem>>) src(%dma_wait3A_138 : memref<512xi32, #tpu.memory_space<hbm>>) dst(%arg8 : memref<512xi32, #tpu.memory_space<vmem>>)
      %dma_start3A_139 = arith.constant 0 : i32
      %dma_start3A_140 = tpu.memref_slice %arg3[%while3A_66, %dma_start3A_139] : memref<2x6400000xi32, #tpu.memory_space<hbm>> -> memref<1x6400000xi32, #tpu.memory_space<hbm>>
      %dma_start3A_141 = tpu.memref_squeeze %dma_start3A_140 : memref<1x6400000xi32, #tpu.memory_space<hbm>> -> memref<6400000xi32, #tpu.memory_space<hbm>>
      %dma_start3A_142 = arith.constant 0 : i32
      %dma_start3A_143 = tpu.memref_slice %dma_start3A_141[%dma_start3A_142] : memref<6400000xi32, #tpu.memory_space<hbm>> -> memref<6400000xi32, #tpu.memory_space<hbm>>
      tpu.enqueue_indirect_dma source(%dma_start3A_143 : memref<6400000xi32, #tpu.memory_space<hbm>>) target(%arg10 : memref<512xi32, #tpu.memory_space<vmem>>) offsets(%arg8 : memref<512xi32, #tpu.memory_space<vmem>>) semaphore(%arg17 : memref<!tpu.dma_semaphore, #tpu.memory_space<semaphore_mem>>)
      %dma_start3A_144 = arith.constant 0 : i32
      %dma_start3A_145 = tpu.memref_slice %arg3[%while3A_67, %dma_start3A_144] : memref<2x6400000xi32, #tpu.memory_space<hbm>> -> memref<1x6400000xi32, #tpu.memory_space<hbm>>
      %dma_start3A_146 = tpu.memref_squeeze %dma_start3A_145 : memref<1x6400000xi32, #tpu.memory_space<hbm>> -> memref<6400000xi32, #tpu.memory_space<hbm>>
      %dma_start3A_147 = arith.constant 0 : i32
      %dma_start3A_148 = tpu.memref_slice %dma_start3A_146[%dma_start3A_147] : memref<6400000xi32, #tpu.memory_space<hbm>> -> memref<6400000xi32, #tpu.memory_space<hbm>>
      tpu.enqueue_indirect_dma source(%dma_start3A_148 : memref<6400000xi32, #tpu.memory_space<hbm>>) target(%arg12 : memref<512xi32, #tpu.memory_space<vmem>>) offsets(%arg8 : memref<512xi32, #tpu.memory_space<vmem>>) semaphore(%arg18 : memref<!tpu.dma_semaphore, #tpu.memory_space<semaphore_mem>>)
      %dma_wait3A_149 = arith.constant 0 : i32
      %dma_wait3A_150 = arith.constant 0 : i32
      %dma_wait3A_151 = tpu.memref_slice %arg4[%dma_wait3A_149, %dma_wait3A_150] : memref<100096x16xf32, #tpu.memory_space<hbm>> -> memref<100096x16xf32, #tpu.memory_space<hbm>>
      tpu.wait_indirect_dma semaphore(%arg19 : memref<!tpu.dma_semaphore, #tpu.memory_space<semaphore_mem>>) src(%dma_wait3A_151 : memref<100096x16xf32, #tpu.memory_space<hbm>>) dst(%arg13 : memref<512x16xf32, #tpu.memory_space<vmem>>)
      %dma_start3A_152 = arith.constant 0 : i32
      %dma_start3A_153 = arith.constant 0 : i32
      %dma_start3A_154 = tpu.memref_slice %arg23[%dma_start3A_152, %dma_start3A_153] : memref<100096x16xf32, #tpu.memory_space<vmem_shared>> -> memref<100096x16xf32, #tpu.memory_space<vmem_shared>>
      tpu.enqueue_indirect_dma source(%arg13 : memref<512x16xf32, #tpu.memory_space<vmem>>) target(%dma_start3A_154 : memref<100096x16xf32, #tpu.memory_space<vmem_shared>>) offsets(%arg9 : memref<512xi32, #tpu.memory_space<vmem>>) semaphore(%arg21 : memref<!tpu.dma_semaphore, #tpu.memory_space<semaphore_mem>>) {add = true}
      %dma_wait3A_155 = arith.constant 0 : i32
      %dma_wait3A_156 = tpu.memref_slice %arg3[%while3A_66, %dma_wait3A_155] : memref<2x6400000xi32, #tpu.memory_space<hbm>> -> memref<1x6400000xi32, #tpu.memory_space<hbm>>
      %dma_wait3A_157 = tpu.memref_squeeze %dma_wait3A_156 : memref<1x6400000xi32, #tpu.memory_space<hbm>> -> memref<6400000xi32, #tpu.memory_space<hbm>>
      %dma_wait3A_158 = arith.constant 0 : i32
      %dma_wait3A_159 = tpu.memref_slice %dma_wait3A_157[%dma_wait3A_158] : memref<6400000xi32, #tpu.memory_space<hbm>> -> memref<6400000xi32, #tpu.memory_space<hbm>>
      tpu.wait_indirect_dma semaphore(%arg17 : memref<!tpu.dma_semaphore, #tpu.memory_space<semaphore_mem>>) src(%dma_wait3A_159 : memref<6400000xi32, #tpu.memory_space<hbm>>) dst(%arg10 : memref<512xi32, #tpu.memory_space<vmem>>)
      %dma_wait3A_160 = arith.constant 0 : i32
      %dma_wait3A_161 = tpu.memref_slice %arg3[%while3A_67, %dma_wait3A_160] : memref<2x6400000xi32, #tpu.memory_space<hbm>> -> memref<1x6400000xi32, #tpu.memory_space<hbm>>
      %dma_wait3A_162 = tpu.memref_squeeze %dma_wait3A_161 : memref<1x6400000xi32, #tpu.memory_space<hbm>> -> memref<6400000xi32, #tpu.memory_space<hbm>>
      %dma_wait3A_163 = arith.constant 0 : i32
      %dma_wait3A_164 = tpu.memref_slice %dma_wait3A_162[%dma_wait3A_163] : memref<6400000xi32, #tpu.memory_space<hbm>> -> memref<6400000xi32, #tpu.memory_space<hbm>>
      tpu.wait_indirect_dma semaphore(%arg18 : memref<!tpu.dma_semaphore, #tpu.memory_space<semaphore_mem>>) src(%dma_wait3A_164 : memref<6400000xi32, #tpu.memory_space<hbm>>) dst(%arg12 : memref<512xi32, #tpu.memory_space<vmem>>)
      %dma_start3A_165 = arith.constant 0 : i32
      %dma_start3A_166 = arith.constant 0 : i32
      %dma_start3A_167 = tpu.memref_slice %arg4[%dma_start3A_165, %dma_start3A_166] : memref<100096x16xf32, #tpu.memory_space<hbm>> -> memref<100096x16xf32, #tpu.memory_space<hbm>>
      tpu.enqueue_indirect_dma source(%dma_start3A_167 : memref<100096x16xf32, #tpu.memory_space<hbm>>) target(%arg14 : memref<512x16xf32, #tpu.memory_space<vmem>>) offsets(%arg12 : memref<512xi32, #tpu.memory_space<vmem>>) semaphore(%arg20 : memref<!tpu.dma_semaphore, #tpu.memory_space<semaphore_mem>>)
      %add3A_168 = arith.constant 2 : i32
      %add3A_169 = arith.addi %add3A_111, %add3A_168 : i32
      %lt3A_170 = arith.cmpi slt, %add3A_169, %add3A_8 : i32
      %convert_element_type3A_171 = arith.extui %lt3A_170 : i1 to i32
      %cond3A_172 = arith.constant 0 : i32
      %cond3A_173 = arith.cmpi ne, %convert_element_type3A_171, %cond3A_172 : i32
      scf.if %cond3A_173 {
        %add3A_189 = arith.constant 2 : i32
        %add3A_190 = arith.addi %add3A_111, %add3A_189 : i32
        %add3A_191 = arith.addi %add3A_12, %add3A_190 : i32
        %mul3A_192 = arith.constant 512 : i32
        %mul3A_193 = arith.muli %add3A_191, %mul3A_192 : i32
        %dma_start3A_194 = tpu.memref_slice %arg2[%mul3A_193] : memref<1600000xi32, #tpu.memory_space<hbm>> -> memref<512xi32, #tpu.memory_space<hbm>>
        %dma_start3A_195 = tpu.memref_slice %arg2[%mul3A_193] : memref<1600000xi32, #tpu.memory_space<hbm>> -> memref<512xi32, #tpu.memory_space<hbm>>
        tpu.enqueue_dma source(%dma_start3A_195 : memref<512xi32, #tpu.memory_space<hbm>>) target(%arg8 : memref<512xi32, #tpu.memory_space<vmem>>) target_semaphore(%arg16 : memref<!tpu.dma_semaphore, #tpu.memory_space<semaphore_mem>>)
      } else {
      }
      %dma_wait3A_174 = arith.constant 0 : i32
      %dma_wait3A_175 = arith.constant 0 : i32
      %dma_wait3A_176 = tpu.memref_slice %arg23[%dma_wait3A_174, %dma_wait3A_175] : memref<100096x16xf32, #tpu.memory_space<vmem_shared>> -> memref<100096x16xf32, #tpu.memory_space<vmem_shared>>
      tpu.wait_indirect_dma semaphore(%arg21 : memref<!tpu.dma_semaphore, #tpu.memory_space<semaphore_mem>>) src(%arg13 : memref<512x16xf32, #tpu.memory_space<vmem>>) dst(%dma_wait3A_176 : memref<100096x16xf32, #tpu.memory_space<vmem_shared>>)
      %add3A_177 = arith.constant 2 : i32
      %add3A_178 = arith.addi %mul3A_109, %add3A_177 : i32
      %lt3A_179 = arith.cmpi slt, %add3A_178, %add3A_8 : i32
      %convert_element_type3A_180 = arith.extui %lt3A_179 : i1 to i32
      %cond3A_181 = arith.constant 0 : i32
      %cond3A_182 = arith.cmpi ne, %convert_element_type3A_180, %cond3A_181 : i32
      scf.if %cond3A_182 {
        %dma_wait3A_189 = arith.constant 0 : i32
        %dma_wait3A_190 = tpu.memref_slice %arg2[%dma_wait3A_189] : memref<1600000xi32, #tpu.memory_space<hbm>> -> memref<512xi32, #tpu.memory_space<hbm>>
        %dma_wait3A_191 = arith.constant 0 : i32
        %dma_wait3A_192 = tpu.memref_slice %arg2[%dma_wait3A_191] : memref<1600000xi32, #tpu.memory_space<hbm>> -> memref<512xi32, #tpu.memory_space<hbm>>
        tpu.wait_dma2 semaphore(%arg15 : memref<!tpu.dma_semaphore, #tpu.memory_space<semaphore_mem>>) src(%dma_wait3A_192 : memref<512xi32, #tpu.memory_space<hbm>>) dst(%arg7 : memref<512xi32, #tpu.memory_space<vmem>>)
        %dma_start3A_193 = arith.constant 0 : i32
        %dma_start3A_194 = tpu.memref_slice %arg3[%while3A_66, %dma_start3A_193] : memref<2x6400000xi32, #tpu.memory_space<hbm>> -> memref<1x6400000xi32, #tpu.memory_space<hbm>>
        %dma_start3A_195 = tpu.memref_squeeze %dma_start3A_194 : memref<1x6400000xi32, #tpu.memory_space<hbm>> -> memref<6400000xi32, #tpu.memory_space<hbm>>
        %dma_start3A_196 = arith.constant 0 : i32
        %dma_start3A_197 = tpu.memref_slice %dma_start3A_195[%dma_start3A_196] : memref<6400000xi32, #tpu.memory_space<hbm>> -> memref<6400000xi32, #tpu.memory_space<hbm>>
        tpu.enqueue_indirect_dma source(%dma_start3A_197 : memref<6400000xi32, #tpu.memory_space<hbm>>) target(%arg9 : memref<512xi32, #tpu.memory_space<vmem>>) offsets(%arg7 : memref<512xi32, #tpu.memory_space<vmem>>) semaphore(%arg17 : memref<!tpu.dma_semaphore, #tpu.memory_space<semaphore_mem>>)
        %dma_start3A_198 = arith.constant 0 : i32
        %dma_start3A_199 = tpu.memref_slice %arg3[%while3A_67, %dma_start3A_198] : memref<2x6400000xi32, #tpu.memory_space<hbm>> -> memref<1x6400000xi32, #tpu.memory_space<hbm>>
        %dma_start3A_200 = tpu.memref_squeeze %dma_start3A_199 : memref<1x6400000xi32, #tpu.memory_space<hbm>> -> memref<6400000xi32, #tpu.memory_space<hbm>>
        %dma_start3A_201 = arith.constant 0 : i32
        %dma_start3A_202 = tpu.memref_slice %dma_start3A_200[%dma_start3A_201] : memref<6400000xi32, #tpu.memory_space<hbm>> -> memref<6400000xi32, #tpu.memory_space<hbm>>
        tpu.enqueue_indirect_dma source(%dma_start3A_202 : memref<6400000xi32, #tpu.memory_space<hbm>>) target(%arg11 : memref<512xi32, #tpu.memory_space<vmem>>) offsets(%arg7 : memref<512xi32, #tpu.memory_space<vmem>>) semaphore(%arg18 : memref<!tpu.dma_semaphore, #tpu.memory_space<semaphore_mem>>)
      } else {
      }
      %dma_wait3A_183 = arith.constant 0 : i32
      %dma_wait3A_184 = arith.constant 0 : i32
      %dma_wait3A_185 = tpu.memref_slice %arg4[%dma_wait3A_183, %dma_wait3A_184] : memref<100096x16xf32, #tpu.memory_space<hbm>> -> memref<100096x16xf32, #tpu.memory_space<hbm>>
      tpu.wait_indirect_dma semaphore(%arg20 : memref<!tpu.dma_semaphore, #tpu.memory_space<semaphore_mem>>) src(%dma_wait3A_185 : memref<100096x16xf32, #tpu.memory_space<hbm>>) dst(%arg14 : memref<512x16xf32, #tpu.memory_space<vmem>>)
      %dma_start3A_186 = arith.constant 0 : i32
      %dma_start3A_187 = arith.constant 0 : i32
      %dma_start3A_188 = tpu.memref_slice %arg23[%dma_start3A_186, %dma_start3A_187] : memref<100096x16xf32, #tpu.memory_space<vmem_shared>> -> memref<100096x16xf32, #tpu.memory_space<vmem_shared>>
      tpu.enqueue_indirect_dma source(%arg14 : memref<512x16xf32, #tpu.memory_space<vmem>>) target(%dma_start3A_188 : memref<100096x16xf32, #tpu.memory_space<vmem_shared>>) offsets(%arg10 : memref<512xi32, #tpu.memory_space<vmem>>) semaphore(%arg22 : memref<!tpu.dma_semaphore, #tpu.memory_space<semaphore_mem>>) {add = true}
    }
    %jit3A_77 = arith.constant 2 : i32
    %eq3A = arith.constant 0 : i32
    %eq3A_78 = arith.cmpi eq, %jit3A_77, %eq3A : i32
    %jit3A_79 = arith.constant 1 : i32
    %select_n3A_80 = arith.select %eq3A_78, %jit3A_79, %jit3A_77 : i32
    %rem3A_81 = arith.remsi %add3A_8, %select_n3A_80 : i32
    %ne3A_82 = arith.constant 0 : i32
    %ne3A_83 = arith.cmpi ne, %rem3A_81, %ne3A_82 : i32
    %lt3A_84 = arith.constant 0 : i32
    %lt3A_85 = arith.cmpi slt, %rem3A_81, %lt3A_84 : i32
    %lt3A_86 = arith.constant 0 : i32
    %lt3A_87 = arith.cmpi slt, %select_n3A_80, %lt3A_86 : i32
    %ne3A_88 = arith.xori %lt3A_85, %lt3A_87 : i1
    %and3A_89 = arith.andi %ne3A_88, %ne3A_83 : i1
    %add3A_90 = arith.addi %rem3A_81, %select_n3A_80 : i32
    %select_n3A_91 = arith.select %and3A_89, %add3A_90, %rem3A_81 : i32
    %eq3A_92 = arith.constant 1 : i32
    %eq3A_93 = arith.cmpi eq, %select_n3A_91, %eq3A_92 : i32
    %convert_element_type3A = arith.extui %eq3A_93 : i1 to i32
    %cond3A = arith.constant 0 : i32
    %cond3A_94 = arith.constant 1 : i32
    %cond3A_95 = arith.constant 0 : i32
    %cond3A_96 = arith.cmpi ne, %convert_element_type3A, %cond3A_95 : i32
    scf.if %cond3A_96 {
      %dma_wait3A_105 = arith.constant 0 : i32
      %dma_wait3A_106 = tpu.memref_slice %arg3[%cond3A, %dma_wait3A_105] : memref<2x6400000xi32, #tpu.memory_space<hbm>> -> memref<1x6400000xi32, #tpu.memory_space<hbm>>
      %dma_wait3A_107 = tpu.memref_squeeze %dma_wait3A_106 : memref<1x6400000xi32, #tpu.memory_space<hbm>> -> memref<6400000xi32, #tpu.memory_space<hbm>>
      %dma_wait3A_108 = arith.constant 0 : i32
      %dma_wait3A_109 = tpu.memref_slice %dma_wait3A_107[%dma_wait3A_108] : memref<6400000xi32, #tpu.memory_space<hbm>> -> memref<6400000xi32, #tpu.memory_space<hbm>>
      tpu.wait_indirect_dma semaphore(%arg17 : memref<!tpu.dma_semaphore, #tpu.memory_space<semaphore_mem>>) src(%dma_wait3A_109 : memref<6400000xi32, #tpu.memory_space<hbm>>) dst(%arg9 : memref<512xi32, #tpu.memory_space<vmem>>)
      %dma_wait3A_110 = arith.constant 0 : i32
      %dma_wait3A_111 = tpu.memref_slice %arg3[%cond3A_94, %dma_wait3A_110] : memref<2x6400000xi32, #tpu.memory_space<hbm>> -> memref<1x6400000xi32, #tpu.memory_space<hbm>>
      %dma_wait3A_112 = tpu.memref_squeeze %dma_wait3A_111 : memref<1x6400000xi32, #tpu.memory_space<hbm>> -> memref<6400000xi32, #tpu.memory_space<hbm>>
      %dma_wait3A_113 = arith.constant 0 : i32
      %dma_wait3A_114 = tpu.memref_slice %dma_wait3A_112[%dma_wait3A_113] : memref<6400000xi32, #tpu.memory_space<hbm>> -> memref<6400000xi32, #tpu.memory_space<hbm>>
      tpu.wait_indirect_dma semaphore(%arg18 : memref<!tpu.dma_semaphore, #tpu.memory_space<semaphore_mem>>) src(%dma_wait3A_114 : memref<6400000xi32, #tpu.memory_space<hbm>>) dst(%arg11 : memref<512xi32, #tpu.memory_space<vmem>>)
      %dma_start3A_115 = arith.constant 0 : i32
      %dma_start3A_116 = arith.constant 0 : i32
      %dma_start3A_117 = tpu.memref_slice %arg4[%dma_start3A_115, %dma_start3A_116] : memref<100096x16xf32, #tpu.memory_space<hbm>> -> memref<100096x16xf32, #tpu.memory_space<hbm>>
      tpu.enqueue_indirect_dma source(%dma_start3A_117 : memref<100096x16xf32, #tpu.memory_space<hbm>>) target(%arg13 : memref<512x16xf32, #tpu.memory_space<vmem>>) offsets(%arg11 : memref<512xi32, #tpu.memory_space<vmem>>) semaphore(%arg19 : memref<!tpu.dma_semaphore, #tpu.memory_space<semaphore_mem>>)
      %dma_wait3A_118 = arith.constant 0 : i32
      %dma_wait3A_119 = arith.constant 0 : i32
      %dma_wait3A_120 = tpu.memref_slice %arg4[%dma_wait3A_118, %dma_wait3A_119] : memref<100096x16xf32, #tpu.memory_space<hbm>> -> memref<100096x16xf32, #tpu.memory_space<hbm>>
      tpu.wait_indirect_dma semaphore(%arg19 : memref<!tpu.dma_semaphore, #tpu.memory_space<semaphore_mem>>) src(%dma_wait3A_120 : memref<100096x16xf32, #tpu.memory_space<hbm>>) dst(%arg13 : memref<512x16xf32, #tpu.memory_space<vmem>>)
      %dma_start3A_121 = arith.constant 0 : i32
      %dma_start3A_122 = arith.constant 0 : i32
      %dma_start3A_123 = tpu.memref_slice %arg23[%dma_start3A_121, %dma_start3A_122] : memref<100096x16xf32, #tpu.memory_space<vmem_shared>> -> memref<100096x16xf32, #tpu.memory_space<vmem_shared>>
      tpu.enqueue_indirect_dma source(%arg13 : memref<512x16xf32, #tpu.memory_space<vmem>>) target(%dma_start3A_123 : memref<100096x16xf32, #tpu.memory_space<vmem_shared>>) offsets(%arg9 : memref<512xi32, #tpu.memory_space<vmem>>) semaphore(%arg21 : memref<!tpu.dma_semaphore, #tpu.memory_space<semaphore_mem>>) {add = true}
      %dma_wait3A_124 = arith.constant 0 : i32
      %dma_wait3A_125 = arith.constant 0 : i32
      %dma_wait3A_126 = tpu.memref_slice %arg23[%dma_wait3A_124, %dma_wait3A_125] : memref<100096x16xf32, #tpu.memory_space<vmem_shared>> -> memref<100096x16xf32, #tpu.memory_space<vmem_shared>>
      tpu.wait_indirect_dma semaphore(%arg21 : memref<!tpu.dma_semaphore, #tpu.memory_space<semaphore_mem>>) src(%arg13 : memref<512x16xf32, #tpu.memory_space<vmem>>) dst(%dma_wait3A_126 : memref<100096x16xf32, #tpu.memory_space<vmem_shared>>)
    } else {
    }
    %dma_wait3A_97 = arith.constant 0 : i32
    %dma_wait3A_98 = arith.constant 0 : i32
    %dma_wait3A_99 = tpu.memref_slice %arg23[%dma_wait3A_97, %dma_wait3A_98] : memref<100096x16xf32, #tpu.memory_space<vmem_shared>> -> memref<100096x16xf32, #tpu.memory_space<vmem_shared>>
    tpu.wait_indirect_dma semaphore(%arg22 : memref<!tpu.dma_semaphore, #tpu.memory_space<semaphore_mem>>) src(%arg14 : memref<512x16xf32, #tpu.memory_space<vmem>>) dst(%dma_wait3A_99 : memref<100096x16xf32, #tpu.memory_space<vmem_shared>>)
    %barrier3A_100 = arith.constant 0 : index
    tpu.barrier barrier_id(%barrier3A_100)
    %mul3A_101 = arith.constant 6256 : i32
    %mul3A_102 = arith.muli %arg1, %mul3A_101 : i32
    %mul3A_103 = arith.constant 6256 : i32
    %mul3A_104 = arith.muli %arg1, %mul3A_103 : i32
    "tpu.region"() ({
      %run_scoped3A = tpu.sem_alloc : memref<!tpu.dma_semaphore, #tpu.memory_space<semaphore_mem>>
      %dma_start3A_105 = arith.constant 0 : i32
      %dma_start3A_106 = arith.constant 0 : i32
      %dma_start3A_107 = tpu.memref_slice %arg6[%arg0, %dma_start3A_105, %dma_start3A_106] : memref<2x100096x16xf32, #tpu.memory_space<hbm>> -> memref<1x100096x16xf32, #tpu.memory_space<hbm>>
      %dma_start3A_108 = tpu.memref_squeeze %dma_start3A_107 : memref<1x100096x16xf32, #tpu.memory_space<hbm>> -> memref<100096x16xf32, #tpu.memory_space<hbm>>
      %dma_start3A_109 = arith.constant 0 : i32
      %dma_start3A_110 = tpu.memref_slice %dma_start3A_108[%mul3A_104, %dma_start3A_109] : memref<100096x16xf32, #tpu.memory_space<hbm>> -> memref<6256x16xf32, #tpu.memory_space<hbm>>
      %dma_start3A_111 = arith.constant 0 : i32
      %dma_start3A_112 = tpu.memref_slice %arg23[%mul3A_102, %dma_start3A_111] : memref<100096x16xf32, #tpu.memory_space<vmem_shared>> -> memref<6256x16xf32, #tpu.memory_space<vmem_shared>>
      tpu.enqueue_dma source(%dma_start3A_112 : memref<6256x16xf32, #tpu.memory_space<vmem_shared>>) target(%dma_start3A_110 : memref<6256x16xf32, #tpu.memory_space<hbm>>) target_semaphore(%run_scoped3A : memref<!tpu.dma_semaphore, #tpu.memory_space<semaphore_mem>>)
      %dma_wait3A_113 = arith.constant 0 : i32
      %dma_wait3A_114 = arith.constant 0 : i32
      %dma_wait3A_115 = tpu.memref_slice %arg6[%arg0, %dma_wait3A_113, %dma_wait3A_114] : memref<2x100096x16xf32, #tpu.memory_space<hbm>> -> memref<1x100096x16xf32, #tpu.memory_space<hbm>>
      %dma_wait3A_116 = tpu.memref_squeeze %dma_wait3A_115 : memref<1x100096x16xf32, #tpu.memory_space<hbm>> -> memref<100096x16xf32, #tpu.memory_space<hbm>>
      %dma_wait3A_117 = arith.constant 0 : i32
      %dma_wait3A_118 = tpu.memref_slice %dma_wait3A_116[%mul3A_104, %dma_wait3A_117] : memref<100096x16xf32, #tpu.memory_space<hbm>> -> memref<6256x16xf32, #tpu.memory_space<hbm>>
      %dma_wait3A_119 = arith.constant 0 : i32
      %dma_wait3A_120 = tpu.memref_slice %arg23[%mul3A_102, %dma_wait3A_119] : memref<100096x16xf32, #tpu.memory_space<vmem_shared>> -> memref<6256x16xf32, #tpu.memory_space<vmem_shared>>
      tpu.wait_dma2 semaphore(%run_scoped3A : memref<!tpu.dma_semaphore, #tpu.memory_space<semaphore_mem>>) src(%dma_wait3A_120 : memref<6256x16xf32, #tpu.memory_space<vmem_shared>>) dst(%dma_wait3A_118 : memref<6256x16xf32, #tpu.memory_space<hbm>>)
      tpu.yield
    }) : () -> ()
    return
  }
}

#map = affine_map<(d0, d1) -> (0)>
#map1 = affine_map<(d0, d1) -> (0, 0)>
#map2 = affine_map<(d0, d1) -> (0, 0, 0)>
module attributes {stable_mosaic.version = 14 : i64} {
  func.func @_sc_step_body(%arg0: i32, %arg1: i32, %arg2: memref<1600000xi32, #tpu.memory_space<hbm>>, %arg3: memref<2x6400000xi32, #tpu.memory_space<hbm>>, %arg4: memref<100096x16xf32, #tpu.memory_space<hbm>>, %arg5: memref<100096x16xf32, #tpu.memory_space<hbm>>, %arg6: memref<2x100096x16xf32, #tpu.memory_space<hbm>>, %arg7: memref<512xi32, #tpu.memory_space<vmem>>, %arg8: memref<512xi32, #tpu.memory_space<vmem>>, %arg9: memref<512xi32, #tpu.memory_space<vmem>>, %arg10: memref<512xi32, #tpu.memory_space<vmem>>, %arg11: memref<512xi32, #tpu.memory_space<vmem>>, %arg12: memref<512xi32, #tpu.memory_space<vmem>>, %arg13: memref<512x16xf32, #tpu.memory_space<vmem>>, %arg14: memref<512x16xf32, #tpu.memory_space<vmem>>, %arg15: memref<!tpu.dma_semaphore, #tpu.memory_space<semaphore_mem>>, %arg16: memref<!tpu.dma_semaphore, #tpu.memory_space<semaphore_mem>>, %arg17: memref<!tpu.dma_semaphore, #tpu.memory_space<semaphore_mem>>, %arg18: memref<!tpu.dma_semaphore, #tpu.memory_space<semaphore_mem>>, %arg19: memref<!tpu.dma_semaphore, #tpu.memory_space<semaphore_mem>>, %arg20: memref<!tpu.dma_semaphore, #tpu.memory_space<semaphore_mem>>, %arg21: memref<!tpu.dma_semaphore, #tpu.memory_space<semaphore_mem>>, %arg22: memref<!tpu.dma_semaphore, #tpu.memory_space<semaphore_mem>>, %arg23: memref<100096x16xf32, #tpu.memory_space<vmem_shared>>) attributes {dimension_semantics = [#tpu.dimension_semantics<core_parallel>, #tpu.dimension_semantics<subcore_parallel>], iteration_bounds = array<i64: 2, 16>, scalar_prefetch = 0 : i64, scratch_operands = 17 : i64, tpu.core_type = #tpu.core_type<sc_vector_subcore>, window_params = [{transform_indices = #map}, {transform_indices = #map1}, {transform_indices = #map1}, {transform_indices = #map1}, {transform_indices = #map2}]} {
    %mul3A = arith.constant 16 : i32
    %mul3A_0 = arith.muli %arg0, %mul3A : i32
    %add3A = arith.addi %mul3A_0, %arg1 : i32
    %mul3A_1 = arith.constant 6256 : i32
    %mul3A_2 = arith.muli %arg1, %mul3A_1 : i32
    %mul3A_3 = arith.constant 6256 : i32
    %mul3A_4 = arith.muli %arg1, %mul3A_3 : i32
    "tpu.region"() ({
      %run_scoped3A = tpu.sem_alloc : memref<!tpu.dma_semaphore, #tpu.memory_space<semaphore_mem>>
      %dma_start3A_105 = arith.constant 0 : i32
      %dma_start3A_106 = tpu.memref_slice %arg23[%mul3A_4, %dma_start3A_105] : memref<100096x16xf32, #tpu.memory_space<vmem_shared>> -> memref<6256x16xf32, #tpu.memory_space<vmem_shared>>
      %dma_start3A_107 = arith.constant 0 : i32
      %dma_start3A_108 = tpu.memref_slice %arg5[%mul3A_2, %dma_start3A_107] : memref<100096x16xf32, #tpu.memory_space<hbm>> -> memref<6256x16xf32, #tpu.memory_space<hbm>>
      tpu.enqueue_dma source(%dma_start3A_108 : memref<6256x16xf32, #tpu.memory_space<hbm>>) target(%dma_start3A_106 : memref<6256x16xf32, #tpu.memory_space<vmem_shared>>) target_semaphore(%run_scoped3A : memref<!tpu.dma_semaphore, #tpu.memory_space<semaphore_mem>>)
      %dma_wait3A_109 = arith.constant 0 : i32
      %dma_wait3A_110 = tpu.memref_slice %arg23[%mul3A_4, %dma_wait3A_109] : memref<100096x16xf32, #tpu.memory_space<vmem_shared>> -> memref<6256x16xf32, #tpu.memory_space<vmem_shared>>
      %dma_wait3A_111 = arith.constant 0 : i32
      %dma_wait3A_112 = tpu.memref_slice %arg5[%mul3A_2, %dma_wait3A_111] : memref<100096x16xf32, #tpu.memory_space<hbm>> -> memref<6256x16xf32, #tpu.memory_space<hbm>>
      tpu.wait_dma2 semaphore(%run_scoped3A : memref<!tpu.dma_semaphore, #tpu.memory_space<semaphore_mem>>) src(%dma_wait3A_112 : memref<6256x16xf32, #tpu.memory_space<hbm>>) dst(%dma_wait3A_110 : memref<6256x16xf32, #tpu.memory_space<vmem_shared>>)
      tpu.yield
    }) : () -> ()
    %barrier3A = arith.constant 0 : index
    tpu.barrier barrier_id(%barrier3A)
    %lt3A = arith.constant 21 : i32
    %lt3A_5 = arith.cmpi slt, %add3A, %lt3A : i32
    %jit3A = arith.constant 1 : i32
    %jit3A_6 = arith.constant 0 : i32
    %select_n3A = arith.select %lt3A_5, %jit3A, %jit3A_6 : i32
    %add3A_7 = arith.constant 97 : i32
    %add3A_8 = arith.addi %add3A_7, %select_n3A : i32
    %mul3A_9 = arith.constant 97 : i32
    %mul3A_10 = arith.muli %mul3A_9, %add3A : i32
    %min3A = arith.constant 21 : i32
    %min3A_11 = arith.minsi %add3A, %min3A : i32
    %add3A_12 = arith.addi %mul3A_10, %min3A_11 : i32
    %jit3A_13 = arith.constant 2 : i32
    %div3A = arith.divsi %add3A_8, %jit3A_13 : i32
    %sign3A = arith.constant 0 : i32
    %sign3A_14 = arith.cmpi sgt, %add3A_8, %sign3A : i32
    %sign3A_15 = arith.extui %sign3A_14 : i1 to i32
    %sign3A_16 = arith.constant 0 : i32
    %sign3A_17 = arith.cmpi slt, %add3A_8, %sign3A_16 : i32
    %sign3A_18 = arith.extui %sign3A_17 : i1 to i32
    %sign3A_19 = arith.subi %sign3A_15, %sign3A_18 : i32
    %sign3A_20 = arith.constant 0 : i32
    %sign3A_21 = arith.cmpi sgt, %jit3A_13, %sign3A_20 : i32
    %sign3A_22 = arith.extui %sign3A_21 : i1 to i32
    %sign3A_23 = arith.constant 0 : i32
    %sign3A_24 = arith.cmpi slt, %jit3A_13, %sign3A_23 : i32
    %sign3A_25 = arith.extui %sign3A_24 : i1 to i32
    %sign3A_26 = arith.subi %sign3A_22, %sign3A_25 : i32
    %ne3A = arith.cmpi ne, %sign3A_19, %sign3A_26 : i32
    %rem3A = arith.remsi %add3A_8, %jit3A_13 : i32
    %ne3A_27 = arith.constant 0 : i32
    %ne3A_28 = arith.cmpi ne, %rem3A, %ne3A_27 : i32
    %and3A = arith.andi %ne3A, %ne3A_28 : i1
    %sub3A = arith.constant 1 : i32
    %sub3A_29 = arith.subi %div3A, %sub3A : i32
    %select_n3A_30 = arith.select %and3A, %sub3A_29, %div3A : i32
    %add3A_31 = arith.constant 0 : i32
    %add3A_32 = arith.addi %add3A_12, %add3A_31 : i32
    %mul3A_33 = arith.constant 512 : i32
    %mul3A_34 = arith.muli %add3A_32, %mul3A_33 : i32
    %dma_start3A = tpu.memref_slice %arg2[%mul3A_34] : memref<1600000xi32, #tpu.memory_space<hbm>> -> memref<512xi32, #tpu.memory_space<hbm>>
    %dma_start3A_35 = tpu.memref_slice %arg2[%mul3A_34] : memref<1600000xi32, #tpu.memory_space<hbm>> -> memref<512xi32, #tpu.memory_space<hbm>>
    tpu.enqueue_dma source(%dma_start3A_35 : memref<512xi32, #tpu.memory_space<hbm>>) target(%arg7 : memref<512xi32, #tpu.memory_space<vmem>>) target_semaphore(%arg15 : memref<!tpu.dma_semaphore, #tpu.memory_space<semaphore_mem>>)
    %add3A_36 = arith.constant 1 : i32
    %add3A_37 = arith.addi %add3A_12, %add3A_36 : i32
    %mul3A_38 = arith.constant 512 : i32
    %mul3A_39 = arith.muli %add3A_37, %mul3A_38 : i32
    %dma_start3A_40 = tpu.memref_slice %arg2[%mul3A_39] : memref<1600000xi32, #tpu.memory_space<hbm>> -> memref<512xi32, #tpu.memory_space<hbm>>
    %dma_start3A_41 = tpu.memref_slice %arg2[%mul3A_39] : memref<1600000xi32, #tpu.memory_space<hbm>> -> memref<512xi32, #tpu.memory_space<hbm>>
    tpu.enqueue_dma source(%dma_start3A_41 : memref<512xi32, #tpu.memory_space<hbm>>) target(%arg8 : memref<512xi32, #tpu.memory_space<vmem>>) target_semaphore(%arg16 : memref<!tpu.dma_semaphore, #tpu.memory_space<semaphore_mem>>)
    %dma_wait3A = arith.constant 0 : i32
    %dma_wait3A_42 = tpu.memref_slice %arg2[%dma_wait3A] : memref<1600000xi32, #tpu.memory_space<hbm>> -> memref<512xi32, #tpu.memory_space<hbm>>
    %dma_wait3A_43 = arith.constant 0 : i32
    %dma_wait3A_44 = tpu.memref_slice %arg2[%dma_wait3A_43] : memref<1600000xi32, #tpu.memory_space<hbm>> -> memref<512xi32, #tpu.memory_space<hbm>>
    tpu.wait_dma2 semaphore(%arg15 : memref<!tpu.dma_semaphore, #tpu.memory_space<semaphore_mem>>) src(%dma_wait3A_44 : memref<512xi32, #tpu.memory_space<hbm>>) dst(%arg7 : memref<512xi32, #tpu.memory_space<vmem>>)
    %dma_start3A_45 = arith.constant 0 : i32
    %dma_start3A_46 = arith.constant 0 : i32
    %dma_start3A_47 = tpu.memref_slice %arg3[%dma_start3A_45, %dma_start3A_46] : memref<2x6400000xi32, #tpu.memory_space<hbm>> -> memref<1x6400000xi32, #tpu.memory_space<hbm>>
    %dma_start3A_48 = tpu.memref_squeeze %dma_start3A_47 : memref<1x6400000xi32, #tpu.memory_space<hbm>> -> memref<6400000xi32, #tpu.memory_space<hbm>>
    %dma_start3A_49 = arith.constant 0 : i32
    %dma_start3A_50 = tpu.memref_slice %dma_start3A_48[%dma_start3A_49] : memref<6400000xi32, #tpu.memory_space<hbm>> -> memref<6400000xi32, #tpu.memory_space<hbm>>
    tpu.enqueue_indirect_dma source(%dma_start3A_50 : memref<6400000xi32, #tpu.memory_space<hbm>>) target(%arg9 : memref<512xi32, #tpu.memory_space<vmem>>) offsets(%arg7 : memref<512xi32, #tpu.memory_space<vmem>>) semaphore(%arg17 : memref<!tpu.dma_semaphore, #tpu.memory_space<semaphore_mem>>)
    %dma_start3A_51 = arith.constant 1 : i32
    %dma_start3A_52 = arith.constant 0 : i32
    %dma_start3A_53 = tpu.memref_slice %arg3[%dma_start3A_51, %dma_start3A_52] : memref<2x6400000xi32, #tpu.memory_space<hbm>> -> memref<1x6400000xi32, #tpu.memory_space<hbm>>
    %dma_start3A_54 = tpu.memref_squeeze %dma_start3A_53 : memref<1x6400000xi32, #tpu.memory_space<hbm>> -> memref<6400000xi32, #tpu.memory_space<hbm>>
    %dma_start3A_55 = arith.constant 0 : i32
    %dma_start3A_56 = tpu.memref_slice %dma_start3A_54[%dma_start3A_55] : memref<6400000xi32, #tpu.memory_space<hbm>> -> memref<6400000xi32, #tpu.memory_space<hbm>>
    tpu.enqueue_indirect_dma source(%dma_start3A_56 : memref<6400000xi32, #tpu.memory_space<hbm>>) target(%arg11 : memref<512xi32, #tpu.memory_space<vmem>>) offsets(%arg7 : memref<512xi32, #tpu.memory_space<vmem>>) semaphore(%arg18 : memref<!tpu.dma_semaphore, #tpu.memory_space<semaphore_mem>>)
    %sub3A_57 = arith.constant 0 : i32
    %sub3A_58 = arith.subi %select_n3A_30, %sub3A_57 : i32
    %sub3A_59 = arith.constant 1 : i32
    %sub3A_60 = arith.constant 1 : i32
    %sub3A_61 = arith.subi %sub3A_59, %sub3A_60 : i32
    %add3A_62 = arith.addi %sub3A_58, %sub3A_61 : i32
    %div3A_63 = arith.constant 1 : i32
    %div3A_64 = arith.divsi %add3A_62, %div3A_63 : i32
    %while3A = arith.constant 1 : i32
    %while3A_65 = arith.constant 0 : i32
    %while3A_66 = arith.constant 0 : i32
    %while3A_67 = arith.constant 1 : i32
    %while3A_68 = arith.constant 0 : i32
    %while3A_69 = arith.subi %div3A_64, %while3A_68 : i32
    %while3A_70 = arith.addi %while3A_68, %while3A_69 : i32
    %while3A_71 = arith.constant 1 : i32
    %while3A_72 = arith.divsi %while3A_69, %while3A_71 : i32
    %while3A_73 = arith.muli %while3A_72, %while3A_71 : i32
    %while3A_74 = arith.addi %while3A_68, %while3A_73 : i32
    %while3A_75 = arith.constant 1 : i32
    scf.for %while3A_105 = %while3A_68 to %while3A_74 step %while3A_75  : i32 {
      %mul3A_106 = arith.muli %while3A_105, %while3A : i32
      %add3A_107 = arith.addi %while3A_65, %mul3A_106 : i32
      %mul3A_108 = arith.constant 2 : i32
      %mul3A_109 = arith.muli %mul3A_108, %add3A_107 : i32
      %add3A_110 = arith.constant 1 : i32
      %add3A_111 = arith.addi %mul3A_109, %add3A_110 : i32
      %dma_wait3A_112 = arith.constant 0 : i32
      %dma_wait3A_113 = tpu.memref_slice %arg3[%while3A_66, %dma_wait3A_112] : memref<2x6400000xi32, #tpu.memory_space<hbm>> -> memref<1x6400000xi32, #tpu.memory_space<hbm>>
      %dma_wait3A_114 = tpu.memref_squeeze %dma_wait3A_113 : memref<1x6400000xi32, #tpu.memory_space<hbm>> -> memref<6400000xi32, #tpu.memory_space<hbm>>
      %dma_wait3A_115 = arith.constant 0 : i32
      %dma_wait3A_116 = tpu.memref_slice %dma_wait3A_114[%dma_wait3A_115] : memref<6400000xi32, #tpu.memory_space<hbm>> -> memref<6400000xi32, #tpu.memory_space<hbm>>
      tpu.wait_indirect_dma semaphore(%arg17 : memref<!tpu.dma_semaphore, #tpu.memory_space<semaphore_mem>>) src(%dma_wait3A_116 : memref<6400000xi32, #tpu.memory_space<hbm>>) dst(%arg9 : memref<512xi32, #tpu.memory_space<vmem>>)
      %dma_wait3A_117 = arith.constant 0 : i32
      %dma_wait3A_118 = tpu.memref_slice %arg3[%while3A_67, %dma_wait3A_117] : memref<2x6400000xi32, #tpu.memory_space<hbm>> -> memref<1x6400000xi32, #tpu.memory_space<hbm>>
      %dma_wait3A_119 = tpu.memref_squeeze %dma_wait3A_118 : memref<1x6400000xi32, #tpu.memory_space<hbm>> -> memref<6400000xi32, #tpu.memory_space<hbm>>
      %dma_wait3A_120 = arith.constant 0 : i32
      %dma_wait3A_121 = tpu.memref_slice %dma_wait3A_119[%dma_wait3A_120] : memref<6400000xi32, #tpu.memory_space<hbm>> -> memref<6400000xi32, #tpu.memory_space<hbm>>
      tpu.wait_indirect_dma semaphore(%arg18 : memref<!tpu.dma_semaphore, #tpu.memory_space<semaphore_mem>>) src(%dma_wait3A_121 : memref<6400000xi32, #tpu.memory_space<hbm>>) dst(%arg11 : memref<512xi32, #tpu.memory_space<vmem>>)
      %dma_start3A_122 = arith.constant 0 : i32
      %dma_start3A_123 = arith.constant 0 : i32
      %dma_start3A_124 = tpu.memref_slice %arg4[%dma_start3A_122, %dma_start3A_123] : memref<100096x16xf32, #tpu.memory_space<hbm>> -> memref<100096x16xf32, #tpu.memory_space<hbm>>
      tpu.enqueue_indirect_dma source(%dma_start3A_124 : memref<100096x16xf32, #tpu.memory_space<hbm>>) target(%arg13 : memref<512x16xf32, #tpu.memory_space<vmem>>) offsets(%arg11 : memref<512xi32, #tpu.memory_space<vmem>>) semaphore(%arg19 : memref<!tpu.dma_semaphore, #tpu.memory_space<semaphore_mem>>)
      %add3A_125 = arith.constant 2 : i32
      %add3A_126 = arith.addi %mul3A_109, %add3A_125 : i32
      %lt3A_127 = arith.cmpi slt, %add3A_126, %add3A_8 : i32
      %convert_element_type3A_128 = arith.extui %lt3A_127 : i1 to i32
      %cond3A_129 = arith.constant 0 : i32
      %cond3A_130 = arith.cmpi ne, %convert_element_type3A_128, %cond3A_129 : i32
      scf.if %cond3A_130 {
        %add3A_189 = arith.constant 2 : i32
        %add3A_190 = arith.addi %mul3A_109, %add3A_189 : i32
        %add3A_191 = arith.addi %add3A_12, %add3A_190 : i32
        %mul3A_192 = arith.constant 512 : i32
        %mul3A_193 = arith.muli %add3A_191, %mul3A_192 : i32
        %dma_start3A_194 = tpu.memref_slice %arg2[%mul3A_193] : memref<1600000xi32, #tpu.memory_space<hbm>> -> memref<512xi32, #tpu.memory_space<hbm>>
        %dma_start3A_195 = tpu.memref_slice %arg2[%mul3A_193] : memref<1600000xi32, #tpu.memory_space<hbm>> -> memref<512xi32, #tpu.memory_space<hbm>>
        tpu.enqueue_dma source(%dma_start3A_195 : memref<512xi32, #tpu.memory_space<hbm>>) target(%arg7 : memref<512xi32, #tpu.memory_space<vmem>>) target_semaphore(%arg15 : memref<!tpu.dma_semaphore, #tpu.memory_space<semaphore_mem>>)
      } else {
      }
      %gt3A = arith.constant 0 : i32
      %gt3A_131 = arith.cmpi sgt, %add3A_107, %gt3A : i32
      %convert_element_type3A_132 = arith.extui %gt3A_131 : i1 to i32
      %cond3A_133 = arith.constant 0 : i32
      %cond3A_134 = arith.cmpi ne, %convert_element_type3A_132, %cond3A_133 : i32
      scf.if %cond3A_134 {
        %dma_wait3A_189 = arith.constant 0 : i32
        %dma_wait3A_190 = arith.constant 0 : i32
        %dma_wait3A_191 = tpu.memref_slice %arg23[%dma_wait3A_189, %dma_wait3A_190] : memref<100096x16xf32, #tpu.memory_space<vmem_shared>> -> memref<100096x16xf32, #tpu.memory_space<vmem_shared>>
        tpu.wait_indirect_dma semaphore(%arg22 : memref<!tpu.dma_semaphore, #tpu.memory_space<semaphore_mem>>) src(%arg14 : memref<512x16xf32, #tpu.memory_space<vmem>>) dst(%dma_wait3A_191 : memref<100096x16xf32, #tpu.memory_space<vmem_shared>>)
      } else {
      }
      %dma_wait3A_135 = arith.constant 0 : i32
      %dma_wait3A_136 = tpu.memref_slice %arg2[%dma_wait3A_135] : memref<1600000xi32, #tpu.memory_space<hbm>> -> memref<512xi32, #tpu.memory_space<hbm>>
      %dma_wait3A_137 = arith.constant 0 : i32
      %dma_wait3A_138 = tpu.memref_slice %arg2[%dma_wait3A_137] : memref<1600000xi32, #tpu.memory_space<hbm>> -> memref<512xi32, #tpu.memory_space<hbm>>
      tpu.wait_dma2 semaphore(%arg16 : memref<!tpu.dma_semaphore, #tpu.memory_space<semaphore_mem>>) src(%dma_wait3A_138 : memref<512xi32, #tpu.memory_space<hbm>>) dst(%arg8 : memref<512xi32, #tpu.memory_space<vmem>>)
      %dma_start3A_139 = arith.constant 0 : i32
      %dma_start3A_140 = tpu.memref_slice %arg3[%while3A_66, %dma_start3A_139] : memref<2x6400000xi32, #tpu.memory_space<hbm>> -> memref<1x6400000xi32, #tpu.memory_space<hbm>>
      %dma_start3A_141 = tpu.memref_squeeze %dma_start3A_140 : memref<1x6400000xi32, #tpu.memory_space<hbm>> -> memref<6400000xi32, #tpu.memory_space<hbm>>
      %dma_start3A_142 = arith.constant 0 : i32
      %dma_start3A_143 = tpu.memref_slice %dma_start3A_141[%dma_start3A_142] : memref<6400000xi32, #tpu.memory_space<hbm>> -> memref<6400000xi32, #tpu.memory_space<hbm>>
      tpu.enqueue_indirect_dma source(%dma_start3A_143 : memref<6400000xi32, #tpu.memory_space<hbm>>) target(%arg10 : memref<512xi32, #tpu.memory_space<vmem>>) offsets(%arg8 : memref<512xi32, #tpu.memory_space<vmem>>) semaphore(%arg17 : memref<!tpu.dma_semaphore, #tpu.memory_space<semaphore_mem>>)
      %dma_start3A_144 = arith.constant 0 : i32
      %dma_start3A_145 = tpu.memref_slice %arg3[%while3A_67, %dma_start3A_144] : memref<2x6400000xi32, #tpu.memory_space<hbm>> -> memref<1x6400000xi32, #tpu.memory_space<hbm>>
      %dma_start3A_146 = tpu.memref_squeeze %dma_start3A_145 : memref<1x6400000xi32, #tpu.memory_space<hbm>> -> memref<6400000xi32, #tpu.memory_space<hbm>>
      %dma_start3A_147 = arith.constant 0 : i32
      %dma_start3A_148 = tpu.memref_slice %dma_start3A_146[%dma_start3A_147] : memref<6400000xi32, #tpu.memory_space<hbm>> -> memref<6400000xi32, #tpu.memory_space<hbm>>
      tpu.enqueue_indirect_dma source(%dma_start3A_148 : memref<6400000xi32, #tpu.memory_space<hbm>>) target(%arg12 : memref<512xi32, #tpu.memory_space<vmem>>) offsets(%arg8 : memref<512xi32, #tpu.memory_space<vmem>>) semaphore(%arg18 : memref<!tpu.dma_semaphore, #tpu.memory_space<semaphore_mem>>)
      %dma_wait3A_149 = arith.constant 0 : i32
      %dma_wait3A_150 = arith.constant 0 : i32
      %dma_wait3A_151 = tpu.memref_slice %arg4[%dma_wait3A_149, %dma_wait3A_150] : memref<100096x16xf32, #tpu.memory_space<hbm>> -> memref<100096x16xf32, #tpu.memory_space<hbm>>
      tpu.wait_indirect_dma semaphore(%arg19 : memref<!tpu.dma_semaphore, #tpu.memory_space<semaphore_mem>>) src(%dma_wait3A_151 : memref<100096x16xf32, #tpu.memory_space<hbm>>) dst(%arg13 : memref<512x16xf32, #tpu.memory_space<vmem>>)
      %dma_start3A_152 = arith.constant 0 : i32
      %dma_start3A_153 = arith.constant 0 : i32
      %dma_start3A_154 = tpu.memref_slice %arg23[%dma_start3A_152, %dma_start3A_153] : memref<100096x16xf32, #tpu.memory_space<vmem_shared>> -> memref<100096x16xf32, #tpu.memory_space<vmem_shared>>
      tpu.enqueue_indirect_dma source(%arg13 : memref<512x16xf32, #tpu.memory_space<vmem>>) target(%dma_start3A_154 : memref<100096x16xf32, #tpu.memory_space<vmem_shared>>) offsets(%arg9 : memref<512xi32, #tpu.memory_space<vmem>>) semaphore(%arg21 : memref<!tpu.dma_semaphore, #tpu.memory_space<semaphore_mem>>) {add = true}
      %dma_wait3A_155 = arith.constant 0 : i32
      %dma_wait3A_156 = tpu.memref_slice %arg3[%while3A_66, %dma_wait3A_155] : memref<2x6400000xi32, #tpu.memory_space<hbm>> -> memref<1x6400000xi32, #tpu.memory_space<hbm>>
      %dma_wait3A_157 = tpu.memref_squeeze %dma_wait3A_156 : memref<1x6400000xi32, #tpu.memory_space<hbm>> -> memref<6400000xi32, #tpu.memory_space<hbm>>
      %dma_wait3A_158 = arith.constant 0 : i32
      %dma_wait3A_159 = tpu.memref_slice %dma_wait3A_157[%dma_wait3A_158] : memref<6400000xi32, #tpu.memory_space<hbm>> -> memref<6400000xi32, #tpu.memory_space<hbm>>
      tpu.wait_indirect_dma semaphore(%arg17 : memref<!tpu.dma_semaphore, #tpu.memory_space<semaphore_mem>>) src(%dma_wait3A_159 : memref<6400000xi32, #tpu.memory_space<hbm>>) dst(%arg10 : memref<512xi32, #tpu.memory_space<vmem>>)
      %dma_wait3A_160 = arith.constant 0 : i32
      %dma_wait3A_161 = tpu.memref_slice %arg3[%while3A_67, %dma_wait3A_160] : memref<2x6400000xi32, #tpu.memory_space<hbm>> -> memref<1x6400000xi32, #tpu.memory_space<hbm>>
      %dma_wait3A_162 = tpu.memref_squeeze %dma_wait3A_161 : memref<1x6400000xi32, #tpu.memory_space<hbm>> -> memref<6400000xi32, #tpu.memory_space<hbm>>
      %dma_wait3A_163 = arith.constant 0 : i32
      %dma_wait3A_164 = tpu.memref_slice %dma_wait3A_162[%dma_wait3A_163] : memref<6400000xi32, #tpu.memory_space<hbm>> -> memref<6400000xi32, #tpu.memory_space<hbm>>
      tpu.wait_indirect_dma semaphore(%arg18 : memref<!tpu.dma_semaphore, #tpu.memory_space<semaphore_mem>>) src(%dma_wait3A_164 : memref<6400000xi32, #tpu.memory_space<hbm>>) dst(%arg12 : memref<512xi32, #tpu.memory_space<vmem>>)
      %dma_start3A_165 = arith.constant 0 : i32
      %dma_start3A_166 = arith.constant 0 : i32
      %dma_start3A_167 = tpu.memref_slice %arg4[%dma_start3A_165, %dma_start3A_166] : memref<100096x16xf32, #tpu.memory_space<hbm>> -> memref<100096x16xf32, #tpu.memory_space<hbm>>
      tpu.enqueue_indirect_dma source(%dma_start3A_167 : memref<100096x16xf32, #tpu.memory_space<hbm>>) target(%arg14 : memref<512x16xf32, #tpu.memory_space<vmem>>) offsets(%arg12 : memref<512xi32, #tpu.memory_space<vmem>>) semaphore(%arg20 : memref<!tpu.dma_semaphore, #tpu.memory_space<semaphore_mem>>)
      %add3A_168 = arith.constant 2 : i32
      %add3A_169 = arith.addi %add3A_111, %add3A_168 : i32
      %lt3A_170 = arith.cmpi slt, %add3A_169, %add3A_8 : i32
      %convert_element_type3A_171 = arith.extui %lt3A_170 : i1 to i32
      %cond3A_172 = arith.constant 0 : i32
      %cond3A_173 = arith.cmpi ne, %convert_element_type3A_171, %cond3A_172 : i32
      scf.if %cond3A_173 {
        %add3A_189 = arith.constant 2 : i32
        %add3A_190 = arith.addi %add3A_111, %add3A_189 : i32
        %add3A_191 = arith.addi %add3A_12, %add3A_190 : i32
        %mul3A_192 = arith.constant 512 : i32
        %mul3A_193 = arith.muli %add3A_191, %mul3A_192 : i32
        %dma_start3A_194 = tpu.memref_slice %arg2[%mul3A_193] : memref<1600000xi32, #tpu.memory_space<hbm>> -> memref<512xi32, #tpu.memory_space<hbm>>
        %dma_start3A_195 = tpu.memref_slice %arg2[%mul3A_193] : memref<1600000xi32, #tpu.memory_space<hbm>> -> memref<512xi32, #tpu.memory_space<hbm>>
        tpu.enqueue_dma source(%dma_start3A_195 : memref<512xi32, #tpu.memory_space<hbm>>) target(%arg8 : memref<512xi32, #tpu.memory_space<vmem>>) target_semaphore(%arg16 : memref<!tpu.dma_semaphore, #tpu.memory_space<semaphore_mem>>)
      } else {
      }
      %dma_wait3A_174 = arith.constant 0 : i32
      %dma_wait3A_175 = arith.constant 0 : i32
      %dma_wait3A_176 = tpu.memref_slice %arg23[%dma_wait3A_174, %dma_wait3A_175] : memref<100096x16xf32, #tpu.memory_space<vmem_shared>> -> memref<100096x16xf32, #tpu.memory_space<vmem_shared>>
      tpu.wait_indirect_dma semaphore(%arg21 : memref<!tpu.dma_semaphore, #tpu.memory_space<semaphore_mem>>) src(%arg13 : memref<512x16xf32, #tpu.memory_space<vmem>>) dst(%dma_wait3A_176 : memref<100096x16xf32, #tpu.memory_space<vmem_shared>>)
      %add3A_177 = arith.constant 2 : i32
      %add3A_178 = arith.addi %mul3A_109, %add3A_177 : i32
      %lt3A_179 = arith.cmpi slt, %add3A_178, %add3A_8 : i32
      %convert_element_type3A_180 = arith.extui %lt3A_179 : i1 to i32
      %cond3A_181 = arith.constant 0 : i32
      %cond3A_182 = arith.cmpi ne, %convert_element_type3A_180, %cond3A_181 : i32
      scf.if %cond3A_182 {
        %dma_wait3A_189 = arith.constant 0 : i32
        %dma_wait3A_190 = tpu.memref_slice %arg2[%dma_wait3A_189] : memref<1600000xi32, #tpu.memory_space<hbm>> -> memref<512xi32, #tpu.memory_space<hbm>>
        %dma_wait3A_191 = arith.constant 0 : i32
        %dma_wait3A_192 = tpu.memref_slice %arg2[%dma_wait3A_191] : memref<1600000xi32, #tpu.memory_space<hbm>> -> memref<512xi32, #tpu.memory_space<hbm>>
        tpu.wait_dma2 semaphore(%arg15 : memref<!tpu.dma_semaphore, #tpu.memory_space<semaphore_mem>>) src(%dma_wait3A_192 : memref<512xi32, #tpu.memory_space<hbm>>) dst(%arg7 : memref<512xi32, #tpu.memory_space<vmem>>)
        %dma_start3A_193 = arith.constant 0 : i32
        %dma_start3A_194 = tpu.memref_slice %arg3[%while3A_66, %dma_start3A_193] : memref<2x6400000xi32, #tpu.memory_space<hbm>> -> memref<1x6400000xi32, #tpu.memory_space<hbm>>
        %dma_start3A_195 = tpu.memref_squeeze %dma_start3A_194 : memref<1x6400000xi32, #tpu.memory_space<hbm>> -> memref<6400000xi32, #tpu.memory_space<hbm>>
        %dma_start3A_196 = arith.constant 0 : i32
        %dma_start3A_197 = tpu.memref_slice %dma_start3A_195[%dma_start3A_196] : memref<6400000xi32, #tpu.memory_space<hbm>> -> memref<6400000xi32, #tpu.memory_space<hbm>>
        tpu.enqueue_indirect_dma source(%dma_start3A_197 : memref<6400000xi32, #tpu.memory_space<hbm>>) target(%arg9 : memref<512xi32, #tpu.memory_space<vmem>>) offsets(%arg7 : memref<512xi32, #tpu.memory_space<vmem>>) semaphore(%arg17 : memref<!tpu.dma_semaphore, #tpu.memory_space<semaphore_mem>>)
        %dma_start3A_198 = arith.constant 0 : i32
        %dma_start3A_199 = tpu.memref_slice %arg3[%while3A_67, %dma_start3A_198] : memref<2x6400000xi32, #tpu.memory_space<hbm>> -> memref<1x6400000xi32, #tpu.memory_space<hbm>>
        %dma_start3A_200 = tpu.memref_squeeze %dma_start3A_199 : memref<1x6400000xi32, #tpu.memory_space<hbm>> -> memref<6400000xi32, #tpu.memory_space<hbm>>
        %dma_start3A_201 = arith.constant 0 : i32
        %dma_start3A_202 = tpu.memref_slice %dma_start3A_200[%dma_start3A_201] : memref<6400000xi32, #tpu.memory_space<hbm>> -> memref<6400000xi32, #tpu.memory_space<hbm>>
        tpu.enqueue_indirect_dma source(%dma_start3A_202 : memref<6400000xi32, #tpu.memory_space<hbm>>) target(%arg11 : memref<512xi32, #tpu.memory_space<vmem>>) offsets(%arg7 : memref<512xi32, #tpu.memory_space<vmem>>) semaphore(%arg18 : memref<!tpu.dma_semaphore, #tpu.memory_space<semaphore_mem>>)
      } else {
      }
      %dma_wait3A_183 = arith.constant 0 : i32
      %dma_wait3A_184 = arith.constant 0 : i32
      %dma_wait3A_185 = tpu.memref_slice %arg4[%dma_wait3A_183, %dma_wait3A_184] : memref<100096x16xf32, #tpu.memory_space<hbm>> -> memref<100096x16xf32, #tpu.memory_space<hbm>>
      tpu.wait_indirect_dma semaphore(%arg20 : memref<!tpu.dma_semaphore, #tpu.memory_space<semaphore_mem>>) src(%dma_wait3A_185 : memref<100096x16xf32, #tpu.memory_space<hbm>>) dst(%arg14 : memref<512x16xf32, #tpu.memory_space<vmem>>)
      %dma_start3A_186 = arith.constant 0 : i32
      %dma_start3A_187 = arith.constant 0 : i32
      %dma_start3A_188 = tpu.memref_slice %arg23[%dma_start3A_186, %dma_start3A_187] : memref<100096x16xf32, #tpu.memory_space<vmem_shared>> -> memref<100096x16xf32, #tpu.memory_space<vmem_shared>>
      tpu.enqueue_indirect_dma source(%arg14 : memref<512x16xf32, #tpu.memory_space<vmem>>) target(%dma_start3A_188 : memref<100096x16xf32, #tpu.memory_space<vmem_shared>>) offsets(%arg10 : memref<512xi32, #tpu.memory_space<vmem>>) semaphore(%arg22 : memref<!tpu.dma_semaphore, #tpu.memory_space<semaphore_mem>>) {add = true}
    }
    %while3A_76 = arith.constant 1 : i32
    scf.for %while3A_105 = %while3A_74 to %while3A_70 step %while3A_76  : i32 {
      %mul3A_106 = arith.muli %while3A_105, %while3A : i32
      %add3A_107 = arith.addi %while3A_65, %mul3A_106 : i32
      %mul3A_108 = arith.constant 2 : i32
      %mul3A_109 = arith.muli %mul3A_108, %add3A_107 : i32
      %add3A_110 = arith.constant 1 : i32
      %add3A_111 = arith.addi %mul3A_109, %add3A_110 : i32
      %dma_wait3A_112 = arith.constant 0 : i32
      %dma_wait3A_113 = tpu.memref_slice %arg3[%while3A_66, %dma_wait3A_112] : memref<2x6400000xi32, #tpu.memory_space<hbm>> -> memref<1x6400000xi32, #tpu.memory_space<hbm>>
      %dma_wait3A_114 = tpu.memref_squeeze %dma_wait3A_113 : memref<1x6400000xi32, #tpu.memory_space<hbm>> -> memref<6400000xi32, #tpu.memory_space<hbm>>
      %dma_wait3A_115 = arith.constant 0 : i32
      %dma_wait3A_116 = tpu.memref_slice %dma_wait3A_114[%dma_wait3A_115] : memref<6400000xi32, #tpu.memory_space<hbm>> -> memref<6400000xi32, #tpu.memory_space<hbm>>
      tpu.wait_indirect_dma semaphore(%arg17 : memref<!tpu.dma_semaphore, #tpu.memory_space<semaphore_mem>>) src(%dma_wait3A_116 : memref<6400000xi32, #tpu.memory_space<hbm>>) dst(%arg9 : memref<512xi32, #tpu.memory_space<vmem>>)
      %dma_wait3A_117 = arith.constant 0 : i32
      %dma_wait3A_118 = tpu.memref_slice %arg3[%while3A_67, %dma_wait3A_117] : memref<2x6400000xi32, #tpu.memory_space<hbm>> -> memref<1x6400000xi32, #tpu.memory_space<hbm>>
      %dma_wait3A_119 = tpu.memref_squeeze %dma_wait3A_118 : memref<1x6400000xi32, #tpu.memory_space<hbm>> -> memref<6400000xi32, #tpu.memory_space<hbm>>
      %dma_wait3A_120 = arith.constant 0 : i32
      %dma_wait3A_121 = tpu.memref_slice %dma_wait3A_119[%dma_wait3A_120] : memref<6400000xi32, #tpu.memory_space<hbm>> -> memref<6400000xi32, #tpu.memory_space<hbm>>
      tpu.wait_indirect_dma semaphore(%arg18 : memref<!tpu.dma_semaphore, #tpu.memory_space<semaphore_mem>>) src(%dma_wait3A_121 : memref<6400000xi32, #tpu.memory_space<hbm>>) dst(%arg11 : memref<512xi32, #tpu.memory_space<vmem>>)
      %dma_start3A_122 = arith.constant 0 : i32
      %dma_start3A_123 = arith.constant 0 : i32
      %dma_start3A_124 = tpu.memref_slice %arg4[%dma_start3A_122, %dma_start3A_123] : memref<100096x16xf32, #tpu.memory_space<hbm>> -> memref<100096x16xf32, #tpu.memory_space<hbm>>
      tpu.enqueue_indirect_dma source(%dma_start3A_124 : memref<100096x16xf32, #tpu.memory_space<hbm>>) target(%arg13 : memref<512x16xf32, #tpu.memory_space<vmem>>) offsets(%arg11 : memref<512xi32, #tpu.memory_space<vmem>>) semaphore(%arg19 : memref<!tpu.dma_semaphore, #tpu.memory_space<semaphore_mem>>)
      %add3A_125 = arith.constant 2 : i32
      %add3A_126 = arith.addi %mul3A_109, %add3A_125 : i32
      %lt3A_127 = arith.cmpi slt, %add3A_126, %add3A_8 : i32
      %convert_element_type3A_128 = arith.extui %lt3A_127 : i1 to i32
      %cond3A_129 = arith.constant 0 : i32
      %cond3A_130 = arith.cmpi ne, %convert_element_type3A_128, %cond3A_129 : i32
      scf.if %cond3A_130 {
        %add3A_189 = arith.constant 2 : i32
        %add3A_190 = arith.addi %mul3A_109, %add3A_189 : i32
        %add3A_191 = arith.addi %add3A_12, %add3A_190 : i32
        %mul3A_192 = arith.constant 512 : i32
        %mul3A_193 = arith.muli %add3A_191, %mul3A_192 : i32
        %dma_start3A_194 = tpu.memref_slice %arg2[%mul3A_193] : memref<1600000xi32, #tpu.memory_space<hbm>> -> memref<512xi32, #tpu.memory_space<hbm>>
        %dma_start3A_195 = tpu.memref_slice %arg2[%mul3A_193] : memref<1600000xi32, #tpu.memory_space<hbm>> -> memref<512xi32, #tpu.memory_space<hbm>>
        tpu.enqueue_dma source(%dma_start3A_195 : memref<512xi32, #tpu.memory_space<hbm>>) target(%arg7 : memref<512xi32, #tpu.memory_space<vmem>>) target_semaphore(%arg15 : memref<!tpu.dma_semaphore, #tpu.memory_space<semaphore_mem>>)
      } else {
      }
      %gt3A = arith.constant 0 : i32
      %gt3A_131 = arith.cmpi sgt, %add3A_107, %gt3A : i32
      %convert_element_type3A_132 = arith.extui %gt3A_131 : i1 to i32
      %cond3A_133 = arith.constant 0 : i32
      %cond3A_134 = arith.cmpi ne, %convert_element_type3A_132, %cond3A_133 : i32
      scf.if %cond3A_134 {
        %dma_wait3A_189 = arith.constant 0 : i32
        %dma_wait3A_190 = arith.constant 0 : i32
        %dma_wait3A_191 = tpu.memref_slice %arg23[%dma_wait3A_189, %dma_wait3A_190] : memref<100096x16xf32, #tpu.memory_space<vmem_shared>> -> memref<100096x16xf32, #tpu.memory_space<vmem_shared>>
        tpu.wait_indirect_dma semaphore(%arg22 : memref<!tpu.dma_semaphore, #tpu.memory_space<semaphore_mem>>) src(%arg14 : memref<512x16xf32, #tpu.memory_space<vmem>>) dst(%dma_wait3A_191 : memref<100096x16xf32, #tpu.memory_space<vmem_shared>>)
      } else {
      }
      %dma_wait3A_135 = arith.constant 0 : i32
      %dma_wait3A_136 = tpu.memref_slice %arg2[%dma_wait3A_135] : memref<1600000xi32, #tpu.memory_space<hbm>> -> memref<512xi32, #tpu.memory_space<hbm>>
      %dma_wait3A_137 = arith.constant 0 : i32
      %dma_wait3A_138 = tpu.memref_slice %arg2[%dma_wait3A_137] : memref<1600000xi32, #tpu.memory_space<hbm>> -> memref<512xi32, #tpu.memory_space<hbm>>
      tpu.wait_dma2 semaphore(%arg16 : memref<!tpu.dma_semaphore, #tpu.memory_space<semaphore_mem>>) src(%dma_wait3A_138 : memref<512xi32, #tpu.memory_space<hbm>>) dst(%arg8 : memref<512xi32, #tpu.memory_space<vmem>>)
      %dma_start3A_139 = arith.constant 0 : i32
      %dma_start3A_140 = tpu.memref_slice %arg3[%while3A_66, %dma_start3A_139] : memref<2x6400000xi32, #tpu.memory_space<hbm>> -> memref<1x6400000xi32, #tpu.memory_space<hbm>>
      %dma_start3A_141 = tpu.memref_squeeze %dma_start3A_140 : memref<1x6400000xi32, #tpu.memory_space<hbm>> -> memref<6400000xi32, #tpu.memory_space<hbm>>
      %dma_start3A_142 = arith.constant 0 : i32
      %dma_start3A_143 = tpu.memref_slice %dma_start3A_141[%dma_start3A_142] : memref<6400000xi32, #tpu.memory_space<hbm>> -> memref<6400000xi32, #tpu.memory_space<hbm>>
      tpu.enqueue_indirect_dma source(%dma_start3A_143 : memref<6400000xi32, #tpu.memory_space<hbm>>) target(%arg10 : memref<512xi32, #tpu.memory_space<vmem>>) offsets(%arg8 : memref<512xi32, #tpu.memory_space<vmem>>) semaphore(%arg17 : memref<!tpu.dma_semaphore, #tpu.memory_space<semaphore_mem>>)
      %dma_start3A_144 = arith.constant 0 : i32
      %dma_start3A_145 = tpu.memref_slice %arg3[%while3A_67, %dma_start3A_144] : memref<2x6400000xi32, #tpu.memory_space<hbm>> -> memref<1x6400000xi32, #tpu.memory_space<hbm>>
      %dma_start3A_146 = tpu.memref_squeeze %dma_start3A_145 : memref<1x6400000xi32, #tpu.memory_space<hbm>> -> memref<6400000xi32, #tpu.memory_space<hbm>>
      %dma_start3A_147 = arith.constant 0 : i32
      %dma_start3A_148 = tpu.memref_slice %dma_start3A_146[%dma_start3A_147] : memref<6400000xi32, #tpu.memory_space<hbm>> -> memref<6400000xi32, #tpu.memory_space<hbm>>
      tpu.enqueue_indirect_dma source(%dma_start3A_148 : memref<6400000xi32, #tpu.memory_space<hbm>>) target(%arg12 : memref<512xi32, #tpu.memory_space<vmem>>) offsets(%arg8 : memref<512xi32, #tpu.memory_space<vmem>>) semaphore(%arg18 : memref<!tpu.dma_semaphore, #tpu.memory_space<semaphore_mem>>)
      %dma_wait3A_149 = arith.constant 0 : i32
      %dma_wait3A_150 = arith.constant 0 : i32
      %dma_wait3A_151 = tpu.memref_slice %arg4[%dma_wait3A_149, %dma_wait3A_150] : memref<100096x16xf32, #tpu.memory_space<hbm>> -> memref<100096x16xf32, #tpu.memory_space<hbm>>
      tpu.wait_indirect_dma semaphore(%arg19 : memref<!tpu.dma_semaphore, #tpu.memory_space<semaphore_mem>>) src(%dma_wait3A_151 : memref<100096x16xf32, #tpu.memory_space<hbm>>) dst(%arg13 : memref<512x16xf32, #tpu.memory_space<vmem>>)
      %dma_start3A_152 = arith.constant 0 : i32
      %dma_start3A_153 = arith.constant 0 : i32
      %dma_start3A_154 = tpu.memref_slice %arg23[%dma_start3A_152, %dma_start3A_153] : memref<100096x16xf32, #tpu.memory_space<vmem_shared>> -> memref<100096x16xf32, #tpu.memory_space<vmem_shared>>
      tpu.enqueue_indirect_dma source(%arg13 : memref<512x16xf32, #tpu.memory_space<vmem>>) target(%dma_start3A_154 : memref<100096x16xf32, #tpu.memory_space<vmem_shared>>) offsets(%arg9 : memref<512xi32, #tpu.memory_space<vmem>>) semaphore(%arg21 : memref<!tpu.dma_semaphore, #tpu.memory_space<semaphore_mem>>) {add = true}
      %dma_wait3A_155 = arith.constant 0 : i32
      %dma_wait3A_156 = tpu.memref_slice %arg3[%while3A_66, %dma_wait3A_155] : memref<2x6400000xi32, #tpu.memory_space<hbm>> -> memref<1x6400000xi32, #tpu.memory_space<hbm>>
      %dma_wait3A_157 = tpu.memref_squeeze %dma_wait3A_156 : memref<1x6400000xi32, #tpu.memory_space<hbm>> -> memref<6400000xi32, #tpu.memory_space<hbm>>
      %dma_wait3A_158 = arith.constant 0 : i32
      %dma_wait3A_159 = tpu.memref_slice %dma_wait3A_157[%dma_wait3A_158] : memref<6400000xi32, #tpu.memory_space<hbm>> -> memref<6400000xi32, #tpu.memory_space<hbm>>
      tpu.wait_indirect_dma semaphore(%arg17 : memref<!tpu.dma_semaphore, #tpu.memory_space<semaphore_mem>>) src(%dma_wait3A_159 : memref<6400000xi32, #tpu.memory_space<hbm>>) dst(%arg10 : memref<512xi32, #tpu.memory_space<vmem>>)
      %dma_wait3A_160 = arith.constant 0 : i32
      %dma_wait3A_161 = tpu.memref_slice %arg3[%while3A_67, %dma_wait3A_160] : memref<2x6400000xi32, #tpu.memory_space<hbm>> -> memref<1x6400000xi32, #tpu.memory_space<hbm>>
      %dma_wait3A_162 = tpu.memref_squeeze %dma_wait3A_161 : memref<1x6400000xi32, #tpu.memory_space<hbm>> -> memref<6400000xi32, #tpu.memory_space<hbm>>
      %dma_wait3A_163 = arith.constant 0 : i32
      %dma_wait3A_164 = tpu.memref_slice %dma_wait3A_162[%dma_wait3A_163] : memref<6400000xi32, #tpu.memory_space<hbm>> -> memref<6400000xi32, #tpu.memory_space<hbm>>
      tpu.wait_indirect_dma semaphore(%arg18 : memref<!tpu.dma_semaphore, #tpu.memory_space<semaphore_mem>>) src(%dma_wait3A_164 : memref<6400000xi32, #tpu.memory_space<hbm>>) dst(%arg12 : memref<512xi32, #tpu.memory_space<vmem>>)
      %dma_start3A_165 = arith.constant 0 : i32
      %dma_start3A_166 = arith.constant 0 : i32
      %dma_start3A_167 = tpu.memref_slice %arg4[%dma_start3A_165, %dma_start3A_166] : memref<100096x16xf32, #tpu.memory_space<hbm>> -> memref<100096x16xf32, #tpu.memory_space<hbm>>
      tpu.enqueue_indirect_dma source(%dma_start3A_167 : memref<100096x16xf32, #tpu.memory_space<hbm>>) target(%arg14 : memref<512x16xf32, #tpu.memory_space<vmem>>) offsets(%arg12 : memref<512xi32, #tpu.memory_space<vmem>>) semaphore(%arg20 : memref<!tpu.dma_semaphore, #tpu.memory_space<semaphore_mem>>)
      %add3A_168 = arith.constant 2 : i32
      %add3A_169 = arith.addi %add3A_111, %add3A_168 : i32
      %lt3A_170 = arith.cmpi slt, %add3A_169, %add3A_8 : i32
      %convert_element_type3A_171 = arith.extui %lt3A_170 : i1 to i32
      %cond3A_172 = arith.constant 0 : i32
      %cond3A_173 = arith.cmpi ne, %convert_element_type3A_171, %cond3A_172 : i32
      scf.if %cond3A_173 {
        %add3A_189 = arith.constant 2 : i32
        %add3A_190 = arith.addi %add3A_111, %add3A_189 : i32
        %add3A_191 = arith.addi %add3A_12, %add3A_190 : i32
        %mul3A_192 = arith.constant 512 : i32
        %mul3A_193 = arith.muli %add3A_191, %mul3A_192 : i32
        %dma_start3A_194 = tpu.memref_slice %arg2[%mul3A_193] : memref<1600000xi32, #tpu.memory_space<hbm>> -> memref<512xi32, #tpu.memory_space<hbm>>
        %dma_start3A_195 = tpu.memref_slice %arg2[%mul3A_193] : memref<1600000xi32, #tpu.memory_space<hbm>> -> memref<512xi32, #tpu.memory_space<hbm>>
        tpu.enqueue_dma source(%dma_start3A_195 : memref<512xi32, #tpu.memory_space<hbm>>) target(%arg8 : memref<512xi32, #tpu.memory_space<vmem>>) target_semaphore(%arg16 : memref<!tpu.dma_semaphore, #tpu.memory_space<semaphore_mem>>)
      } else {
      }
      %dma_wait3A_174 = arith.constant 0 : i32
      %dma_wait3A_175 = arith.constant 0 : i32
      %dma_wait3A_176 = tpu.memref_slice %arg23[%dma_wait3A_174, %dma_wait3A_175] : memref<100096x16xf32, #tpu.memory_space<vmem_shared>> -> memref<100096x16xf32, #tpu.memory_space<vmem_shared>>
      tpu.wait_indirect_dma semaphore(%arg21 : memref<!tpu.dma_semaphore, #tpu.memory_space<semaphore_mem>>) src(%arg13 : memref<512x16xf32, #tpu.memory_space<vmem>>) dst(%dma_wait3A_176 : memref<100096x16xf32, #tpu.memory_space<vmem_shared>>)
      %add3A_177 = arith.constant 2 : i32
      %add3A_178 = arith.addi %mul3A_109, %add3A_177 : i32
      %lt3A_179 = arith.cmpi slt, %add3A_178, %add3A_8 : i32
      %convert_element_type3A_180 = arith.extui %lt3A_179 : i1 to i32
      %cond3A_181 = arith.constant 0 : i32
      %cond3A_182 = arith.cmpi ne, %convert_element_type3A_180, %cond3A_181 : i32
      scf.if %cond3A_182 {
        %dma_wait3A_189 = arith.constant 0 : i32
        %dma_wait3A_190 = tpu.memref_slice %arg2[%dma_wait3A_189] : memref<1600000xi32, #tpu.memory_space<hbm>> -> memref<512xi32, #tpu.memory_space<hbm>>
        %dma_wait3A_191 = arith.constant 0 : i32
        %dma_wait3A_192 = tpu.memref_slice %arg2[%dma_wait3A_191] : memref<1600000xi32, #tpu.memory_space<hbm>> -> memref<512xi32, #tpu.memory_space<hbm>>
        tpu.wait_dma2 semaphore(%arg15 : memref<!tpu.dma_semaphore, #tpu.memory_space<semaphore_mem>>) src(%dma_wait3A_192 : memref<512xi32, #tpu.memory_space<hbm>>) dst(%arg7 : memref<512xi32, #tpu.memory_space<vmem>>)
        %dma_start3A_193 = arith.constant 0 : i32
        %dma_start3A_194 = tpu.memref_slice %arg3[%while3A_66, %dma_start3A_193] : memref<2x6400000xi32, #tpu.memory_space<hbm>> -> memref<1x6400000xi32, #tpu.memory_space<hbm>>
        %dma_start3A_195 = tpu.memref_squeeze %dma_start3A_194 : memref<1x6400000xi32, #tpu.memory_space<hbm>> -> memref<6400000xi32, #tpu.memory_space<hbm>>
        %dma_start3A_196 = arith.constant 0 : i32
        %dma_start3A_197 = tpu.memref_slice %dma_start3A_195[%dma_start3A_196] : memref<6400000xi32, #tpu.memory_space<hbm>> -> memref<6400000xi32, #tpu.memory_space<hbm>>
        tpu.enqueue_indirect_dma source(%dma_start3A_197 : memref<6400000xi32, #tpu.memory_space<hbm>>) target(%arg9 : memref<512xi32, #tpu.memory_space<vmem>>) offsets(%arg7 : memref<512xi32, #tpu.memory_space<vmem>>) semaphore(%arg17 : memref<!tpu.dma_semaphore, #tpu.memory_space<semaphore_mem>>)
        %dma_start3A_198 = arith.constant 0 : i32
        %dma_start3A_199 = tpu.memref_slice %arg3[%while3A_67, %dma_start3A_198] : memref<2x6400000xi32, #tpu.memory_space<hbm>> -> memref<1x6400000xi32, #tpu.memory_space<hbm>>
        %dma_start3A_200 = tpu.memref_squeeze %dma_start3A_199 : memref<1x6400000xi32, #tpu.memory_space<hbm>> -> memref<6400000xi32, #tpu.memory_space<hbm>>
        %dma_start3A_201 = arith.constant 0 : i32
        %dma_start3A_202 = tpu.memref_slice %dma_start3A_200[%dma_start3A_201] : memref<6400000xi32, #tpu.memory_space<hbm>> -> memref<6400000xi32, #tpu.memory_space<hbm>>
        tpu.enqueue_indirect_dma source(%dma_start3A_202 : memref<6400000xi32, #tpu.memory_space<hbm>>) target(%arg11 : memref<512xi32, #tpu.memory_space<vmem>>) offsets(%arg7 : memref<512xi32, #tpu.memory_space<vmem>>) semaphore(%arg18 : memref<!tpu.dma_semaphore, #tpu.memory_space<semaphore_mem>>)
      } else {
      }
      %dma_wait3A_183 = arith.constant 0 : i32
      %dma_wait3A_184 = arith.constant 0 : i32
      %dma_wait3A_185 = tpu.memref_slice %arg4[%dma_wait3A_183, %dma_wait3A_184] : memref<100096x16xf32, #tpu.memory_space<hbm>> -> memref<100096x16xf32, #tpu.memory_space<hbm>>
      tpu.wait_indirect_dma semaphore(%arg20 : memref<!tpu.dma_semaphore, #tpu.memory_space<semaphore_mem>>) src(%dma_wait3A_185 : memref<100096x16xf32, #tpu.memory_space<hbm>>) dst(%arg14 : memref<512x16xf32, #tpu.memory_space<vmem>>)
      %dma_start3A_186 = arith.constant 0 : i32
      %dma_start3A_187 = arith.constant 0 : i32
      %dma_start3A_188 = tpu.memref_slice %arg23[%dma_start3A_186, %dma_start3A_187] : memref<100096x16xf32, #tpu.memory_space<vmem_shared>> -> memref<100096x16xf32, #tpu.memory_space<vmem_shared>>
      tpu.enqueue_indirect_dma source(%arg14 : memref<512x16xf32, #tpu.memory_space<vmem>>) target(%dma_start3A_188 : memref<100096x16xf32, #tpu.memory_space<vmem_shared>>) offsets(%arg10 : memref<512xi32, #tpu.memory_space<vmem>>) semaphore(%arg22 : memref<!tpu.dma_semaphore, #tpu.memory_space<semaphore_mem>>) {add = true}
    }
    %jit3A_77 = arith.constant 2 : i32
    %eq3A = arith.constant 0 : i32
    %eq3A_78 = arith.cmpi eq, %jit3A_77, %eq3A : i32
    %jit3A_79 = arith.constant 1 : i32
    %select_n3A_80 = arith.select %eq3A_78, %jit3A_79, %jit3A_77 : i32
    %rem3A_81 = arith.remsi %add3A_8, %select_n3A_80 : i32
    %ne3A_82 = arith.constant 0 : i32
    %ne3A_83 = arith.cmpi ne, %rem3A_81, %ne3A_82 : i32
    %lt3A_84 = arith.constant 0 : i32
    %lt3A_85 = arith.cmpi slt, %rem3A_81, %lt3A_84 : i32
    %lt3A_86 = arith.constant 0 : i32
    %lt3A_87 = arith.cmpi slt, %select_n3A_80, %lt3A_86 : i32
    %ne3A_88 = arith.xori %lt3A_85, %lt3A_87 : i1
    %and3A_89 = arith.andi %ne3A_88, %ne3A_83 : i1
    %add3A_90 = arith.addi %rem3A_81, %select_n3A_80 : i32
    %select_n3A_91 = arith.select %and3A_89, %add3A_90, %rem3A_81 : i32
    %eq3A_92 = arith.constant 1 : i32
    %eq3A_93 = arith.cmpi eq, %select_n3A_91, %eq3A_92 : i32
    %convert_element_type3A = arith.extui %eq3A_93 : i1 to i32
    %cond3A = arith.constant 0 : i32
    %cond3A_94 = arith.constant 1 : i32
    %cond3A_95 = arith.constant 0 : i32
    %cond3A_96 = arith.cmpi ne, %convert_element_type3A, %cond3A_95 : i32
    scf.if %cond3A_96 {
      %dma_wait3A_105 = arith.constant 0 : i32
      %dma_wait3A_106 = tpu.memref_slice %arg3[%cond3A, %dma_wait3A_105] : memref<2x6400000xi32, #tpu.memory_space<hbm>> -> memref<1x6400000xi32, #tpu.memory_space<hbm>>
      %dma_wait3A_107 = tpu.memref_squeeze %dma_wait3A_106 : memref<1x6400000xi32, #tpu.memory_space<hbm>> -> memref<6400000xi32, #tpu.memory_space<hbm>>
      %dma_wait3A_108 = arith.constant 0 : i32
      %dma_wait3A_109 = tpu.memref_slice %dma_wait3A_107[%dma_wait3A_108] : memref<6400000xi32, #tpu.memory_space<hbm>> -> memref<6400000xi32, #tpu.memory_space<hbm>>
      tpu.wait_indirect_dma semaphore(%arg17 : memref<!tpu.dma_semaphore, #tpu.memory_space<semaphore_mem>>) src(%dma_wait3A_109 : memref<6400000xi32, #tpu.memory_space<hbm>>) dst(%arg9 : memref<512xi32, #tpu.memory_space<vmem>>)
      %dma_wait3A_110 = arith.constant 0 : i32
      %dma_wait3A_111 = tpu.memref_slice %arg3[%cond3A_94, %dma_wait3A_110] : memref<2x6400000xi32, #tpu.memory_space<hbm>> -> memref<1x6400000xi32, #tpu.memory_space<hbm>>
      %dma_wait3A_112 = tpu.memref_squeeze %dma_wait3A_111 : memref<1x6400000xi32, #tpu.memory_space<hbm>> -> memref<6400000xi32, #tpu.memory_space<hbm>>
      %dma_wait3A_113 = arith.constant 0 : i32
      %dma_wait3A_114 = tpu.memref_slice %dma_wait3A_112[%dma_wait3A_113] : memref<6400000xi32, #tpu.memory_space<hbm>> -> memref<6400000xi32, #tpu.memory_space<hbm>>
      tpu.wait_indirect_dma semaphore(%arg18 : memref<!tpu.dma_semaphore, #tpu.memory_space<semaphore_mem>>) src(%dma_wait3A_114 : memref<6400000xi32, #tpu.memory_space<hbm>>) dst(%arg11 : memref<512xi32, #tpu.memory_space<vmem>>)
      %dma_start3A_115 = arith.constant 0 : i32
      %dma_start3A_116 = arith.constant 0 : i32
      %dma_start3A_117 = tpu.memref_slice %arg4[%dma_start3A_115, %dma_start3A_116] : memref<100096x16xf32, #tpu.memory_space<hbm>> -> memref<100096x16xf32, #tpu.memory_space<hbm>>
      tpu.enqueue_indirect_dma source(%dma_start3A_117 : memref<100096x16xf32, #tpu.memory_space<hbm>>) target(%arg13 : memref<512x16xf32, #tpu.memory_space<vmem>>) offsets(%arg11 : memref<512xi32, #tpu.memory_space<vmem>>) semaphore(%arg19 : memref<!tpu.dma_semaphore, #tpu.memory_space<semaphore_mem>>)
      %dma_wait3A_118 = arith.constant 0 : i32
      %dma_wait3A_119 = arith.constant 0 : i32
      %dma_wait3A_120 = tpu.memref_slice %arg4[%dma_wait3A_118, %dma_wait3A_119] : memref<100096x16xf32, #tpu.memory_space<hbm>> -> memref<100096x16xf32, #tpu.memory_space<hbm>>
      tpu.wait_indirect_dma semaphore(%arg19 : memref<!tpu.dma_semaphore, #tpu.memory_space<semaphore_mem>>) src(%dma_wait3A_120 : memref<100096x16xf32, #tpu.memory_space<hbm>>) dst(%arg13 : memref<512x16xf32, #tpu.memory_space<vmem>>)
      %dma_start3A_121 = arith.constant 0 : i32
      %dma_start3A_122 = arith.constant 0 : i32
      %dma_start3A_123 = tpu.memref_slice %arg23[%dma_start3A_121, %dma_start3A_122] : memref<100096x16xf32, #tpu.memory_space<vmem_shared>> -> memref<100096x16xf32, #tpu.memory_space<vmem_shared>>
      tpu.enqueue_indirect_dma source(%arg13 : memref<512x16xf32, #tpu.memory_space<vmem>>) target(%dma_start3A_123 : memref<100096x16xf32, #tpu.memory_space<vmem_shared>>) offsets(%arg9 : memref<512xi32, #tpu.memory_space<vmem>>) semaphore(%arg21 : memref<!tpu.dma_semaphore, #tpu.memory_space<semaphore_mem>>) {add = true}
      %dma_wait3A_124 = arith.constant 0 : i32
      %dma_wait3A_125 = arith.constant 0 : i32
      %dma_wait3A_126 = tpu.memref_slice %arg23[%dma_wait3A_124, %dma_wait3A_125] : memref<100096x16xf32, #tpu.memory_space<vmem_shared>> -> memref<100096x16xf32, #tpu.memory_space<vmem_shared>>
      tpu.wait_indirect_dma semaphore(%arg21 : memref<!tpu.dma_semaphore, #tpu.memory_space<semaphore_mem>>) src(%arg13 : memref<512x16xf32, #tpu.memory_space<vmem>>) dst(%dma_wait3A_126 : memref<100096x16xf32, #tpu.memory_space<vmem_shared>>)
    } else {
    }
    %dma_wait3A_97 = arith.constant 0 : i32
    %dma_wait3A_98 = arith.constant 0 : i32
    %dma_wait3A_99 = tpu.memref_slice %arg23[%dma_wait3A_97, %dma_wait3A_98] : memref<100096x16xf32, #tpu.memory_space<vmem_shared>> -> memref<100096x16xf32, #tpu.memory_space<vmem_shared>>
    tpu.wait_indirect_dma semaphore(%arg22 : memref<!tpu.dma_semaphore, #tpu.memory_space<semaphore_mem>>) src(%arg14 : memref<512x16xf32, #tpu.memory_space<vmem>>) dst(%dma_wait3A_99 : memref<100096x16xf32, #tpu.memory_space<vmem_shared>>)
    %barrier3A_100 = arith.constant 0 : index
    tpu.barrier barrier_id(%barrier3A_100)
    %mul3A_101 = arith.constant 6256 : i32
    %mul3A_102 = arith.muli %arg1, %mul3A_101 : i32
    %mul3A_103 = arith.constant 6256 : i32
    %mul3A_104 = arith.muli %arg1, %mul3A_103 : i32
    "tpu.region"() ({
      %run_scoped3A = tpu.sem_alloc : memref<!tpu.dma_semaphore, #tpu.memory_space<semaphore_mem>>
      %dma_start3A_105 = arith.constant 0 : i32
      %dma_start3A_106 = arith.constant 0 : i32
      %dma_start3A_107 = tpu.memref_slice %arg6[%arg0, %dma_start3A_105, %dma_start3A_106] : memref<2x100096x16xf32, #tpu.memory_space<hbm>> -> memref<1x100096x16xf32, #tpu.memory_space<hbm>>
      %dma_start3A_108 = tpu.memref_squeeze %dma_start3A_107 : memref<1x100096x16xf32, #tpu.memory_space<hbm>> -> memref<100096x16xf32, #tpu.memory_space<hbm>>
      %dma_start3A_109 = arith.constant 0 : i32
      %dma_start3A_110 = tpu.memref_slice %dma_start3A_108[%mul3A_104, %dma_start3A_109] : memref<100096x16xf32, #tpu.memory_space<hbm>> -> memref<6256x16xf32, #tpu.memory_space<hbm>>
      %dma_start3A_111 = arith.constant 0 : i32
      %dma_start3A_112 = tpu.memref_slice %arg23[%mul3A_102, %dma_start3A_111] : memref<100096x16xf32, #tpu.memory_space<vmem_shared>> -> memref<6256x16xf32, #tpu.memory_space<vmem_shared>>
      tpu.enqueue_dma source(%dma_start3A_112 : memref<6256x16xf32, #tpu.memory_space<vmem_shared>>) target(%dma_start3A_110 : memref<6256x16xf32, #tpu.memory_space<hbm>>) target_semaphore(%run_scoped3A : memref<!tpu.dma_semaphore, #tpu.memory_space<semaphore_mem>>)
      %dma_wait3A_113 = arith.constant 0 : i32
      %dma_wait3A_114 = arith.constant 0 : i32
      %dma_wait3A_115 = tpu.memref_slice %arg6[%arg0, %dma_wait3A_113, %dma_wait3A_114] : memref<2x100096x16xf32, #tpu.memory_space<hbm>> -> memref<1x100096x16xf32, #tpu.memory_space<hbm>>
      %dma_wait3A_116 = tpu.memref_squeeze %dma_wait3A_115 : memref<1x100096x16xf32, #tpu.memory_space<hbm>> -> memref<100096x16xf32, #tpu.memory_space<hbm>>
      %dma_wait3A_117 = arith.constant 0 : i32
      %dma_wait3A_118 = tpu.memref_slice %dma_wait3A_116[%mul3A_104, %dma_wait3A_117] : memref<100096x16xf32, #tpu.memory_space<hbm>> -> memref<6256x16xf32, #tpu.memory_space<hbm>>
      %dma_wait3A_119 = arith.constant 0 : i32
      %dma_wait3A_120 = tpu.memref_slice %arg23[%mul3A_102, %dma_wait3A_119] : memref<100096x16xf32, #tpu.memory_space<vmem_shared>> -> memref<6256x16xf32, #tpu.memory_space<vmem_shared>>
      tpu.wait_dma2 semaphore(%run_scoped3A : memref<!tpu.dma_semaphore, #tpu.memory_space<semaphore_mem>>) src(%dma_wait3A_120 : memref<6256x16xf32, #tpu.memory_space<vmem_shared>>) dst(%dma_wait3A_118 : memref<6256x16xf32, #tpu.memory_space<hbm>>)
      tpu.yield
    }) : () -> ()
    return
  }
}

module attributes {stable_mosaic.version = 14 : i64} {
  func.func @_build_body(%arg0: i32, %arg1: memref<3128x80xf32, #tpu.memory_space<vmem>>, %arg2: memref<80x128xf32, #tpu.memory_space<vmem>>, %arg3: memref<1x128xf32, #tpu.memory_space<vmem>>, %arg4: memref<128x128xf32, #tpu.memory_space<vmem>>, %arg5: memref<3128x128xf32, #tpu.memory_space<vmem>>, %arg6: memref<3128x128xf32, #tpu.memory_space<vmem>>) attributes {dimension_semantics = [#tpu.dimension_semantics<arbitrary>], iteration_bounds = array<i64: 4>, scalar_prefetch = 0 : i64, scratch_operands = 0 : i64, tpu.core_type = #tpu.core_type<tc>, window_params = [{transform_indices = @transform_0, window_bounds = array<i64: 3128, 80>}, {pipeline_mode = #tpu.pipeline_mode<synchronous>, transform_indices = @transform_1, window_bounds = array<i64: 80, 128>}, {pipeline_mode = #tpu.pipeline_mode<synchronous>, transform_indices = @transform_2, window_bounds = array<i64: 1, 128>}, {pipeline_mode = #tpu.pipeline_mode<synchronous>, transform_indices = @transform_3, window_bounds = array<i64: 128, 128>}, {transform_indices = @transform_4, window_bounds = array<i64: 3128, 128>}, {transform_indices = @transform_5, window_bounds = array<i64: 3128, 128>}]} {
    %get3A = arith.constant 0 : index
    %get3A_0 = arith.constant 0 : index
    %get3A_1 = vector.load %arg1[%get3A, %get3A_0] : memref<3128x80xf32, #tpu.memory_space<vmem>>, vector<3128x80xf32>
    %get3A_2 = arith.constant 0 : index
    %get3A_3 = arith.constant 0 : index
    %get3A_4 = vector.load %arg2[%get3A_2, %get3A_3] : memref<80x128xf32, #tpu.memory_space<vmem>>, vector<80x128xf32>
    %dot_general3A = arith.constant dense<0.000000e+00> : vector<3128x128xf32>
    %dot_general3A_5 = tpu.matmul %get3A_1, %get3A_4, %dot_general3A {dimension_numbers = #tpu.dot_dimension_numbers<[1], [0], [0], [1], [0, 0, 1, 1], [], []>, precision = #tpu.contract_precision<fp32>, transpose_lhs_hint = false} : vector<3128x80xf32>, vector<80x128xf32>, vector<3128x128xf32> -> vector<3128x128xf32>
    %get3A_6 = arith.constant 0 : index
    %get3A_7 = arith.constant 0 : index
    %get3A_8 = vector.load %arg3[%get3A_6, %get3A_7] : memref<1x128xf32, #tpu.memory_space<vmem>>, vector<1x128xf32>
    %add3A = vector.broadcast %get3A_8 : vector<1x128xf32> to vector<3128x128xf32>
    %add3A_9 = arith.addf %dot_general3A_5, %add3A : vector<3128x128xf32>
    %swap3A = arith.constant 0 : index
    %swap3A_10 = arith.constant 0 : index
    %swap3A_11 = vector.load %arg5[%swap3A, %swap3A_10] : memref<3128x128xf32, #tpu.memory_space<vmem>>, vector<3128x128xf32>
    tpu.vector_store %arg5[%swap3A, %swap3A_10], %add3A_9 {strides = array<i32>} : memref<3128x128xf32, #tpu.memory_space<vmem>>, vector<3128x128xf32>,
    %get3A_12 = arith.constant 0 : index
    %get3A_13 = arith.constant 0 : index
    %get3A_14 = vector.load %arg4[%get3A_12, %get3A_13] : memref<128x128xf32, #tpu.memory_space<vmem>>, vector<128x128xf32>
    %dot_general3A_15 = arith.constant dense<0.000000e+00> : vector<3128x128xf32>
    %dot_general3A_16 = tpu.matmul %add3A_9, %get3A_14, %dot_general3A_15 {dimension_numbers = #tpu.dot_dimension_numbers<[1], [0], [0], [1], [0, 0, 1, 1], [], []>, precision = #tpu.contract_precision<fp32>, transpose_lhs_hint = false} : vector<3128x128xf32>, vector<128x128xf32>, vector<3128x128xf32> -> vector<3128x128xf32>
    %swap3A_17 = arith.constant 0 : index
    %swap3A_18 = arith.constant 0 : index
    %swap3A_19 = vector.load %arg6[%swap3A_17, %swap3A_18] : memref<3128x128xf32, #tpu.memory_space<vmem>>, vector<3128x128xf32>
    tpu.vector_store %arg6[%swap3A_17, %swap3A_18], %dot_general3A_16 {strides = array<i32>} : memref<3128x128xf32, #tpu.memory_space<vmem>>, vector<3128x128xf32>,
    return
  }
  func.func @transform_0(%arg0: i32) -> (i32, i32) {
    %c0_i32 = arith.constant 0 : i32
    %c0_i32_0 = arith.constant 0 : i32
    return %arg0, %c0_i32 : i32, i32
  }
  func.func @transform_1(%arg0: i32) -> (i32, i32) {
    %c0_i32 = arith.constant 0 : i32
    %c0_i32_0 = arith.constant 0 : i32
    %c0_i32_1 = arith.constant 0 : i32
    return %c0_i32, %c0_i32_0 : i32, i32
  }
  func.func @transform_2(%arg0: i32) -> (i32, i32) {
    %c0_i32 = arith.constant 0 : i32
    %c0_i32_0 = arith.constant 0 : i32
    %c0_i32_1 = arith.constant 0 : i32
    return %c0_i32, %c0_i32_0 : i32, i32
  }
  func.func @transform_3(%arg0: i32) -> (i32, i32) {
    %c0_i32 = arith.constant 0 : i32
    %c0_i32_0 = arith.constant 0 : i32
    %c0_i32_1 = arith.constant 0 : i32
    return %c0_i32, %c0_i32_0 : i32, i32
  }
  func.func @transform_4(%arg0: i32) -> (i32, i32) {
    %c0_i32 = arith.constant 0 : i32
    %c0_i32_0 = arith.constant 0 : i32
    return %arg0, %c0_i32 : i32, i32
  }
  func.func @transform_5(%arg0: i32) -> (i32, i32) {
    %c0_i32 = arith.constant 0 : i32
    %c0_i32_0 = arith.constant 0 : i32
    return %arg0, %c0_i32 : i32, i32
  }
}

module attributes {stable_mosaic.version = 14 : i64} {
  func.func @_update_body(%arg0: i32, %arg1: memref<3128x128xf32, #tpu.memory_space<vmem>>, %arg2: memref<2x3128x128xf32, #tpu.memory_space<vmem>>, %arg3: memref<128x128xf32, #tpu.memory_space<vmem>>, %arg4: memref<128x128xf32, #tpu.memory_space<vmem>>, %arg5: memref<128x128xf32, #tpu.memory_space<vmem>>, %arg6: memref<1x128xf32, #tpu.memory_space<vmem>>, %arg7: memref<3128x128xf32, #tpu.memory_space<vmem>>, %arg8: memref<3128x128xf32, #tpu.memory_space<vmem>>) attributes {dimension_semantics = [#tpu.dimension_semantics<arbitrary>], iteration_bounds = array<i64: 4>, scalar_prefetch = 0 : i64, scratch_operands = 0 : i64, tpu.core_type = #tpu.core_type<tc>, window_params = [{transform_indices = @transform_0, window_bounds = array<i64: 3128, 128>}, {transform_indices = @transform_1, window_bounds = array<i64: 2, 3128, 128>}, {pipeline_mode = #tpu.pipeline_mode<synchronous>, transform_indices = @transform_2, window_bounds = array<i64: 128, 128>}, {pipeline_mode = #tpu.pipeline_mode<synchronous>, transform_indices = @transform_3, window_bounds = array<i64: 128, 128>}, {pipeline_mode = #tpu.pipeline_mode<synchronous>, transform_indices = @transform_4, window_bounds = array<i64: 128, 128>}, {pipeline_mode = #tpu.pipeline_mode<synchronous>, transform_indices = @transform_5, window_bounds = array<i64: 1, 128>}, {transform_indices = @transform_6, window_bounds = array<i64: 3128, 128>}, {transform_indices = @transform_7, window_bounds = array<i64: 3128, 128>}]} {
    %get3A = arith.constant 0 : index
    %get3A_0 = arith.constant 0 : index
    %get3A_1 = vector.load %arg1[%get3A, %get3A_0] : memref<3128x128xf32, #tpu.memory_space<vmem>>, vector<3128x128xf32>
    %get3A_2 = arith.constant 0 : index
    %get3A_3 = arith.constant 0 : index
    %get3A_4 = arith.constant 0 : index
    %get3A_5 = vector.load %arg2[%get3A_2, %get3A_3, %get3A_4] : memref<2x3128x128xf32, #tpu.memory_space<vmem>>, vector<1x3128x128xf32>
    %get3A_6 = vector.shape_cast %get3A_5 : vector<1x3128x128xf32> to vector<3128x128xf32>
    %get3A_7 = arith.constant 1 : index
    %get3A_8 = arith.constant 0 : index
    %get3A_9 = arith.constant 0 : index
    %get3A_10 = vector.load %arg2[%get3A_7, %get3A_8, %get3A_9] : memref<2x3128x128xf32, #tpu.memory_space<vmem>>, vector<1x3128x128xf32>
    %get3A_11 = vector.shape_cast %get3A_10 : vector<1x3128x128xf32> to vector<3128x128xf32>
    %add3A = arith.addf %get3A_6, %get3A_11 : vector<3128x128xf32>
    %get3A_12 = arith.constant 0 : index
    %get3A_13 = arith.constant 0 : index
    %get3A_14 = vector.load %arg5[%get3A_12, %get3A_13] : memref<128x128xf32, #tpu.memory_space<vmem>>, vector<128x128xf32>
    %dot_general3A = arith.constant dense<0.000000e+00> : vector<3128x128xf32>
    %dot_general3A_15 = tpu.matmul %add3A, %get3A_14, %dot_general3A {dimension_numbers = #tpu.dot_dimension_numbers<[1], [0], [0], [1], [0, 0, 1, 1], [], []>, transpose_lhs_hint = false} : vector<3128x128xf32>, vector<128x128xf32>, vector<3128x128xf32> -> vector<3128x128xf32>
    %get3A_16 = arith.constant 0 : index
    %get3A_17 = arith.constant 0 : index
    %get3A_18 = vector.load %arg6[%get3A_16, %get3A_17] : memref<1x128xf32, #tpu.memory_space<vmem>>, vector<1x128xf32>
    %mul3A = vector.broadcast %get3A_18 : vector<1x128xf32> to vector<3128x128xf32>
    %mul3A_19 = arith.mulf %add3A, %mul3A : vector<3128x128xf32>
    %add3A_20 = arith.addf %get3A_1, %mul3A_19 : vector<3128x128xf32>
    %get3A_21 = arith.constant 0 : index
    %get3A_22 = arith.constant 0 : index
    %get3A_23 = vector.load %arg3[%get3A_21, %get3A_22] : memref<128x128xf32, #tpu.memory_space<vmem>>, vector<128x128xf32>
    %dot_general3A_24 = arith.constant dense<0.000000e+00> : vector<3128x128xf32>
    %dot_general3A_25 = tpu.matmul %get3A_1, %get3A_23, %dot_general3A_24 {dimension_numbers = #tpu.dot_dimension_numbers<[1], [0], [0], [1], [0, 0, 1, 1], [], []>, precision = #tpu.contract_precision<fp32>, transpose_lhs_hint = false} : vector<3128x128xf32>, vector<128x128xf32>, vector<3128x128xf32> -> vector<3128x128xf32>
    %mul3A_26 = arith.mulf %dot_general3A_15, %dot_general3A_25 : vector<3128x128xf32>
    %add3A_27 = arith.addf %add3A_20, %mul3A_26 : vector<3128x128xf32>
    %swap3A = arith.constant 0 : index
    %swap3A_28 = arith.constant 0 : index
    %swap3A_29 = vector.load %arg7[%swap3A, %swap3A_28] : memref<3128x128xf32, #tpu.memory_space<vmem>>, vector<3128x128xf32>
    tpu.vector_store %arg7[%swap3A, %swap3A_28], %add3A_27 {strides = array<i32>} : memref<3128x128xf32, #tpu.memory_space<vmem>>, vector<3128x128xf32>,
    %get3A_30 = arith.constant 0 : index
    %get3A_31 = arith.constant 0 : index
    %get3A_32 = vector.load %arg4[%get3A_30, %get3A_31] : memref<128x128xf32, #tpu.memory_space<vmem>>, vector<128x128xf32>
    %dot_general3A_33 = arith.constant dense<0.000000e+00> : vector<3128x128xf32>
    %dot_general3A_34 = tpu.matmul %add3A_27, %get3A_32, %dot_general3A_33 {dimension_numbers = #tpu.dot_dimension_numbers<[1], [0], [0], [1], [0, 0, 1, 1], [], []>, precision = #tpu.contract_precision<fp32>, transpose_lhs_hint = false} : vector<3128x128xf32>, vector<128x128xf32>, vector<3128x128xf32> -> vector<3128x128xf32>
    %swap3A_35 = arith.constant 0 : index
    %swap3A_36 = arith.constant 0 : index
    %swap3A_37 = vector.load %arg8[%swap3A_35, %swap3A_36] : memref<3128x128xf32, #tpu.memory_space<vmem>>, vector<3128x128xf32>
    tpu.vector_store %arg8[%swap3A_35, %swap3A_36], %dot_general3A_34 {strides = array<i32>} : memref<3128x128xf32, #tpu.memory_space<vmem>>, vector<3128x128xf32>,
    return
  }
  func.func @transform_0(%arg0: i32) -> (i32, i32) {
    %c0_i32 = arith.constant 0 : i32
    %c0_i32_0 = arith.constant 0 : i32
    return %arg0, %c0_i32 : i32, i32
  }
  func.func @transform_1(%arg0: i32) -> (i32, i32, i32) {
    %c0_i32 = arith.constant 0 : i32
    %c0_i32_0 = arith.constant 0 : i32
    %c0_i32_1 = arith.constant 0 : i32
    return %c0_i32, %arg0, %c0_i32_0 : i32, i32, i32
  }
  func.func @transform_2(%arg0: i32) -> (i32, i32) {
    %c0_i32 = arith.constant 0 : i32
    %c0_i32_0 = arith.constant 0 : i32
    %c0_i32_1 = arith.constant 0 : i32
    return %c0_i32, %c0_i32_0 : i32, i32
  }
  func.func @transform_3(%arg0: i32) -> (i32, i32) {
    %c0_i32 = arith.constant 0 : i32
    %c0_i32_0 = arith.constant 0 : i32
    %c0_i32_1 = arith.constant 0 : i32
    return %c0_i32, %c0_i32_0 : i32, i32
  }
  func.func @transform_4(%arg0: i32) -> (i32, i32) {
    %c0_i32 = arith.constant 0 : i32
    %c0_i32_0 = arith.constant 0 : i32
    %c0_i32_1 = arith.constant 0 : i32
    return %c0_i32, %c0_i32_0 : i32, i32
  }
  func.func @transform_5(%arg0: i32) -> (i32, i32) {
    %c0_i32 = arith.constant 0 : i32
    %c0_i32_0 = arith.constant 0 : i32
    %c0_i32_1 = arith.constant 0 : i32
    return %c0_i32, %c0_i32_0 : i32, i32
  }
  func.func @transform_6(%arg0: i32) -> (i32, i32) {
    %c0_i32 = arith.constant 0 : i32
    %c0_i32_0 = arith.constant 0 : i32
    return %arg0, %c0_i32 : i32, i32
  }
  func.func @transform_7(%arg0: i32) -> (i32, i32) {
    %c0_i32 = arith.constant 0 : i32
    %c0_i32_0 = arith.constant 0 : i32
    return %arg0, %c0_i32 : i32, i32
  }
}

module attributes {stable_mosaic.version = 14 : i64} {
  func.func @_final_body(%arg0: i32, %arg1: memref<3128x128xf32, #tpu.memory_space<vmem>>, %arg2: memref<2x3128x128xf32, #tpu.memory_space<vmem>>, %arg3: memref<128x128xf32, #tpu.memory_space<vmem>>, %arg4: memref<128x128xf32, #tpu.memory_space<vmem>>, %arg5: memref<128x128xf32, #tpu.memory_space<vmem>>, %arg6: memref<1x128xf32, #tpu.memory_space<vmem>>, %arg7: memref<3128x128xf32, #tpu.memory_space<vmem>>) attributes {dimension_semantics = [#tpu.dimension_semantics<arbitrary>], iteration_bounds = array<i64: 4>, scalar_prefetch = 0 : i64, scratch_operands = 0 : i64, tpu.core_type = #tpu.core_type<tc>, window_params = [{transform_indices = @transform_0, window_bounds = array<i64: 3128, 128>}, {transform_indices = @transform_1, window_bounds = array<i64: 2, 3128, 128>}, {pipeline_mode = #tpu.pipeline_mode<synchronous>, transform_indices = @transform_2, window_bounds = array<i64: 128, 128>}, {pipeline_mode = #tpu.pipeline_mode<synchronous>, transform_indices = @transform_3, window_bounds = array<i64: 128, 128>}, {pipeline_mode = #tpu.pipeline_mode<synchronous>, transform_indices = @transform_4, window_bounds = array<i64: 128, 128>}, {pipeline_mode = #tpu.pipeline_mode<synchronous>, transform_indices = @transform_5, window_bounds = array<i64: 1, 128>}, {transform_indices = @transform_6, window_bounds = array<i64: 3128, 128>}]} {
    %get3A = arith.constant 0 : index
    %get3A_0 = arith.constant 0 : index
    %get3A_1 = vector.load %arg1[%get3A, %get3A_0] : memref<3128x128xf32, #tpu.memory_space<vmem>>, vector<3128x128xf32>
    %get3A_2 = arith.constant 0 : index
    %get3A_3 = arith.constant 0 : index
    %get3A_4 = arith.constant 0 : index
    %get3A_5 = vector.load %arg2[%get3A_2, %get3A_3, %get3A_4] : memref<2x3128x128xf32, #tpu.memory_space<vmem>>, vector<1x3128x128xf32>
    %get3A_6 = vector.shape_cast %get3A_5 : vector<1x3128x128xf32> to vector<3128x128xf32>
    %get3A_7 = arith.constant 1 : index
    %get3A_8 = arith.constant 0 : index
    %get3A_9 = arith.constant 0 : index
    %get3A_10 = vector.load %arg2[%get3A_7, %get3A_8, %get3A_9] : memref<2x3128x128xf32, #tpu.memory_space<vmem>>, vector<1x3128x128xf32>
    %get3A_11 = vector.shape_cast %get3A_10 : vector<1x3128x128xf32> to vector<3128x128xf32>
    %add3A = arith.addf %get3A_6, %get3A_11 : vector<3128x128xf32>
    %get3A_12 = arith.constant 0 : index
    %get3A_13 = arith.constant 0 : index
    %get3A_14 = vector.load %arg5[%get3A_12, %get3A_13] : memref<128x128xf32, #tpu.memory_space<vmem>>, vector<128x128xf32>
    %dot_general3A = arith.constant dense<0.000000e+00> : vector<3128x128xf32>
    %dot_general3A_15 = tpu.matmul %add3A, %get3A_14, %dot_general3A {dimension_numbers = #tpu.dot_dimension_numbers<[1], [0], [0], [1], [0, 0, 1, 1], [], []>, transpose_lhs_hint = false} : vector<3128x128xf32>, vector<128x128xf32>, vector<3128x128xf32> -> vector<3128x128xf32>
    %get3A_16 = arith.constant 0 : index
    %get3A_17 = arith.constant 0 : index
    %get3A_18 = vector.load %arg6[%get3A_16, %get3A_17] : memref<1x128xf32, #tpu.memory_space<vmem>>, vector<1x128xf32>
    %mul3A = vector.broadcast %get3A_18 : vector<1x128xf32> to vector<3128x128xf32>
    %mul3A_19 = arith.mulf %add3A, %mul3A : vector<3128x128xf32>
    %add3A_20 = arith.addf %get3A_1, %mul3A_19 : vector<3128x128xf32>
    %get3A_21 = arith.constant 0 : index
    %get3A_22 = arith.constant 0 : index
    %get3A_23 = vector.load %arg3[%get3A_21, %get3A_22] : memref<128x128xf32, #tpu.memory_space<vmem>>, vector<128x128xf32>
    %dot_general3A_24 = arith.constant dense<0.000000e+00> : vector<3128x128xf32>
    %dot_general3A_25 = tpu.matmul %get3A_1, %get3A_23, %dot_general3A_24 {dimension_numbers = #tpu.dot_dimension_numbers<[1], [0], [0], [1], [0, 0, 1, 1], [], []>, precision = #tpu.contract_precision<fp32>, transpose_lhs_hint = false} : vector<3128x128xf32>, vector<128x128xf32>, vector<3128x128xf32> -> vector<3128x128xf32>
    %mul3A_26 = arith.mulf %dot_general3A_15, %dot_general3A_25 : vector<3128x128xf32>
    %add3A_27 = arith.addf %add3A_20, %mul3A_26 : vector<3128x128xf32>
    %get3A_28 = arith.constant 0 : index
    %get3A_29 = arith.constant 0 : index
    %get3A_30 = vector.load %arg4[%get3A_28, %get3A_29] : memref<128x128xf32, #tpu.memory_space<vmem>>, vector<128x128xf32>
    %dot_general3A_31 = arith.constant dense<0.000000e+00> : vector<3128x128xf32>
    %dot_general3A_32 = tpu.matmul %add3A_27, %get3A_30, %dot_general3A_31 {dimension_numbers = #tpu.dot_dimension_numbers<[1], [0], [0], [1], [0, 0, 1, 1], [], []>, precision = #tpu.contract_precision<fp32>, transpose_lhs_hint = false} : vector<3128x128xf32>, vector<128x128xf32>, vector<3128x128xf32> -> vector<3128x128xf32>
    %swap3A = arith.constant 0 : index
    %swap3A_33 = arith.constant 0 : index
    %swap3A_34 = vector.load %arg7[%swap3A, %swap3A_33] : memref<3128x128xf32, #tpu.memory_space<vmem>>, vector<3128x128xf32>
    tpu.vector_store %arg7[%swap3A, %swap3A_33], %dot_general3A_32 {strides = array<i32>} : memref<3128x128xf32, #tpu.memory_space<vmem>>, vector<3128x128xf32>,
    return
  }
  func.func @transform_0(%arg0: i32) -> (i32, i32) {
    %c0_i32 = arith.constant 0 : i32
    %c0_i32_0 = arith.constant 0 : i32
    return %arg0, %c0_i32 : i32, i32
  }
  func.func @transform_1(%arg0: i32) -> (i32, i32, i32) {
    %c0_i32 = arith.constant 0 : i32
    %c0_i32_0 = arith.constant 0 : i32
    %c0_i32_1 = arith.constant 0 : i32
    return %c0_i32, %arg0, %c0_i32_0 : i32, i32, i32
  }
  func.func @transform_2(%arg0: i32) -> (i32, i32) {
    %c0_i32 = arith.constant 0 : i32
    %c0_i32_0 = arith.constant 0 : i32
    %c0_i32_1 = arith.constant 0 : i32
    return %c0_i32, %c0_i32_0 : i32, i32
  }
  func.func @transform_3(%arg0: i32) -> (i32, i32) {
    %c0_i32 = arith.constant 0 : i32
    %c0_i32_0 = arith.constant 0 : i32
    %c0_i32_1 = arith.constant 0 : i32
    return %c0_i32, %c0_i32_0 : i32, i32
  }
  func.func @transform_4(%arg0: i32) -> (i32, i32) {
    %c0_i32 = arith.constant 0 : i32
    %c0_i32_0 = arith.constant 0 : i32
    %c0_i32_1 = arith.constant 0 : i32
    return %c0_i32, %c0_i32_0 : i32, i32
  }
  func.func @transform_5(%arg0: i32) -> (i32, i32) {
    %c0_i32 = arith.constant 0 : i32
    %c0_i32_0 = arith.constant 0 : i32
    %c0_i32_1 = arith.constant 0 : i32
    return %c0_i32, %c0_i32_0 : i32, i32
  }
  func.func @transform_6(%arg0: i32) -> (i32, i32) {
    %c0_i32 = arith.constant 0 : i32
    %c0_i32_0 = arith.constant 0 : i32
    return %arg0, %c0_i32 : i32, i32
  }
}

</mosaic_0001>

<sc_bundles>
// kernel: kernel.11.cloned.1.call-start
scs
__scs_entry_jumppad:
0x0: {  	(pc) =	sbr.rel $0x88, $3  }
0x1: {  	(tag) =	ssettag $0x0;
	lr =	simm.s32 $0x1  }
0x2: {  	[smem:$0x3F9A] =	sst lr;
	_ =	strace $0xD0000000  }
0x3: {  	_ = 	snop  }
0x4: {  	_ = 	snop  }
0x5: {  	_ = 	snop  }
0x6: {  	_ = 	snop  }
0x7: {  	_ = 	snop  }
__scs_overlays_trampoline_lowered:
0x8: {  	[smem:$0x3FA9] =	sst s0  }
0x9: {  	[smem:$0x3FAA] =	sst s1  }
0xa: {  	[smem:$0x3FAB] =	sst s2  }
0xb: {  	[smem:$0x3FAC] =	sst s3  }
0xc: {  	[smem:$0x3FAD] =	sst s4  }
0xd: {  	[smem:$0x3FAE] =	sst s5  }
0xe: {  	[smem:$0x3FAF] =	sst s6  }
0xf: {  	[smem:$0x3FB0] =	sst s7  }
0x10: {  	[smem:$0x3FB1] =	sst s8  }
0x11: {  	[smem:$0x3FB2] =	sst s9;
	s0 =	simm.s32 @!p0 $0x0  }
0x12: {  	s1 =	sld [smem:$0x3F98];
	s0 =	simm.s32 @p0 $0x1  }
0x13: {  	[smem:$0x3FB3] =	sst s0;
	s0 =	simm.s32 @!p1 $0x0  }
0x14: {  	s2 =	sld [smem:$0x3F97];
	s0 =	simm.s32 @p1 $0x1  }
0x15: {  	[smem:$0x3FB4] =	sst s0;
	s0 =	simm.s32 @!p2 $0x0  }
0x16: {  	s3 =	sld [smem:$0x3FDB];
	s0 =	simm.s32 @p2 $0x1  }
0x17: {  	s4 =	simm.s32 $0x1BF5;
	[smem:$0x3FB6] =	sst s0  }
0x18: {  	s0 =	sld [smem:$0x3F99];
	_ =	swait.ge [sflag:s4], $0x0  }
0x19: {  	s7 =	sld [smem:$0x3F9A]  }
0x1a: {  	s8 =	sadd.s32 $0xFFFFE003, lr  }
0x1b: {  	s9 =	sadd.s32 $0xFFFFFEF7, lr;
	s5 =	simm.s32 $0xFFFFFFFF;
	p2 =	slt.u32 s8, $0xFFFFF086  }
0x1c: {  	p1 =	slt.u32 s9, $0xF7A;
	s5 =	simm.s32 @!p2 $0x0  }
0x1d: {  	s5 =	simm.s32 @p1 $0x1;
	p0 =	seq.s32 s7, s2  }
0x1e: {  	s7 =	smul.u32 @!p0 $0xF7A, s2;
	p2 =	seq.s32 @!p0 s5, $0x0  }
0x1f: {  	s9 =	smul.u32 $0xF7A, s1;
	s8 =	simm.s32 @!p0 $0x1BF5;
	p2 =	por !p2, p0  }
0x20: {  	[sflag:s8] =	ssyncset.s32 @!p0 $0xFFFFF086;
	s6 =	sadd.s32 @!p0 s3, s7;
	s7 =	simm.s32 @!p0 $0x108  }
0x21: {  	s3 =	sadd.s32 s3, s9;
	s6 =	sadd.s32 @!p0 $0x88, s6;
	s7 =	simm.s32 @p2 $0x1082  }
0x22: {  	[simem:s7], [sflag:s8] =	dma.local @!p0 [hbm:s6], $0xF7A  }
0x23: {  	s9 =	sor.u32 $0xD0000000, s2;
	s6 =	simm.s32 $0x108;
	_ =	swait.ge @!p0 [sflag:s8], $0x0  }
0x24: {  	s3 =	sadd.s32 $0x88, s3;
	s6 =	simm.s32 @!p1 $0x1082;
	[sflag:s4] =	ssyncset.s32 $0xFFFFF086  }
0x25: {  	[simem:s6], [sflag:s4] =	dma.local [hbm:s3], $0xF7A  }
0x26: {  	[smem:$0x3F9A] =	sst s1;
	(tag) =	ssettag s2;
	_ =	strace s9  }
0x27: {  	s1 =	sld [smem:$0x3FAA]  }
0x28: {  	s2 =	sld [smem:$0x3FAB]  }
0x29: {  	s4 =	sld [smem:$0x3FAD]  }
0x2a: {  	p0 =	seq.s32 s5, $0x0;
	s5 =	sld [smem:$0x3FAE]  }
0x2b: {  	s6 =	sld [smem:$0x3FAF]  }
0x2c: {  	s7 =	sld [smem:$0x3FB0]  }
0x2d: {  	s3 =	simm.s32 $0x108;
	s8 =	sld [smem:$0x3FB1]  }
0x2e: {  	s3 =	simm.s32 @!p0 $0x1082;
	s9 =	sld [smem:$0x3FB2]  }
0x2f: {  	lr =	sadd.s32 s0, s3;
	s0 =	sld [smem:$0x3FA9]  }
0x30: {  	s3 =	sld [smem:$0x3FAC]  }
0x31: {  	[smem:$0x3FB5] =	sst s10  }
0x32: {  	s10 =	sld [smem:$0x3FB3];
	_ =	sdelay $0x3  }
0x33: {  	p0 =	seq.s32 s10, $0x1;
	s10 =	sld [smem:$0x3FB5];
	_ =	sdelay $0x3  }
0x34: {  	[smem:$0x3FB5] =	sst s10  }
0x35: {  	s10 =	sld [smem:$0x3FB4];
	_ =	sdelay $0x3  }
0x36: {  	p1 =	seq.s32 s10, $0x1;
	s10 =	sld [smem:$0x3FB5];
	_ =	sdelay $0x3  }
0x37: {  	[smem:$0x3FB5] =	sst s10  }
0x38: {  	s10 =	sld [smem:$0x3FB6]  }
0x39: {  	_ = 	snop;
	(pc) =	sbr.ind lr, $3  }
0x3a: {  	_ = 	snop  }
0x3b: {  	_ = 	snop  }
0x3c: {  	p2 =	seq.s32 s10, $0x1;
	s10 =	sld [smem:$0x3FB5]  }
0x3d: {  	_ =	shalt  }
0x3e: {  	_ =	shalt  }
0x3f: {  	_ =	shalt  }
0x40: {  	_ =	shalt  }
0x41: {  	_ =	shalt  }
0x42: {  	_ =	shalt  }
0x43: {  	_ =	shalt  }
0x44: {  	_ =	shalt  }
0x45: {  	_ =	shalt  }
0x46: {  	_ =	shalt  }
0x47: {  	_ =	shalt  }
0x48: {  	_ =	shalt  }
0x49: {  	_ =	shalt  }
0x4a: {  	_ =	shalt  }
0x4b: {  	_ =	shalt  }
0x4c: {  	_ =	shalt  }
0x4d: {  	_ =	shalt  }
0x4e: {  	_ =	shalt  }
0x4f: {  	_ =	shalt  }
0x50: {  	_ =	shalt  }
0x51: {  	_ =	shalt  }
0x52: {  	_ =	shalt  }
0x53: {  	_ =	shalt  }
0x54: {  	_ =	shalt  }
0x55: {  	_ =	shalt  }
0x56: {  	_ =	shalt  }
0x57: {  	_ =	shalt  }
0x58: {  	_ =	shalt  }
0x59: {  	_ =	shalt  }
0x5a: {  	_ =	shalt  }
0x5b: {  	_ =	shalt  }
0x5c: {  	_ =	shalt  }
0x5d: {  	_ =	shalt  }
0x5e: {  	_ =	shalt  }
0x5f: {  	_ =	shalt  }
0x60: {  	_ =	shalt  }
0x61: {  	_ =	shalt  }
0x62: {  	_ =	shalt  }
0x63: {  	_ =	shalt  }
0x64: {  	_ =	shalt  }
0x65: {  	_ =	shalt  }
0x66: {  	_ =	shalt  }
0x67: {  	_ =	shalt  }
0x68: {  	_ =	shalt  }
0x69: {  	_ =	shalt  }
0x6a: {  	_ =	shalt  }
0x6b: {  	_ =	shalt  }
0x6c: {  	_ =	shalt  }
0x6d: {  	_ =	shalt  }
0x6e: {  	_ =	shalt  }
0x6f: {  	_ =	shalt  }
0x70: {  	_ =	shalt  }
0x71: {  	_ =	shalt  }
0x72: {  	_ =	shalt  }
0x73: {  	_ =	shalt  }
0x74: {  	_ =	shalt  }
0x75: {  	_ =	shalt  }
0x76: {  	_ =	shalt  }
0x77: {  	_ =	shalt  }
0x78: {  	_ =	shalt  }
0x79: {  	_ =	shalt  }
0x7a: {  	_ =	shalt  }
0x7b: {  	_ =	shalt  }
0x7c: {  	_ =	shalt  }
0x7d: {  	_ =	shalt  }
0x7e: {  	_ =	shalt  }
0x7f: {  	_ =	shalt  }
0x80: {  	_ =	shalt  }
0x81: {  	_ =	shalt  }
0x82: {  	_ =	shalt  }
0x83: {  	_ =	shalt  }
0x84: {  	_ =	shalt  }
0x85: {  	_ =	shalt  }
0x86: {  	_ =	shalt  }
0x87: {  	_ =	shalt  }
.Lfunc_end0:
.L_simem_size_0:
called_computation.1_lowered:
.L_overlay_start_0:
0x88: {  	s2 =	sld [smem:$0x3FD9]  }
0x89: {  	s3 =	sld [smem:$0x3FFE];
	_ =	sdelay $0x1  }
0x8a: {  	s1 =	srdreg.scid  }
0x8b: {  	s0 =	sand.u32 $0x1, s1  }
0x8c: {  	s17 =	sshll.u32 s0, $0xA;
	s2 =	sadd.s32 s3, s2  }
0x8d: {  	s2 =	sadd.s32 s2, s17  }
0x8e: {  	[smem:$0x3FC1] =	sst s2  }
0x8f: {  	_ = 	snop  }
0x90: {  	s2 =	sld [smem:$0x3FD0];
	(tm) =	ssettm $0x1  }
0x91: {  	s18 =	sld [smem:$0x3FFB];
	_ =	sdelay $0x3  }
0x92: {  	_ =	strace s18  }
0x93: {  	s3 =	sld [smem:$0x3FFC];
	_ =	sdelay $0x3  }
0x94: {  	_ =	strace s3  }
0x95: {  	s3 =	sld [smem:$0x3FFD];
	_ =	sdelay $0x3  }
0x96: {  	_ =	strace s3  }
0x97: {  	_ =	strace $0x8FFFFFFF  }
0x98: {  	s19 =	sld [smem:$0x3FDB];
	_ =	sdelay $0x1  }
0x99: {  	s4 =	simm.s32 $_scs_section_size  }
0x9a: {  	s5 =	simm.s32 $_size__tile_overlayer_lowered;
	s6 =	simm.s32 $_tile_overlayer_lowered  }
0x9b: {  	s22 =	simm.s32 $0x1BFF;
	s21 =	sshll.u32 s6, $0x1;
	s3 =	sadd.s32 s4, s19  }
0x9c: {  	s7 =	simm.s32 $0x0;
	s20 =	sshll.u32 s5, $0x1;
	s5 =	sadd.s32 s21, s3  }
0x9d: {  	[timem:s7], [sflag:s22] =	dma.local [hbm:s5], s20  }
0x9e: {  	_ =	swait.ge [sflag:s22], s20  }
0x9f: {  	s4 =	ssub.s32 $0x0, s20;
	[sflag:s22] =	ssyncset.done $0x0  }
0xa0: {  	[sflag:s22] =	ssyncadd.s32 s4;
	_ =	sdelay $0x1  }
0xa1: {  	s23 =	simm.s32 $0x1B8B  }
0xa2: {  	_ =	swait.ge [sflag:s23], $0x1  }
0xa3: {  	[sflag:s23] =	ssyncset.done $0x0  }
0xa4: {  	s25 =	simm.s32 $0x1B8E;
	s24 =	sld [smem:$0x3FFE];
	[sflag:s23] =	ssyncadd.s32 $0xFFFFFFFF  }
0xa5: {  	s26 =	simm.s32 $execute0_lowered;
	[smem:$0x3FD2] =	sst s25  }
0xa6: {  	s5 =	sshll.u32 s26, $0x1;
	_ =	strace $0x80000049;
	[dreg:$0x1] =	wrdreg $0xFFFFFFFF  }
0xa7: {  	s28 =	simm.s32 $_size_execute0_lowered;
	s3 =	sadd.s32 s3, s5;
	[dreg:$0x0] =	wrdreg $0x0  }
0xa8: {  	s5 =	sshll.u32 s28, $0x1;
	[dreg:$0x2] =	wrdreg s3  }
0xa9: {  	[dreg:$0x3] =	wrdreg s5  }
0xaa: {  	[dreg:$0x4] =	wrdreg $0xC0  }
0xab: {  	_ =	task [dreg:s7], $0x5FFFF  }
0xac: {  	[dreg:$0x1] =	wrdreg $0xFFFFFFFF  }
0xad: {  	[dreg:$0x0] =	wrdreg $0x60  }
0xae: {  	[dreg:$0x2] =	wrdreg s24  }
0xaf: {  	[dreg:$0x3] =	wrdreg s2  }
0xb0: {  	[dreg:$0x4] =	wrdreg $0x4C000  }
0xb1: {  	[dreg:$0x5] =	wrdreg $0x9  }
0xb2: {  	_ =	task.clear_ibuf [dreg:s7], $0x6FFFF;
	_ =	strace $0x90000049  }
0xb3: {  	s29 =	simm.s32 $0x9;
	_ =	strace $0x8000004B  }
0xb4: {  	_ =	swait.ge [sflag:s29], $0x1  }
0xb5: {  	[sflag:s29] =	ssyncadd.s32 $0xFFFFFFFF  }
0xb6: {  	_ =	strace $0x9000004B  }
0xb7: {  	_ =	sfence  }
0xb8: {  	s30 =	sld [smem:$0x0];
	_ =	sdelay $0x2  }
0xb9: {  	s31 =	sshll.u32 s1, $0xD;
	s1 =	sshrl.u32 s1, $0x2  }
0xba: {  	s3 =	sand.u32 $0x4000, s31;
	s1 =	sadd.s32 s1, s30  }
0xbb: {  	s0 =	sor.u32 s3, s0;
	s1 =	sshll.u32 s1, $0x11  }
0xbc: {  	s0 =	sor.u32 s1, s0  }
0xbd: {  	s0 =	sadd.s32 $0x8F2B, s0  }
0xbe: {  	[sflag:s0] =	ssyncadd.remote.s32 $0x1  }
0xbf: {  	_ =	sfence.sel $0xFFFF  }
0xc0: {  	[dreg:$0x0] =	wrdreg $0xFFFFFFFF;
	(pc) =	sbr.abs _section_cstart, $3  }
0xc1: {  	[dreg:$0x1] =	wrdreg $0xFFFFFFFF  }
0xc2: {  	_ =	task.clear_ibuf [dreg:s7], $0x2FFFF;
	_ =	strace $0x9FFFFFFF  }
0xc3: {  	(tm) =	ssettm $0x7FFFFFFF  }
tec
execute0_lowered:
.L_overlay_start_1:
0x0: {  	(tag) =	ssettag $0x1  }
0x1: {  	s0 =	rddreg [dreg:$0x0]  }
0x2: {  	s1 =	rddreg [dreg:$0x1]  }
0x3: {  	s3 =	rddreg [dreg:$0x2]  }
0x4: {  	s4 =	simm.s32 $0x0;
	s16 =	stileid.u32;
	s5 =	srdreg.scid  }
0x5: {  	s18 =	simm.s32 $0x9;
	s19 =	simm.s32 $0x200;
	s20 =	simm.s32 $0x1  }
0x6: {  	s28 =	simm.s32 $0x2;
	s29 =	simm.s32 $0x600;
	s30 =	simm.s32 $0xA00  }
0x7: {  	s31 =	simm.s32 $0x5;
	[smem:$0x7FF] =	sst s4;
	s2 =	smul.u32 $0x18700, s16  }
0x8: {  	s6 =	sadd.s32 $0x188200, s0;
	s7 =	sand.u32 $0x1, s5;
	s5 =	sadd.s32 $0x1800, s0  }
0x9: {  	s24 =	sshll.u32 s16, $0x6;
	_ =	strace $0x8000004A;
	s8 =	smul.u32 $0x30E00, s7  }
0xa: {  	s11 =	ssub.s32 $0x2, s7;
	s12 =	sshll.u32 s7, $0x4;
	s7 =	smul.u32 $0x610, s7  }
0xb: {  	s10 =	sshrl.u32 s2, $0x3;
	s21 =	sshrl.u32 s11, $0x1;
	s12 =	sor.u32 s16, s12  }
0xc: {  	s2 =	sadd.s32 s2, s3;
	s16 =	smul.u32 $0x61, s16;
	s9 =	sadd.s32 s10, s0  }
0xd: {  	s13 =	sadd.s32 s8, s0;
	s14 =	ssub.s32 s11, s21;
	[dreg:$0x5] =	wrdreg s2  }
0xe: {  	s22 =	smul.u32 $0x61, s12;
	s15 =	smin.u32 s12, $0x15;
	p0 =	slt.u32 s12, $0x15  }
0xf: {  	s8 =	simm.s32 $0x62;
	s11 =	sadd.s32 $0xC4D00, s0;
	s21 =	simm.s32 $0x400  }
0x10: {  	s23 =	sadd.s32 $0x24FC00, s9;
	s9 =	sor.u32 $0x1C09, s24;
	s8 =	simm.s32 @!p0 $0x61  }
0x11: {  	s26 =	sadd.s32 $0x280A00, s13;
	[dreg:$0x6] =	wrdreg s23;
	s2 =	sadd.s32 s15, s22  }
0x12: {  	s12 =	sand.u32 $0x1, s8;
	s22 =	smax.u32 s14, $0x1;
	s23 =	sadd.s32 s16, s7  }
0x13: {  	s24 =	sand.u32 $0x62, s8;
	s26 =	sadd.s32 s10, s26;
	s2 =	sshll.u32 s2, $0x6  }
0x14: {  	[dreg:$0x9] =	wrdreg s22;
	s7 =	sadd.s32 $0xFFFFFFFE, s24;
	s22 =	simm.s32 $0x800  }
0x15: {  	p0 =	seq.s32 s12, $0x0;
	[dreg:$0xe] =	wrdreg s26;
	s26 =	simm.s32 $0xC00  }
0x16: {  	s12 =	simm.s32 $0x0;
	s17 =	sadd.s32 s6, s2;
	s25 =	sadd.s32 $0x80, s2  }
0x17: {  	s2 =	sadd.s32 $0xC0, s2;
	[dreg:$0x4] =	wrdreg s7;
	s0 =	sand.u32 $0x1FFFFFC0, s25  }
0x18: {  	[dreg:$0x7] =	wrdreg s17;
	s17 =	sadd.s32 $0x40, s17;
	s0 =	sadd.s32 s6, s0  }
0x19: {  	s2 =	sand.u32 $0x1FFFFFC0, s2;
	[dreg:$0xa] =	wrdreg s0;
	s0 =	sadd.s32 s15, s23  }
0x1a: {  	[dreg:$0x8] =	wrdreg s17;
	s2 =	sadd.s32 s6, s2;
	s0 =	sshll.u32 s0, $0x6  }
0x1b: {  	s7 =	simm.s32 $0x8;
	[dreg:$0xb] =	wrdreg s2;
	s0 =	sadd.s32 s6, s0  }
0x1c: {  	s23 =	simm.s32 $0x3;
	s2 =	simm.s32 $0x7;
	s25 =	sadd.s32 $0x100, s0  }
0x1d: {  	s6 =	simm.s32 $0x6;
	s0 =	sadd.s32 $0x140, s0;
	[dreg:$0xc] =	wrdreg s25  }
0x1e: {  	[dreg:$0xd] =	wrdreg s0;
	s25 =	simm.s32 $0x4;
	s0 =	simm.s32 $0x2C00  }
.LBB2_1:
0x1f: {  	s10 =	rddreg [dreg:$0x5]  }
0x20: {  	s13 =	rddreg [dreg:$0x6];
	s10 =	sshrl.u32 s10, $0x3  }
0x21: {  	[spmem:s10], [sflag:s9] =	dma.local [hbm:s13], $0x30E0  }
0x22: {  	_ =	swait.ge [sflag:s18], $0x30E0  }
0x23: {  	[sflag:s18] =	ssyncset.done $0x0  }
0x24: {  	[sflag:s18] =	ssyncadd.s32 $0xFFFFCF20  }
0x25: {  	[bflag:$0x0] =	sbarrier.arrive $0xFFFF  }
0x26: {  	s15 =	rddreg [dreg:$0x7]  }
0x27: {  	[tilespmem:s4], [sflag:$0x1] =	stream.linear.gather [hbm4b:s15+s4], $0x200, $0x38;
	[tilespmem:$0x1D300] =	vst v63  }
0x28: {  	s16 =	rddreg [dreg:$0x8]  }
0x29: {  	[tilespmem:s19], [sflag:$0x2] =	stream.linear.gather [hbm4b:s16+s4], $0x200, $0x38;
	[tilespmem:$0x1D300] =	vst v63  }
0x2a: {  	_ =	swait.ge [sflag:s20], $0x200  }
0x2b: {  	[sflag:s20] =	ssyncset.done $0x0  }
0x2c: {  	[sflag:s20] =	ssyncadd.s32 $0xFFFFFE00  }
0x2d: {  	[tilespmem:s21], [sflag:$0x3] =	stream.indirect.gather [hbm4b:s5+s19], $0x1, s4, s19, $0xb8;
	[tilespmem:$0x1D300] =	vst v63  }
0x2e: {  	_ = 	snop  }
0x2f: {  	[tilespmem:s22], [sflag:$0x4] =	stream.indirect.gather [hbm4b:s11+s19], $0x1, s4, s19, $0xb8;
	[tilespmem:$0x1D300] =	vst v63  }
0x30: {  	_ =	swait.ge [sflag:s23], $0x200  }
0x31: {  	[sflag:s23] =	ssyncset.done $0x0  }
0x32: {  	[sflag:s23] =	ssyncadd.s32 $0xFFFFFE00  }
0x33: {  	_ =	swait.ge [sflag:s25], $0x200  }
0x34: {  	[sflag:s25] =	ssyncset.done $0x0  }
0x35: {  	[sflag:s25] =	ssyncadd.s32 $0xFFFFFE00  }
0x36: {  	[tilespmem:s26], [sflag:$0x5] =	stream.indirect.gather [hbm4b:s1+s19], $0x10, s22, s19, $0xb8;
	[tilespmem:$0x1D300] =	vst v63  }
0x37: {  	s17 =	rddreg [dreg:$0xa]  }
0x38: {  	[tilespmem:s4], [sflag:$0x1] =	stream.linear.gather [hbm4b:s17+s4], $0x200, $0x38;
	[tilespmem:$0x1D300] =	vst v63  }
0x39: {  	_ =	swait.ge [sflag:s28], $0x200  }
0x3a: {  	[sflag:s28] =	ssyncset.done $0x0  }
0x3b: {  	[sflag:s28] =	ssyncadd.s32 $0xFFFFFE00  }
0x3c: {  	[tilespmem:s29], [sflag:$0x3] =	stream.indirect.gather [hbm4b:s5+s19], $0x1, s19, s19, $0xb8;
	[tilespmem:$0x1D300] =	vst v63  }
0x3d: {  	_ = 	snop  }
0x3e: {  	[tilespmem:s30], [sflag:$0x4] =	stream.indirect.gather [hbm4b:s11+s19], $0x1, s19, s19, $0xb8;
	[tilespmem:$0x1D300] =	vst v63  }
0x3f: {  	_ =	swait.ge [sflag:s31], $0x2000  }
0x40: {  	[sflag:s31] =	ssyncset.done $0x0  }
0x41: {  	[sflag:s31] =	ssyncadd.s32 $0xFFFFE000  }
0x42: {  	[spmem:s3] =	stream.indirect.scatter.add.f32 [tilespmem:s26], [sflag:$0x7], $0x10, s21, s19, $0xb8;
	[tilespmem:$0x1D300] =	vst v63  }
0x43: {  	_ =	swait.ge [sflag:s23], $0x200  }
0x44: {  	[sflag:s23] =	ssyncset.done $0x0  }
0x45: {  	[sflag:s23] =	ssyncadd.s32 $0xFFFFFE00  }
0x46: {  	_ =	swait.ge [sflag:s25], $0x200  }
0x47: {  	[sflag:s25] =	ssyncset.done $0x0  }
0x48: {  	[sflag:s25] =	ssyncadd.s32 $0xFFFFFE00  }
0x49: {  	[tilespmem:s0], [sflag:$0x6] =	stream.indirect.gather [hbm4b:s1+s19], $0x10, s30, s19, $0xb8;
	[tilespmem:$0x1D300] =	vst v63  }
0x4a: {  	s24 =	rddreg [dreg:$0xb]  }
0x4b: {  	[tilespmem:s19], [sflag:$0x2] =	stream.linear.gather [hbm4b:s24+s4], $0x200, $0x38;
	[tilespmem:$0x1D300] =	vst v63  }
0x4c: {  	_ =	swait.ge [sflag:s2], $0x2000  }
0x4d: {  	[sflag:s2] =	ssyncset.done $0x0  }
0x4e: {  	[sflag:s2] =	ssyncadd.s32 $0xFFFFE000  }
0x4f: {  	_ =	swait.ge [sflag:s20], $0x200  }
0x50: {  	[sflag:s20] =	ssyncset.done $0x0  }
0x51: {  	[sflag:s20] =	ssyncadd.s32 $0xFFFFFE00  }
0x52: {  	[tilespmem:s21], [sflag:$0x3] =	stream.indirect.gather [hbm4b:s5+s19], $0x1, s4, s19, $0xb8;
	[tilespmem:$0x1D300] =	vst v63  }
0x53: {  	_ = 	snop  }
0x54: {  	[tilespmem:s22], [sflag:$0x4] =	stream.indirect.gather [hbm4b:s11+s19], $0x1, s4, s19, $0xb8;
	[tilespmem:$0x1D300] =	vst v63  }
0x55: {  	_ =	swait.ge [sflag:s6], $0x2000  }
0x56: {  	[sflag:s6] =	ssyncset.done $0x0;
	s17 =	rddreg [dreg:$0xd]  }
0x57: {  	s15 =	simm.s32 $0x0;
	s16 =	rddreg [dreg:$0xc];
	[sflag:s6] =	ssyncadd.s32 $0xFFFFE000  }
0x58: {  	[spmem:s3] =	stream.indirect.scatter.add.f32 [tilespmem:s0], [sflag:$0x8], $0x10, s29, s19, $0xb8;
	[tilespmem:$0x1D300] =	vst v63  }
.LBB2_2:
0x59: {  	_ =	swait.ge [sflag:s23], $0x200  }
0x5a: {  	[sflag:s23] =	ssyncset.done $0x0  }
0x5b: {  	[sflag:s23] =	ssyncadd.s32 $0xFFFFFE00  }
0x5c: {  	_ =	swait.ge [sflag:s25], $0x200  }
0x5d: {  	s14 =	sadd.s32 $0x4, s15;
	[sflag:s25] =	ssyncset.done $0x0  }
0x5e: {  	p1 =	sge.u32 s14, s8;
	[sflag:s25] =	ssyncadd.s32 $0xFFFFFE00  }
0x5f: {  	[tilespmem:s26], [sflag:$0x5] =	stream.indirect.gather [hbm4b:s1+s19], $0x10, s22, s19, $0xb8;
	[tilespmem:$0x1D300] =	vst v63  }
0x60: {  	s14 =	simm.s32 @!p1 $0x0  }
0x61: {  	[tilespmem:s14], [sflag:$0x1] =	stream.linear.gather @!p1 [hbm4b:s16+s14], $0x200, $0x38;
	[tilespmem:$0x1D300] =	vst v63  }
0x62: {  	_ =	swait.ge [sflag:s7], $0x2000  }
0x63: {  	[sflag:s7] =	ssyncset.done $0x0  }
0x64: {  	[sflag:s7] =	ssyncadd.s32 $0xFFFFE000  }
0x65: {  	_ =	swait.ge [sflag:s28], $0x200  }
0x66: {  	[sflag:s28] =	ssyncset.done $0x0  }
0x67: {  	[sflag:s28] =	ssyncadd.s32 $0xFFFFFE00  }
0x68: {  	[tilespmem:s29], [sflag:$0x3] =	stream.indirect.gather [hbm4b:s5+s19], $0x1, s19, s19, $0xb8;
	[tilespmem:$0x1D300] =	vst v63  }
0x69: {  	_ = 	snop  }
0x6a: {  	[tilespmem:s30], [sflag:$0x4] =	stream.indirect.gather [hbm4b:s11+s19], $0x1, s19, s19, $0xb8;
	[tilespmem:$0x1D300] =	vst v63  }
0x6b: {  	_ =	swait.ge [sflag:s31], $0x2000  }
0x6c: {  	[sflag:s31] =	ssyncset.done $0x0  }
0x6d: {  	[sflag:s31] =	ssyncadd.s32 $0xFFFFE000  }
0x6e: {  	[spmem:s3] =	stream.indirect.scatter.add.f32 [tilespmem:s26], [sflag:$0x7], $0x10, s21, s19, $0xb8;
	[tilespmem:$0x1D300] =	vst v63  }
0x6f: {  	_ =	swait.ge [sflag:s23], $0x200  }
0x70: {  	[sflag:s23] =	ssyncset.done $0x0  }
0x71: {  	[sflag:s23] =	ssyncadd.s32 $0xFFFFFE00  }
0x72: {  	_ =	swait.ge [sflag:s25], $0x200  }
0x73: {  	s13 =	sadd.s32 $0x5, s15;
	[sflag:s25] =	ssyncset.done $0x0  }
0x74: {  	p2 =	sge.u32 s13, s8;
	[sflag:s25] =	ssyncadd.s32 $0xFFFFFE00  }
0x75: {  	[tilespmem:s0], [sflag:$0x6] =	stream.indirect.gather [hbm4b:s1+s19], $0x10, s30, s19, $0xb8;
	[tilespmem:$0x1D300] =	vst v63  }
0x76: {  	s13 =	simm.s32 @!p2 $0x0;
	s24 =	simm.s32 @!p2 $0x200  }
0x77: {  	[tilespmem:s24], [sflag:$0x2] =	stream.linear.gather @!p2 [hbm4b:s17+s13], $0x200, $0x38;
	[tilespmem:$0x1D300] =	vst v63  }
0x78: {  	_ =	swait.ge [sflag:s2], $0x2000  }
0x79: {  	[sflag:s2] =	ssyncset.done $0x0  }
0x7a: {  	s13 =	simm.s32 @!p1 $0x1;
	[sflag:s2] =	ssyncadd.s32 $0xFFFFE000  }
0x7b: {  	_ =	swait.ge @!p1 [sflag:s13], $0x200  }
0x7c: {  	[sflag:s13] =	ssyncset.done @!p1 $0x0  }
0x7d: {  	s24 =	simm.s32 @!p1 $0x400;
	[sflag:s13] =	ssyncadd.s32 @!p1 $0xFFFFFE00;
	s13 =	simm.s32 @!p1 $0x200  }
0x7e: {  	[tilespmem:s24], [sflag:$0x3] =	stream.indirect.gather @!p1 [hbm4b:s5+s13], $0x1, s14, s13, $0xb8;
	[tilespmem:$0x1D300] =	vst v63  }
0x7f: {  	s24 =	simm.s32 @!p1 $0x800  }
0x80: {  	[tilespmem:s24], [sflag:$0x4] =	stream.indirect.gather @!p1 [hbm4b:s11+s13], $0x1, s14, s13, $0xb8;
	[tilespmem:$0x1D300] =	vst v63  }
0x81: {  	_ =	swait.ge [sflag:s6], $0x2000  }
0x82: {  	s15 =	sadd.s32 $0x2, s15;
	s24 =	rddreg [dreg:$0x4]  }
0x83: {  	p1 =	sne.s32 s24, s15  }
.Ltmp0:
0x84: {  	_ = 	snop;
	(pc) =	sbr.rel @p1 .LBB2_2-.Ltmp0, $4  }
0x85: {  	_ = 	snop  }
0x86: {  	[sflag:s6] =	ssyncset.done $0x0  }
0x87: {  	s16 =	sadd.s32 $0x80, s16;
	s17 =	sadd.s32 $0x80, s17;
	[sflag:s6] =	ssyncadd.s32 $0xFFFFE000  }
0x88: {  	[spmem:s3] =	stream.indirect.scatter.add.f32 [tilespmem:s0], [sflag:$0x8], $0x10, s29, s19, $0xb8;
	[tilespmem:$0x1D300] =	vst v63  }
0x89: {  	s13 =	simm.s32 @!p0 $0x3  }
0x8a: {  	_ =	swait.ge @!p0 [sflag:s13], $0x200  }
0x8b: {  	[sflag:s13] =	ssyncset.done @!p0 $0x0  }
0x8c: {  	[sflag:s13] =	ssyncadd.s32 @!p0 $0xFFFFFE00;
	s13 =	simm.s32 @!p0 $0x4  }
0x8d: {  	_ =	swait.ge @!p0 [sflag:s13], $0x200  }
0x8e: {  	s14 =	simm.s32 @!p0 $0x800;
	[sflag:s13] =	ssyncset.done @!p0 $0x0  }
0x8f: {  	s15 =	simm.s32 @!p0 $0xC00;
	[sflag:s13] =	ssyncadd.s32 @!p0 $0xFFFFFE00;
	s13 =	simm.s32 @!p0 $0x200  }
0x90: {  	[tilespmem:s15], [sflag:$0x5] =	stream.indirect.gather @!p0 [hbm4b:s1+s13], $0x10, s14, s13, $0xb8;
	[tilespmem:$0x1D300] =	vst v63  }
0x91: {  	s14 =	simm.s32 @!p0 $0x5  }
0x92: {  	_ =	swait.ge @!p0 [sflag:s14], $0x2000  }
0x93: {  	[sflag:s14] =	ssyncset.done @!p0 $0x0  }
0x94: {  	[sflag:s14] =	ssyncadd.s32 @!p0 $0xFFFFE000;
	s14 =	simm.s32 @!p0 $0x400  }
0x95: {  	[spmem:s3] =	stream.indirect.scatter.add.f32 @!p0 [tilespmem:s15], [sflag:$0x7], $0x10, s14, s13, $0xb8;
	[tilespmem:$0x1D300] =	vst v63  }
0x96: {  	s13 =	simm.s32 @!p0 $0x7  }
0x97: {  	_ =	swait.ge @!p0 [sflag:s13], $0x2000  }
0x98: {  	[sflag:s13] =	ssyncset.done @!p0 $0x0  }
0x99: {  	[sflag:s13] =	ssyncadd.s32 @!p0 $0xFFFFE000  }
0x9a: {  	_ =	swait.ge [sflag:s7], $0x2000  }
0x9b: {  	[sflag:s7] =	ssyncset.done $0x0  }
0x9c: {  	[sflag:s7] =	ssyncadd.s32 $0xFFFFE000  }
0x9d: {  	[bflag:$0x0] =	sbarrier.arrive $0xFFFF  }
0x9e: {  	s17 =	rddreg [dreg:$0xe]  }
0x9f: {  	[hbm:s17], [sflag:s9] =	dma.local [spmem:s10], $0x30E0  }
0xa0: {  	_ =	swait.ge [sflag:s18], $0x30E0  }
0xa1: {  	s12 =	sadd.s32 $0x1, s12;
	s24 =	rddreg [dreg:$0x9]  }
0xa2: {  	p1 =	sne.s32 s12, s24  }
.Ltmp1:
0xa3: {  	_ = 	snop;
	(pc) =	sbr.rel @p1 .LBB2_1-.Ltmp1, $3  }
0xa4: {  	_ =	sdelay $0x1  }
0xa5: {  	[sflag:s18] =	ssyncset.done $0x0  }
0xa6: {  	[sflag:s18] =	ssyncadd.s32 $0xFFFFCF20  }
0xa7: {  	_ =	sfence.sel $0x180000  }
0xa8: {  	[bflag:$0x0] =	sbarrier.arrive $0xFFFF  }
0xa9: {  	_ =	strace $0x9000004A  }
0xaa: {  	s0 =	stileid.u32;
	[bflag:$0x2] =	sbarrier.arrive $0xFFFF  }
0xab: {  	p0 =	sne.s32 s0, $0x0;
	s0 =	rddreg [dreg:$0x3]  }
0xac: {  	s0 =	sadd.s32 @!p0 $0x100000, s0  }
0xad: {  	[sflag:s0] =	ssyncadd.tile.s32 @!p0 $0x1;
	_ =	shalt  }
.Lfunc_end2:
_tile_overlayer_lowered:
.L_overlay_start_2:
0xae: {  	(tag) =	ssettag $0x2  }
0xaf: {  	s0 =	rddreg [dreg:$0x0];
	s2 =	stileid.u32  }
0xb0: {  	s1 =	rddreg [dreg:$0x1];
	p0 =	sne.s32 s2, $0x0  }
0xb1: {  	s3 =	rddreg [dreg:$0x2];
	[bflag:$0x3] =	sbarrier.arrive $0xFFFF;
	s2 =	simm.s32 @!p0 $0x1C09  }
0xb2: {  	[timem:s3], [sflag:s2] =	dma.local @!p0 [hbm:s0], s1  }
0xb3: {  	s0 =	simm.s32 @!p0 $0x9  }
0xb4: {  	_ =	swait.ge @!p0 [sflag:s0], s1  }
0xb5: {  	s1 =	ssub.s32 @!p0 $0x0, s1;
	[sflag:s0] =	ssyncset.done @!p0 $0x0  }
0xb6: {  	[sflag:s0] =	ssyncadd.s32 @!p0 s1  }
0xb7: {  	[bflag:$0x3] =	sbarrier.arrive $0xFFFF  }
0xb8: {  	_ =	shalt  }

// kernel: kernel.14.cloned.1.call-start
scs
__scs_entry_jumppad:
0x0: {  	(pc) =	sbr.rel $0x88, $3  }
0x1: {  	(tag) =	ssettag $0x0;
	lr =	simm.s32 $0x1  }
0x2: {  	[smem:$0x3F9A] =	sst lr;
	_ =	strace $0xD0000000  }
0x3: {  	_ = 	snop  }
0x4: {  	_ = 	snop  }
0x5: {  	_ = 	snop  }
0x6: {  	_ = 	snop  }
0x7: {  	_ = 	snop  }
__scs_overlays_trampoline_lowered:
0x8: {  	[smem:$0x3FA9] =	sst s0  }
0x9: {  	[smem:$0x3FAA] =	sst s1  }
0xa: {  	[smem:$0x3FAB] =	sst s2  }
0xb: {  	[smem:$0x3FAC] =	sst s3  }
0xc: {  	[smem:$0x3FAD] =	sst s4  }
0xd: {  	[smem:$0x3FAE] =	sst s5  }
0xe: {  	[smem:$0x3FAF] =	sst s6  }
0xf: {  	[smem:$0x3FB0] =	sst s7  }
0x10: {  	[smem:$0x3FB1] =	sst s8  }
0x11: {  	[smem:$0x3FB2] =	sst s9;
	s0 =	simm.s32 @!p0 $0x0  }
0x12: {  	s1 =	sld [smem:$0x3F98];
	s0 =	simm.s32 @p0 $0x1  }
0x13: {  	[smem:$0x3FB3] =	sst s0;
	s0 =	simm.s32 @!p1 $0x0  }
0x14: {  	s2 =	sld [smem:$0x3F97];
	s0 =	simm.s32 @p1 $0x1  }
0x15: {  	[smem:$0x3FB4] =	sst s0;
	s0 =	simm.s32 @!p2 $0x0  }
0x16: {  	s3 =	sld [smem:$0x3FDB];
	s0 =	simm.s32 @p2 $0x1  }
0x17: {  	s4 =	simm.s32 $0x1BF5;
	[smem:$0x3FB6] =	sst s0  }
0x18: {  	s0 =	sld [smem:$0x3F99];
	_ =	swait.ge [sflag:s4], $0x0  }
0x19: {  	s7 =	sld [smem:$0x3F9A]  }
0x1a: {  	s8 =	sadd.s32 $0xFFFFE003, lr  }
0x1b: {  	s9 =	sadd.s32 $0xFFFFFEF7, lr;
	s5 =	simm.s32 $0xFFFFFFFF;
	p2 =	slt.u32 s8, $0xFFFFF086  }
0x1c: {  	p1 =	slt.u32 s9, $0xF7A;
	s5 =	simm.s32 @!p2 $0x0  }
0x1d: {  	s5 =	simm.s32 @p1 $0x1;
	p0 =	seq.s32 s7, s2  }
0x1e: {  	s7 =	smul.u32 @!p0 $0xF7A, s2;
	p2 =	seq.s32 @!p0 s5, $0x0  }
0x1f: {  	s9 =	smul.u32 $0xF7A, s1;
	s8 =	simm.s32 @!p0 $0x1BF5;
	p2 =	por !p2, p0  }
0x20: {  	[sflag:s8] =	ssyncset.s32 @!p0 $0xFFFFF086;
	s6 =	sadd.s32 @!p0 s3, s7;
	s7 =	simm.s32 @!p0 $0x108  }
0x21: {  	s3 =	sadd.s32 s3, s9;
	s6 =	sadd.s32 @!p0 $0x88, s6;
	s7 =	simm.s32 @p2 $0x1082  }
0x22: {  	[simem:s7], [sflag:s8] =	dma.local @!p0 [hbm:s6], $0xF7A  }
0x23: {  	s9 =	sor.u32 $0xD0000000, s2;
	s6 =	simm.s32 $0x108;
	_ =	swait.ge @!p0 [sflag:s8], $0x0  }
0x24: {  	s3 =	sadd.s32 $0x88, s3;
	s6 =	simm.s32 @!p1 $0x1082;
	[sflag:s4] =	ssyncset.s32 $0xFFFFF086  }
0x25: {  	[simem:s6], [sflag:s4] =	dma.local [hbm:s3], $0xF7A  }
0x26: {  	[smem:$0x3F9A] =	sst s1;
	(tag) =	ssettag s2;
	_ =	strace s9  }
0x27: {  	s1 =	sld [smem:$0x3FAA]  }
0x28: {  	s2 =	sld [smem:$0x3FAB]  }
0x29: {  	s4 =	sld [smem:$0x3FAD]  }
0x2a: {  	p0 =	seq.s32 s5, $0x0;
	s5 =	sld [smem:$0x3FAE]  }
0x2b: {  	s6 =	sld [smem:$0x3FAF]  }
0x2c: {  	s7 =	sld [smem:$0x3FB0]  }
0x2d: {  	s3 =	simm.s32 $0x108;
	s8 =	sld [smem:$0x3FB1]  }
0x2e: {  	s3 =	simm.s32 @!p0 $0x1082;
	s9 =	sld [smem:$0x3FB2]  }
0x2f: {  	lr =	sadd.s32 s0, s3;
	s0 =	sld [smem:$0x3FA9]  }
0x30: {  	s3 =	sld [smem:$0x3FAC]  }
0x31: {  	[smem:$0x3FB5] =	sst s10  }
0x32: {  	s10 =	sld [smem:$0x3FB3];
	_ =	sdelay $0x3  }
0x33: {  	p0 =	seq.s32 s10, $0x1;
	s10 =	sld [smem:$0x3FB5];
	_ =	sdelay $0x3  }
0x34: {  	[smem:$0x3FB5] =	sst s10  }
0x35: {  	s10 =	sld [smem:$0x3FB4];
	_ =	sdelay $0x3  }
0x36: {  	p1 =	seq.s32 s10, $0x1;
	s10 =	sld [smem:$0x3FB5];
	_ =	sdelay $0x3  }
0x37: {  	[smem:$0x3FB5] =	sst s10  }
0x38: {  	s10 =	sld [smem:$0x3FB6]  }
0x39: {  	_ = 	snop;
	(pc) =	sbr.ind lr, $3  }
0x3a: {  	_ = 	snop  }
0x3b: {  	_ = 	snop  }
0x3c: {  	p2 =	seq.s32 s10, $0x1;
	s10 =	sld [smem:$0x3FB5]  }
0x3d: {  	_ =	shalt  }
0x3e: {  	_ =	shalt  }
0x3f: {  	_ =	shalt  }
0x40: {  	_ =	shalt  }
0x41: {  	_ =	shalt  }
0x42: {  	_ =	shalt  }
0x43: {  	_ =	shalt  }
0x44: {  	_ =	shalt  }
0x45: {  	_ =	shalt  }
0x46: {  	_ =	shalt  }
0x47: {  	_ =	shalt  }
0x48: {  	_ =	shalt  }
0x49: {  	_ =	shalt  }
0x4a: {  	_ =	shalt  }
0x4b: {  	_ =	shalt  }
0x4c: {  	_ =	shalt  }
0x4d: {  	_ =	shalt  }
0x4e: {  	_ =	shalt  }
0x4f: {  	_ =	shalt  }
0x50: {  	_ =	shalt  }
0x51: {  	_ =	shalt  }
0x52: {  	_ =	shalt  }
0x53: {  	_ =	shalt  }
0x54: {  	_ =	shalt  }
0x55: {  	_ =	shalt  }
0x56: {  	_ =	shalt  }
0x57: {  	_ =	shalt  }
0x58: {  	_ =	shalt  }
0x59: {  	_ =	shalt  }
0x5a: {  	_ =	shalt  }
0x5b: {  	_ =	shalt  }
0x5c: {  	_ =	shalt  }
0x5d: {  	_ =	shalt  }
0x5e: {  	_ =	shalt  }
0x5f: {  	_ =	shalt  }
0x60: {  	_ =	shalt  }
0x61: {  	_ =	shalt  }
0x62: {  	_ =	shalt  }
0x63: {  	_ =	shalt  }
0x64: {  	_ =	shalt  }
0x65: {  	_ =	shalt  }
0x66: {  	_ =	shalt  }
0x67: {  	_ =	shalt  }
0x68: {  	_ =	shalt  }
0x69: {  	_ =	shalt  }
0x6a: {  	_ =	shalt  }
0x6b: {  	_ =	shalt  }
0x6c: {  	_ =	shalt  }
0x6d: {  	_ =	shalt  }
0x6e: {  	_ =	shalt  }
0x6f: {  	_ =	shalt  }
0x70: {  	_ =	shalt  }
0x71: {  	_ =	shalt  }
0x72: {  	_ =	shalt  }
0x73: {  	_ =	shalt  }
0x74: {  	_ =	shalt  }
0x75: {  	_ =	shalt  }
0x76: {  	_ =	shalt  }
0x77: {  	_ =	shalt  }
0x78: {  	_ =	shalt  }
0x79: {  	_ =	shalt  }
0x7a: {  	_ =	shalt  }
0x7b: {  	_ =	shalt  }
0x7c: {  	_ =	shalt  }
0x7d: {  	_ =	shalt  }
0x7e: {  	_ =	shalt  }
0x7f: {  	_ =	shalt  }
0x80: {  	_ =	shalt  }
0x81: {  	_ =	shalt  }
0x82: {  	_ =	shalt  }
0x83: {  	_ =	shalt  }
0x84: {  	_ =	shalt  }
0x85: {  	_ =	shalt  }
0x86: {  	_ =	shalt  }
0x87: {  	_ =	shalt  }
.Lfunc_end0:
.L_simem_size_0:
called_computation.2_lowered:
.L_overlay_start_0:
0x88: {  	s2 =	sld [smem:$0x3FD9]  }
0x89: {  	s3 =	sld [smem:$0x3FFE];
	_ =	sdelay $0x1  }
0x8a: {  	s1 =	srdreg.scid  }
0x8b: {  	s0 =	sand.u32 $0x1, s1  }
0x8c: {  	s17 =	sshll.u32 s0, $0xA;
	s2 =	sadd.s32 s3, s2  }
0x8d: {  	s2 =	sadd.s32 s2, s17  }
0x8e: {  	[smem:$0x3FC1] =	sst s2  }
0x8f: {  	_ = 	snop  }
0x90: {  	s2 =	sld [smem:$0x3FD0];
	(tm) =	ssettm $0x1  }
0x91: {  	s18 =	sld [smem:$0x3FFB];
	_ =	sdelay $0x3  }
0x92: {  	_ =	strace s18  }
0x93: {  	s3 =	sld [smem:$0x3FFC];
	_ =	sdelay $0x3  }
0x94: {  	_ =	strace s3  }
0x95: {  	s3 =	sld [smem:$0x3FFD];
	_ =	sdelay $0x3  }
0x96: {  	_ =	strace s3  }
0x97: {  	_ =	strace $0x8FFFFFFF  }
0x98: {  	s19 =	sld [smem:$0x3FDB];
	_ =	sdelay $0x1  }
0x99: {  	s4 =	simm.s32 $_scs_section_size  }
0x9a: {  	s5 =	simm.s32 $_size__tile_overlayer_lowered;
	s6 =	simm.s32 $_tile_overlayer_lowered  }
0x9b: {  	s22 =	simm.s32 $0x1BFF;
	s21 =	sshll.u32 s6, $0x1;
	s3 =	sadd.s32 s4, s19  }
0x9c: {  	s7 =	simm.s32 $0x0;
	s20 =	sshll.u32 s5, $0x1;
	s5 =	sadd.s32 s21, s3  }
0x9d: {  	[timem:s7], [sflag:s22] =	dma.local [hbm:s5], s20  }
0x9e: {  	_ =	swait.ge [sflag:s22], s20  }
0x9f: {  	s4 =	ssub.s32 $0x0, s20;
	[sflag:s22] =	ssyncset.done $0x0  }
0xa0: {  	[sflag:s22] =	ssyncadd.s32 s4;
	_ =	sdelay $0x1  }
0xa1: {  	s23 =	simm.s32 $0x1B8B  }
0xa2: {  	_ =	swait.ge [sflag:s23], $0x1  }
0xa3: {  	[sflag:s23] =	ssyncset.done $0x0  }
0xa4: {  	s25 =	simm.s32 $0x1B8E;
	s24 =	sld [smem:$0x3FFE];
	[sflag:s23] =	ssyncadd.s32 $0xFFFFFFFF  }
0xa5: {  	s26 =	simm.s32 $execute0_lowered;
	[smem:$0x3FD2] =	sst s25  }
0xa6: {  	s5 =	sshll.u32 s26, $0x1;
	_ =	strace $0x8000004C;
	[dreg:$0x1] =	wrdreg $0xFFFFFFFF  }
0xa7: {  	s28 =	simm.s32 $_size_execute0_lowered;
	s3 =	sadd.s32 s3, s5;
	[dreg:$0x0] =	wrdreg $0x0  }
0xa8: {  	s5 =	sshll.u32 s28, $0x1;
	[dreg:$0x2] =	wrdreg s3  }
0xa9: {  	[dreg:$0x3] =	wrdreg s5  }
0xaa: {  	[dreg:$0x4] =	wrdreg $0xC0  }
0xab: {  	_ =	task [dreg:s7], $0x5FFFF  }
0xac: {  	[dreg:$0x1] =	wrdreg $0xFFFFFFFF  }
0xad: {  	[dreg:$0x0] =	wrdreg $0x60  }
0xae: {  	[dreg:$0x2] =	wrdreg s24  }
0xaf: {  	[dreg:$0x3] =	wrdreg s2  }
0xb0: {  	[dreg:$0x4] =	wrdreg $0x4C000  }
0xb1: {  	[dreg:$0x5] =	wrdreg $0x9  }
0xb2: {  	_ =	task.clear_ibuf [dreg:s7], $0x6FFFF;
	_ =	strace $0x9000004C  }
0xb3: {  	s29 =	simm.s32 $0x9;
	_ =	strace $0x8000004E  }
0xb4: {  	_ =	swait.ge [sflag:s29], $0x1  }
0xb5: {  	[sflag:s29] =	ssyncadd.s32 $0xFFFFFFFF  }
0xb6: {  	_ =	strace $0x9000004E  }
0xb7: {  	_ =	sfence  }
0xb8: {  	s30 =	sld [smem:$0x0];
	_ =	sdelay $0x2  }
0xb9: {  	s31 =	sshll.u32 s1, $0xD;
	s1 =	sshrl.u32 s1, $0x2  }
0xba: {  	s3 =	sand.u32 $0x4000, s31;
	s1 =	sadd.s32 s1, s30  }
0xbb: {  	s0 =	sor.u32 s3, s0;
	s1 =	sshll.u32 s1, $0x11  }
0xbc: {  	s0 =	sor.u32 s1, s0  }
0xbd: {  	s0 =	sadd.s32 $0x8F2B, s0  }
0xbe: {  	[sflag:s0] =	ssyncadd.remote.s32 $0x1  }
0xbf: {  	_ =	sfence.sel $0xFFFF  }
0xc0: {  	[dreg:$0x0] =	wrdreg $0xFFFFFFFF;
	(pc) =	sbr.abs _section_cstart, $3  }
0xc1: {  	[dreg:$0x1] =	wrdreg $0xFFFFFFFF  }
0xc2: {  	_ =	task.clear_ibuf [dreg:s7], $0x2FFFF;
	_ =	strace $0x9FFFFFFF  }
0xc3: {  	(tm) =	ssettm $0x7FFFFFFF  }
tec
execute0_lowered:
.L_overlay_start_1:
0x0: {  	(tag) =	ssettag $0x1  }
0x1: {  	s0 =	rddreg [dreg:$0x0]  }
0x2: {  	s1 =	rddreg [dreg:$0x1]  }
0x3: {  	s3 =	rddreg [dreg:$0x2]  }
0x4: {  	s4 =	simm.s32 $0x0;
	s16 =	stileid.u32;
	s5 =	srdreg.scid  }
0x5: {  	s18 =	simm.s32 $0x9;
	s19 =	simm.s32 $0x200;
	s20 =	simm.s32 $0x1  }
0x6: {  	s28 =	simm.s32 $0x2;
	s29 =	simm.s32 $0x600;
	s30 =	simm.s32 $0xA00  }
0x7: {  	s31 =	simm.s32 $0x5;
	[smem:$0x7FF] =	sst s4;
	s2 =	smul.u32 $0x18700, s16  }
0x8: {  	s6 =	sadd.s32 $0x1B9000, s0;
	s7 =	sand.u32 $0x1, s5;
	s5 =	sadd.s32 $0x1800, s0  }
0x9: {  	s24 =	sshll.u32 s16, $0x6;
	_ =	strace $0x8000004D;
	s8 =	smul.u32 $0x30E00, s7  }
0xa: {  	s11 =	ssub.s32 $0x2, s7;
	s12 =	sshll.u32 s7, $0x4;
	s7 =	smul.u32 $0x610, s7  }
0xb: {  	s10 =	sshrl.u32 s2, $0x3;
	s21 =	sshrl.u32 s11, $0x1;
	s12 =	sor.u32 s16, s12  }
0xc: {  	s2 =	sadd.s32 s2, s3;
	s16 =	smul.u32 $0x61, s16;
	s9 =	sadd.s32 s10, s0  }
0xd: {  	s13 =	sadd.s32 s8, s0;
	s14 =	ssub.s32 s11, s21;
	[dreg:$0x5] =	wrdreg s2  }
0xe: {  	s22 =	smul.u32 $0x61, s12;
	s15 =	smin.u32 s12, $0x15;
	p0 =	slt.u32 s12, $0x15  }
0xf: {  	s8 =	simm.s32 $0x62;
	s11 =	sadd.s32 $0xC4D00, s0;
	s21 =	simm.s32 $0x400  }
0x10: {  	s23 =	sadd.s32 $0x24FC00, s9;
	s9 =	sor.u32 $0x1C09, s24;
	s8 =	simm.s32 @!p0 $0x61  }
0x11: {  	s26 =	sadd.s32 $0x280A00, s13;
	[dreg:$0x6] =	wrdreg s23;
	s2 =	sadd.s32 s15, s22  }
0x12: {  	s12 =	sand.u32 $0x1, s8;
	s22 =	smax.u32 s14, $0x1;
	s23 =	sadd.s32 s16, s7  }
0x13: {  	s24 =	sand.u32 $0x62, s8;
	s26 =	sadd.s32 s10, s26;
	s2 =	sshll.u32 s2, $0x6  }
0x14: {  	[dreg:$0x9] =	wrdreg s22;
	s7 =	sadd.s32 $0xFFFFFFFE, s24;
	s22 =	simm.s32 $0x800  }
0x15: {  	p0 =	seq.s32 s12, $0x0;
	[dreg:$0xe] =	wrdreg s26;
	s26 =	simm.s32 $0xC00  }
0x16: {  	s12 =	simm.s32 $0x0;
	s17 =	sadd.s32 s6, s2;
	s25 =	sadd.s32 $0x80, s2  }
0x17: {  	s2 =	sadd.s32 $0xC0, s2;
	[dreg:$0x4] =	wrdreg s7;
	s0 =	sand.u32 $0x1FFFFFC0, s25  }
0x18: {  	[dreg:$0x7] =	wrdreg s17;
	s17 =	sadd.s32 $0x40, s17;
	s0 =	sadd.s32 s6, s0  }
0x19: {  	s2 =	sand.u32 $0x1FFFFFC0, s2;
	[dreg:$0xa] =	wrdreg s0;
	s0 =	sadd.s32 s15, s23  }
0x1a: {  	[dreg:$0x8] =	wrdreg s17;
	s2 =	sadd.s32 s6, s2;
	s0 =	sshll.u32 s0, $0x6  }
0x1b: {  	s7 =	simm.s32 $0x8;
	[dreg:$0xb] =	wrdreg s2;
	s0 =	sadd.s32 s6, s0  }
0x1c: {  	s23 =	simm.s32 $0x3;
	s2 =	simm.s32 $0x7;
	s25 =	sadd.s32 $0x100, s0  }
0x1d: {  	s6 =	simm.s32 $0x6;
	s0 =	sadd.s32 $0x140, s0;
	[dreg:$0xc] =	wrdreg s25  }
0x1e: {  	[dreg:$0xd] =	wrdreg s0;
	s25 =	simm.s32 $0x4;
	s0 =	simm.s32 $0x2C00  }
.LBB2_1:
0x1f: {  	s10 =	rddreg [dreg:$0x5]  }
0x20: {  	s13 =	rddreg [dreg:$0x6];
	s10 =	sshrl.u32 s10, $0x3  }
0x21: {  	[spmem:s10], [sflag:s9] =	dma.local [hbm:s13], $0x30E0  }
0x22: {  	_ =	swait.ge [sflag:s18], $0x30E0  }
0x23: {  	[sflag:s18] =	ssyncset.done $0x0  }
0x24: {  	[sflag:s18] =	ssyncadd.s32 $0xFFFFCF20  }
0x25: {  	[bflag:$0x0] =	sbarrier.arrive $0xFFFF  }
0x26: {  	s15 =	rddreg [dreg:$0x7]  }
0x27: {  	[tilespmem:s4], [sflag:$0x1] =	stream.linear.gather [hbm4b:s15+s4], $0x200, $0x38;
	[tilespmem:$0x1D300] =	vst v63  }
0x28: {  	s16 =	rddreg [dreg:$0x8]  }
0x29: {  	[tilespmem:s19], [sflag:$0x2] =	stream.linear.gather [hbm4b:s16+s4], $0x200, $0x38;
	[tilespmem:$0x1D300] =	vst v63  }
0x2a: {  	_ =	swait.ge [sflag:s20], $0x200  }
0x2b: {  	[sflag:s20] =	ssyncset.done $0x0  }
0x2c: {  	[sflag:s20] =	ssyncadd.s32 $0xFFFFFE00  }
0x2d: {  	[tilespmem:s21], [sflag:$0x3] =	stream.indirect.gather [hbm4b:s5+s19], $0x1, s4, s19, $0xb8;
	[tilespmem:$0x1D300] =	vst v63  }
0x2e: {  	_ = 	snop  }
0x2f: {  	[tilespmem:s22], [sflag:$0x4] =	stream.indirect.gather [hbm4b:s11+s19], $0x1, s4, s19, $0xb8;
	[tilespmem:$0x1D300] =	vst v63  }
0x30: {  	_ =	swait.ge [sflag:s23], $0x200  }
0x31: {  	[sflag:s23] =	ssyncset.done $0x0  }
0x32: {  	[sflag:s23] =	ssyncadd.s32 $0xFFFFFE00  }
0x33: {  	_ =	swait.ge [sflag:s25], $0x200  }
0x34: {  	[sflag:s25] =	ssyncset.done $0x0  }
0x35: {  	[sflag:s25] =	ssyncadd.s32 $0xFFFFFE00  }
0x36: {  	[tilespmem:s26], [sflag:$0x5] =	stream.indirect.gather [hbm4b:s1+s19], $0x10, s22, s19, $0xb8;
	[tilespmem:$0x1D300] =	vst v63  }
0x37: {  	s17 =	rddreg [dreg:$0xa]  }
0x38: {  	[tilespmem:s4], [sflag:$0x1] =	stream.linear.gather [hbm4b:s17+s4], $0x200, $0x38;
	[tilespmem:$0x1D300] =	vst v63  }
0x39: {  	_ =	swait.ge [sflag:s28], $0x200  }
0x3a: {  	[sflag:s28] =	ssyncset.done $0x0  }
0x3b: {  	[sflag:s28] =	ssyncadd.s32 $0xFFFFFE00  }
0x3c: {  	[tilespmem:s29], [sflag:$0x3] =	stream.indirect.gather [hbm4b:s5+s19], $0x1, s19, s19, $0xb8;
	[tilespmem:$0x1D300] =	vst v63  }
0x3d: {  	_ = 	snop  }
0x3e: {  	[tilespmem:s30], [sflag:$0x4] =	stream.indirect.gather [hbm4b:s11+s19], $0x1, s19, s19, $0xb8;
	[tilespmem:$0x1D300] =	vst v63  }
0x3f: {  	_ =	swait.ge [sflag:s31], $0x2000  }
0x40: {  	[sflag:s31] =	ssyncset.done $0x0  }
0x41: {  	[sflag:s31] =	ssyncadd.s32 $0xFFFFE000  }
0x42: {  	[spmem:s3] =	stream.indirect.scatter.add.f32 [tilespmem:s26], [sflag:$0x7], $0x10, s21, s19, $0xb8;
	[tilespmem:$0x1D300] =	vst v63  }
0x43: {  	_ =	swait.ge [sflag:s23], $0x200  }
0x44: {  	[sflag:s23] =	ssyncset.done $0x0  }
0x45: {  	[sflag:s23] =	ssyncadd.s32 $0xFFFFFE00  }
0x46: {  	_ =	swait.ge [sflag:s25], $0x200  }
0x47: {  	[sflag:s25] =	ssyncset.done $0x0  }
0x48: {  	[sflag:s25] =	ssyncadd.s32 $0xFFFFFE00  }
0x49: {  	[tilespmem:s0], [sflag:$0x6] =	stream.indirect.gather [hbm4b:s1+s19], $0x10, s30, s19, $0xb8;
	[tilespmem:$0x1D300] =	vst v63  }
0x4a: {  	s24 =	rddreg [dreg:$0xb]  }
0x4b: {  	[tilespmem:s19], [sflag:$0x2] =	stream.linear.gather [hbm4b:s24+s4], $0x200, $0x38;
	[tilespmem:$0x1D300] =	vst v63  }
0x4c: {  	_ =	swait.ge [sflag:s2], $0x2000  }
0x4d: {  	[sflag:s2] =	ssyncset.done $0x0  }
0x4e: {  	[sflag:s2] =	ssyncadd.s32 $0xFFFFE000  }
0x4f: {  	_ =	swait.ge [sflag:s20], $0x200  }
0x50: {  	[sflag:s20] =	ssyncset.done $0x0  }
0x51: {  	[sflag:s20] =	ssyncadd.s32 $0xFFFFFE00  }
0x52: {  	[tilespmem:s21], [sflag:$0x3] =	stream.indirect.gather [hbm4b:s5+s19], $0x1, s4, s19, $0xb8;
	[tilespmem:$0x1D300] =	vst v63  }
0x53: {  	_ = 	snop  }
0x54: {  	[tilespmem:s22], [sflag:$0x4] =	stream.indirect.gather [hbm4b:s11+s19], $0x1, s4, s19, $0xb8;
	[tilespmem:$0x1D300] =	vst v63  }
0x55: {  	_ =	swait.ge [sflag:s6], $0x2000  }
0x56: {  	[sflag:s6] =	ssyncset.done $0x0;
	s17 =	rddreg [dreg:$0xd]  }
0x57: {  	s15 =	simm.s32 $0x0;
	s16 =	rddreg [dreg:$0xc];
	[sflag:s6] =	ssyncadd.s32 $0xFFFFE000  }
0x58: {  	[spmem:s3] =	stream.indirect.scatter.add.f32 [tilespmem:s0], [sflag:$0x8], $0x10, s29, s19, $0xb8;
	[tilespmem:$0x1D300] =	vst v63  }
.LBB2_2:
0x59: {  	_ =	swait.ge [sflag:s23], $0x200  }
0x5a: {  	[sflag:s23] =	ssyncset.done $0x0  }
0x5b: {  	[sflag:s23] =	ssyncadd.s32 $0xFFFFFE00  }
0x5c: {  	_ =	swait.ge [sflag:s25], $0x200  }
0x5d: {  	s14 =	sadd.s32 $0x4, s15;
	[sflag:s25] =	ssyncset.done $0x0  }
0x5e: {  	p1 =	sge.u32 s14, s8;
	[sflag:s25] =	ssyncadd.s32 $0xFFFFFE00  }
0x5f: {  	[tilespmem:s26], [sflag:$0x5] =	stream.indirect.gather [hbm4b:s1+s19], $0x10, s22, s19, $0xb8;
	[tilespmem:$0x1D300] =	vst v63  }
0x60: {  	s14 =	simm.s32 @!p1 $0x0  }
0x61: {  	[tilespmem:s14], [sflag:$0x1] =	stream.linear.gather @!p1 [hbm4b:s16+s14], $0x200, $0x38;
	[tilespmem:$0x1D300] =	vst v63  }
0x62: {  	_ =	swait.ge [sflag:s7], $0x2000  }
0x63: {  	[sflag:s7] =	ssyncset.done $0x0  }
0x64: {  	[sflag:s7] =	ssyncadd.s32 $0xFFFFE000  }
0x65: {  	_ =	swait.ge [sflag:s28], $0x200  }
0x66: {  	[sflag:s28] =	ssyncset.done $0x0  }
0x67: {  	[sflag:s28] =	ssyncadd.s32 $0xFFFFFE00  }
0x68: {  	[tilespmem:s29], [sflag:$0x3] =	stream.indirect.gather [hbm4b:s5+s19], $0x1, s19, s19, $0xb8;
	[tilespmem:$0x1D300] =	vst v63  }
0x69: {  	_ = 	snop  }
0x6a: {  	[tilespmem:s30], [sflag:$0x4] =	stream.indirect.gather [hbm4b:s11+s19], $0x1, s19, s19, $0xb8;
	[tilespmem:$0x1D300] =	vst v63  }
0x6b: {  	_ =	swait.ge [sflag:s31], $0x2000  }
0x6c: {  	[sflag:s31] =	ssyncset.done $0x0  }
0x6d: {  	[sflag:s31] =	ssyncadd.s32 $0xFFFFE000  }
0x6e: {  	[spmem:s3] =	stream.indirect.scatter.add.f32 [tilespmem:s26], [sflag:$0x7], $0x10, s21, s19, $0xb8;
	[tilespmem:$0x1D300] =	vst v63  }
0x6f: {  	_ =	swait.ge [sflag:s23], $0x200  }
0x70: {  	[sflag:s23] =	ssyncset.done $0x0  }
0x71: {  	[sflag:s23] =	ssyncadd.s32 $0xFFFFFE00  }
0x72: {  	_ =	swait.ge [sflag:s25], $0x200  }
0x73: {  	s13 =	sadd.s32 $0x5, s15;
	[sflag:s25] =	ssyncset.done $0x0  }
0x74: {  	p2 =	sge.u32 s13, s8;
	[sflag:s25] =	ssyncadd.s32 $0xFFFFFE00  }
0x75: {  	[tilespmem:s0], [sflag:$0x6] =	stream.indirect.gather [hbm4b:s1+s19], $0x10, s30, s19, $0xb8;
	[tilespmem:$0x1D300] =	vst v63  }
0x76: {  	s13 =	simm.s32 @!p2 $0x0;
	s24 =	simm.s32 @!p2 $0x200  }
0x77: {  	[tilespmem:s24], [sflag:$0x2] =	stream.linear.gather @!p2 [hbm4b:s17+s13], $0x200, $0x38;
	[tilespmem:$0x1D300] =	vst v63  }
0x78: {  	_ =	swait.ge [sflag:s2], $0x2000  }
0x79: {  	[sflag:s2] =	ssyncset.done $0x0  }
0x7a: {  	s13 =	simm.s32 @!p1 $0x1;
	[sflag:s2] =	ssyncadd.s32 $0xFFFFE000  }
0x7b: {  	_ =	swait.ge @!p1 [sflag:s13], $0x200  }
0x7c: {  	[sflag:s13] =	ssyncset.done @!p1 $0x0  }
0x7d: {  	s24 =	simm.s32 @!p1 $0x400;
	[sflag:s13] =	ssyncadd.s32 @!p1 $0xFFFFFE00;
	s13 =	simm.s32 @!p1 $0x200  }
0x7e: {  	[tilespmem:s24], [sflag:$0x3] =	stream.indirect.gather @!p1 [hbm4b:s5+s13], $0x1, s14, s13, $0xb8;
	[tilespmem:$0x1D300] =	vst v63  }
0x7f: {  	s24 =	simm.s32 @!p1 $0x800  }
0x80: {  	[tilespmem:s24], [sflag:$0x4] =	stream.indirect.gather @!p1 [hbm4b:s11+s13], $0x1, s14, s13, $0xb8;
	[tilespmem:$0x1D300] =	vst v63  }
0x81: {  	_ =	swait.ge [sflag:s6], $0x2000  }
0x82: {  	s15 =	sadd.s32 $0x2, s15;
	s24 =	rddreg [dreg:$0x4]  }
0x83: {  	p1 =	sne.s32 s24, s15  }
.Ltmp0:
0x84: {  	_ = 	snop;
	(pc) =	sbr.rel @p1 .LBB2_2-.Ltmp0, $4  }
0x85: {  	_ = 	snop  }
0x86: {  	[sflag:s6] =	ssyncset.done $0x0  }
0x87: {  	s16 =	sadd.s32 $0x80, s16;
	s17 =	sadd.s32 $0x80, s17;
	[sflag:s6] =	ssyncadd.s32 $0xFFFFE000  }
0x88: {  	[spmem:s3] =	stream.indirect.scatter.add.f32 [tilespmem:s0], [sflag:$0x8], $0x10, s29, s19, $0xb8;
	[tilespmem:$0x1D300] =	vst v63  }
0x89: {  	s13 =	simm.s32 @!p0 $0x3  }
0x8a: {  	_ =	swait.ge @!p0 [sflag:s13], $0x200  }
0x8b: {  	[sflag:s13] =	ssyncset.done @!p0 $0x0  }
0x8c: {  	[sflag:s13] =	ssyncadd.s32 @!p0 $0xFFFFFE00;
	s13 =	simm.s32 @!p0 $0x4  }
0x8d: {  	_ =	swait.ge @!p0 [sflag:s13], $0x200  }
0x8e: {  	s14 =	simm.s32 @!p0 $0x800;
	[sflag:s13] =	ssyncset.done @!p0 $0x0  }
0x8f: {  	s15 =	simm.s32 @!p0 $0xC00;
	[sflag:s13] =	ssyncadd.s32 @!p0 $0xFFFFFE00;
	s13 =	simm.s32 @!p0 $0x200  }
0x90: {  	[tilespmem:s15], [sflag:$0x5] =	stream.indirect.gather @!p0 [hbm4b:s1+s13], $0x10, s14, s13, $0xb8;
	[tilespmem:$0x1D300] =	vst v63  }
0x91: {  	s14 =	simm.s32 @!p0 $0x5  }
0x92: {  	_ =	swait.ge @!p0 [sflag:s14], $0x2000  }
0x93: {  	[sflag:s14] =	ssyncset.done @!p0 $0x0  }
0x94: {  	[sflag:s14] =	ssyncadd.s32 @!p0 $0xFFFFE000;
	s14 =	simm.s32 @!p0 $0x400  }
0x95: {  	[spmem:s3] =	stream.indirect.scatter.add.f32 @!p0 [tilespmem:s15], [sflag:$0x7], $0x10, s14, s13, $0xb8;
	[tilespmem:$0x1D300] =	vst v63  }
0x96: {  	s13 =	simm.s32 @!p0 $0x7  }
0x97: {  	_ =	swait.ge @!p0 [sflag:s13], $0x2000  }
0x98: {  	[sflag:s13] =	ssyncset.done @!p0 $0x0  }
0x99: {  	[sflag:s13] =	ssyncadd.s32 @!p0 $0xFFFFE000  }
0x9a: {  	_ =	swait.ge [sflag:s7], $0x2000  }
0x9b: {  	[sflag:s7] =	ssyncset.done $0x0  }
0x9c: {  	[sflag:s7] =	ssyncadd.s32 $0xFFFFE000  }
0x9d: {  	[bflag:$0x0] =	sbarrier.arrive $0xFFFF  }
0x9e: {  	s17 =	rddreg [dreg:$0xe]  }
0x9f: {  	[hbm:s17], [sflag:s9] =	dma.local [spmem:s10], $0x30E0  }
0xa0: {  	_ =	swait.ge [sflag:s18], $0x30E0  }
0xa1: {  	s12 =	sadd.s32 $0x1, s12;
	s24 =	rddreg [dreg:$0x9]  }
0xa2: {  	p1 =	sne.s32 s12, s24  }
.Ltmp1:
0xa3: {  	_ = 	snop;
	(pc) =	sbr.rel @p1 .LBB2_1-.Ltmp1, $3  }
0xa4: {  	_ =	sdelay $0x1  }
0xa5: {  	[sflag:s18] =	ssyncset.done $0x0  }
0xa6: {  	[sflag:s18] =	ssyncadd.s32 $0xFFFFCF20  }
0xa7: {  	_ =	sfence.sel $0x180000  }
0xa8: {  	[bflag:$0x0] =	sbarrier.arrive $0xFFFF  }
0xa9: {  	_ =	strace $0x9000004D  }
0xaa: {  	s0 =	stileid.u32;
	[bflag:$0x2] =	sbarrier.arrive $0xFFFF  }
0xab: {  	p0 =	sne.s32 s0, $0x0;
	s0 =	rddreg [dreg:$0x3]  }
0xac: {  	s0 =	sadd.s32 @!p0 $0x100000, s0  }
0xad: {  	[sflag:s0] =	ssyncadd.tile.s32 @!p0 $0x1;
	_ =	shalt  }
.Lfunc_end2:
_tile_overlayer_lowered:
.L_overlay_start_2:
0xae: {  	(tag) =	ssettag $0x2  }
0xaf: {  	s0 =	rddreg [dreg:$0x0];
	s2 =	stileid.u32  }
0xb0: {  	s1 =	rddreg [dreg:$0x1];
	p0 =	sne.s32 s2, $0x0  }
0xb1: {  	s3 =	rddreg [dreg:$0x2];
	[bflag:$0x3] =	sbarrier.arrive $0xFFFF;
	s2 =	simm.s32 @!p0 $0x1C09  }
0xb2: {  	[timem:s3], [sflag:s2] =	dma.local @!p0 [hbm:s0], s1  }
0xb3: {  	s0 =	simm.s32 @!p0 $0x9  }
0xb4: {  	_ =	swait.ge @!p0 [sflag:s0], s1  }
0xb5: {  	s1 =	ssub.s32 @!p0 $0x0, s1;
	[sflag:s0] =	ssyncset.done @!p0 $0x0  }
0xb6: {  	[sflag:s0] =	ssyncadd.s32 @!p0 s1  }
0xb7: {  	[bflag:$0x3] =	sbarrier.arrive $0xFFFF  }
0xb8: {  	_ =	shalt  }

// kernel: kernel.17.cloned.1.call-start
scs
__scs_entry_jumppad:
0x0: {  	(pc) =	sbr.rel $0x88, $3  }
0x1: {  	(tag) =	ssettag $0x0;
	lr =	simm.s32 $0x1  }
0x2: {  	[smem:$0x3F9A] =	sst lr;
	_ =	strace $0xD0000000  }
0x3: {  	_ = 	snop  }
0x4: {  	_ = 	snop  }
0x5: {  	_ = 	snop  }
0x6: {  	_ = 	snop  }
0x7: {  	_ = 	snop  }
__scs_overlays_trampoline_lowered:
0x8: {  	[smem:$0x3FA9] =	sst s0  }
0x9: {  	[smem:$0x3FAA] =	sst s1  }
0xa: {  	[smem:$0x3FAB] =	sst s2  }
0xb: {  	[smem:$0x3FAC] =	sst s3  }
0xc: {  	[smem:$0x3FAD] =	sst s4  }
0xd: {  	[smem:$0x3FAE] =	sst s5  }
0xe: {  	[smem:$0x3FAF] =	sst s6  }
0xf: {  	[smem:$0x3FB0] =	sst s7  }
0x10: {  	[smem:$0x3FB1] =	sst s8  }
0x11: {  	[smem:$0x3FB2] =	sst s9;
	s0 =	simm.s32 @!p0 $0x0  }
0x12: {  	s1 =	sld [smem:$0x3F98];
	s0 =	simm.s32 @p0 $0x1  }
0x13: {  	[smem:$0x3FB3] =	sst s0;
	s0 =	simm.s32 @!p1 $0x0  }
0x14: {  	s2 =	sld [smem:$0x3F97];
	s0 =	simm.s32 @p1 $0x1  }
0x15: {  	[smem:$0x3FB4] =	sst s0;
	s0 =	simm.s32 @!p2 $0x0  }
0x16: {  	s3 =	sld [smem:$0x3FDB];
	s0 =	simm.s32 @p2 $0x1  }
0x17: {  	s4 =	simm.s32 $0x1BF5;
	[smem:$0x3FB6] =	sst s0  }
0x18: {  	s0 =	sld [smem:$0x3F99];
	_ =	swait.ge [sflag:s4], $0x0  }
0x19: {  	s7 =	sld [smem:$0x3F9A]  }
0x1a: {  	s8 =	sadd.s32 $0xFFFFE003, lr  }
0x1b: {  	s9 =	sadd.s32 $0xFFFFFEF7, lr;
	s5 =	simm.s32 $0xFFFFFFFF;
	p2 =	slt.u32 s8, $0xFFFFF086  }
0x1c: {  	p1 =	slt.u32 s9, $0xF7A;
	s5 =	simm.s32 @!p2 $0x0  }
0x1d: {  	s5 =	simm.s32 @p1 $0x1;
	p0 =	seq.s32 s7, s2  }
0x1e: {  	s7 =	smul.u32 @!p0 $0xF7A, s2;
	p2 =	seq.s32 @!p0 s5, $0x0  }
0x1f: {  	s9 =	smul.u32 $0xF7A, s1;
	s8 =	simm.s32 @!p0 $0x1BF5;
	p2 =	por !p2, p0  }
0x20: {  	[sflag:s8] =	ssyncset.s32 @!p0 $0xFFFFF086;
	s6 =	sadd.s32 @!p0 s3, s7;
	s7 =	simm.s32 @!p0 $0x108  }
0x21: {  	s3 =	sadd.s32 s3, s9;
	s6 =	sadd.s32 @!p0 $0x88, s6;
	s7 =	simm.s32 @p2 $0x1082  }
0x22: {  	[simem:s7], [sflag:s8] =	dma.local @!p0 [hbm:s6], $0xF7A  }
0x23: {  	s9 =	sor.u32 $0xD0000000, s2;
	s6 =	simm.s32 $0x108;
	_ =	swait.ge @!p0 [sflag:s8], $0x0  }
0x24: {  	s3 =	sadd.s32 $0x88, s3;
	s6 =	simm.s32 @!p1 $0x1082;
	[sflag:s4] =	ssyncset.s32 $0xFFFFF086  }
0x25: {  	[simem:s6], [sflag:s4] =	dma.local [hbm:s3], $0xF7A  }
0x26: {  	[smem:$0x3F9A] =	sst s1;
	(tag) =	ssettag s2;
	_ =	strace s9  }
0x27: {  	s1 =	sld [smem:$0x3FAA]  }
0x28: {  	s2 =	sld [smem:$0x3FAB]  }
0x29: {  	s4 =	sld [smem:$0x3FAD]  }
0x2a: {  	p0 =	seq.s32 s5, $0x0;
	s5 =	sld [smem:$0x3FAE]  }
0x2b: {  	s6 =	sld [smem:$0x3FAF]  }
0x2c: {  	s7 =	sld [smem:$0x3FB0]  }
0x2d: {  	s3 =	simm.s32 $0x108;
	s8 =	sld [smem:$0x3FB1]  }
0x2e: {  	s3 =	simm.s32 @!p0 $0x1082;
	s9 =	sld [smem:$0x3FB2]  }
0x2f: {  	lr =	sadd.s32 s0, s3;
	s0 =	sld [smem:$0x3FA9]  }
0x30: {  	s3 =	sld [smem:$0x3FAC]  }
0x31: {  	[smem:$0x3FB5] =	sst s10  }
0x32: {  	s10 =	sld [smem:$0x3FB3];
	_ =	sdelay $0x3  }
0x33: {  	p0 =	seq.s32 s10, $0x1;
	s10 =	sld [smem:$0x3FB5];
	_ =	sdelay $0x3  }
0x34: {  	[smem:$0x3FB5] =	sst s10  }
0x35: {  	s10 =	sld [smem:$0x3FB4];
	_ =	sdelay $0x3  }
0x36: {  	p1 =	seq.s32 s10, $0x1;
	s10 =	sld [smem:$0x3FB5];
	_ =	sdelay $0x3  }
0x37: {  	[smem:$0x3FB5] =	sst s10  }
0x38: {  	s10 =	sld [smem:$0x3FB6]  }
0x39: {  	_ = 	snop;
	(pc) =	sbr.ind lr, $3  }
0x3a: {  	_ = 	snop  }
0x3b: {  	_ = 	snop  }
0x3c: {  	p2 =	seq.s32 s10, $0x1;
	s10 =	sld [smem:$0x3FB5]  }
0x3d: {  	_ =	shalt  }
0x3e: {  	_ =	shalt  }
0x3f: {  	_ =	shalt  }
0x40: {  	_ =	shalt  }
0x41: {  	_ =	shalt  }
0x42: {  	_ =	shalt  }
0x43: {  	_ =	shalt  }
0x44: {  	_ =	shalt  }
0x45: {  	_ =	shalt  }
0x46: {  	_ =	shalt  }
0x47: {  	_ =	shalt  }
0x48: {  	_ =	shalt  }
0x49: {  	_ =	shalt  }
0x4a: {  	_ =	shalt  }
0x4b: {  	_ =	shalt  }
0x4c: {  	_ =	shalt  }
0x4d: {  	_ =	shalt  }
0x4e: {  	_ =	shalt  }
0x4f: {  	_ =	shalt  }
0x50: {  	_ =	shalt  }
0x51: {  	_ =	shalt  }
0x52: {  	_ =	shalt  }
0x53: {  	_ =	shalt  }
0x54: {  	_ =	shalt  }
0x55: {  	_ =	shalt  }
0x56: {  	_ =	shalt  }
0x57: {  	_ =	shalt  }
0x58: {  	_ =	shalt  }
0x59: {  	_ =	shalt  }
0x5a: {  	_ =	shalt  }
0x5b: {  	_ =	shalt  }
0x5c: {  	_ =	shalt  }
0x5d: {  	_ =	shalt  }
0x5e: {  	_ =	shalt  }
0x5f: {  	_ =	shalt  }
0x60: {  	_ =	shalt  }
0x61: {  	_ =	shalt  }
0x62: {  	_ =	shalt  }
0x63: {  	_ =	shalt  }
0x64: {  	_ =	shalt  }
0x65: {  	_ =	shalt  }
0x66: {  	_ =	shalt  }
0x67: {  	_ =	shalt  }
0x68: {  	_ =	shalt  }
0x69: {  	_ =	shalt  }
0x6a: {  	_ =	shalt  }
0x6b: {  	_ =	shalt  }
0x6c: {  	_ =	shalt  }
0x6d: {  	_ =	shalt  }
0x6e: {  	_ =	shalt  }
0x6f: {  	_ =	shalt  }
0x70: {  	_ =	shalt  }
0x71: {  	_ =	shalt  }
0x72: {  	_ =	shalt  }
0x73: {  	_ =	shalt  }
0x74: {  	_ =	shalt  }
0x75: {  	_ =	shalt  }
0x76: {  	_ =	shalt  }
0x77: {  	_ =	shalt  }
0x78: {  	_ =	shalt  }
0x79: {  	_ =	shalt  }
0x7a: {  	_ =	shalt  }
0x7b: {  	_ =	shalt  }
0x7c: {  	_ =	shalt  }
0x7d: {  	_ =	shalt  }
0x7e: {  	_ =	shalt  }
0x7f: {  	_ =	shalt  }
0x80: {  	_ =	shalt  }
0x81: {  	_ =	shalt  }
0x82: {  	_ =	shalt  }
0x83: {  	_ =	shalt  }
0x84: {  	_ =	shalt  }
0x85: {  	_ =	shalt  }
0x86: {  	_ =	shalt  }
0x87: {  	_ =	shalt  }
.Lfunc_end0:
.L_simem_size_0:
called_computation.3_lowered:
.L_overlay_start_0:
0x88: {  	s2 =	sld [smem:$0x3FD9]  }
0x89: {  	s3 =	sld [smem:$0x3FFE];
	_ =	sdelay $0x1  }
0x8a: {  	s1 =	srdreg.scid  }
0x8b: {  	s0 =	sand.u32 $0x1, s1  }
0x8c: {  	s17 =	sshll.u32 s0, $0xA;
	s2 =	sadd.s32 s3, s2  }
0x8d: {  	s2 =	sadd.s32 s2, s17  }
0x8e: {  	[smem:$0x3FC1] =	sst s2  }
0x8f: {  	_ = 	snop  }
0x90: {  	s2 =	sld [smem:$0x3FD0];
	(tm) =	ssettm $0x1  }
0x91: {  	s18 =	sld [smem:$0x3FFB];
	_ =	sdelay $0x3  }
0x92: {  	_ =	strace s18  }
0x93: {  	s3 =	sld [smem:$0x3FFC];
	_ =	sdelay $0x3  }
0x94: {  	_ =	strace s3  }
0x95: {  	s3 =	sld [smem:$0x3FFD];
	_ =	sdelay $0x3  }
0x96: {  	_ =	strace s3  }
0x97: {  	_ =	strace $0x8FFFFFFF  }
0x98: {  	s19 =	sld [smem:$0x3FDB];
	_ =	sdelay $0x1  }
0x99: {  	s4 =	simm.s32 $_scs_section_size  }
0x9a: {  	s5 =	simm.s32 $_size__tile_overlayer_lowered;
	s6 =	simm.s32 $_tile_overlayer_lowered  }
0x9b: {  	s22 =	simm.s32 $0x1BFF;
	s21 =	sshll.u32 s6, $0x1;
	s3 =	sadd.s32 s4, s19  }
0x9c: {  	s7 =	simm.s32 $0x0;
	s20 =	sshll.u32 s5, $0x1;
	s5 =	sadd.s32 s21, s3  }
0x9d: {  	[timem:s7], [sflag:s22] =	dma.local [hbm:s5], s20  }
0x9e: {  	_ =	swait.ge [sflag:s22], s20  }
0x9f: {  	s4 =	ssub.s32 $0x0, s20;
	[sflag:s22] =	ssyncset.done $0x0  }
0xa0: {  	[sflag:s22] =	ssyncadd.s32 s4;
	_ =	sdelay $0x1  }
0xa1: {  	s23 =	simm.s32 $0x1B8B  }
0xa2: {  	_ =	swait.ge [sflag:s23], $0x1  }
0xa3: {  	[sflag:s23] =	ssyncset.done $0x0  }
0xa4: {  	s25 =	simm.s32 $0x1B8E;
	s24 =	sld [smem:$0x3FFE];
	[sflag:s23] =	ssyncadd.s32 $0xFFFFFFFF  }
0xa5: {  	s26 =	simm.s32 $execute0_lowered;
	[smem:$0x3FD2] =	sst s25  }
0xa6: {  	s5 =	sshll.u32 s26, $0x1;
	_ =	strace $0x8000004F;
	[dreg:$0x1] =	wrdreg $0xFFFFFFFF  }
0xa7: {  	s28 =	simm.s32 $_size_execute0_lowered;
	s3 =	sadd.s32 s3, s5;
	[dreg:$0x0] =	wrdreg $0x0  }
0xa8: {  	s5 =	sshll.u32 s28, $0x1;
	[dreg:$0x2] =	wrdreg s3  }
0xa9: {  	[dreg:$0x3] =	wrdreg s5  }
0xaa: {  	[dreg:$0x4] =	wrdreg $0xC0  }
0xab: {  	_ =	task [dreg:s7], $0x5FFFF  }
0xac: {  	[dreg:$0x1] =	wrdreg $0xFFFFFFFF  }
0xad: {  	[dreg:$0x0] =	wrdreg $0x60  }
0xae: {  	[dreg:$0x2] =	wrdreg s24  }
0xaf: {  	[dreg:$0x3] =	wrdreg s2  }
0xb0: {  	[dreg:$0x4] =	wrdreg $0x4C000  }
0xb1: {  	[dreg:$0x5] =	wrdreg $0x9  }
0xb2: {  	_ =	task.clear_ibuf [dreg:s7], $0x6FFFF;
	_ =	strace $0x9000004F  }
0xb3: {  	s29 =	simm.s32 $0x9;
	_ =	strace $0x80000051  }
0xb4: {  	_ =	swait.ge [sflag:s29], $0x1  }
0xb5: {  	[sflag:s29] =	ssyncadd.s32 $0xFFFFFFFF  }
0xb6: {  	_ =	strace $0x90000051  }
0xb7: {  	_ =	sfence  }
0xb8: {  	s30 =	sld [smem:$0x0];
	_ =	sdelay $0x2  }
0xb9: {  	s31 =	sshll.u32 s1, $0xD;
	s1 =	sshrl.u32 s1, $0x2  }
0xba: {  	s3 =	sand.u32 $0x4000, s31;
	s1 =	sadd.s32 s1, s30  }
0xbb: {  	s0 =	sor.u32 s3, s0;
	s1 =	sshll.u32 s1, $0x11  }
0xbc: {  	s0 =	sor.u32 s1, s0  }
0xbd: {  	s0 =	sadd.s32 $0x8F2B, s0  }
0xbe: {  	[sflag:s0] =	ssyncadd.remote.s32 $0x1  }
0xbf: {  	_ =	sfence.sel $0xFFFF  }
0xc0: {  	[dreg:$0x0] =	wrdreg $0xFFFFFFFF;
	(pc) =	sbr.abs _section_cstart, $3  }
0xc1: {  	[dreg:$0x1] =	wrdreg $0xFFFFFFFF  }
0xc2: {  	_ =	task.clear_ibuf [dreg:s7], $0x2FFFF;
	_ =	strace $0x9FFFFFFF  }
0xc3: {  	(tm) =	ssettm $0x7FFFFFFF  }
tec
execute0_lowered:
.L_overlay_start_1:
0x0: {  	(tag) =	ssettag $0x1  }
0x1: {  	s0 =	rddreg [dreg:$0x0]  }
0x2: {  	s1 =	rddreg [dreg:$0x1]  }
0x3: {  	s3 =	rddreg [dreg:$0x2]  }
0x4: {  	s4 =	simm.s32 $0x0;
	s16 =	stileid.u32;
	s5 =	srdreg.scid  }
0x5: {  	s18 =	simm.s32 $0x9;
	s19 =	simm.s32 $0x200;
	s20 =	simm.s32 $0x1  }
0x6: {  	s28 =	simm.s32 $0x2;
	s29 =	simm.s32 $0x600;
	s30 =	simm.s32 $0xA00  }
0x7: {  	s31 =	simm.s32 $0x5;
	[smem:$0x7FF] =	sst s4;
	s2 =	smul.u32 $0x18700, s16  }
0x8: {  	s6 =	sadd.s32 $0x1E9E00, s0;
	s7 =	sand.u32 $0x1, s5;
	s5 =	sadd.s32 $0x1800, s0  }
0x9: {  	s24 =	sshll.u32 s16, $0x6;
	_ =	strace $0x80000050;
	s8 =	smul.u32 $0x30E00, s7  }
0xa: {  	s11 =	ssub.s32 $0x2, s7;
	s12 =	sshll.u32 s7, $0x4;
	s7 =	smul.u32 $0x610, s7  }
0xb: {  	s10 =	sshrl.u32 s2, $0x3;
	s21 =	sshrl.u32 s11, $0x1;
	s12 =	sor.u32 s16, s12  }
0xc: {  	s2 =	sadd.s32 s2, s3;
	s16 =	smul.u32 $0x61, s16;
	s9 =	sadd.s32 s10, s0  }
0xd: {  	s13 =	sadd.s32 s8, s0;
	s14 =	ssub.s32 s11, s21;
	[dreg:$0x5] =	wrdreg s2  }
0xe: {  	s22 =	smul.u32 $0x61, s12;
	s15 =	smin.u32 s12, $0x15;
	p0 =	slt.u32 s12, $0x15  }
0xf: {  	s8 =	simm.s32 $0x62;
	s11 =	sadd.s32 $0xC4D00, s0;
	s21 =	simm.s32 $0x400  }
0x10: {  	s23 =	sadd.s32 $0x24FC00, s9;
	s9 =	sor.u32 $0x1C09, s24;
	s8 =	simm.s32 @!p0 $0x61  }
0x11: {  	s26 =	sadd.s32 $0x280A00, s13;
	[dreg:$0x6] =	wrdreg s23;
	s2 =	sadd.s32 s15, s22  }
0x12: {  	s12 =	sand.u32 $0x1, s8;
	s22 =	smax.u32 s14, $0x1;
	s23 =	sadd.s32 s16, s7  }
0x13: {  	s24 =	sand.u32 $0x62, s8;
	s26 =	sadd.s32 s10, s26;
	s2 =	sshll.u32 s2, $0x6  }
0x14: {  	[dreg:$0x9] =	wrdreg s22;
	s7 =	sadd.s32 $0xFFFFFFFE, s24;
	s22 =	simm.s32 $0x800  }
0x15: {  	p0 =	seq.s32 s12, $0x0;
	[dreg:$0xe] =	wrdreg s26;
	s26 =	simm.s32 $0xC00  }
0x16: {  	s12 =	simm.s32 $0x0;
	s17 =	sadd.s32 s6, s2;
	s25 =	sadd.s32 $0x80, s2  }
0x17: {  	s2 =	sadd.s32 $0xC0, s2;
	[dreg:$0x4] =	wrdreg s7;
	s0 =	sand.u32 $0x1FFFFFC0, s25  }
0x18: {  	[dreg:$0x7] =	wrdreg s17;
	s17 =	sadd.s32 $0x40, s17;
	s0 =	sadd.s32 s6, s0  }
0x19: {  	s2 =	sand.u32 $0x1FFFFFC0, s2;
	[dreg:$0xa] =	wrdreg s0;
	s0 =	sadd.s32 s15, s23  }
0x1a: {  	[dreg:$0x8] =	wrdreg s17;
	s2 =	sadd.s32 s6, s2;
	s0 =	sshll.u32 s0, $0x6  }
0x1b: {  	s7 =	simm.s32 $0x8;
	[dreg:$0xb] =	wrdreg s2;
	s0 =	sadd.s32 s6, s0  }
0x1c: {  	s23 =	simm.s32 $0x3;
	s2 =	simm.s32 $0x7;
	s25 =	sadd.s32 $0x100, s0  }
0x1d: {  	s6 =	simm.s32 $0x6;
	s0 =	sadd.s32 $0x140, s0;
	[dreg:$0xc] =	wrdreg s25  }
0x1e: {  	[dreg:$0xd] =	wrdreg s0;
	s25 =	simm.s32 $0x4;
	s0 =	simm.s32 $0x2C00  }
.LBB2_1:
0x1f: {  	s10 =	rddreg [dreg:$0x5]  }
0x20: {  	s13 =	rddreg [dreg:$0x6];
	s10 =	sshrl.u32 s10, $0x3  }
0x21: {  	[spmem:s10], [sflag:s9] =	dma.local [hbm:s13], $0x30E0  }
0x22: {  	_ =	swait.ge [sflag:s18], $0x30E0  }
0x23: {  	[sflag:s18] =	ssyncset.done $0x0  }
0x24: {  	[sflag:s18] =	ssyncadd.s32 $0xFFFFCF20  }
0x25: {  	[bflag:$0x0] =	sbarrier.arrive $0xFFFF  }
0x26: {  	s15 =	rddreg [dreg:$0x7]  }
0x27: {  	[tilespmem:s4], [sflag:$0x1] =	stream.linear.gather [hbm4b:s15+s4], $0x200, $0x38;
	[tilespmem:$0x1D300] =	vst v63  }
0x28: {  	s16 =	rddreg [dreg:$0x8]  }
0x29: {  	[tilespmem:s19], [sflag:$0x2] =	stream.linear.gather [hbm4b:s16+s4], $0x200, $0x38;
	[tilespmem:$0x1D300] =	vst v63  }
0x2a: {  	_ =	swait.ge [sflag:s20], $0x200  }
0x2b: {  	[sflag:s20] =	ssyncset.done $0x0  }
0x2c: {  	[sflag:s20] =	ssyncadd.s32 $0xFFFFFE00  }
0x2d: {  	[tilespmem:s21], [sflag:$0x3] =	stream.indirect.gather [hbm4b:s5+s19], $0x1, s4, s19, $0xb8;
	[tilespmem:$0x1D300] =	vst v63  }
0x2e: {  	_ = 	snop  }
0x2f: {  	[tilespmem:s22], [sflag:$0x4] =	stream.indirect.gather [hbm4b:s11+s19], $0x1, s4, s19, $0xb8;
	[tilespmem:$0x1D300] =	vst v63  }
0x30: {  	_ =	swait.ge [sflag:s23], $0x200  }
0x31: {  	[sflag:s23] =	ssyncset.done $0x0  }
0x32: {  	[sflag:s23] =	ssyncadd.s32 $0xFFFFFE00  }
0x33: {  	_ =	swait.ge [sflag:s25], $0x200  }
0x34: {  	[sflag:s25] =	ssyncset.done $0x0  }
0x35: {  	[sflag:s25] =	ssyncadd.s32 $0xFFFFFE00  }
0x36: {  	[tilespmem:s26], [sflag:$0x5] =	stream.indirect.gather [hbm4b:s1+s19], $0x10, s22, s19, $0xb8;
	[tilespmem:$0x1D300] =	vst v63  }
0x37: {  	s17 =	rddreg [dreg:$0xa]  }
0x38: {  	[tilespmem:s4], [sflag:$0x1] =	stream.linear.gather [hbm4b:s17+s4], $0x200, $0x38;
	[tilespmem:$0x1D300] =	vst v63  }
0x39: {  	_ =	swait.ge [sflag:s28], $0x200  }
0x3a: {  	[sflag:s28] =	ssyncset.done $0x0  }
0x3b: {  	[sflag:s28] =	ssyncadd.s32 $0xFFFFFE00  }
0x3c: {  	[tilespmem:s29], [sflag:$0x3] =	stream.indirect.gather [hbm4b:s5+s19], $0x1, s19, s19, $0xb8;
	[tilespmem:$0x1D300] =	vst v63  }
0x3d: {  	_ = 	snop  }
0x3e: {  	[tilespmem:s30], [sflag:$0x4] =	stream.indirect.gather [hbm4b:s11+s19], $0x1, s19, s19, $0xb8;
	[tilespmem:$0x1D300] =	vst v63  }
0x3f: {  	_ =	swait.ge [sflag:s31], $0x2000  }
0x40: {  	[sflag:s31] =	ssyncset.done $0x0  }
0x41: {  	[sflag:s31] =	ssyncadd.s32 $0xFFFFE000  }
0x42: {  	[spmem:s3] =	stream.indirect.scatter.add.f32 [tilespmem:s26], [sflag:$0x7], $0x10, s21, s19, $0xb8;
	[tilespmem:$0x1D300] =	vst v63  }
0x43: {  	_ =	swait.ge [sflag:s23], $0x200  }
0x44: {  	[sflag:s23] =	ssyncset.done $0x0  }
0x45: {  	[sflag:s23] =	ssyncadd.s32 $0xFFFFFE00  }
0x46: {  	_ =	swait.ge [sflag:s25], $0x200  }
0x47: {  	[sflag:s25] =	ssyncset.done $0x0  }
0x48: {  	[sflag:s25] =	ssyncadd.s32 $0xFFFFFE00  }
0x49: {  	[tilespmem:s0], [sflag:$0x6] =	stream.indirect.gather [hbm4b:s1+s19], $0x10, s30, s19, $0xb8;
	[tilespmem:$0x1D300] =	vst v63  }
0x4a: {  	s24 =	rddreg [dreg:$0xb]  }
0x4b: {  	[tilespmem:s19], [sflag:$0x2] =	stream.linear.gather [hbm4b:s24+s4], $0x200, $0x38;
	[tilespmem:$0x1D300] =	vst v63  }
0x4c: {  	_ =	swait.ge [sflag:s2], $0x2000  }
0x4d: {  	[sflag:s2] =	ssyncset.done $0x0  }
0x4e: {  	[sflag:s2] =	ssyncadd.s32 $0xFFFFE000  }
0x4f: {  	_ =	swait.ge [sflag:s20], $0x200  }
0x50: {  	[sflag:s20] =	ssyncset.done $0x0  }
0x51: {  	[sflag:s20] =	ssyncadd.s32 $0xFFFFFE00  }
0x52: {  	[tilespmem:s21], [sflag:$0x3] =	stream.indirect.gather [hbm4b:s5+s19], $0x1, s4, s19, $0xb8;
	[tilespmem:$0x1D300] =	vst v63  }
0x53: {  	_ = 	snop  }
0x54: {  	[tilespmem:s22], [sflag:$0x4] =	stream.indirect.gather [hbm4b:s11+s19], $0x1, s4, s19, $0xb8;
	[tilespmem:$0x1D300] =	vst v63  }
0x55: {  	_ =	swait.ge [sflag:s6], $0x2000  }
0x56: {  	[sflag:s6] =	ssyncset.done $0x0;
	s17 =	rddreg [dreg:$0xd]  }
0x57: {  	s15 =	simm.s32 $0x0;
	s16 =	rddreg [dreg:$0xc];
	[sflag:s6] =	ssyncadd.s32 $0xFFFFE000  }
0x58: {  	[spmem:s3] =	stream.indirect.scatter.add.f32 [tilespmem:s0], [sflag:$0x8], $0x10, s29, s19, $0xb8;
	[tilespmem:$0x1D300] =	vst v63  }
.LBB2_2:
0x59: {  	_ =	swait.ge [sflag:s23], $0x200  }
0x5a: {  	[sflag:s23] =	ssyncset.done $0x0  }
0x5b: {  	[sflag:s23] =	ssyncadd.s32 $0xFFFFFE00  }
0x5c: {  	_ =	swait.ge [sflag:s25], $0x200  }
0x5d: {  	s14 =	sadd.s32 $0x4, s15;
	[sflag:s25] =	ssyncset.done $0x0  }
0x5e: {  	p1 =	sge.u32 s14, s8;
	[sflag:s25] =	ssyncadd.s32 $0xFFFFFE00  }
0x5f: {  	[tilespmem:s26], [sflag:$0x5] =	stream.indirect.gather [hbm4b:s1+s19], $0x10, s22, s19, $0xb8;
	[tilespmem:$0x1D300] =	vst v63  }
0x60: {  	s14 =	simm.s32 @!p1 $0x0  }
0x61: {  	[tilespmem:s14], [sflag:$0x1] =	stream.linear.gather @!p1 [hbm4b:s16+s14], $0x200, $0x38;
	[tilespmem:$0x1D300] =	vst v63  }
0x62: {  	_ =	swait.ge [sflag:s7], $0x2000  }
0x63: {  	[sflag:s7] =	ssyncset.done $0x0  }
0x64: {  	[sflag:s7] =	ssyncadd.s32 $0xFFFFE000  }
0x65: {  	_ =	swait.ge [sflag:s28], $0x200  }
0x66: {  	[sflag:s28] =	ssyncset.done $0x0  }
0x67: {  	[sflag:s28] =	ssyncadd.s32 $0xFFFFFE00  }
0x68: {  	[tilespmem:s29], [sflag:$0x3] =	stream.indirect.gather [hbm4b:s5+s19], $0x1, s19, s19, $0xb8;
	[tilespmem:$0x1D300] =	vst v63  }
0x69: {  	_ = 	snop  }
0x6a: {  	[tilespmem:s30], [sflag:$0x4] =	stream.indirect.gather [hbm4b:s11+s19], $0x1, s19, s19, $0xb8;
	[tilespmem:$0x1D300] =	vst v63  }
0x6b: {  	_ =	swait.ge [sflag:s31], $0x2000  }
0x6c: {  	[sflag:s31] =	ssyncset.done $0x0  }
0x6d: {  	[sflag:s31] =	ssyncadd.s32 $0xFFFFE000  }
0x6e: {  	[spmem:s3] =	stream.indirect.scatter.add.f32 [tilespmem:s26], [sflag:$0x7], $0x10, s21, s19, $0xb8;
	[tilespmem:$0x1D300] =	vst v63  }
0x6f: {  	_ =	swait.ge [sflag:s23], $0x200  }
0x70: {  	[sflag:s23] =	ssyncset.done $0x0  }
0x71: {  	[sflag:s23] =	ssyncadd.s32 $0xFFFFFE00  }
0x72: {  	_ =	swait.ge [sflag:s25], $0x200  }
0x73: {  	s13 =	sadd.s32 $0x5, s15;
	[sflag:s25] =	ssyncset.done $0x0  }
0x74: {  	p2 =	sge.u32 s13, s8;
	[sflag:s25] =	ssyncadd.s32 $0xFFFFFE00  }
0x75: {  	[tilespmem:s0], [sflag:$0x6] =	stream.indirect.gather [hbm4b:s1+s19], $0x10, s30, s19, $0xb8;
	[tilespmem:$0x1D300] =	vst v63  }
0x76: {  	s13 =	simm.s32 @!p2 $0x0;
	s24 =	simm.s32 @!p2 $0x200  }
0x77: {  	[tilespmem:s24], [sflag:$0x2] =	stream.linear.gather @!p2 [hbm4b:s17+s13], $0x200, $0x38;
	[tilespmem:$0x1D300] =	vst v63  }
0x78: {  	_ =	swait.ge [sflag:s2], $0x2000  }
0x79: {  	[sflag:s2] =	ssyncset.done $0x0  }
0x7a: {  	s13 =	simm.s32 @!p1 $0x1;
	[sflag:s2] =	ssyncadd.s32 $0xFFFFE000  }
0x7b: {  	_ =	swait.ge @!p1 [sflag:s13], $0x200  }
0x7c: {  	[sflag:s13] =	ssyncset.done @!p1 $0x0  }
0x7d: {  	s24 =	simm.s32 @!p1 $0x400;
	[sflag:s13] =	ssyncadd.s32 @!p1 $0xFFFFFE00;
	s13 =	simm.s32 @!p1 $0x200  }
0x7e: {  	[tilespmem:s24], [sflag:$0x3] =	stream.indirect.gather @!p1 [hbm4b:s5+s13], $0x1, s14, s13, $0xb8;
	[tilespmem:$0x1D300] =	vst v63  }
0x7f: {  	s24 =	simm.s32 @!p1 $0x800  }
0x80: {  	[tilespmem:s24], [sflag:$0x4] =	stream.indirect.gather @!p1 [hbm4b:s11+s13], $0x1, s14, s13, $0xb8;
	[tilespmem:$0x1D300] =	vst v63  }
0x81: {  	_ =	swait.ge [sflag:s6], $0x2000  }
0x82: {  	s15 =	sadd.s32 $0x2, s15;
	s24 =	rddreg [dreg:$0x4]  }
0x83: {  	p1 =	sne.s32 s24, s15  }
.Ltmp0:
0x84: {  	_ = 	snop;
	(pc) =	sbr.rel @p1 .LBB2_2-.Ltmp0, $4  }
0x85: {  	_ = 	snop  }
0x86: {  	[sflag:s6] =	ssyncset.done $0x0  }
0x87: {  	s16 =	sadd.s32 $0x80, s16;
	s17 =	sadd.s32 $0x80, s17;
	[sflag:s6] =	ssyncadd.s32 $0xFFFFE000  }
0x88: {  	[spmem:s3] =	stream.indirect.scatter.add.f32 [tilespmem:s0], [sflag:$0x8], $0x10, s29, s19, $0xb8;
	[tilespmem:$0x1D300] =	vst v63  }
0x89: {  	s13 =	simm.s32 @!p0 $0x3  }
0x8a: {  	_ =	swait.ge @!p0 [sflag:s13], $0x200  }
0x8b: {  	[sflag:s13] =	ssyncset.done @!p0 $0x0  }
0x8c: {  	[sflag:s13] =	ssyncadd.s32 @!p0 $0xFFFFFE00;
	s13 =	simm.s32 @!p0 $0x4  }
0x8d: {  	_ =	swait.ge @!p0 [sflag:s13], $0x200  }
0x8e: {  	s14 =	simm.s32 @!p0 $0x800;
	[sflag:s13] =	ssyncset.done @!p0 $0x0  }
0x8f: {  	s15 =	simm.s32 @!p0 $0xC00;
	[sflag:s13] =	ssyncadd.s32 @!p0 $0xFFFFFE00;
	s13 =	simm.s32 @!p0 $0x200  }
0x90: {  	[tilespmem:s15], [sflag:$0x5] =	stream.indirect.gather @!p0 [hbm4b:s1+s13], $0x10, s14, s13, $0xb8;
	[tilespmem:$0x1D300] =	vst v63  }
0x91: {  	s14 =	simm.s32 @!p0 $0x5  }
0x92: {  	_ =	swait.ge @!p0 [sflag:s14], $0x2000  }
0x93: {  	[sflag:s14] =	ssyncset.done @!p0 $0x0  }
0x94: {  	[sflag:s14] =	ssyncadd.s32 @!p0 $0xFFFFE000;
	s14 =	simm.s32 @!p0 $0x400  }
0x95: {  	[spmem:s3] =	stream.indirect.scatter.add.f32 @!p0 [tilespmem:s15], [sflag:$0x7], $0x10, s14, s13, $0xb8;
	[tilespmem:$0x1D300] =	vst v63  }
0x96: {  	s13 =	simm.s32 @!p0 $0x7  }
0x97: {  	_ =	swait.ge @!p0 [sflag:s13], $0x2000  }
0x98: {  	[sflag:s13] =	ssyncset.done @!p0 $0x0  }
0x99: {  	[sflag:s13] =	ssyncadd.s32 @!p0 $0xFFFFE000  }
0x9a: {  	_ =	swait.ge [sflag:s7], $0x2000  }
0x9b: {  	[sflag:s7] =	ssyncset.done $0x0  }
0x9c: {  	[sflag:s7] =	ssyncadd.s32 $0xFFFFE000  }
0x9d: {  	[bflag:$0x0] =	sbarrier.arrive $0xFFFF  }
0x9e: {  	s17 =	rddreg [dreg:$0xe]  }
0x9f: {  	[hbm:s17], [sflag:s9] =	dma.local [spmem:s10], $0x30E0  }
0xa0: {  	_ =	swait.ge [sflag:s18], $0x30E0  }
0xa1: {  	s12 =	sadd.s32 $0x1, s12;
	s24 =	rddreg [dreg:$0x9]  }
0xa2: {  	p1 =	sne.s32 s12, s24  }
.Ltmp1:
0xa3: {  	_ = 	snop;
	(pc) =	sbr.rel @p1 .LBB2_1-.Ltmp1, $3  }
0xa4: {  	_ =	sdelay $0x1  }
0xa5: {  	[sflag:s18] =	ssyncset.done $0x0  }
0xa6: {  	[sflag:s18] =	ssyncadd.s32 $0xFFFFCF20  }
0xa7: {  	_ =	sfence.sel $0x180000  }
0xa8: {  	[bflag:$0x0] =	sbarrier.arrive $0xFFFF  }
0xa9: {  	_ =	strace $0x90000050  }
0xaa: {  	s0 =	stileid.u32;
	[bflag:$0x2] =	sbarrier.arrive $0xFFFF  }
0xab: {  	p0 =	sne.s32 s0, $0x0;
	s0 =	rddreg [dreg:$0x3]  }
0xac: {  	s0 =	sadd.s32 @!p0 $0x100000, s0  }
0xad: {  	[sflag:s0] =	ssyncadd.tile.s32 @!p0 $0x1;
	_ =	shalt  }
.Lfunc_end2:
_tile_overlayer_lowered:
.L_overlay_start_2:
0xae: {  	(tag) =	ssettag $0x2  }
0xaf: {  	s0 =	rddreg [dreg:$0x0];
	s2 =	stileid.u32  }
0xb0: {  	s1 =	rddreg [dreg:$0x1];
	p0 =	sne.s32 s2, $0x0  }
0xb1: {  	s3 =	rddreg [dreg:$0x2];
	[bflag:$0x3] =	sbarrier.arrive $0xFFFF;
	s2 =	simm.s32 @!p0 $0x1C09  }
0xb2: {  	[timem:s3], [sflag:s2] =	dma.local @!p0 [hbm:s0], s1  }
0xb3: {  	s0 =	simm.s32 @!p0 $0x9  }
0xb4: {  	_ =	swait.ge @!p0 [sflag:s0], s1  }
0xb5: {  	s1 =	ssub.s32 @!p0 $0x0, s1;
	[sflag:s0] =	ssyncset.done @!p0 $0x0  }
0xb6: {  	[sflag:s0] =	ssyncadd.s32 @!p0 s1  }
0xb7: {  	[bflag:$0x3] =	sbarrier.arrive $0xFFFF  }
0xb8: {  	_ =	shalt  }

// kernel: kernel.20.cloned.1.call-start
scs
__scs_entry_jumppad:
0x0: {  	(pc) =	sbr.rel $0x88, $3  }
0x1: {  	(tag) =	ssettag $0x0;
	lr =	simm.s32 $0x1  }
0x2: {  	[smem:$0x3F9A] =	sst lr;
	_ =	strace $0xD0000000  }
0x3: {  	_ = 	snop  }
0x4: {  	_ = 	snop  }
0x5: {  	_ = 	snop  }
0x6: {  	_ = 	snop  }
0x7: {  	_ = 	snop  }
__scs_overlays_trampoline_lowered:
0x8: {  	[smem:$0x3FA9] =	sst s0  }
0x9: {  	[smem:$0x3FAA] =	sst s1  }
0xa: {  	[smem:$0x3FAB] =	sst s2  }
0xb: {  	[smem:$0x3FAC] =	sst s3  }
0xc: {  	[smem:$0x3FAD] =	sst s4  }
0xd: {  	[smem:$0x3FAE] =	sst s5  }
0xe: {  	[smem:$0x3FAF] =	sst s6  }
0xf: {  	[smem:$0x3FB0] =	sst s7  }
0x10: {  	[smem:$0x3FB1] =	sst s8  }
0x11: {  	[smem:$0x3FB2] =	sst s9;
	s0 =	simm.s32 @!p0 $0x0  }
0x12: {  	s1 =	sld [smem:$0x3F98];
	s0 =	simm.s32 @p0 $0x1  }
0x13: {  	[smem:$0x3FB3] =	sst s0;
	s0 =	simm.s32 @!p1 $0x0  }
0x14: {  	s2 =	sld [smem:$0x3F97];
	s0 =	simm.s32 @p1 $0x1  }
0x15: {  	[smem:$0x3FB4] =	sst s0;
	s0 =	simm.s32 @!p2 $0x0  }
0x16: {  	s3 =	sld [smem:$0x3FDB];
	s0 =	simm.s32 @p2 $0x1  }
0x17: {  	s4 =	simm.s32 $0x1BF5;
	[smem:$0x3FB6] =	sst s0  }
0x18: {  	s0 =	sld [smem:$0x3F99];
	_ =	swait.ge [sflag:s4], $0x0  }
0x19: {  	s7 =	sld [smem:$0x3F9A]  }
0x1a: {  	s8 =	sadd.s32 $0xFFFFE003, lr  }
0x1b: {  	s9 =	sadd.s32 $0xFFFFFEF7, lr;
	s5 =	simm.s32 $0xFFFFFFFF;
	p2 =	slt.u32 s8, $0xFFFFF086  }
0x1c: {  	p1 =	slt.u32 s9, $0xF7A;
	s5 =	simm.s32 @!p2 $0x0  }
0x1d: {  	s5 =	simm.s32 @p1 $0x1;
	p0 =	seq.s32 s7, s2  }
0x1e: {  	s7 =	smul.u32 @!p0 $0xF7A, s2;
	p2 =	seq.s32 @!p0 s5, $0x0  }
0x1f: {  	s9 =	smul.u32 $0xF7A, s1;
	s8 =	simm.s32 @!p0 $0x1BF5;
	p2 =	por !p2, p0  }
0x20: {  	[sflag:s8] =	ssyncset.s32 @!p0 $0xFFFFF086;
	s6 =	sadd.s32 @!p0 s3, s7;
	s7 =	simm.s32 @!p0 $0x108  }
0x21: {  	s3 =	sadd.s32 s3, s9;
	s6 =	sadd.s32 @!p0 $0x88, s6;
	s7 =	simm.s32 @p2 $0x1082  }
0x22: {  	[simem:s7], [sflag:s8] =	dma.local @!p0 [hbm:s6], $0xF7A  }
0x23: {  	s9 =	sor.u32 $0xD0000000, s2;
	s6 =	simm.s32 $0x108;
	_ =	swait.ge @!p0 [sflag:s8], $0x0  }
0x24: {  	s3 =	sadd.s32 $0x88, s3;
	s6 =	simm.s32 @!p1 $0x1082;
	[sflag:s4] =	ssyncset.s32 $0xFFFFF086  }
0x25: {  	[simem:s6], [sflag:s4] =	dma.local [hbm:s3], $0xF7A  }
0x26: {  	[smem:$0x3F9A] =	sst s1;
	(tag) =	ssettag s2;
	_ =	strace s9  }
0x27: {  	s1 =	sld [smem:$0x3FAA]  }
0x28: {  	s2 =	sld [smem:$0x3FAB]  }
0x29: {  	s4 =	sld [smem:$0x3FAD]  }
0x2a: {  	p0 =	seq.s32 s5, $0x0;
	s5 =	sld [smem:$0x3FAE]  }
0x2b: {  	s6 =	sld [smem:$0x3FAF]  }
0x2c: {  	s7 =	sld [smem:$0x3FB0]  }
0x2d: {  	s3 =	simm.s32 $0x108;
	s8 =	sld [smem:$0x3FB1]  }
0x2e: {  	s3 =	simm.s32 @!p0 $0x1082;
	s9 =	sld [smem:$0x3FB2]  }
0x2f: {  	lr =	sadd.s32 s0, s3;
	s0 =	sld [smem:$0x3FA9]  }
0x30: {  	s3 =	sld [smem:$0x3FAC]  }
0x31: {  	[smem:$0x3FB5] =	sst s10  }
0x32: {  	s10 =	sld [smem:$0x3FB3];
	_ =	sdelay $0x3  }
0x33: {  	p0 =	seq.s32 s10, $0x1;
	s10 =	sld [smem:$0x3FB5];
	_ =	sdelay $0x3  }
0x34: {  	[smem:$0x3FB5] =	sst s10  }
0x35: {  	s10 =	sld [smem:$0x3FB4];
	_ =	sdelay $0x3  }
0x36: {  	p1 =	seq.s32 s10, $0x1;
	s10 =	sld [smem:$0x3FB5];
	_ =	sdelay $0x3  }
0x37: {  	[smem:$0x3FB5] =	sst s10  }
0x38: {  	s10 =	sld [smem:$0x3FB6]  }
0x39: {  	_ = 	snop;
	(pc) =	sbr.ind lr, $3  }
0x3a: {  	_ = 	snop  }
0x3b: {  	_ = 	snop  }
0x3c: {  	p2 =	seq.s32 s10, $0x1;
	s10 =	sld [smem:$0x3FB5]  }
0x3d: {  	_ =	shalt  }
0x3e: {  	_ =	shalt  }
0x3f: {  	_ =	shalt  }
0x40: {  	_ =	shalt  }
0x41: {  	_ =	shalt  }
0x42: {  	_ =	shalt  }
0x43: {  	_ =	shalt  }
0x44: {  	_ =	shalt  }
0x45: {  	_ =	shalt  }
0x46: {  	_ =	shalt  }
0x47: {  	_ =	shalt  }
0x48: {  	_ =	shalt  }
0x49: {  	_ =	shalt  }
0x4a: {  	_ =	shalt  }
0x4b: {  	_ =	shalt  }
0x4c: {  	_ =	shalt  }
0x4d: {  	_ =	shalt  }
0x4e: {  	_ =	shalt  }
0x4f: {  	_ =	shalt  }
0x50: {  	_ =	shalt  }
0x51: {  	_ =	shalt  }
0x52: {  	_ =	shalt  }
0x53: {  	_ =	shalt  }
0x54: {  	_ =	shalt  }
0x55: {  	_ =	shalt  }
0x56: {  	_ =	shalt  }
0x57: {  	_ =	shalt  }
0x58: {  	_ =	shalt  }
0x59: {  	_ =	shalt  }
0x5a: {  	_ =	shalt  }
0x5b: {  	_ =	shalt  }
0x5c: {  	_ =	shalt  }
0x5d: {  	_ =	shalt  }
0x5e: {  	_ =	shalt  }
0x5f: {  	_ =	shalt  }
0x60: {  	_ =	shalt  }
0x61: {  	_ =	shalt  }
0x62: {  	_ =	shalt  }
0x63: {  	_ =	shalt  }
0x64: {  	_ =	shalt  }
0x65: {  	_ =	shalt  }
0x66: {  	_ =	shalt  }
0x67: {  	_ =	shalt  }
0x68: {  	_ =	shalt  }
0x69: {  	_ =	shalt  }
0x6a: {  	_ =	shalt  }
0x6b: {  	_ =	shalt  }
0x6c: {  	_ =	shalt  }
0x6d: {  	_ =	shalt  }
0x6e: {  	_ =	shalt  }
0x6f: {  	_ =	shalt  }
0x70: {  	_ =	shalt  }
0x71: {  	_ =	shalt  }
0x72: {  	_ =	shalt  }
0x73: {  	_ =	shalt  }
0x74: {  	_ =	shalt  }
0x75: {  	_ =	shalt  }
0x76: {  	_ =	shalt  }
0x77: {  	_ =	shalt  }
0x78: {  	_ =	shalt  }
0x79: {  	_ =	shalt  }
0x7a: {  	_ =	shalt  }
0x7b: {  	_ =	shalt  }
0x7c: {  	_ =	shalt  }
0x7d: {  	_ =	shalt  }
0x7e: {  	_ =	shalt  }
0x7f: {  	_ =	shalt  }
0x80: {  	_ =	shalt  }
0x81: {  	_ =	shalt  }
0x82: {  	_ =	shalt  }
0x83: {  	_ =	shalt  }
0x84: {  	_ =	shalt  }
0x85: {  	_ =	shalt  }
0x86: {  	_ =	shalt  }
0x87: {  	_ =	shalt  }
.Lfunc_end0:
.L_simem_size_0:
called_computation.4_lowered:
.L_overlay_start_0:
0x88: {  	s2 =	sld [smem:$0x3FD9]  }
0x89: {  	s3 =	sld [smem:$0x3FFE];
	_ =	sdelay $0x1  }
0x8a: {  	s1 =	srdreg.scid  }
0x8b: {  	s0 =	sand.u32 $0x1, s1  }
0x8c: {  	s17 =	sshll.u32 s0, $0xA;
	s2 =	sadd.s32 s3, s2  }
0x8d: {  	s2 =	sadd.s32 s2, s17  }
0x8e: {  	[smem:$0x3FC1] =	sst s2  }
0x8f: {  	_ = 	snop  }
0x90: {  	s2 =	sld [smem:$0x3FD0];
	(tm) =	ssettm $0x1  }
0x91: {  	s18 =	sld [smem:$0x3FFB];
	_ =	sdelay $0x3  }
0x92: {  	_ =	strace s18  }
0x93: {  	s3 =	sld [smem:$0x3FFC];
	_ =	sdelay $0x3  }
0x94: {  	_ =	strace s3  }
0x95: {  	s3 =	sld [smem:$0x3FFD];
	_ =	sdelay $0x3  }
0x96: {  	_ =	strace s3  }
0x97: {  	_ =	strace $0x8FFFFFFF  }
0x98: {  	s19 =	sld [smem:$0x3FDB];
	_ =	sdelay $0x1  }
0x99: {  	s4 =	simm.s32 $_scs_section_size  }
0x9a: {  	s5 =	simm.s32 $_size__tile_overlayer_lowered;
	s6 =	simm.s32 $_tile_overlayer_lowered  }
0x9b: {  	s22 =	simm.s32 $0x1BFF;
	s21 =	sshll.u32 s6, $0x1;
	s3 =	sadd.s32 s4, s19  }
0x9c: {  	s7 =	simm.s32 $0x0;
	s20 =	sshll.u32 s5, $0x1;
	s5 =	sadd.s32 s21, s3  }
0x9d: {  	[timem:s7], [sflag:s22] =	dma.local [hbm:s5], s20  }
0x9e: {  	_ =	swait.ge [sflag:s22], s20  }
0x9f: {  	s4 =	ssub.s32 $0x0, s20;
	[sflag:s22] =	ssyncset.done $0x0  }
0xa0: {  	[sflag:s22] =	ssyncadd.s32 s4;
	_ =	sdelay $0x1  }
0xa1: {  	s23 =	simm.s32 $0x1B8B  }
0xa2: {  	_ =	swait.ge [sflag:s23], $0x1  }
0xa3: {  	[sflag:s23] =	ssyncset.done $0x0  }
0xa4: {  	s25 =	simm.s32 $0x1B8E;
	s24 =	sld [smem:$0x3FFE];
	[sflag:s23] =	ssyncadd.s32 $0xFFFFFFFF  }
0xa5: {  	s26 =	simm.s32 $execute0_lowered;
	[smem:$0x3FD2] =	sst s25  }
0xa6: {  	s5 =	sshll.u32 s26, $0x1;
	_ =	strace $0x80000052;
	[dreg:$0x1] =	wrdreg $0xFFFFFFFF  }
0xa7: {  	s28 =	simm.s32 $_size_execute0_lowered;
	s3 =	sadd.s32 s3, s5;
	[dreg:$0x0] =	wrdreg $0x0  }
0xa8: {  	s5 =	sshll.u32 s28, $0x1;
	[dreg:$0x2] =	wrdreg s3  }
0xa9: {  	[dreg:$0x3] =	wrdreg s5  }
0xaa: {  	[dreg:$0x4] =	wrdreg $0xC0  }
0xab: {  	_ =	task [dreg:s7], $0x5FFFF  }
0xac: {  	[dreg:$0x1] =	wrdreg $0xFFFFFFFF  }
0xad: {  	[dreg:$0x0] =	wrdreg $0x60  }
0xae: {  	[dreg:$0x2] =	wrdreg s24  }
0xaf: {  	[dreg:$0x3] =	wrdreg s2  }
0xb0: {  	[dreg:$0x4] =	wrdreg $0x4C000  }
0xb1: {  	[dreg:$0x5] =	wrdreg $0x9  }
0xb2: {  	_ =	task.clear_ibuf [dreg:s7], $0x6FFFF;
	_ =	strace $0x90000052  }
0xb3: {  	s29 =	simm.s32 $0x9;
	_ =	strace $0x80000054  }
0xb4: {  	_ =	swait.ge [sflag:s29], $0x1  }
0xb5: {  	[sflag:s29] =	ssyncadd.s32 $0xFFFFFFFF  }
0xb6: {  	_ =	strace $0x90000054  }
0xb7: {  	_ =	sfence  }
0xb8: {  	s30 =	sld [smem:$0x0];
	_ =	sdelay $0x2  }
0xb9: {  	s31 =	sshll.u32 s1, $0xD;
	s1 =	sshrl.u32 s1, $0x2  }
0xba: {  	s3 =	sand.u32 $0x4000, s31;
	s1 =	sadd.s32 s1, s30  }
0xbb: {  	s0 =	sor.u32 s3, s0;
	s1 =	sshll.u32 s1, $0x11  }
0xbc: {  	s0 =	sor.u32 s1, s0  }
0xbd: {  	s0 =	sadd.s32 $0x8F2B, s0  }
0xbe: {  	[sflag:s0] =	ssyncadd.remote.s32 $0x1  }
0xbf: {  	_ =	sfence.sel $0xFFFF  }
0xc0: {  	[dreg:$0x0] =	wrdreg $0xFFFFFFFF;
	(pc) =	sbr.abs _section_cstart, $3  }
0xc1: {  	[dreg:$0x1] =	wrdreg $0xFFFFFFFF  }
0xc2: {  	_ =	task.clear_ibuf [dreg:s7], $0x2FFFF;
	_ =	strace $0x9FFFFFFF  }
0xc3: {  	(tm) =	ssettm $0x7FFFFFFF  }
tec
execute0_lowered:
.L_overlay_start_1:
0x0: {  	(tag) =	ssettag $0x1  }
0x1: {  	s0 =	rddreg [dreg:$0x0]  }
0x2: {  	s1 =	rddreg [dreg:$0x1]  }
0x3: {  	s3 =	rddreg [dreg:$0x2]  }
0x4: {  	s4 =	simm.s32 $0x0;
	s16 =	stileid.u32;
	s5 =	srdreg.scid  }
0x5: {  	s18 =	simm.s32 $0x9;
	s19 =	simm.s32 $0x200;
	s20 =	simm.s32 $0x1  }
0x6: {  	s28 =	simm.s32 $0x2;
	s29 =	simm.s32 $0x600;
	s30 =	simm.s32 $0xA00  }
0x7: {  	s31 =	simm.s32 $0x5;
	[smem:$0x7FF] =	sst s4;
	s2 =	smul.u32 $0x18700, s16  }
0x8: {  	s6 =	sadd.s32 $0x21AC00, s0;
	s7 =	sand.u32 $0x1, s5;
	s5 =	sadd.s32 $0x1800, s0  }
0x9: {  	s24 =	sshll.u32 s16, $0x6;
	_ =	strace $0x80000053;
	s8 =	smul.u32 $0x30E00, s7  }
0xa: {  	s11 =	ssub.s32 $0x2, s7;
	s12 =	sshll.u32 s7, $0x4;
	s7 =	smul.u32 $0x610, s7  }
0xb: {  	s10 =	sshrl.u32 s2, $0x3;
	s21 =	sshrl.u32 s11, $0x1;
	s12 =	sor.u32 s16, s12  }
0xc: {  	s2 =	sadd.s32 s2, s3;
	s16 =	smul.u32 $0x61, s16;
	s9 =	sadd.s32 s10, s0  }
0xd: {  	s13 =	sadd.s32 s8, s0;
	s14 =	ssub.s32 s11, s21;
	[dreg:$0x5] =	wrdreg s2  }
0xe: {  	s22 =	smul.u32 $0x61, s12;
	s15 =	smin.u32 s12, $0x15;
	p0 =	slt.u32 s12, $0x15  }
0xf: {  	s8 =	simm.s32 $0x62;
	s11 =	sadd.s32 $0xC4D00, s0;
	s21 =	simm.s32 $0x400  }
0x10: {  	s23 =	sadd.s32 $0x24FC00, s9;
	s9 =	sor.u32 $0x1C09, s24;
	s8 =	simm.s32 @!p0 $0x61  }
0x11: {  	s26 =	sadd.s32 $0x188200, s13;
	[dreg:$0x6] =	wrdreg s23;
	s2 =	sadd.s32 s15, s22  }
0x12: {  	s12 =	sand.u32 $0x1, s8;
	s22 =	smax.u32 s14, $0x1;
	s23 =	sadd.s32 s16, s7  }
0x13: {  	s24 =	sand.u32 $0x62, s8;
	s26 =	sadd.s32 s10, s26;
	s2 =	sshll.u32 s2, $0x6  }
0x14: {  	[dreg:$0x9] =	wrdreg s22;
	s7 =	sadd.s32 $0xFFFFFFFE, s24;
	s22 =	simm.s32 $0x800  }
0x15: {  	p0 =	seq.s32 s12, $0x0;
	[dreg:$0xe] =	wrdreg s26;
	s26 =	simm.s32 $0xC00  }
0x16: {  	s12 =	simm.s32 $0x0;
	s17 =	sadd.s32 s6, s2;
	s25 =	sadd.s32 $0x80, s2  }
0x17: {  	s2 =	sadd.s32 $0xC0, s2;
	[dreg:$0x4] =	wrdreg s7;
	s0 =	sand.u32 $0x1FFFFFC0, s25  }
0x18: {  	[dreg:$0x7] =	wrdreg s17;
	s17 =	sadd.s32 $0x40, s17;
	s0 =	sadd.s32 s6, s0  }
0x19: {  	s2 =	sand.u32 $0x1FFFFFC0, s2;
	[dreg:$0xa] =	wrdreg s0;
	s0 =	sadd.s32 s15, s23  }
0x1a: {  	[dreg:$0x8] =	wrdreg s17;
	s2 =	sadd.s32 s6, s2;
	s0 =	sshll.u32 s0, $0x6  }
0x1b: {  	s7 =	simm.s32 $0x8;
	[dreg:$0xb] =	wrdreg s2;
	s0 =	sadd.s32 s6, s0  }
0x1c: {  	s23 =	simm.s32 $0x3;
	s2 =	simm.s32 $0x7;
	s25 =	sadd.s32 $0x100, s0  }
0x1d: {  	s6 =	simm.s32 $0x6;
	s0 =	sadd.s32 $0x140, s0;
	[dreg:$0xc] =	wrdreg s25  }
0x1e: {  	[dreg:$0xd] =	wrdreg s0;
	s25 =	simm.s32 $0x4;
	s0 =	simm.s32 $0x2C00  }
.LBB2_1:
0x1f: {  	s10 =	rddreg [dreg:$0x5]  }
0x20: {  	s13 =	rddreg [dreg:$0x6];
	s10 =	sshrl.u32 s10, $0x3  }
0x21: {  	[spmem:s10], [sflag:s9] =	dma.local [hbm:s13], $0x30E0  }
0x22: {  	_ =	swait.ge [sflag:s18], $0x30E0  }
0x23: {  	[sflag:s18] =	ssyncset.done $0x0  }
0x24: {  	[sflag:s18] =	ssyncadd.s32 $0xFFFFCF20  }
0x25: {  	[bflag:$0x0] =	sbarrier.arrive $0xFFFF  }
0x26: {  	s15 =	rddreg [dreg:$0x7]  }
0x27: {  	[tilespmem:s4], [sflag:$0x1] =	stream.linear.gather [hbm4b:s15+s4], $0x200, $0x38;
	[tilespmem:$0x1D300] =	vst v63  }
0x28: {  	s16 =	rddreg [dreg:$0x8]  }
0x29: {  	[tilespmem:s19], [sflag:$0x2] =	stream.linear.gather [hbm4b:s16+s4], $0x200, $0x38;
	[tilespmem:$0x1D300] =	vst v63  }
0x2a: {  	_ =	swait.ge [sflag:s20], $0x200  }
0x2b: {  	[sflag:s20] =	ssyncset.done $0x0  }
0x2c: {  	[sflag:s20] =	ssyncadd.s32 $0xFFFFFE00  }
0x2d: {  	[tilespmem:s21], [sflag:$0x3] =	stream.indirect.gather [hbm4b:s5+s19], $0x1, s4, s19, $0xb8;
	[tilespmem:$0x1D300] =	vst v63  }
0x2e: {  	_ = 	snop  }
0x2f: {  	[tilespmem:s22], [sflag:$0x4] =	stream.indirect.gather [hbm4b:s11+s19], $0x1, s4, s19, $0xb8;
	[tilespmem:$0x1D300] =	vst v63  }
0x30: {  	_ =	swait.ge [sflag:s23], $0x200  }
0x31: {  	[sflag:s23] =	ssyncset.done $0x0  }
0x32: {  	[sflag:s23] =	ssyncadd.s32 $0xFFFFFE00  }
0x33: {  	_ =	swait.ge [sflag:s25], $0x200  }
0x34: {  	[sflag:s25] =	ssyncset.done $0x0  }
0x35: {  	[sflag:s25] =	ssyncadd.s32 $0xFFFFFE00  }
0x36: {  	[tilespmem:s26], [sflag:$0x5] =	stream.indirect.gather [hbm4b:s1+s19], $0x10, s22, s19, $0xb8;
	[tilespmem:$0x1D300] =	vst v63  }
0x37: {  	s17 =	rddreg [dreg:$0xa]  }
0x38: {  	[tilespmem:s4], [sflag:$0x1] =	stream.linear.gather [hbm4b:s17+s4], $0x200, $0x38;
	[tilespmem:$0x1D300] =	vst v63  }
0x39: {  	_ =	swait.ge [sflag:s28], $0x200  }
0x3a: {  	[sflag:s28] =	ssyncset.done $0x0  }
0x3b: {  	[sflag:s28] =	ssyncadd.s32 $0xFFFFFE00  }
0x3c: {  	[tilespmem:s29], [sflag:$0x3] =	stream.indirect.gather [hbm4b:s5+s19], $0x1, s19, s19, $0xb8;
	[tilespmem:$0x1D300] =	vst v63  }
0x3d: {  	_ = 	snop  }
0x3e: {  	[tilespmem:s30], [sflag:$0x4] =	stream.indirect.gather [hbm4b:s11+s19], $0x1, s19, s19, $0xb8;
	[tilespmem:$0x1D300] =	vst v63  }
0x3f: {  	_ =	swait.ge [sflag:s31], $0x2000  }
0x40: {  	[sflag:s31] =	ssyncset.done $0x0  }
0x41: {  	[sflag:s31] =	ssyncadd.s32 $0xFFFFE000  }
0x42: {  	[spmem:s3] =	stream.indirect.scatter.add.f32 [tilespmem:s26], [sflag:$0x7], $0x10, s21, s19, $0xb8;
	[tilespmem:$0x1D300] =	vst v63  }
0x43: {  	_ =	swait.ge [sflag:s23], $0x200  }
0x44: {  	[sflag:s23] =	ssyncset.done $0x0  }
0x45: {  	[sflag:s23] =	ssyncadd.s32 $0xFFFFFE00  }
0x46: {  	_ =	swait.ge [sflag:s25], $0x200  }
0x47: {  	[sflag:s25] =	ssyncset.done $0x0  }
0x48: {  	[sflag:s25] =	ssyncadd.s32 $0xFFFFFE00  }
0x49: {  	[tilespmem:s0], [sflag:$0x6] =	stream.indirect.gather [hbm4b:s1+s19], $0x10, s30, s19, $0xb8;
	[tilespmem:$0x1D300] =	vst v63  }
0x4a: {  	s24 =	rddreg [dreg:$0xb]  }
0x4b: {  	[tilespmem:s19], [sflag:$0x2] =	stream.linear.gather [hbm4b:s24+s4], $0x200, $0x38;
	[tilespmem:$0x1D300] =	vst v63  }
0x4c: {  	_ =	swait.ge [sflag:s2], $0x2000  }
0x4d: {  	[sflag:s2] =	ssyncset.done $0x0  }
0x4e: {  	[sflag:s2] =	ssyncadd.s32 $0xFFFFE000  }
0x4f: {  	_ =	swait.ge [sflag:s20], $0x200  }
0x50: {  	[sflag:s20] =	ssyncset.done $0x0  }
0x51: {  	[sflag:s20] =	ssyncadd.s32 $0xFFFFFE00  }
0x52: {  	[tilespmem:s21], [sflag:$0x3] =	stream.indirect.gather [hbm4b:s5+s19], $0x1, s4, s19, $0xb8;
	[tilespmem:$0x1D300] =	vst v63  }
0x53: {  	_ = 	snop  }
0x54: {  	[tilespmem:s22], [sflag:$0x4] =	stream.indirect.gather [hbm4b:s11+s19], $0x1, s4, s19, $0xb8;
	[tilespmem:$0x1D300] =	vst v63  }
0x55: {  	_ =	swait.ge [sflag:s6], $0x2000  }
0x56: {  	[sflag:s6] =	ssyncset.done $0x0;
	s17 =	rddreg [dreg:$0xd]  }
0x57: {  	s15 =	simm.s32 $0x0;
	s16 =	rddreg [dreg:$0xc];
	[sflag:s6] =	ssyncadd.s32 $0xFFFFE000  }
0x58: {  	[spmem:s3] =	stream.indirect.scatter.add.f32 [tilespmem:s0], [sflag:$0x8], $0x10, s29, s19, $0xb8;
	[tilespmem:$0x1D300] =	vst v63  }
.LBB2_2:
0x59: {  	_ =	swait.ge [sflag:s23], $0x200  }
0x5a: {  	[sflag:s23] =	ssyncset.done $0x0  }
0x5b: {  	[sflag:s23] =	ssyncadd.s32 $0xFFFFFE00  }
0x5c: {  	_ =	swait.ge [sflag:s25], $0x200  }
0x5d: {  	s14 =	sadd.s32 $0x4, s15;
	[sflag:s25] =	ssyncset.done $0x0  }
0x5e: {  	p1 =	sge.u32 s14, s8;
	[sflag:s25] =	ssyncadd.s32 $0xFFFFFE00  }
0x5f: {  	[tilespmem:s26], [sflag:$0x5] =	stream.indirect.gather [hbm4b:s1+s19], $0x10, s22, s19, $0xb8;
	[tilespmem:$0x1D300] =	vst v63  }
0x60: {  	s14 =	simm.s32 @!p1 $0x0  }
0x61: {  	[tilespmem:s14], [sflag:$0x1] =	stream.linear.gather @!p1 [hbm4b:s16+s14], $0x200, $0x38;
	[tilespmem:$0x1D300] =	vst v63  }
0x62: {  	_ =	swait.ge [sflag:s7], $0x2000  }
0x63: {  	[sflag:s7] =	ssyncset.done $0x0  }
0x64: {  	[sflag:s7] =	ssyncadd.s32 $0xFFFFE000  }
0x65: {  	_ =	swait.ge [sflag:s28], $0x200  }
0x66: {  	[sflag:s28] =	ssyncset.done $0x0  }
0x67: {  	[sflag:s28] =	ssyncadd.s32 $0xFFFFFE00  }
0x68: {  	[tilespmem:s29], [sflag:$0x3] =	stream.indirect.gather [hbm4b:s5+s19], $0x1, s19, s19, $0xb8;
	[tilespmem:$0x1D300] =	vst v63  }
0x69: {  	_ = 	snop  }
0x6a: {  	[tilespmem:s30], [sflag:$0x4] =	stream.indirect.gather [hbm4b:s11+s19], $0x1, s19, s19, $0xb8;
	[tilespmem:$0x1D300] =	vst v63  }
0x6b: {  	_ =	swait.ge [sflag:s31], $0x2000  }
0x6c: {  	[sflag:s31] =	ssyncset.done $0x0  }
0x6d: {  	[sflag:s31] =	ssyncadd.s32 $0xFFFFE000  }
0x6e: {  	[spmem:s3] =	stream.indirect.scatter.add.f32 [tilespmem:s26], [sflag:$0x7], $0x10, s21, s19, $0xb8;
	[tilespmem:$0x1D300] =	vst v63  }
0x6f: {  	_ =	swait.ge [sflag:s23], $0x200  }
0x70: {  	[sflag:s23] =	ssyncset.done $0x0  }
0x71: {  	[sflag:s23] =	ssyncadd.s32 $0xFFFFFE00  }
0x72: {  	_ =	swait.ge [sflag:s25], $0x200  }
0x73: {  	s13 =	sadd.s32 $0x5, s15;
	[sflag:s25] =	ssyncset.done $0x0  }
0x74: {  	p2 =	sge.u32 s13, s8;
	[sflag:s25] =	ssyncadd.s32 $0xFFFFFE00  }
0x75: {  	[tilespmem:s0], [sflag:$0x6] =	stream.indirect.gather [hbm4b:s1+s19], $0x10, s30, s19, $0xb8;
	[tilespmem:$0x1D300] =	vst v63  }
0x76: {  	s13 =	simm.s32 @!p2 $0x0;
	s24 =	simm.s32 @!p2 $0x200  }
0x77: {  	[tilespmem:s24], [sflag:$0x2] =	stream.linear.gather @!p2 [hbm4b:s17+s13], $0x200, $0x38;
	[tilespmem:$0x1D300] =	vst v63  }
0x78: {  	_ =	swait.ge [sflag:s2], $0x2000  }
0x79: {  	[sflag:s2] =	ssyncset.done $0x0  }
0x7a: {  	s13 =	simm.s32 @!p1 $0x1;
	[sflag:s2] =	ssyncadd.s32 $0xFFFFE000  }
0x7b: {  	_ =	swait.ge @!p1 [sflag:s13], $0x200  }
0x7c: {  	[sflag:s13] =	ssyncset.done @!p1 $0x0  }
0x7d: {  	s24 =	simm.s32 @!p1 $0x400;
	[sflag:s13] =	ssyncadd.s32 @!p1 $0xFFFFFE00;
	s13 =	simm.s32 @!p1 $0x200  }
0x7e: {  	[tilespmem:s24], [sflag:$0x3] =	stream.indirect.gather @!p1 [hbm4b:s5+s13], $0x1, s14, s13, $0xb8;
	[tilespmem:$0x1D300] =	vst v63  }
0x7f: {  	s24 =	simm.s32 @!p1 $0x800  }
0x80: {  	[tilespmem:s24], [sflag:$0x4] =	stream.indirect.gather @!p1 [hbm4b:s11+s13], $0x1, s14, s13, $0xb8;
	[tilespmem:$0x1D300] =	vst v63  }
0x81: {  	_ =	swait.ge [sflag:s6], $0x2000  }
0x82: {  	s15 =	sadd.s32 $0x2, s15;
	s24 =	rddreg [dreg:$0x4]  }
0x83: {  	p1 =	sne.s32 s24, s15  }
.Ltmp0:
0x84: {  	_ = 	snop;
	(pc) =	sbr.rel @p1 .LBB2_2-.Ltmp0, $4  }
0x85: {  	_ = 	snop  }
0x86: {  	[sflag:s6] =	ssyncset.done $0x0  }
0x87: {  	s16 =	sadd.s32 $0x80, s16;
	s17 =	sadd.s32 $0x80, s17;
	[sflag:s6] =	ssyncadd.s32 $0xFFFFE000  }
0x88: {  	[spmem:s3] =	stream.indirect.scatter.add.f32 [tilespmem:s0], [sflag:$0x8], $0x10, s29, s19, $0xb8;
	[tilespmem:$0x1D300] =	vst v63  }
0x89: {  	s13 =	simm.s32 @!p0 $0x3  }
0x8a: {  	_ =	swait.ge @!p0 [sflag:s13], $0x200  }
0x8b: {  	[sflag:s13] =	ssyncset.done @!p0 $0x0  }
0x8c: {  	[sflag:s13] =	ssyncadd.s32 @!p0 $0xFFFFFE00;
	s13 =	simm.s32 @!p0 $0x4  }
0x8d: {  	_ =	swait.ge @!p0 [sflag:s13], $0x200  }
0x8e: {  	s14 =	simm.s32 @!p0 $0x800;
	[sflag:s13] =	ssyncset.done @!p0 $0x0  }
0x8f: {  	s15 =	simm.s32 @!p0 $0xC00;
	[sflag:s13] =	ssyncadd.s32 @!p0 $0xFFFFFE00;
	s13 =	simm.s32 @!p0 $0x200  }
0x90: {  	[tilespmem:s15], [sflag:$0x5] =	stream.indirect.gather @!p0 [hbm4b:s1+s13], $0x10, s14, s13, $0xb8;
	[tilespmem:$0x1D300] =	vst v63  }
0x91: {  	s14 =	simm.s32 @!p0 $0x5  }
0x92: {  	_ =	swait.ge @!p0 [sflag:s14], $0x2000  }
0x93: {  	[sflag:s14] =	ssyncset.done @!p0 $0x0  }
0x94: {  	[sflag:s14] =	ssyncadd.s32 @!p0 $0xFFFFE000;
	s14 =	simm.s32 @!p0 $0x400  }
0x95: {  	[spmem:s3] =	stream.indirect.scatter.add.f32 @!p0 [tilespmem:s15], [sflag:$0x7], $0x10, s14, s13, $0xb8;
	[tilespmem:$0x1D300] =	vst v63  }
0x96: {  	s13 =	simm.s32 @!p0 $0x7  }
0x97: {  	_ =	swait.ge @!p0 [sflag:s13], $0x2000  }
0x98: {  	[sflag:s13] =	ssyncset.done @!p0 $0x0  }
0x99: {  	[sflag:s13] =	ssyncadd.s32 @!p0 $0xFFFFE000  }
0x9a: {  	_ =	swait.ge [sflag:s7], $0x2000  }
0x9b: {  	[sflag:s7] =	ssyncset.done $0x0  }
0x9c: {  	[sflag:s7] =	ssyncadd.s32 $0xFFFFE000  }
0x9d: {  	[bflag:$0x0] =	sbarrier.arrive $0xFFFF  }
0x9e: {  	s17 =	rddreg [dreg:$0xe]  }
0x9f: {  	[hbm:s17], [sflag:s9] =	dma.local [spmem:s10], $0x30E0  }
0xa0: {  	_ =	swait.ge [sflag:s18], $0x30E0  }
0xa1: {  	s12 =	sadd.s32 $0x1, s12;
	s24 =	rddreg [dreg:$0x9]  }
0xa2: {  	p1 =	sne.s32 s12, s24  }
.Ltmp1:
0xa3: {  	_ = 	snop;
	(pc) =	sbr.rel @p1 .LBB2_1-.Ltmp1, $3  }
0xa4: {  	_ =	sdelay $0x1  }
0xa5: {  	[sflag:s18] =	ssyncset.done $0x0  }
0xa6: {  	[sflag:s18] =	ssyncadd.s32 $0xFFFFCF20  }
0xa7: {  	_ =	sfence.sel $0x180000  }
0xa8: {  	[bflag:$0x0] =	sbarrier.arrive $0xFFFF  }
0xa9: {  	_ =	strace $0x90000053  }
0xaa: {  	s0 =	stileid.u32;
	[bflag:$0x2] =	sbarrier.arrive $0xFFFF  }
0xab: {  	p0 =	sne.s32 s0, $0x0;
	s0 =	rddreg [dreg:$0x3]  }
0xac: {  	s0 =	sadd.s32 @!p0 $0x100000, s0  }
0xad: {  	[sflag:s0] =	ssyncadd.tile.s32 @!p0 $0x1;
	_ =	shalt  }
.Lfunc_end2:
_tile_overlayer_lowered:
.L_overlay_start_2:
0xae: {  	(tag) =	ssettag $0x2  }
0xaf: {  	s0 =	rddreg [dreg:$0x0];
	s2 =	stileid.u32  }
0xb0: {  	s1 =	rddreg [dreg:$0x1];
	p0 =	sne.s32 s2, $0x0  }
0xb1: {  	s3 =	rddreg [dreg:$0x2];
	[bflag:$0x3] =	sbarrier.arrive $0xFFFF;
	s2 =	simm.s32 @!p0 $0x1C09  }
0xb2: {  	[timem:s3], [sflag:s2] =	dma.local @!p0 [hbm:s0], s1  }
0xb3: {  	s0 =	simm.s32 @!p0 $0x9  }
0xb4: {  	_ =	swait.ge @!p0 [sflag:s0], s1  }
0xb5: {  	s1 =	ssub.s32 @!p0 $0x0, s1;
	[sflag:s0] =	ssyncset.done @!p0 $0x0  }
0xb6: {  	[sflag:s0] =	ssyncadd.s32 @!p0 s1  }
0xb7: {  	[bflag:$0x3] =	sbarrier.arrive $0xFFFF  }
0xb8: {  	_ =	shalt  }

// kernel: sparse-core-data-format-call.cloned.1.call-start
scs
called_computation_lowered:
.L_overlay_start_0:
0x0: {  	s2 =	sld [smem:$0x3FD9]  }
0x1: {  	s3 =	sld [smem:$0x3FFE];
	_ =	sdelay $0x1  }
0x2: {  	s1 =	srdreg.scid  }
0x3: {  	s0 =	sand.u32 $0x1, s1  }
0x4: {  	s18 =	sshll.u32 s0, $0xA;
	s2 =	sadd.s32 s3, s2  }
0x5: {  	s2 =	sadd.s32 s2, s18  }
0x6: {  	[smem:$0x3FC1] =	sst s2  }
0x7: {  	_ = 	snop  }
0x8: {  	s2 =	sld [smem:$0x3FC8];
	(tm) =	ssettm $0x1  }
0x9: {  	s19 =	sld [smem:$0x3FFB];
	_ =	sdelay $0x3  }
0xa: {  	_ =	strace s19  }
0xb: {  	s3 =	sld [smem:$0x3FFC];
	_ =	sdelay $0x3  }
0xc: {  	_ =	strace s3  }
0xd: {  	s3 =	sld [smem:$0x3FFD];
	_ =	sdelay $0x3  }
0xe: {  	_ =	strace s3  }
0xf: {  	_ =	strace $0x8FFFFFFF  }
0x10: {  	s20 =	sld [smem:$0x3FDB];
	_ =	sdelay $0x1  }
0x11: {  	s4 =	simm.s32 $_scs_section_size  }
0x12: {  	s5 =	simm.s32 $_size__tile_overlayer_lowered;
	s6 =	simm.s32 $_tile_overlayer_lowered  }
0x13: {  	s23 =	simm.s32 $0x1BFF;
	s22 =	sshll.u32 s6, $0x1;
	s3 =	sadd.s32 s4, s20  }
0x14: {  	s7 =	simm.s32 $0x0;
	s21 =	sshll.u32 s5, $0x1;
	s5 =	sadd.s32 s22, s3  }
0x15: {  	[timem:s7], [sflag:s23] =	dma.local [hbm:s5], s21  }
0x16: {  	_ =	swait.ge [sflag:s23], s21  }
0x17: {  	s4 =	ssub.s32 $0x0, s21;
	[sflag:s23] =	ssyncset.done $0x0  }
0x18: {  	[sflag:s23] =	ssyncadd.s32 s4;
	_ =	sdelay $0x1  }
0x19: {  	s24 =	simm.s32 $0x1B8B  }
0x1a: {  	_ =	swait.ge [sflag:s24], $0x1  }
0x1b: {  	[sflag:s24] =	ssyncset.done $0x0  }
0x1c: {  	s26 =	simm.s32 $0x1B8E;
	s25 =	sld [smem:$0x3FFE];
	[sflag:s24] =	ssyncadd.s32 $0xFFFFFFFF  }
0x1d: {  	s27 =	simm.s32 $execute0_lowered;
	[smem:$0x3FD2] =	sst s26  }
0x1e: {  	s5 =	sshll.u32 s27, $0x1;
	_ =	strace $0x80000046;
	[dreg:$0x1] =	wrdreg $0xFFFFFFFF  }
0x1f: {  	s28 =	simm.s32 $_size_execute0_lowered;
	s3 =	sadd.s32 s3, s5;
	[dreg:$0x0] =	wrdreg $0x0  }
0x20: {  	s5 =	sshll.u32 s28, $0x1;
	[dreg:$0x2] =	wrdreg s3  }
0x21: {  	[dreg:$0x3] =	wrdreg s5  }
0x22: {  	[dreg:$0x4] =	wrdreg $0xC0  }
0x23: {  	_ =	task [dreg:s7], $0x5FFFF  }
0x24: {  	[dreg:$0x1] =	wrdreg $0xFFFFFFFF  }
0x25: {  	[dreg:$0x0] =	wrdreg $0x60  }
0x26: {  	[dreg:$0x2] =	wrdreg s2  }
0x27: {  	[dreg:$0x3] =	wrdreg s25  }
0x28: {  	[dreg:$0x4] =	wrdreg $0x9  }
0x29: {  	_ =	task.clear_ibuf [dreg:s7], $0x5FFFF;
	_ =	strace $0x90000046  }
0x2a: {  	s29 =	simm.s32 $0x9;
	_ =	strace $0x80000048  }
0x2b: {  	_ =	swait.ge [sflag:s29], $0x1  }
0x2c: {  	[sflag:s29] =	ssyncadd.s32 $0xFFFFFFFF  }
0x2d: {  	_ =	strace $0x90000048  }
0x2e: {  	_ =	sfence  }
0x2f: {  	s30 =	sld [smem:$0x0];
	_ =	sdelay $0x2  }
0x30: {  	s31 =	sshll.u32 s1, $0xD;
	s1 =	sshrl.u32 s1, $0x2  }
0x31: {  	s3 =	sand.u32 $0x4000, s31;
	s1 =	sadd.s32 s1, s30  }
0x32: {  	s0 =	sor.u32 s3, s0;
	s1 =	sshll.u32 s1, $0x11  }
0x33: {  	s0 =	sor.u32 s1, s0  }
0x34: {  	s0 =	sadd.s32 $0x8F2B, s0  }
0x35: {  	[sflag:s0] =	ssyncadd.remote.s32 $0x1  }
0x36: {  	_ =	sfence.sel $0xFFFF  }
0x37: {  	[dreg:$0x0] =	wrdreg $0xFFFFFFFF;
	(pc) =	sbr.abs _section_cstart, $3  }
0x38: {  	[dreg:$0x1] =	wrdreg $0xFFFFFFFF  }
0x39: {  	_ =	task.clear_ibuf [dreg:s7], $0x2FFFF;
	_ =	strace $0x9FFFFFFF  }
0x3a: {  	(tm) =	ssettm $0x7FFFFFFF  }
0x3b: {  	_ =	shalt  }
tec
execute0_lowered:
.L_overlay_start_1:
0x0: {  	(tag) =	ssettag $0x1  }
0x1: {  	s0 =	stileid.u32;
	s7 =	rddreg [dreg:$0x0]  }
0x2: {  	s1 =	srdreg.scid;
	s4 =	rddreg [dreg:$0x1]  }
0x3: {  	s30 =	simm.s32 $0x2;
	s10 =	simm.s32 $0x0;
	s14 =	simm.s32 $0x0  }
0x4: {  	s15 =	simm.s32 $0x0;
	s11 =	simm.s32 $0x0;
	s13 =	simm.s32 $0x0  }
0x5: {  	s2 =	sand.u32 $0x1, s1;
	s3 =	sshll.u32 s0, $0x7;
	s1 =	rddreg [dreg:$0x2]  }
0x6: {  	_ =	strace $0x80000047;
	s5 =	ssub.s32 $0xC300, s3;
	s6 =	ssub.s32 $0x2, s2  }
.Ltmp0:
0x7: {  	s5 =	sshrl.u32 s5, $0xB;
	s8 =	sshrl.u32 s6, $0x1;
	(pc) =	sbr.rel .LBB1_1-.Ltmp0, $4  }
0x8: {  	s4 =	sadd.s32 $0x1800, s4;
	s9 =	sadd.s32 $0x1, s5;
	s6 =	ssub.s32 s6, s8  }
0x9: {  	s31 =	sshll.u32 s2, $0x4;
	s5 =	simm.s32 $0x1;
	s6 =	smul.u32 s9, s6  }
0xa: {  	s12 =	smov.u32 s3;
	s7 =	sadd.s32 s7, s31;
	[sflag:s5] =	ssyncpa.u1 $0x0  }
0xb: {  	s9 =	simm.s32 $0x0;
	[sflag:s30] =	ssyncpa.u1 $0x0;
	s8 =	sadd.s32 $0x1, s6  }
.LBB1_4:
0xc: {  	s21 =	simm.s32 $0x0  }
.LBB1_8:
0xd: {  	_ =	sdelay $0x3  }
0xe: {  	v6 =	vld [tilespmem:s18+$0xFFFFFFC0];
	[tilespmem:v0+s20+$0x30 ss:$0x1] =	vst.idx.msk @p0 $0xffff, v2  }
0xf: {  	v58 =	vld [tilespmem:s18+$0xFFFFFFD0];
	[tilespmem:v0+s20+$0x40 ss:$0x1] =	vst.idx.msk @p0 $0xffff, v3;
	s21 =	sadd.s32 @p0 $0x80, s21  }
0x10: {  	v59 =	vld [tilespmem:s18+$0xFFFFFFE0];
	[tilespmem:v0+s20+$0x50 ss:$0x1] =	vst.idx.msk @p0 $0xffff, v5;
	s19 =	smov.u32 @p0 s21  }
0x11: {  	v60 =	vld [tilespmem:s18+$0xFFFFFFF0];
	[tilespmem:v0+s20+$0x60 ss:$0x1] =	vst.idx.msk @p0 $0xffff, v4;
	s19 =	sand.u32 $0x3F80, s19  }
0x12: {  	v61 =	vld [tilespmem:s18+$0x0];
	[tilespmem:v0+s19+$0x70 ss:$0x1] =	vst.idx.msk $0xffff, v1  }
0x13: {  	v62 =	vld [tilespmem:s18+$0x10];
	[tilespmem:v0+s19+$0x0 ss:$0x1] =	vst.idx.msk $0xffff, v6  }
0x14: {  	v63 =	vld [tilespmem:s18+$0x20];
	[tilespmem:v0+s19+$0x10 ss:$0x1] =	vst.idx.msk $0xffff, v58  }
0x15: {  	[tilespmem:v0+s19+$0x20 ss:$0x1] =	vst.idx.msk $0xffff, v59  }
0x16: {  	[tilespmem:v0+s19+$0x30 ss:$0x1] =	vst.idx.msk $0xffff, v60  }
0x17: {  	[tilespmem:v0+s19+$0x40 ss:$0x1] =	vst.idx.msk $0xffff, v61  }
0x18: {  	[tilespmem:v0+s19+$0x50 ss:$0x1] =	vst.idx.msk $0xffff, v62  }
0x19: {  	[tilespmem:v0+s19+$0x60 ss:$0x1] =	vst.idx.msk $0xffff, v63  }
.LBB1_9:
0x1a: {  	s18 =	sand.u32 $0x1FFFFFF, s11  }
0x1b: {  	s19 =	smulhi.u32 $0x14F8B59, s18;
	_ =	sdelay $0x1  }
0x1c: {  	s19 =	sshrl.u32 s19, $0x8  }
0x1d: {  	s19 =	smul.u32 $0xC350, s19  }
0x1e: {  	s15 =	smul.u32 $0xC3500, s15  }
0x1f: {  	s18 =	ssub.s32 s18, s19  }
0x20: {  	s15 =	sadd.s32 s4, s15;
	s18 =	sshll.u32 s18, $0x4  }
0x21: {  	s15 =	sadd.s32 s18, s15  }
0x22: {  	[hbm4b:s15+s9] =	stream.linear.scatter [tilespmem:s17], [sflag:$0x2], s16, $0x38;
	[tilespmem:$0x10000] =	vst v63  }
.LBB1_10:
0x23: {  	p0 =	slt.u32 s13, $0x2  }
0x24: {  	p1 =	sgt.s32 @!p0 s14, $0xC2D0  }
0x25: {  	s15 =	smov.u32 s14;
	s16 =	sshra.s32 @!p0 s14, $0x1F;
	p1 =	por !p1, p0  }
0x26: {  	s14 =	sand.u32 @!p0 s16, s14;
	s15 =	simm.s32 @p1 $0xC2D0  }
0x27: {  	s14 =	ssub.s32 @!p0 s15, s14  }
0x28: {  	s14 =	sadd.s32 @!p0 $0xFFFF3D30, s14  }
0x29: {  	s15 =	sshll.u32 @!p0 s14, $0x7  }
0x2a: {  	p1 =	sgt.s32 @!p0 s14, $0x7F;
	s14 =	ssub.s32 @!p0 $0x4000, s15  }
0x2b: {  	s16 =	sadd.s32 $0x800, s12;
	p1 =	por !p1, p0;
	s14 =	sand.u32 @!p0 $0x3FFFFF80, s14  }
0x2c: {  	s14 =	simm.s32 @!p1 $0x0;
	p1 =	sgt.s32 s16, $0xC34F  }
0x2d: {  	s16 =	smov.u32 @p1 s3;
	p1 =	sne.s32 s13, s8  }
.Ltmp1:
0x2e: {  	_ = 	snop;
	(pc) =	sbr.rel @!p1 .LBB1_11-.Ltmp1, $4  }
0x2f: {  	s10 =	sadd.s32 $0x4000, s10;
	s15 =	simm.s32 @!p0 $0x2  }
0x30: {  	_ =	swait.ge @!p0 [sflag:s15], s14;
	s17 =	ssub.s32 @!p0 $0x0, s14;
	s14 =	smov.u32 s11  }
0x31: {  	s13 =	sadd.s32 $0x1, s13;
	s11 =	smov.u32 s12;
	[sflag:s15] =	ssyncset.done @!p0 $0x0  }
0x32: {  	s12 =	smov.u32 s16;
	[sflag:s15] =	ssyncadd.s32 @!p0 s17;
	s15 =	smov.u32 s2  }
.LBB1_1:
0x33: {  	p0 =	sge.u32 s13, s6  }
0x34: {  	p1 =	sgt.s32 @!p0 s12, $0xC2D0  }
0x35: {  	s16 =	smov.u32 s12;
	s17 =	sshra.s32 @!p0 s12, $0x1F;
	p1 =	por !p1, p0  }
0x36: {  	s17 =	sand.u32 @!p0 s17, s12;
	s16 =	simm.s32 @p1 $0xC2D0  }
0x37: {  	s16 =	ssub.s32 @!p0 s16, s17  }
0x38: {  	s31 =	sadd.s32 $0xFFFFFFFF, s13;
	s18 =	sxor.u32 @!p0 $0xFFFFFFFF, s13;
	s16 =	sadd.s32 @!p0 $0xFFFF3D30, s16  }
0x39: {  	s19 =	simm.s32 @!p0 $0x80;
	s20 =	simm.s32 @!p0 $0x100;
	s17 =	sshll.u32 @!p0 s16, $0x7  }
0x3a: {  	p1 =	sgt.s32 @!p0 s16, $0x7F;
	s16 =	ssub.s32 @!p0 $0x4000, s17;
	s17 =	sshll.u32 @!p0 s18, $0xE  }
0x3b: {  	p1 =	por !p1, p0;
	s18 =	sshll.u32 @!p0 s12, $0x5;
	s16 =	sand.u32 @!p0 $0x3FFFFF80, s16  }
0x3c: {  	s17 =	sand.u32 @!p0 $0x4000, s17;
	s18 =	sadd.s32 @!p0 s18, s7;
	s16 =	simm.s32 @!p1 $0x0  }
0x3d: {  	[tilespmem:s17], [sflag:$0x1] =	stream.strided.gather @!p0 [hbm4b:s18+s19], s16, s20, s19, $0x38;
	[tilespmem:$0x10000] =	vst v63  }
0x3e: {  	p0 =	sge.u32 s31, s6  }
.Ltmp2:
0x3f: {  	_ = 	snop;
	(pc) =	sbr.rel @p0 .LBB1_10-.Ltmp2, $1  }
0x40: {  	_ =	sdelay $0x3  }
0x41: {  	p0 =	sgt.s32 s11, $0xC2D0;
	s16 =	smov.u32 s11;
	s17 =	sshra.s32 s11, $0x1F  }
0x42: {  	s16 =	simm.s32 @!p0 $0xC2D0;
	s17 =	sand.u32 s17, s11  }
0x43: {  	s16 =	ssub.s32 s16, s17  }
0x44: {  	s16 =	sadd.s32 $0xFFFF3D30, s16  }
0x45: {  	s30 =	sshll.u32 s16, $0x7  }
0x46: {  	s17 =	ssub.s32 $0x4000, s30  }
0x47: {  	p0 =	sgt.s32 s16, $0x7F;
	s16 =	sand.u32 $0x3FFFFF80, s17;
	s17 =	sadd.s32 $0x80, s11  }
0x48: {  	s16 =	simm.s32 @p0 $0x0;
	p0 =	slt.s32 s17, $0xC350  }
0x49: {  	s17 =	simm.s32 @!p0 $0xC350  }
0x4a: {  	s20 =	ssub.s32 s17, s11  }
0x4b: {  	p0 =	slt.s32 s20, $0x1  }
.Ltmp3:
0x4c: {  	_ = 	snop;
	(pc) =	sbr.rel @p0 .LBB1_9-.Ltmp3, $4  }
0x4d: {  	_ = 	snop  }
0x4e: {  	s19 =	sshll.u32 s13, $0xE;
	_ =	swait.ge [sflag:s5], s16  }
0x4f: {  	s31 =	sand.u32 $0x4000, s19;
	s18 =	ssub.s32 $0x0, s16;
	[sflag:s5] =	ssyncset.done $0x0  }
0x50: {  	s17 =	sor.u32 $0x8000, s31;
	[sflag:s5] =	ssyncadd.s32 s18  }
0x51: {  	p1 =	sne.s32 s20, $0x1  }
.Ltmp4:
0x52: {  	v0 =	vmov s17;
	(pc) =	sbr.rel @!p1 .LBB1_4-.Ltmp4, $4  }
0x53: {  	_ = 	snop  }
0x54: {  	s18 =	sand.u32 $0x4000, s10  }
0x55: {  	s18 =	sor.u32 $0x40, s18  }
0x56: {  	s19 =	simm.s32 $0x0;
	s21 =	sadd.s32 $0xFFFFFFFF, s20;
	p0 =	por $0x0, $0x0;
	v1 =	vld [tilespmem:s18+$0x30]  }
0x57: {  	v4 =	vld [tilespmem:s18+$0xFFFFFFC0]  }
0x58: {  	v6 =	vld [tilespmem:s18+$0xFFFFFFD0]  }
0x59: {  	v7 =	vld [tilespmem:s18+$0xFFFFFFE0];
	p1 =	sne.s32 s21, $0x1  }
.Ltmp5:
0x5a: {  	v2 =	vld [tilespmem:s18+$0xFFFFFFF0];
	s20 =	sand.u32 $0x3F80, s19;
	(pc) =	sbr.rel @!p1 .LBB1_6-.Ltmp5, $4  }
0x5b: {  	v3 =	vld [tilespmem:s18+$0x0];
	[tilespmem:v0+s20+$0x70 ss:$0x1] =	vst.idx.msk $0xffff, v1  }
0x5c: {  	v5 =	vld [tilespmem:s18+$0x10];
	[tilespmem:v0+s20+$0x0 ss:$0x1] =	vst.idx.msk $0xffff, v4  }
0x5d: {  	v4 =	vld [tilespmem:s18+$0x20];
	[tilespmem:v0+s20+$0x10 ss:$0x1] =	vst.idx.msk $0xffff, v6;
	s18 =	sadd.s32 $0x80, s18  }
0x5e: {  	s22 =	sadd.s32 $0xFFFFFFFF, s21;
	p0 =	por $0x1, $0x1;
	s21 =	simm.s32 $0x0;
	[tilespmem:v0+s20+$0x20 ss:$0x1] =	vst.idx.msk $0xffff, v7;
	v1 =	vld [tilespmem:s18+$0x30]  }
.LBB1_7:
0x5f: {  	p1 =	sne.s32 s22, $0x1;
	v6 =	vld [tilespmem:s18+$0xFFFFFFC0];
	[tilespmem:v0+s20+$0x30 ss:$0x1] =	vst.idx.msk $0xffff, v2  }
0x60: {  	v7 =	vld [tilespmem:s18+$0xFFFFFFD0];
	[tilespmem:v0+s20+$0x40 ss:$0x1] =	vst.idx.msk $0xffff, v3  }
0x61: {  	s21 =	sadd.s32 $0x80, s21;
	v8 =	vld [tilespmem:s18+$0xFFFFFFE0];
	[tilespmem:v0+s20+$0x50 ss:$0x1] =	vst.idx.msk $0xffff, v5  }
.Ltmp6:
0x62: {  	v2 =	vld [tilespmem:s18+$0xFFFFFFF0];
	[tilespmem:v0+s20+$0x60 ss:$0x1] =	vst.idx.msk $0xffff, v4;
	s20 =	sand.u32 $0x3F80, s21;
	(pc) =	sbr.rel @p1 .LBB1_7-.Ltmp6, $4  }
0x63: {  	v3 =	vld [tilespmem:s18+$0x0];
	[tilespmem:v0+s20+$0x70 ss:$0x1] =	vst.idx.msk $0xffff, v1  }
0x64: {  	[tilespmem:v0+s20+$0x0 ss:$0x1] =	vst.idx.msk $0xffff, v6;
	v5 =	vld [tilespmem:s18+$0x10]  }
0x65: {  	[tilespmem:v0+s20+$0x10 ss:$0x1] =	vst.idx.msk $0xffff, v7;
	v4 =	vld [tilespmem:s18+$0x20];
	s18 =	sadd.s32 $0x80, s18  }
0x66: {  	s22 =	sadd.s32 $0xFFFFFFFF, s22;
	v1 =	vld [tilespmem:s18+$0x30];
	[tilespmem:v0+s20+$0x20 ss:$0x1] =	vst.idx.msk $0xffff, v8  }
.Ltmp7:
0x67: {  	_ = 	snop;
	(pc) =	sbr.rel .LBB1_8-.Ltmp7, $1  }
0x68: {  	_ =	sdelay $0x3  }
.LBB1_6:
.Ltmp8:
0x69: {  	(pc) =	sbr.rel .LBB1_8-.Ltmp8, $2  }
0x6a: {  	_ =	sdelay $0x2  }
0x6b: {  	s21 =	simm.s32 $0x0  }
.LBB1_11:
0x6c: {  	_ =	sfence.sel $0x180000  }
0x6d: {  	s2 =	simm.s32 $0x1;
	[bflag:$0x0] =	sbarrier.arrive $0xFFFF  }
0x6e: {  	s31 =	simm.s32 $0x2;
	[sflag:s2] =	ssyncpa.u1 $0x1  }
0x6f: {  	[sflag:s31] =	ssyncpa.u1 $0x1  }
0x70: {  	p0 =	sne.s32 s0, $0x0;
	_ =	strace $0x90000047  }
0x71: {  	s0 =	sadd.s32 @!p0 $0x100000, s1;
	[bflag:$0x2] =	sbarrier.arrive $0xFFFF  }
0x72: {  	[sflag:s0] =	ssyncadd.tile.s32 @!p0 $0x1;
	_ =	shalt  }
.Lfunc_end1:
_tile_overlayer_lowered:
.L_overlay_start_2:
0x73: {  	(tag) =	ssettag $0x2  }
0x74: {  	s0 =	rddreg [dreg:$0x0];
	s2 =	stileid.u32  }
0x75: {  	s1 =	rddreg [dreg:$0x1];
	p0 =	sne.s32 s2, $0x0  }
0x76: {  	s3 =	rddreg [dreg:$0x2];
	[bflag:$0x3] =	sbarrier.arrive $0xFFFF;
	s2 =	simm.s32 @!p0 $0x1C01  }
0x77: {  	[timem:s3], [sflag:s2] =	dma.local @!p0 [hbm:s0], s1  }
0x78: {  	s0 =	simm.s32 @!p0 $0x1  }
0x79: {  	_ =	swait.ge @!p0 [sflag:s0], s1  }
0x7a: {  	s1 =	ssub.s32 @!p0 $0x0, s1;
	[sflag:s0] =	ssyncset.done @!p0 $0x0  }
0x7b: {  	[sflag:s0] =	ssyncadd.s32 @!p0 s1  }
0x7c: {  	[bflag:$0x3] =	sbarrier.arrive $0xFFFF  }
0x7d: {  	_ =	shalt  }

</sc_bundles>
